<compile_context>
chip_gen: v7x
topology: tpu7x:2x2x1
jax: 0.10.2.dev20260603
libtpu: 0.0.44.dev20260713+nightly
codegen_flags: <defaults>
</compile_context>

<pallas_src>
import functools

import jax
import jax.numpy as jnp
from jax import lax
from jax.experimental import pallas as pl
from jax.experimental.pallas import tpu as pltpu
from jax.experimental.pallas import tpu_sc as plsc

NU = 100000
NI = 100000
D = 64
B = 4096
L = 50
M = 50
T = L + M
K = T // 2

_NC = 2
_NS = 16
_NW = _NC * _NS

_BIG_PER_W = (B * L) // _NW
_CHUNK = 800
_SMALL_PER_W = B // _NW


def _sc_gather_kernel(u2e, v2e, nu_i, nv_i, hun_i, au_i, hvn_i, av_i,
                      a_out, b_out, huh_out, hua_out, hvh_out, hva_out,
                      idx_big, rows_big, idx_sml, rows_sml, sem):
    wid = lax.axis_index("s") * _NC + lax.axis_index("c")

    def gather_big(idx_hbm, table_hbm, out_hbm):
        base = wid * _BIG_PER_W
        for i in range(_BIG_PER_W // _CHUNK):
            off = base + i * _CHUNK
            pltpu.sync_copy(idx_hbm.at[pl.ds(off, _CHUNK)], idx_big)
            pltpu.async_copy(table_hbm.at[idx_big], rows_big, sem).wait()
            pltpu.sync_copy(rows_big, out_hbm.at[pl.ds(off, _CHUNK)])

    def gather_small(idx_hbm, table_hbm, out_hbm):
        off = wid * _SMALL_PER_W
        pltpu.sync_copy(idx_hbm.at[pl.ds(off, _SMALL_PER_W)], idx_sml)
        pltpu.async_copy(table_hbm.at[idx_sml], rows_sml, sem).wait()
        pltpu.sync_copy(rows_sml, out_hbm.at[pl.ds(off, _SMALL_PER_W)])

    gather_small(nu_i, u2e, a_out)
    gather_small(nv_i, v2e, b_out)
    gather_big(hun_i, v2e, huh_out)
    gather_big(au_i, u2e, hua_out)
    gather_big(hvn_i, u2e, hvh_out)
    gather_big(av_i, v2e, hva_out)


def _sc_gather(u2e, v2e, nodes_u, nodes_v, hist_u_n, adj_u, hist_v_n, adj_v):
    mesh = plsc.VectorSubcoreMesh(core_axis_name="c", subcore_axis_name="s")
    f32 = jnp.float32
    out_type = [
        jax.ShapeDtypeStruct((B, D), f32),
        jax.ShapeDtypeStruct((B, D), f32),
        jax.ShapeDtypeStruct((B * L, D), f32),
        jax.ShapeDtypeStruct((B * L, D), f32),
        jax.ShapeDtypeStruct((B * L, D), f32),
        jax.ShapeDtypeStruct((B * L, D), f32),
    ]
    run = functools.partial(
        pl.kernel, mesh=mesh, out_type=out_type,
        compiler_params=pltpu.CompilerParams(use_tc_tiling_on_sc=False),
        scratch_types=[
            pltpu.VMEM((_CHUNK,), jnp.int32),
            pltpu.VMEM((_CHUNK, D), f32),
            pltpu.VMEM((_SMALL_PER_W,), jnp.int32),
            pltpu.VMEM((_SMALL_PER_W, D), f32),
            pltpu.SemaphoreType.DMA,
        ],
    )(_sc_gather_kernel)
    return run(u2e, v2e, nodes_u, nodes_v,
               hist_u_n.reshape(B * L), adj_u.reshape(B * L),
               hist_v_n.reshape(B * L), adj_v.reshape(B * L))


_BT = 128


def _tc_body(a_ref, b_ref, huh_ref, hua_ref, hvh_ref, hva_ref,
             gu_ref, gv_ref, ru_ref, rv_ref,
             att_ref, wqt_ref, bq_ref, w1t_ref, b1_ref, r2e_ref, out_ref):
    att1T = att_ref[0:1, :D].T
    att2 = att_ref[0:1, D:]
    tri = (lax.broadcasted_iota(jnp.int32, (T, T), 1)
           <= lax.broadcasted_iota(jnp.int32, (T, T), 0)).astype(jnp.float32)

    def encode(nfT, tfT, hfT_h, hfT_a, gT, rT):
        catT = jnp.concatenate([nfT, tfT], axis=0)
        qT = wqt_ref[...] @ catT + bq_ref[...]

        def half_stats(hfT):
            diff = qT[:, None, :] - hfT
            d2 = jnp.sum(diff * diff, axis=0)
            sch = jnp.sum(hfT * att1T[:, :, None], axis=0)
            return d2, sch

        d2h, sh = half_stats(hfT_h)
        d2a, sa = half_stats(hfT_a)
        dist = jnp.sqrt(jnp.concatenate([d2h, d2a], axis=0))
        y = gT - dist

        z = lax.bitcast_convert_type(y, jnp.int32)
        s = jnp.where(z < 0, z ^ jnp.int32(0x7FFFFFFF), z)
        lo = jnp.min(s, axis=0, keepdims=True)
        hi = jnp.max(s, axis=0, keepdims=True)
        one = jnp.int32(1)
        for _ in range(32):
            mid = (lo >> one) + (hi >> one) + (lo & hi & one)
            cnt = jnp.sum((s > mid).astype(jnp.int32), axis=0, keepdims=True)
            go = cnt >= K
            lo = jnp.where(go, mid + one, lo)
            hi = jnp.where(go, hi, mid)
        thr = lo
        gt = s > thr
        eq = s == thr
        n_gt = jnp.sum(gt.astype(jnp.int32), axis=0, keepdims=True)
        pre = tri @ eq.astype(jnp.float32)
        allowed = (K - n_gt).astype(jnp.float32)
        mask = jnp.logical_or(gt, jnp.logical_and(eq, pre <= allowed))

        s_rel = jnp.zeros_like(y)
        for r in range(7):
            srv = jnp.sum(r2e_ref[r : r + 1, :] * att2)
            s_rel = s_rel + jnp.where(rT == r, srv, 0.0)
        scT = jnp.concatenate([sh, sa], axis=0) + s_rel
        scm = jnp.where(mask, scT, -jnp.inf)
        mx = jnp.max(scm, axis=0, keepdims=True)
        p = jnp.where(mask, jnp.exp(scm - mx), 0.0)
        w = p * (1.0 / jnp.sum(p, axis=0, keepdims=True))

        embT = (jnp.sum(hfT_h * w[None, :L, :], axis=1)
                + jnp.sum(hfT_a * w[None, L:, :], axis=1))
        combT = (w1t_ref[...] @ jnp.concatenate([nfT, embT], axis=0)
                 + b1_ref[...])
        return jnp.maximum(combT, 0.0)

    aT = a_ref[...].T
    bT = b_ref[...].T

    def tr(ref):
        return ref[...].reshape(L * _BT, D).T.reshape(D, L, _BT)

    eu = encode(aT, bT, tr(huh_ref), tr(hua_ref), gu_ref[...], ru_ref[...])
    ev = encode(bT, aT, tr(hvh_ref), tr(hva_ref), gv_ref[...], rv_ref[...])
    out_ref[...] = jnp.sum(eu * ev, axis=0, keepdims=True)[None]


def _tc_scores(a, b, huh, hua, hvh, hva, guT, gvT, ruT, rvT,
               att, wqT, bqT, w1T, b1T, r2e, interpret=False):
    nb = B // _BT
    bspec = pl.BlockSpec
    grid_spec = pl.GridSpec(
        grid=(nb,),
        in_specs=[
            bspec((_BT, D), lambda i: (i, 0)),
            bspec((_BT, D), lambda i: (i, 0)),
            bspec((L, _BT, D), lambda i: (0, i, 0)),
            bspec((L, _BT, D), lambda i: (0, i, 0)),
            bspec((L, _BT, D), lambda i: (0, i, 0)),
            bspec((L, _BT, D), lambda i: (0, i, 0)),
            bspec((T, _BT), lambda i: (0, i)),
            bspec((T, _BT), lambda i: (0, i)),
            bspec((T, _BT), lambda i: (0, i)),
            bspec((T, _BT), lambda i: (0, i)),
            bspec((1, 2 * D), lambda i: (0, 0)),
            bspec((D, 2 * D), lambda i: (0, 0)),
            bspec((D, 1), lambda i: (0, 0)),
            bspec((D, 2 * D), lambda i: (0, 0)),
            bspec((D, 1), lambda i: (0, 0)),
            bspec((8, D), lambda i: (0, 0)),
        ],
        out_specs=bspec((1, 1, _BT), lambda i: (i, 0, 0)),
    )
    out = pl.pallas_call(
        _tc_body,
        grid_spec=grid_spec,
        out_shape=jax.ShapeDtypeStruct((nb, 1, _BT), jnp.float32),
        interpret=interpret,
    )(a, b, huh, hua, hvh, hva, guT, gvT, ruT, rvT,
      att, wqT, bqT, w1T, b1T, r2e)
    return out.reshape(B)


def _gumbel(key, shape):
    u = jax.random.uniform(key, shape)
    return -jnp.log(-jnp.log(u + 1e-10) + 1e-10)


_CONST = {}


def _gumbelsT():
    if not _CONST:
        gu = _gumbel(jax.random.fold_in(jax.random.key(42), 1), (B, T))
        gv = _gumbel(jax.random.fold_in(jax.random.key(42), 2), (B, T))
        _CONST["guT"] = jax.block_until_ready(gu.T)
        _CONST["gvT"] = jax.block_until_ready(gv.T)
    return _CONST["guT"], _CONST["gvT"]


def kernel(nodes_u, nodes_v, hist_u_n, hist_u_r, adj_u, hist_v_n, hist_v_r,
           adj_v, u2e, v2e, r2e, relation_att, Wq, bq, W1, b1):
    i32 = jnp.int32
    nodes_u = nodes_u.astype(i32)
    nodes_v = nodes_v.astype(i32)
    hist_u_n = hist_u_n.astype(i32)
    adj_u = adj_u.astype(i32)
    hist_v_n = hist_v_n.astype(i32)
    adj_v = adj_v.astype(i32)

    a, b, huh, hua, hvh, hva = _sc_gather(
        u2e, v2e, nodes_u, nodes_v, hist_u_n.T, adj_u.T, hist_v_n.T, adj_v.T)

    guT, gvT = _gumbelsT()
    six = jnp.full((M, B), 6, dtype=i32)
    ruT = jnp.concatenate([hist_u_r.astype(i32).T, six], axis=0)
    rvT = jnp.concatenate([hist_v_r.astype(i32).T, six], axis=0)
    r2e_p = jnp.concatenate([r2e, jnp.zeros((1, D), r2e.dtype)], axis=0)

    return _tc_scores(
        a, b,
        huh.reshape(L, B, D), hua.reshape(L, B, D),
        hvh.reshape(L, B, D), hva.reshape(L, B, D),
        guT, gvT, ruT, rvT,
        relation_att.reshape(1, 2 * D), Wq.T, bq.reshape(D, 1),
        W1.T, b1.reshape(D, 1), r2e_p)

# --- scband reference (transcript-rebuilt; emitter-appended) ---
"""Pipeline reference for scband-graph-consis-43379169689675 (READ-ONLY COPY).

The authoritative reference and input builder live on the scoring server;
editing this copy changes nothing except your own understanding.
"""

import jax, jax.numpy as jnp
import numpy as np

NU = 100000
NI = 100000
D = 64
B = 4096
L = 50
M = 50
PERCENT = 0.5
T = L + M
K = max(1, int(PERCENT * T))


def setup_inputs(seed: int = 0) -> dict:
    key = jax.random.key(seed)
    ks = jax.random.split(key, 16)
    inp = {}
    inp["nodes_u"] = jax.random.randint(ks[0], (B,), 0, NU)
    inp["nodes_v"] = jax.random.randint(ks[1], (B,), 0, NI)
    inp["hist_u_n"] = jax.random.randint(ks[2], (B, L), 0, NI)
    inp["hist_u_r"] = jax.random.randint(ks[3], (B, L), 0, 6)
    inp["adj_u"] = jax.random.randint(ks[4], (B, M), 0, NU)
    inp["hist_v_n"] = jax.random.randint(ks[5], (B, L), 0, NU)
    inp["hist_v_r"] = jax.random.randint(ks[6], (B, L), 0, 6)
    inp["adj_v"] = jax.random.randint(ks[7], (B, M), 0, NI)
    inp["u2e"] = jax.random.uniform(ks[8], (NU, D), minval=-1.0, maxval=1.0)
    inp["v2e"] = jax.random.uniform(ks[9], (NI, D), minval=-1.0, maxval=1.0)
    inp["r2e"] = jax.random.normal(ks[10], (7, D))
    inp["relation_att"] = jax.random.normal(ks[11], (2 * D,))
    inp["Wq"] = jax.random.normal(ks[12], (2 * D, D)) * 0.05
    inp["bq"] = jnp.zeros((D,), dtype=jnp.float32)
    inp["W1"] = jax.random.normal(ks[13], (2 * D, D)) * 0.05
    inp["b1"] = jnp.zeros((D,), dtype=jnp.float32)
    return inp


def _encode(nodes, targets, hist_n, hist_r, neibs, node_tab, target_tab, hist_tab, neigh_tab,
            r2e, relation_att, Wq, bq, W1, b1, key):
    # node / target embeddings (gathers)
    nf = jnp.take(node_tab, nodes, axis=0)          # [B, D]
    tf = jnp.take(target_tab, targets, axis=0)      # [B, D]
    # aggregator query = Linear(cat(node, target))
    q = jnp.concatenate([nf, tf], axis=-1) @ Wq + bq  # [B, D]
    # history + neighbor features (big gathers)
    hf = jnp.concatenate([jnp.take(hist_tab, hist_n, axis=0),
                          jnp.take(neigh_tab, neibs, axis=0)], axis=1)  # [B, T, D]
    r_idx = jnp.concatenate([hist_r, jnp.full(neibs.shape, 6, dtype=hist_r.dtype)], axis=1)  # [B, T]
    rf = jnp.take(r2e, r_idx, axis=0)                # [B, T, D]
    # prob = softmax(-||q - hist_feat||) over neighbors
    dist = jnp.linalg.norm(q[:, None, :] - hf, axis=-1)  # [B, T]
    logp = jax.nn.log_softmax(-dist, axis=1)
    # multinomial sampling without replacement via Gumbel top-k (fixed key)
    g = -jnp.log(-jnp.log(jax.random.uniform(key, logp.shape) + 1e-10) + 1e-10)
    ind = jax.lax.top_k(logp + g, K)[1]              # [B, K]
    hist_sel = jnp.take_along_axis(hf, ind[:, :, None], axis=1)  # [B, K, D]
    rel_sel = jnp.take_along_axis(rf, ind[:, :, None], axis=1)   # [B, K, D]
    score = jnp.concatenate([hist_sel, rel_sel], axis=-1) @ relation_att  # [B, K]
    p2 = jax.nn.softmax(score, axis=1)
    emb = jnp.sum(hist_sel * p2[:, :, None], axis=1)  # [B, D]
    combined = jnp.concatenate([nf, emb], axis=-1) @ W1 + b1
    return jax.nn.relu(combined)


def reference(nodes_u, nodes_v, hist_u_n, hist_u_r, adj_u, hist_v_n, hist_v_r, adj_v,
              u2e, v2e, r2e, relation_att, Wq, bq, W1, b1):
    ku = jax.random.fold_in(jax.random.key(42), 1)
    kv = jax.random.fold_in(jax.random.key(42), 2)
    # users: node_emb=u2e, target_emb=v2e, hist_emb=v2e, neighbor_emb=u2e
    eu = _encode(nodes_u, nodes_v, hist_u_n, hist_u_r, adj_u, u2e, v2e, v2e, u2e,
                 r2e, relation_att, Wq, bq, W1, b1, ku)
    # items: node_emb=v2e, target_emb=u2e, hist_emb=u2e, neighbor_emb=v2e
    ev = _encode(nodes_v, nodes_u, hist_v_n, hist_v_r, adj_v, v2e, u2e, u2e, v2e,
                 r2e, relation_att, Wq, bq, W1, b1, kv)
    scores = jnp.sum(eu * ev, axis=1)  # [B]
    return scores

if __name__ == "__main__":
    import jax
    _d = setup_inputs()
    print(jax.jit(kernel)(*tuple(_d.values())))

</pallas_src>

<mosaic_0001>
#map = affine_map<(d0, d1) -> (0, 0)>
#map1 = affine_map<(d0, d1) -> (0)>
module attributes {stable_mosaic.version = 14 : i64} {
  func.func @_sc_gather_kernel(%arg0: i32, %arg1: i32, %arg2: memref<100000x64xf32, #tpu.memory_space<hbm>>, %arg3: memref<100000x64xf32, #tpu.memory_space<hbm>>, %arg4: memref<4096xi32, #tpu.memory_space<hbm>>, %arg5: memref<4096xi32, #tpu.memory_space<hbm>>, %arg6: memref<204800xi32, #tpu.memory_space<hbm>>, %arg7: memref<204800xi32, #tpu.memory_space<hbm>>, %arg8: memref<204800xi32, #tpu.memory_space<hbm>>, %arg9: memref<204800xi32, #tpu.memory_space<hbm>>, %arg10: memref<4096x64xf32, #tpu.memory_space<hbm>>, %arg11: memref<4096x64xf32, #tpu.memory_space<hbm>>, %arg12: memref<204800x64xf32, #tpu.memory_space<hbm>>, %arg13: memref<204800x64xf32, #tpu.memory_space<hbm>>, %arg14: memref<204800x64xf32, #tpu.memory_space<hbm>>, %arg15: memref<204800x64xf32, #tpu.memory_space<hbm>>, %arg16: memref<800xi32, #tpu.memory_space<vmem>>, %arg17: memref<800x64xf32, #tpu.memory_space<vmem>>, %arg18: memref<128xi32, #tpu.memory_space<vmem>>, %arg19: memref<128x64xf32, #tpu.memory_space<vmem>>, %arg20: memref<!tpu.dma_semaphore, #tpu.memory_space<semaphore_mem>>) attributes {dimension_semantics = [#tpu.dimension_semantics<core_parallel>, #tpu.dimension_semantics<subcore_parallel>], iteration_bounds = array<i64: 2, 16>, scalar_prefetch = 0 : i64, scratch_operands = 5 : i64, tpu.core_type = #tpu.core_type<sc_vector_subcore>, window_params = [{transform_indices = #map}, {transform_indices = #map}, {transform_indices = #map1}, {transform_indices = #map1}, {transform_indices = #map1}, {transform_indices = #map1}, {transform_indices = #map1}, {transform_indices = #map1}, {transform_indices = #map}, {transform_indices = #map}, {transform_indices = #map}, {transform_indices = #map}, {transform_indices = #map}, {transform_indices = #map}]} {
    %mul3A = arith.constant 2 : i32
    %mul3A_0 = arith.muli %arg1, %mul3A : i32
    %add3A = arith.addi %mul3A_0, %arg0 : i32
    %mul3A_1 = arith.constant 128 : i32
    %mul3A_2 = arith.muli %add3A, %mul3A_1 : i32
    "tpu.region"() ({
      %run_scoped3A = tpu.sem_alloc : memref<!tpu.dma_semaphore, #tpu.memory_space<semaphore_mem>>
      %dma_start3A_279 = tpu.memref_slice %arg4[%mul3A_2] : memref<4096xi32, #tpu.memory_space<hbm>> -> memref<128xi32, #tpu.memory_space<hbm>>
      %dma_start3A_280 = tpu.memref_slice %arg4[%mul3A_2] : memref<4096xi32, #tpu.memory_space<hbm>> -> memref<128xi32, #tpu.memory_space<hbm>>
      tpu.enqueue_dma source(%dma_start3A_280 : memref<128xi32, #tpu.memory_space<hbm>>) target(%arg18 : memref<128xi32, #tpu.memory_space<vmem>>) target_semaphore(%run_scoped3A : memref<!tpu.dma_semaphore, #tpu.memory_space<semaphore_mem>>)
      %dma_wait3A_281 = tpu.memref_slice %arg4[%mul3A_2] : memref<4096xi32, #tpu.memory_space<hbm>> -> memref<128xi32, #tpu.memory_space<hbm>>
      %dma_wait3A_282 = tpu.memref_slice %arg4[%mul3A_2] : memref<4096xi32, #tpu.memory_space<hbm>> -> memref<128xi32, #tpu.memory_space<hbm>>
      tpu.wait_dma2 semaphore(%run_scoped3A : memref<!tpu.dma_semaphore, #tpu.memory_space<semaphore_mem>>) src(%dma_wait3A_282 : memref<128xi32, #tpu.memory_space<hbm>>) dst(%arg18 : memref<128xi32, #tpu.memory_space<vmem>>)
      tpu.yield
    }) : () -> ()
    %dma_start3A = arith.constant 0 : i32
    %dma_start3A_3 = arith.constant 0 : i32
    %dma_start3A_4 = tpu.memref_slice %arg2[%dma_start3A, %dma_start3A_3] : memref<100000x64xf32, #tpu.memory_space<hbm>> -> memref<100000x64xf32, #tpu.memory_space<hbm>>
    tpu.enqueue_indirect_dma source(%dma_start3A_4 : memref<100000x64xf32, #tpu.memory_space<hbm>>) target(%arg19 : memref<128x64xf32, #tpu.memory_space<vmem>>) offsets(%arg18 : memref<128xi32, #tpu.memory_space<vmem>>) semaphore(%arg20 : memref<!tpu.dma_semaphore, #tpu.memory_space<semaphore_mem>>)
    %dma_wait3A = arith.constant 0 : i32
    %dma_wait3A_5 = arith.constant 0 : i32
    %dma_wait3A_6 = tpu.memref_slice %arg2[%dma_wait3A, %dma_wait3A_5] : memref<100000x64xf32, #tpu.memory_space<hbm>> -> memref<100000x64xf32, #tpu.memory_space<hbm>>
    tpu.wait_indirect_dma semaphore(%arg20 : memref<!tpu.dma_semaphore, #tpu.memory_space<semaphore_mem>>) src(%dma_wait3A_6 : memref<100000x64xf32, #tpu.memory_space<hbm>>) dst(%arg19 : memref<128x64xf32, #tpu.memory_space<vmem>>)
    "tpu.region"() ({
      %run_scoped3A = tpu.sem_alloc : memref<!tpu.dma_semaphore, #tpu.memory_space<semaphore_mem>>
      %dma_start3A_279 = arith.constant 0 : i32
      %dma_start3A_280 = tpu.memref_slice %arg10[%mul3A_2, %dma_start3A_279] : memref<4096x64xf32, #tpu.memory_space<hbm>> -> memref<128x64xf32, #tpu.memory_space<hbm>>
      %dma_start3A_281 = arith.constant 0 : i32
      %dma_start3A_282 = tpu.memref_slice %arg10[%mul3A_2, %dma_start3A_281] : memref<4096x64xf32, #tpu.memory_space<hbm>> -> memref<128x64xf32, #tpu.memory_space<hbm>>
      tpu.enqueue_dma source(%arg19 : memref<128x64xf32, #tpu.memory_space<vmem>>) target(%dma_start3A_282 : memref<128x64xf32, #tpu.memory_space<hbm>>) target_semaphore(%run_scoped3A : memref<!tpu.dma_semaphore, #tpu.memory_space<semaphore_mem>>)
      %dma_wait3A_283 = arith.constant 0 : i32
      %dma_wait3A_284 = tpu.memref_slice %arg10[%mul3A_2, %dma_wait3A_283] : memref<4096x64xf32, #tpu.memory_space<hbm>> -> memref<128x64xf32, #tpu.memory_space<hbm>>
      %dma_wait3A_285 = arith.constant 0 : i32
      %dma_wait3A_286 = tpu.memref_slice %arg10[%mul3A_2, %dma_wait3A_285] : memref<4096x64xf32, #tpu.memory_space<hbm>> -> memref<128x64xf32, #tpu.memory_space<hbm>>
      tpu.wait_dma2 semaphore(%run_scoped3A : memref<!tpu.dma_semaphore, #tpu.memory_space<semaphore_mem>>) src(%arg19 : memref<128x64xf32, #tpu.memory_space<vmem>>) dst(%dma_wait3A_286 : memref<128x64xf32, #tpu.memory_space<hbm>>)
      tpu.yield
    }) : () -> ()
    %mul3A_7 = arith.constant 128 : i32
    %mul3A_8 = arith.muli %add3A, %mul3A_7 : i32
    "tpu.region"() ({
      %run_scoped3A = tpu.sem_alloc : memref<!tpu.dma_semaphore, #tpu.memory_space<semaphore_mem>>
      %dma_start3A_279 = tpu.memref_slice %arg5[%mul3A_8] : memref<4096xi32, #tpu.memory_space<hbm>> -> memref<128xi32, #tpu.memory_space<hbm>>
      %dma_start3A_280 = tpu.memref_slice %arg5[%mul3A_8] : memref<4096xi32, #tpu.memory_space<hbm>> -> memref<128xi32, #tpu.memory_space<hbm>>
      tpu.enqueue_dma source(%dma_start3A_280 : memref<128xi32, #tpu.memory_space<hbm>>) target(%arg18 : memref<128xi32, #tpu.memory_space<vmem>>) target_semaphore(%run_scoped3A : memref<!tpu.dma_semaphore, #tpu.memory_space<semaphore_mem>>)
      %dma_wait3A_281 = tpu.memref_slice %arg5[%mul3A_8] : memref<4096xi32, #tpu.memory_space<hbm>> -> memref<128xi32, #tpu.memory_space<hbm>>
      %dma_wait3A_282 = tpu.memref_slice %arg5[%mul3A_8] : memref<4096xi32, #tpu.memory_space<hbm>> -> memref<128xi32, #tpu.memory_space<hbm>>
      tpu.wait_dma2 semaphore(%run_scoped3A : memref<!tpu.dma_semaphore, #tpu.memory_space<semaphore_mem>>) src(%dma_wait3A_282 : memref<128xi32, #tpu.memory_space<hbm>>) dst(%arg18 : memref<128xi32, #tpu.memory_space<vmem>>)
      tpu.yield
    }) : () -> ()
    %dma_start3A_9 = arith.constant 0 : i32
    %dma_start3A_10 = arith.constant 0 : i32
    %dma_start3A_11 = tpu.memref_slice %arg3[%dma_start3A_9, %dma_start3A_10] : memref<100000x64xf32, #tpu.memory_space<hbm>> -> memref<100000x64xf32, #tpu.memory_space<hbm>>
    tpu.enqueue_indirect_dma source(%dma_start3A_11 : memref<100000x64xf32, #tpu.memory_space<hbm>>) target(%arg19 : memref<128x64xf32, #tpu.memory_space<vmem>>) offsets(%arg18 : memref<128xi32, #tpu.memory_space<vmem>>) semaphore(%arg20 : memref<!tpu.dma_semaphore, #tpu.memory_space<semaphore_mem>>)
    %dma_wait3A_12 = arith.constant 0 : i32
    %dma_wait3A_13 = arith.constant 0 : i32
    %dma_wait3A_14 = tpu.memref_slice %arg3[%dma_wait3A_12, %dma_wait3A_13] : memref<100000x64xf32, #tpu.memory_space<hbm>> -> memref<100000x64xf32, #tpu.memory_space<hbm>>
    tpu.wait_indirect_dma semaphore(%arg20 : memref<!tpu.dma_semaphore, #tpu.memory_space<semaphore_mem>>) src(%dma_wait3A_14 : memref<100000x64xf32, #tpu.memory_space<hbm>>) dst(%arg19 : memref<128x64xf32, #tpu.memory_space<vmem>>)
    "tpu.region"() ({
      %run_scoped3A = tpu.sem_alloc : memref<!tpu.dma_semaphore, #tpu.memory_space<semaphore_mem>>
      %dma_start3A_279 = arith.constant 0 : i32
      %dma_start3A_280 = tpu.memref_slice %arg11[%mul3A_8, %dma_start3A_279] : memref<4096x64xf32, #tpu.memory_space<hbm>> -> memref<128x64xf32, #tpu.memory_space<hbm>>
      %dma_start3A_281 = arith.constant 0 : i32
      %dma_start3A_282 = tpu.memref_slice %arg11[%mul3A_8, %dma_start3A_281] : memref<4096x64xf32, #tpu.memory_space<hbm>> -> memref<128x64xf32, #tpu.memory_space<hbm>>
      tpu.enqueue_dma source(%arg19 : memref<128x64xf32, #tpu.memory_space<vmem>>) target(%dma_start3A_282 : memref<128x64xf32, #tpu.memory_space<hbm>>) target_semaphore(%run_scoped3A : memref<!tpu.dma_semaphore, #tpu.memory_space<semaphore_mem>>)
      %dma_wait3A_283 = arith.constant 0 : i32
      %dma_wait3A_284 = tpu.memref_slice %arg11[%mul3A_8, %dma_wait3A_283] : memref<4096x64xf32, #tpu.memory_space<hbm>> -> memref<128x64xf32, #tpu.memory_space<hbm>>
      %dma_wait3A_285 = arith.constant 0 : i32
      %dma_wait3A_286 = tpu.memref_slice %arg11[%mul3A_8, %dma_wait3A_285] : memref<4096x64xf32, #tpu.memory_space<hbm>> -> memref<128x64xf32, #tpu.memory_space<hbm>>
      tpu.wait_dma2 semaphore(%run_scoped3A : memref<!tpu.dma_semaphore, #tpu.memory_space<semaphore_mem>>) src(%arg19 : memref<128x64xf32, #tpu.memory_space<vmem>>) dst(%dma_wait3A_286 : memref<128x64xf32, #tpu.memory_space<hbm>>)
      tpu.yield
    }) : () -> ()
    %mul3A_15 = arith.constant 6400 : i32
    %mul3A_16 = arith.muli %add3A, %mul3A_15 : i32
    %add3A_17 = arith.constant 0 : i32
    %add3A_18 = arith.addi %mul3A_16, %add3A_17 : i32
    "tpu.region"() ({
      %run_scoped3A = tpu.sem_alloc : memref<!tpu.dma_semaphore, #tpu.memory_space<semaphore_mem>>
      %dma_start3A_279 = tpu.memref_slice %arg6[%add3A_18] : memref<204800xi32, #tpu.memory_space<hbm>> -> memref<800xi32, #tpu.memory_space<hbm>>
      %dma_start3A_280 = tpu.memref_slice %arg6[%add3A_18] : memref<204800xi32, #tpu.memory_space<hbm>> -> memref<800xi32, #tpu.memory_space<hbm>>
      tpu.enqueue_dma source(%dma_start3A_280 : memref<800xi32, #tpu.memory_space<hbm>>) target(%arg16 : memref<800xi32, #tpu.memory_space<vmem>>) target_semaphore(%run_scoped3A : memref<!tpu.dma_semaphore, #tpu.memory_space<semaphore_mem>>)
      %dma_wait3A_281 = tpu.memref_slice %arg6[%add3A_18] : memref<204800xi32, #tpu.memory_space<hbm>> -> memref<800xi32, #tpu.memory_space<hbm>>
      %dma_wait3A_282 = tpu.memref_slice %arg6[%add3A_18] : memref<204800xi32, #tpu.memory_space<hbm>> -> memref<800xi32, #tpu.memory_space<hbm>>
      tpu.wait_dma2 semaphore(%run_scoped3A : memref<!tpu.dma_semaphore, #tpu.memory_space<semaphore_mem>>) src(%dma_wait3A_282 : memref<800xi32, #tpu.memory_space<hbm>>) dst(%arg16 : memref<800xi32, #tpu.memory_space<vmem>>)
      tpu.yield
    }) : () -> ()
    %dma_start3A_19 = arith.constant 0 : i32
    %dma_start3A_20 = arith.constant 0 : i32
    %dma_start3A_21 = tpu.memref_slice %arg3[%dma_start3A_19, %dma_start3A_20] : memref<100000x64xf32, #tpu.memory_space<hbm>> -> memref<100000x64xf32, #tpu.memory_space<hbm>>
    tpu.enqueue_indirect_dma source(%dma_start3A_21 : memref<100000x64xf32, #tpu.memory_space<hbm>>) target(%arg17 : memref<800x64xf32, #tpu.memory_space<vmem>>) offsets(%arg16 : memref<800xi32, #tpu.memory_space<vmem>>) semaphore(%arg20 : memref<!tpu.dma_semaphore, #tpu.memory_space<semaphore_mem>>)
    %dma_wait3A_22 = arith.constant 0 : i32
    %dma_wait3A_23 = arith.constant 0 : i32
    %dma_wait3A_24 = tpu.memref_slice %arg3[%dma_wait3A_22, %dma_wait3A_23] : memref<100000x64xf32, #tpu.memory_space<hbm>> -> memref<100000x64xf32, #tpu.memory_space<hbm>>
    tpu.wait_indirect_dma semaphore(%arg20 : memref<!tpu.dma_semaphore, #tpu.memory_space<semaphore_mem>>) src(%dma_wait3A_24 : memref<100000x64xf32, #tpu.memory_space<hbm>>) dst(%arg17 : memref<800x64xf32, #tpu.memory_space<vmem>>)
    "tpu.region"() ({
      %run_scoped3A = tpu.sem_alloc : memref<!tpu.dma_semaphore, #tpu.memory_space<semaphore_mem>>
      %dma_start3A_279 = arith.constant 0 : i32
      %dma_start3A_280 = tpu.memref_slice %arg12[%add3A_18, %dma_start3A_279] : memref<204800x64xf32, #tpu.memory_space<hbm>> -> memref<800x64xf32, #tpu.memory_space<hbm>>
      %dma_start3A_281 = arith.constant 0 : i32
      %dma_start3A_282 = tpu.memref_slice %arg12[%add3A_18, %dma_start3A_281] : memref<204800x64xf32, #tpu.memory_space<hbm>> -> memref<800x64xf32, #tpu.memory_space<hbm>>
      tpu.enqueue_dma source(%arg17 : memref<800x64xf32, #tpu.memory_space<vmem>>) target(%dma_start3A_282 : memref<800x64xf32, #tpu.memory_space<hbm>>) target_semaphore(%run_scoped3A : memref<!tpu.dma_semaphore, #tpu.memory_space<semaphore_mem>>)
      %dma_wait3A_283 = arith.constant 0 : i32
      %dma_wait3A_284 = tpu.memref_slice %arg12[%add3A_18, %dma_wait3A_283] : memref<204800x64xf32, #tpu.memory_space<hbm>> -> memref<800x64xf32, #tpu.memory_space<hbm>>
      %dma_wait3A_285 = arith.constant 0 : i32
      %dma_wait3A_286 = tpu.memref_slice %arg12[%add3A_18, %dma_wait3A_285] : memref<204800x64xf32, #tpu.memory_space<hbm>> -> memref<800x64xf32, #tpu.memory_space<hbm>>
      tpu.wait_dma2 semaphore(%run_scoped3A : memref<!tpu.dma_semaphore, #tpu.memory_space<semaphore_mem>>) src(%arg17 : memref<800x64xf32, #tpu.memory_space<vmem>>) dst(%dma_wait3A_286 : memref<800x64xf32, #tpu.memory_space<hbm>>)
      tpu.yield
    }) : () -> ()
    %add3A_25 = arith.constant 800 : i32
    %add3A_26 = arith.addi %mul3A_16, %add3A_25 : i32
    "tpu.region"() ({
      %run_scoped3A = tpu.sem_alloc : memref<!tpu.dma_semaphore, #tpu.memory_space<semaphore_mem>>
      %dma_start3A_279 = tpu.memref_slice %arg6[%add3A_26] : memref<204800xi32, #tpu.memory_space<hbm>> -> memref<800xi32, #tpu.memory_space<hbm>>
      %dma_start3A_280 = tpu.memref_slice %arg6[%add3A_26] : memref<204800xi32, #tpu.memory_space<hbm>> -> memref<800xi32, #tpu.memory_space<hbm>>
      tpu.enqueue_dma source(%dma_start3A_280 : memref<800xi32, #tpu.memory_space<hbm>>) target(%arg16 : memref<800xi32, #tpu.memory_space<vmem>>) target_semaphore(%run_scoped3A : memref<!tpu.dma_semaphore, #tpu.memory_space<semaphore_mem>>)
      %dma_wait3A_281 = tpu.memref_slice %arg6[%add3A_26] : memref<204800xi32, #tpu.memory_space<hbm>> -> memref<800xi32, #tpu.memory_space<hbm>>
      %dma_wait3A_282 = tpu.memref_slice %arg6[%add3A_26] : memref<204800xi32, #tpu.memory_space<hbm>> -> memref<800xi32, #tpu.memory_space<hbm>>
      tpu.wait_dma2 semaphore(%run_scoped3A : memref<!tpu.dma_semaphore, #tpu.memory_space<semaphore_mem>>) src(%dma_wait3A_282 : memref<800xi32, #tpu.memory_space<hbm>>) dst(%arg16 : memref<800xi32, #tpu.memory_space<vmem>>)
      tpu.yield
    }) : () -> ()
    %dma_start3A_27 = arith.constant 0 : i32
    %dma_start3A_28 = arith.constant 0 : i32
    %dma_start3A_29 = tpu.memref_slice %arg3[%dma_start3A_27, %dma_start3A_28] : memref<100000x64xf32, #tpu.memory_space<hbm>> -> memref<100000x64xf32, #tpu.memory_space<hbm>>
    tpu.enqueue_indirect_dma source(%dma_start3A_29 : memref<100000x64xf32, #tpu.memory_space<hbm>>) target(%arg17 : memref<800x64xf32, #tpu.memory_space<vmem>>) offsets(%arg16 : memref<800xi32, #tpu.memory_space<vmem>>) semaphore(%arg20 : memref<!tpu.dma_semaphore, #tpu.memory_space<semaphore_mem>>)
    %dma_wait3A_30 = arith.constant 0 : i32
    %dma_wait3A_31 = arith.constant 0 : i32
    %dma_wait3A_32 = tpu.memref_slice %arg3[%dma_wait3A_30, %dma_wait3A_31] : memref<100000x64xf32, #tpu.memory_space<hbm>> -> memref<100000x64xf32, #tpu.memory_space<hbm>>
    tpu.wait_indirect_dma semaphore(%arg20 : memref<!tpu.dma_semaphore, #tpu.memory_space<semaphore_mem>>) src(%dma_wait3A_32 : memref<100000x64xf32, #tpu.memory_space<hbm>>) dst(%arg17 : memref<800x64xf32, #tpu.memory_space<vmem>>)
    "tpu.region"() ({
      %run_scoped3A = tpu.sem_alloc : memref<!tpu.dma_semaphore, #tpu.memory_space<semaphore_mem>>
      %dma_start3A_279 = arith.constant 0 : i32
      %dma_start3A_280 = tpu.memref_slice %arg12[%add3A_26, %dma_start3A_279] : memref<204800x64xf32, #tpu.memory_space<hbm>> -> memref<800x64xf32, #tpu.memory_space<hbm>>
      %dma_start3A_281 = arith.constant 0 : i32
      %dma_start3A_282 = tpu.memref_slice %arg12[%add3A_26, %dma_start3A_281] : memref<204800x64xf32, #tpu.memory_space<hbm>> -> memref<800x64xf32, #tpu.memory_space<hbm>>
      tpu.enqueue_dma source(%arg17 : memref<800x64xf32, #tpu.memory_space<vmem>>) target(%dma_start3A_282 : memref<800x64xf32, #tpu.memory_space<hbm>>) target_semaphore(%run_scoped3A : memref<!tpu.dma_semaphore, #tpu.memory_space<semaphore_mem>>)
      %dma_wait3A_283 = arith.constant 0 : i32
      %dma_wait3A_284 = tpu.memref_slice %arg12[%add3A_26, %dma_wait3A_283] : memref<204800x64xf32, #tpu.memory_space<hbm>> -> memref<800x64xf32, #tpu.memory_space<hbm>>
      %dma_wait3A_285 = arith.constant 0 : i32
      %dma_wait3A_286 = tpu.memref_slice %arg12[%add3A_26, %dma_wait3A_285] : memref<204800x64xf32, #tpu.memory_space<hbm>> -> memref<800x64xf32, #tpu.memory_space<hbm>>
      tpu.wait_dma2 semaphore(%run_scoped3A : memref<!tpu.dma_semaphore, #tpu.memory_space<semaphore_mem>>) src(%arg17 : memref<800x64xf32, #tpu.memory_space<vmem>>) dst(%dma_wait3A_286 : memref<800x64xf32, #tpu.memory_space<hbm>>)
      tpu.yield
    }) : () -> ()
    %add3A_33 = arith.constant 1600 : i32
    %add3A_34 = arith.addi %mul3A_16, %add3A_33 : i32
    "tpu.region"() ({
      %run_scoped3A = tpu.sem_alloc : memref<!tpu.dma_semaphore, #tpu.memory_space<semaphore_mem>>
      %dma_start3A_279 = tpu.memref_slice %arg6[%add3A_34] : memref<204800xi32, #tpu.memory_space<hbm>> -> memref<800xi32, #tpu.memory_space<hbm>>
      %dma_start3A_280 = tpu.memref_slice %arg6[%add3A_34] : memref<204800xi32, #tpu.memory_space<hbm>> -> memref<800xi32, #tpu.memory_space<hbm>>
      tpu.enqueue_dma source(%dma_start3A_280 : memref<800xi32, #tpu.memory_space<hbm>>) target(%arg16 : memref<800xi32, #tpu.memory_space<vmem>>) target_semaphore(%run_scoped3A : memref<!tpu.dma_semaphore, #tpu.memory_space<semaphore_mem>>)
      %dma_wait3A_281 = tpu.memref_slice %arg6[%add3A_34] : memref<204800xi32, #tpu.memory_space<hbm>> -> memref<800xi32, #tpu.memory_space<hbm>>
      %dma_wait3A_282 = tpu.memref_slice %arg6[%add3A_34] : memref<204800xi32, #tpu.memory_space<hbm>> -> memref<800xi32, #tpu.memory_space<hbm>>
      tpu.wait_dma2 semaphore(%run_scoped3A : memref<!tpu.dma_semaphore, #tpu.memory_space<semaphore_mem>>) src(%dma_wait3A_282 : memref<800xi32, #tpu.memory_space<hbm>>) dst(%arg16 : memref<800xi32, #tpu.memory_space<vmem>>)
      tpu.yield
    }) : () -> ()
    %dma_start3A_35 = arith.constant 0 : i32
    %dma_start3A_36 = arith.constant 0 : i32
    %dma_start3A_37 = tpu.memref_slice %arg3[%dma_start3A_35, %dma_start3A_36] : memref<100000x64xf32, #tpu.memory_space<hbm>> -> memref<100000x64xf32, #tpu.memory_space<hbm>>
    tpu.enqueue_indirect_dma source(%dma_start3A_37 : memref<100000x64xf32, #tpu.memory_space<hbm>>) target(%arg17 : memref<800x64xf32, #tpu.memory_space<vmem>>) offsets(%arg16 : memref<800xi32, #tpu.memory_space<vmem>>) semaphore(%arg20 : memref<!tpu.dma_semaphore, #tpu.memory_space<semaphore_mem>>)
    %dma_wait3A_38 = arith.constant 0 : i32
    %dma_wait3A_39 = arith.constant 0 : i32
    %dma_wait3A_40 = tpu.memref_slice %arg3[%dma_wait3A_38, %dma_wait3A_39] : memref<100000x64xf32, #tpu.memory_space<hbm>> -> memref<100000x64xf32, #tpu.memory_space<hbm>>
    tpu.wait_indirect_dma semaphore(%arg20 : memref<!tpu.dma_semaphore, #tpu.memory_space<semaphore_mem>>) src(%dma_wait3A_40 : memref<100000x64xf32, #tpu.memory_space<hbm>>) dst(%arg17 : memref<800x64xf32, #tpu.memory_space<vmem>>)
    "tpu.region"() ({
      %run_scoped3A = tpu.sem_alloc : memref<!tpu.dma_semaphore, #tpu.memory_space<semaphore_mem>>
      %dma_start3A_279 = arith.constant 0 : i32
      %dma_start3A_280 = tpu.memref_slice %arg12[%add3A_34, %dma_start3A_279] : memref<204800x64xf32, #tpu.memory_space<hbm>> -> memref<800x64xf32, #tpu.memory_space<hbm>>
      %dma_start3A_281 = arith.constant 0 : i32
      %dma_start3A_282 = tpu.memref_slice %arg12[%add3A_34, %dma_start3A_281] : memref<204800x64xf32, #tpu.memory_space<hbm>> -> memref<800x64xf32, #tpu.memory_space<hbm>>
      tpu.enqueue_dma source(%arg17 : memref<800x64xf32, #tpu.memory_space<vmem>>) target(%dma_start3A_282 : memref<800x64xf32, #tpu.memory_space<hbm>>) target_semaphore(%run_scoped3A : memref<!tpu.dma_semaphore, #tpu.memory_space<semaphore_mem>>)
      %dma_wait3A_283 = arith.constant 0 : i32
      %dma_wait3A_284 = tpu.memref_slice %arg12[%add3A_34, %dma_wait3A_283] : memref<204800x64xf32, #tpu.memory_space<hbm>> -> memref<800x64xf32, #tpu.memory_space<hbm>>
      %dma_wait3A_285 = arith.constant 0 : i32
      %dma_wait3A_286 = tpu.memref_slice %arg12[%add3A_34, %dma_wait3A_285] : memref<204800x64xf32, #tpu.memory_space<hbm>> -> memref<800x64xf32, #tpu.memory_space<hbm>>
      tpu.wait_dma2 semaphore(%run_scoped3A : memref<!tpu.dma_semaphore, #tpu.memory_space<semaphore_mem>>) src(%arg17 : memref<800x64xf32, #tpu.memory_space<vmem>>) dst(%dma_wait3A_286 : memref<800x64xf32, #tpu.memory_space<hbm>>)
      tpu.yield
    }) : () -> ()
    %add3A_41 = arith.constant 2400 : i32
    %add3A_42 = arith.addi %mul3A_16, %add3A_41 : i32
    "tpu.region"() ({
      %run_scoped3A = tpu.sem_alloc : memref<!tpu.dma_semaphore, #tpu.memory_space<semaphore_mem>>
      %dma_start3A_279 = tpu.memref_slice %arg6[%add3A_42] : memref<204800xi32, #tpu.memory_space<hbm>> -> memref<800xi32, #tpu.memory_space<hbm>>
      %dma_start3A_280 = tpu.memref_slice %arg6[%add3A_42] : memref<204800xi32, #tpu.memory_space<hbm>> -> memref<800xi32, #tpu.memory_space<hbm>>
      tpu.enqueue_dma source(%dma_start3A_280 : memref<800xi32, #tpu.memory_space<hbm>>) target(%arg16 : memref<800xi32, #tpu.memory_space<vmem>>) target_semaphore(%run_scoped3A : memref<!tpu.dma_semaphore, #tpu.memory_space<semaphore_mem>>)
      %dma_wait3A_281 = tpu.memref_slice %arg6[%add3A_42] : memref<204800xi32, #tpu.memory_space<hbm>> -> memref<800xi32, #tpu.memory_space<hbm>>
      %dma_wait3A_282 = tpu.memref_slice %arg6[%add3A_42] : memref<204800xi32, #tpu.memory_space<hbm>> -> memref<800xi32, #tpu.memory_space<hbm>>
      tpu.wait_dma2 semaphore(%run_scoped3A : memref<!tpu.dma_semaphore, #tpu.memory_space<semaphore_mem>>) src(%dma_wait3A_282 : memref<800xi32, #tpu.memory_space<hbm>>) dst(%arg16 : memref<800xi32, #tpu.memory_space<vmem>>)
      tpu.yield
    }) : () -> ()
    %dma_start3A_43 = arith.constant 0 : i32
    %dma_start3A_44 = arith.constant 0 : i32
    %dma_start3A_45 = tpu.memref_slice %arg3[%dma_start3A_43, %dma_start3A_44] : memref<100000x64xf32, #tpu.memory_space<hbm>> -> memref<100000x64xf32, #tpu.memory_space<hbm>>
    tpu.enqueue_indirect_dma source(%dma_start3A_45 : memref<100000x64xf32, #tpu.memory_space<hbm>>) target(%arg17 : memref<800x64xf32, #tpu.memory_space<vmem>>) offsets(%arg16 : memref<800xi32, #tpu.memory_space<vmem>>) semaphore(%arg20 : memref<!tpu.dma_semaphore, #tpu.memory_space<semaphore_mem>>)
    %dma_wait3A_46 = arith.constant 0 : i32
    %dma_wait3A_47 = arith.constant 0 : i32
    %dma_wait3A_48 = tpu.memref_slice %arg3[%dma_wait3A_46, %dma_wait3A_47] : memref<100000x64xf32, #tpu.memory_space<hbm>> -> memref<100000x64xf32, #tpu.memory_space<hbm>>
    tpu.wait_indirect_dma semaphore(%arg20 : memref<!tpu.dma_semaphore, #tpu.memory_space<semaphore_mem>>) src(%dma_wait3A_48 : memref<100000x64xf32, #tpu.memory_space<hbm>>) dst(%arg17 : memref<800x64xf32, #tpu.memory_space<vmem>>)
    "tpu.region"() ({
      %run_scoped3A = tpu.sem_alloc : memref<!tpu.dma_semaphore, #tpu.memory_space<semaphore_mem>>
      %dma_start3A_279 = arith.constant 0 : i32
      %dma_start3A_280 = tpu.memref_slice %arg12[%add3A_42, %dma_start3A_279] : memref<204800x64xf32, #tpu.memory_space<hbm>> -> memref<800x64xf32, #tpu.memory_space<hbm>>
      %dma_start3A_281 = arith.constant 0 : i32
      %dma_start3A_282 = tpu.memref_slice %arg12[%add3A_42, %dma_start3A_281] : memref<204800x64xf32, #tpu.memory_space<hbm>> -> memref<800x64xf32, #tpu.memory_space<hbm>>
      tpu.enqueue_dma source(%arg17 : memref<800x64xf32, #tpu.memory_space<vmem>>) target(%dma_start3A_282 : memref<800x64xf32, #tpu.memory_space<hbm>>) target_semaphore(%run_scoped3A : memref<!tpu.dma_semaphore, #tpu.memory_space<semaphore_mem>>)
      %dma_wait3A_283 = arith.constant 0 : i32
      %dma_wait3A_284 = tpu.memref_slice %arg12[%add3A_42, %dma_wait3A_283] : memref<204800x64xf32, #tpu.memory_space<hbm>> -> memref<800x64xf32, #tpu.memory_space<hbm>>
      %dma_wait3A_285 = arith.constant 0 : i32
      %dma_wait3A_286 = tpu.memref_slice %arg12[%add3A_42, %dma_wait3A_285] : memref<204800x64xf32, #tpu.memory_space<hbm>> -> memref<800x64xf32, #tpu.memory_space<hbm>>
      tpu.wait_dma2 semaphore(%run_scoped3A : memref<!tpu.dma_semaphore, #tpu.memory_space<semaphore_mem>>) src(%arg17 : memref<800x64xf32, #tpu.memory_space<vmem>>) dst(%dma_wait3A_286 : memref<800x64xf32, #tpu.memory_space<hbm>>)
      tpu.yield
    }) : () -> ()
    %add3A_49 = arith.constant 3200 : i32
    %add3A_50 = arith.addi %mul3A_16, %add3A_49 : i32
    "tpu.region"() ({
      %run_scoped3A = tpu.sem_alloc : memref<!tpu.dma_semaphore, #tpu.memory_space<semaphore_mem>>
      %dma_start3A_279 = tpu.memref_slice %arg6[%add3A_50] : memref<204800xi32, #tpu.memory_space<hbm>> -> memref<800xi32, #tpu.memory_space<hbm>>
      %dma_start3A_280 = tpu.memref_slice %arg6[%add3A_50] : memref<204800xi32, #tpu.memory_space<hbm>> -> memref<800xi32, #tpu.memory_space<hbm>>
      tpu.enqueue_dma source(%dma_start3A_280 : memref<800xi32, #tpu.memory_space<hbm>>) target(%arg16 : memref<800xi32, #tpu.memory_space<vmem>>) target_semaphore(%run_scoped3A : memref<!tpu.dma_semaphore, #tpu.memory_space<semaphore_mem>>)
      %dma_wait3A_281 = tpu.memref_slice %arg6[%add3A_50] : memref<204800xi32, #tpu.memory_space<hbm>> -> memref<800xi32, #tpu.memory_space<hbm>>
      %dma_wait3A_282 = tpu.memref_slice %arg6[%add3A_50] : memref<204800xi32, #tpu.memory_space<hbm>> -> memref<800xi32, #tpu.memory_space<hbm>>
      tpu.wait_dma2 semaphore(%run_scoped3A : memref<!tpu.dma_semaphore, #tpu.memory_space<semaphore_mem>>) src(%dma_wait3A_282 : memref<800xi32, #tpu.memory_space<hbm>>) dst(%arg16 : memref<800xi32, #tpu.memory_space<vmem>>)
      tpu.yield
    }) : () -> ()
    %dma_start3A_51 = arith.constant 0 : i32
    %dma_start3A_52 = arith.constant 0 : i32
    %dma_start3A_53 = tpu.memref_slice %arg3[%dma_start3A_51, %dma_start3A_52] : memref<100000x64xf32, #tpu.memory_space<hbm>> -> memref<100000x64xf32, #tpu.memory_space<hbm>>
    tpu.enqueue_indirect_dma source(%dma_start3A_53 : memref<100000x64xf32, #tpu.memory_space<hbm>>) target(%arg17 : memref<800x64xf32, #tpu.memory_space<vmem>>) offsets(%arg16 : memref<800xi32, #tpu.memory_space<vmem>>) semaphore(%arg20 : memref<!tpu.dma_semaphore, #tpu.memory_space<semaphore_mem>>)
    %dma_wait3A_54 = arith.constant 0 : i32
    %dma_wait3A_55 = arith.constant 0 : i32
    %dma_wait3A_56 = tpu.memref_slice %arg3[%dma_wait3A_54, %dma_wait3A_55] : memref<100000x64xf32, #tpu.memory_space<hbm>> -> memref<100000x64xf32, #tpu.memory_space<hbm>>
    tpu.wait_indirect_dma semaphore(%arg20 : memref<!tpu.dma_semaphore, #tpu.memory_space<semaphore_mem>>) src(%dma_wait3A_56 : memref<100000x64xf32, #tpu.memory_space<hbm>>) dst(%arg17 : memref<800x64xf32, #tpu.memory_space<vmem>>)
    "tpu.region"() ({
      %run_scoped3A = tpu.sem_alloc : memref<!tpu.dma_semaphore, #tpu.memory_space<semaphore_mem>>
      %dma_start3A_279 = arith.constant 0 : i32
      %dma_start3A_280 = tpu.memref_slice %arg12[%add3A_50, %dma_start3A_279] : memref<204800x64xf32, #tpu.memory_space<hbm>> -> memref<800x64xf32, #tpu.memory_space<hbm>>
      %dma_start3A_281 = arith.constant 0 : i32
      %dma_start3A_282 = tpu.memref_slice %arg12[%add3A_50, %dma_start3A_281] : memref<204800x64xf32, #tpu.memory_space<hbm>> -> memref<800x64xf32, #tpu.memory_space<hbm>>
      tpu.enqueue_dma source(%arg17 : memref<800x64xf32, #tpu.memory_space<vmem>>) target(%dma_start3A_282 : memref<800x64xf32, #tpu.memory_space<hbm>>) target_semaphore(%run_scoped3A : memref<!tpu.dma_semaphore, #tpu.memory_space<semaphore_mem>>)
      %dma_wait3A_283 = arith.constant 0 : i32
      %dma_wait3A_284 = tpu.memref_slice %arg12[%add3A_50, %dma_wait3A_283] : memref<204800x64xf32, #tpu.memory_space<hbm>> -> memref<800x64xf32, #tpu.memory_space<hbm>>
      %dma_wait3A_285 = arith.constant 0 : i32
      %dma_wait3A_286 = tpu.memref_slice %arg12[%add3A_50, %dma_wait3A_285] : memref<204800x64xf32, #tpu.memory_space<hbm>> -> memref<800x64xf32, #tpu.memory_space<hbm>>
      tpu.wait_dma2 semaphore(%run_scoped3A : memref<!tpu.dma_semaphore, #tpu.memory_space<semaphore_mem>>) src(%arg17 : memref<800x64xf32, #tpu.memory_space<vmem>>) dst(%dma_wait3A_286 : memref<800x64xf32, #tpu.memory_space<hbm>>)
      tpu.yield
    }) : () -> ()
    %add3A_57 = arith.constant 4000 : i32
    %add3A_58 = arith.addi %mul3A_16, %add3A_57 : i32
    "tpu.region"() ({
      %run_scoped3A = tpu.sem_alloc : memref<!tpu.dma_semaphore, #tpu.memory_space<semaphore_mem>>
      %dma_start3A_279 = tpu.memref_slice %arg6[%add3A_58] : memref<204800xi32, #tpu.memory_space<hbm>> -> memref<800xi32, #tpu.memory_space<hbm>>
      %dma_start3A_280 = tpu.memref_slice %arg6[%add3A_58] : memref<204800xi32, #tpu.memory_space<hbm>> -> memref<800xi32, #tpu.memory_space<hbm>>
      tpu.enqueue_dma source(%dma_start3A_280 : memref<800xi32, #tpu.memory_space<hbm>>) target(%arg16 : memref<800xi32, #tpu.memory_space<vmem>>) target_semaphore(%run_scoped3A : memref<!tpu.dma_semaphore, #tpu.memory_space<semaphore_mem>>)
      %dma_wait3A_281 = tpu.memref_slice %arg6[%add3A_58] : memref<204800xi32, #tpu.memory_space<hbm>> -> memref<800xi32, #tpu.memory_space<hbm>>
      %dma_wait3A_282 = tpu.memref_slice %arg6[%add3A_58] : memref<204800xi32, #tpu.memory_space<hbm>> -> memref<800xi32, #tpu.memory_space<hbm>>
      tpu.wait_dma2 semaphore(%run_scoped3A : memref<!tpu.dma_semaphore, #tpu.memory_space<semaphore_mem>>) src(%dma_wait3A_282 : memref<800xi32, #tpu.memory_space<hbm>>) dst(%arg16 : memref<800xi32, #tpu.memory_space<vmem>>)
      tpu.yield
    }) : () -> ()
    %dma_start3A_59 = arith.constant 0 : i32
    %dma_start3A_60 = arith.constant 0 : i32
    %dma_start3A_61 = tpu.memref_slice %arg3[%dma_start3A_59, %dma_start3A_60] : memref<100000x64xf32, #tpu.memory_space<hbm>> -> memref<100000x64xf32, #tpu.memory_space<hbm>>
    tpu.enqueue_indirect_dma source(%dma_start3A_61 : memref<100000x64xf32, #tpu.memory_space<hbm>>) target(%arg17 : memref<800x64xf32, #tpu.memory_space<vmem>>) offsets(%arg16 : memref<800xi32, #tpu.memory_space<vmem>>) semaphore(%arg20 : memref<!tpu.dma_semaphore, #tpu.memory_space<semaphore_mem>>)
    %dma_wait3A_62 = arith.constant 0 : i32
    %dma_wait3A_63 = arith.constant 0 : i32
    %dma_wait3A_64 = tpu.memref_slice %arg3[%dma_wait3A_62, %dma_wait3A_63] : memref<100000x64xf32, #tpu.memory_space<hbm>> -> memref<100000x64xf32, #tpu.memory_space<hbm>>
    tpu.wait_indirect_dma semaphore(%arg20 : memref<!tpu.dma_semaphore, #tpu.memory_space<semaphore_mem>>) src(%dma_wait3A_64 : memref<100000x64xf32, #tpu.memory_space<hbm>>) dst(%arg17 : memref<800x64xf32, #tpu.memory_space<vmem>>)
    "tpu.region"() ({
      %run_scoped3A = tpu.sem_alloc : memref<!tpu.dma_semaphore, #tpu.memory_space<semaphore_mem>>
      %dma_start3A_279 = arith.constant 0 : i32
      %dma_start3A_280 = tpu.memref_slice %arg12[%add3A_58, %dma_start3A_279] : memref<204800x64xf32, #tpu.memory_space<hbm>> -> memref<800x64xf32, #tpu.memory_space<hbm>>
      %dma_start3A_281 = arith.constant 0 : i32
      %dma_start3A_282 = tpu.memref_slice %arg12[%add3A_58, %dma_start3A_281] : memref<204800x64xf32, #tpu.memory_space<hbm>> -> memref<800x64xf32, #tpu.memory_space<hbm>>
      tpu.enqueue_dma source(%arg17 : memref<800x64xf32, #tpu.memory_space<vmem>>) target(%dma_start3A_282 : memref<800x64xf32, #tpu.memory_space<hbm>>) target_semaphore(%run_scoped3A : memref<!tpu.dma_semaphore, #tpu.memory_space<semaphore_mem>>)
      %dma_wait3A_283 = arith.constant 0 : i32
      %dma_wait3A_284 = tpu.memref_slice %arg12[%add3A_58, %dma_wait3A_283] : memref<204800x64xf32, #tpu.memory_space<hbm>> -> memref<800x64xf32, #tpu.memory_space<hbm>>
      %dma_wait3A_285 = arith.constant 0 : i32
      %dma_wait3A_286 = tpu.memref_slice %arg12[%add3A_58, %dma_wait3A_285] : memref<204800x64xf32, #tpu.memory_space<hbm>> -> memref<800x64xf32, #tpu.memory_space<hbm>>
      tpu.wait_dma2 semaphore(%run_scoped3A : memref<!tpu.dma_semaphore, #tpu.memory_space<semaphore_mem>>) src(%arg17 : memref<800x64xf32, #tpu.memory_space<vmem>>) dst(%dma_wait3A_286 : memref<800x64xf32, #tpu.memory_space<hbm>>)
      tpu.yield
    }) : () -> ()
    %add3A_65 = arith.constant 4800 : i32
    %add3A_66 = arith.addi %mul3A_16, %add3A_65 : i32
    "tpu.region"() ({
      %run_scoped3A = tpu.sem_alloc : memref<!tpu.dma_semaphore, #tpu.memory_space<semaphore_mem>>
      %dma_start3A_279 = tpu.memref_slice %arg6[%add3A_66] : memref<204800xi32, #tpu.memory_space<hbm>> -> memref<800xi32, #tpu.memory_space<hbm>>
      %dma_start3A_280 = tpu.memref_slice %arg6[%add3A_66] : memref<204800xi32, #tpu.memory_space<hbm>> -> memref<800xi32, #tpu.memory_space<hbm>>
      tpu.enqueue_dma source(%dma_start3A_280 : memref<800xi32, #tpu.memory_space<hbm>>) target(%arg16 : memref<800xi32, #tpu.memory_space<vmem>>) target_semaphore(%run_scoped3A : memref<!tpu.dma_semaphore, #tpu.memory_space<semaphore_mem>>)
      %dma_wait3A_281 = tpu.memref_slice %arg6[%add3A_66] : memref<204800xi32, #tpu.memory_space<hbm>> -> memref<800xi32, #tpu.memory_space<hbm>>
      %dma_wait3A_282 = tpu.memref_slice %arg6[%add3A_66] : memref<204800xi32, #tpu.memory_space<hbm>> -> memref<800xi32, #tpu.memory_space<hbm>>
      tpu.wait_dma2 semaphore(%run_scoped3A : memref<!tpu.dma_semaphore, #tpu.memory_space<semaphore_mem>>) src(%dma_wait3A_282 : memref<800xi32, #tpu.memory_space<hbm>>) dst(%arg16 : memref<800xi32, #tpu.memory_space<vmem>>)
      tpu.yield
    }) : () -> ()
    %dma_start3A_67 = arith.constant 0 : i32
    %dma_start3A_68 = arith.constant 0 : i32
    %dma_start3A_69 = tpu.memref_slice %arg3[%dma_start3A_67, %dma_start3A_68] : memref<100000x64xf32, #tpu.memory_space<hbm>> -> memref<100000x64xf32, #tpu.memory_space<hbm>>
    tpu.enqueue_indirect_dma source(%dma_start3A_69 : memref<100000x64xf32, #tpu.memory_space<hbm>>) target(%arg17 : memref<800x64xf32, #tpu.memory_space<vmem>>) offsets(%arg16 : memref<800xi32, #tpu.memory_space<vmem>>) semaphore(%arg20 : memref<!tpu.dma_semaphore, #tpu.memory_space<semaphore_mem>>)
    %dma_wait3A_70 = arith.constant 0 : i32
    %dma_wait3A_71 = arith.constant 0 : i32
    %dma_wait3A_72 = tpu.memref_slice %arg3[%dma_wait3A_70, %dma_wait3A_71] : memref<100000x64xf32, #tpu.memory_space<hbm>> -> memref<100000x64xf32, #tpu.memory_space<hbm>>
    tpu.wait_indirect_dma semaphore(%arg20 : memref<!tpu.dma_semaphore, #tpu.memory_space<semaphore_mem>>) src(%dma_wait3A_72 : memref<100000x64xf32, #tpu.memory_space<hbm>>) dst(%arg17 : memref<800x64xf32, #tpu.memory_space<vmem>>)
    "tpu.region"() ({
      %run_scoped3A = tpu.sem_alloc : memref<!tpu.dma_semaphore, #tpu.memory_space<semaphore_mem>>
      %dma_start3A_279 = arith.constant 0 : i32
      %dma_start3A_280 = tpu.memref_slice %arg12[%add3A_66, %dma_start3A_279] : memref<204800x64xf32, #tpu.memory_space<hbm>> -> memref<800x64xf32, #tpu.memory_space<hbm>>
      %dma_start3A_281 = arith.constant 0 : i32
      %dma_start3A_282 = tpu.memref_slice %arg12[%add3A_66, %dma_start3A_281] : memref<204800x64xf32, #tpu.memory_space<hbm>> -> memref<800x64xf32, #tpu.memory_space<hbm>>
      tpu.enqueue_dma source(%arg17 : memref<800x64xf32, #tpu.memory_space<vmem>>) target(%dma_start3A_282 : memref<800x64xf32, #tpu.memory_space<hbm>>) target_semaphore(%run_scoped3A : memref<!tpu.dma_semaphore, #tpu.memory_space<semaphore_mem>>)
      %dma_wait3A_283 = arith.constant 0 : i32
      %dma_wait3A_284 = tpu.memref_slice %arg12[%add3A_66, %dma_wait3A_283] : memref<204800x64xf32, #tpu.memory_space<hbm>> -> memref<800x64xf32, #tpu.memory_space<hbm>>
      %dma_wait3A_285 = arith.constant 0 : i32
      %dma_wait3A_286 = tpu.memref_slice %arg12[%add3A_66, %dma_wait3A_285] : memref<204800x64xf32, #tpu.memory_space<hbm>> -> memref<800x64xf32, #tpu.memory_space<hbm>>
      tpu.wait_dma2 semaphore(%run_scoped3A : memref<!tpu.dma_semaphore, #tpu.memory_space<semaphore_mem>>) src(%arg17 : memref<800x64xf32, #tpu.memory_space<vmem>>) dst(%dma_wait3A_286 : memref<800x64xf32, #tpu.memory_space<hbm>>)
      tpu.yield
    }) : () -> ()
    %add3A_73 = arith.constant 5600 : i32
    %add3A_74 = arith.addi %mul3A_16, %add3A_73 : i32
    "tpu.region"() ({
      %run_scoped3A = tpu.sem_alloc : memref<!tpu.dma_semaphore, #tpu.memory_space<semaphore_mem>>
      %dma_start3A_279 = tpu.memref_slice %arg6[%add3A_74] : memref<204800xi32, #tpu.memory_space<hbm>> -> memref<800xi32, #tpu.memory_space<hbm>>
      %dma_start3A_280 = tpu.memref_slice %arg6[%add3A_74] : memref<204800xi32, #tpu.memory_space<hbm>> -> memref<800xi32, #tpu.memory_space<hbm>>
      tpu.enqueue_dma source(%dma_start3A_280 : memref<800xi32, #tpu.memory_space<hbm>>) target(%arg16 : memref<800xi32, #tpu.memory_space<vmem>>) target_semaphore(%run_scoped3A : memref<!tpu.dma_semaphore, #tpu.memory_space<semaphore_mem>>)
      %dma_wait3A_281 = tpu.memref_slice %arg6[%add3A_74] : memref<204800xi32, #tpu.memory_space<hbm>> -> memref<800xi32, #tpu.memory_space<hbm>>
      %dma_wait3A_282 = tpu.memref_slice %arg6[%add3A_74] : memref<204800xi32, #tpu.memory_space<hbm>> -> memref<800xi32, #tpu.memory_space<hbm>>
      tpu.wait_dma2 semaphore(%run_scoped3A : memref<!tpu.dma_semaphore, #tpu.memory_space<semaphore_mem>>) src(%dma_wait3A_282 : memref<800xi32, #tpu.memory_space<hbm>>) dst(%arg16 : memref<800xi32, #tpu.memory_space<vmem>>)
      tpu.yield
    }) : () -> ()
    %dma_start3A_75 = arith.constant 0 : i32
    %dma_start3A_76 = arith.constant 0 : i32
    %dma_start3A_77 = tpu.memref_slice %arg3[%dma_start3A_75, %dma_start3A_76] : memref<100000x64xf32, #tpu.memory_space<hbm>> -> memref<100000x64xf32, #tpu.memory_space<hbm>>
    tpu.enqueue_indirect_dma source(%dma_start3A_77 : memref<100000x64xf32, #tpu.memory_space<hbm>>) target(%arg17 : memref<800x64xf32, #tpu.memory_space<vmem>>) offsets(%arg16 : memref<800xi32, #tpu.memory_space<vmem>>) semaphore(%arg20 : memref<!tpu.dma_semaphore, #tpu.memory_space<semaphore_mem>>)
    %dma_wait3A_78 = arith.constant 0 : i32
    %dma_wait3A_79 = arith.constant 0 : i32
    %dma_wait3A_80 = tpu.memref_slice %arg3[%dma_wait3A_78, %dma_wait3A_79] : memref<100000x64xf32, #tpu.memory_space<hbm>> -> memref<100000x64xf32, #tpu.memory_space<hbm>>
    tpu.wait_indirect_dma semaphore(%arg20 : memref<!tpu.dma_semaphore, #tpu.memory_space<semaphore_mem>>) src(%dma_wait3A_80 : memref<100000x64xf32, #tpu.memory_space<hbm>>) dst(%arg17 : memref<800x64xf32, #tpu.memory_space<vmem>>)
    "tpu.region"() ({
      %run_scoped3A = tpu.sem_alloc : memref<!tpu.dma_semaphore, #tpu.memory_space<semaphore_mem>>
      %dma_start3A_279 = arith.constant 0 : i32
      %dma_start3A_280 = tpu.memref_slice %arg12[%add3A_74, %dma_start3A_279] : memref<204800x64xf32, #tpu.memory_space<hbm>> -> memref<800x64xf32, #tpu.memory_space<hbm>>
      %dma_start3A_281 = arith.constant 0 : i32
      %dma_start3A_282 = tpu.memref_slice %arg12[%add3A_74, %dma_start3A_281] : memref<204800x64xf32, #tpu.memory_space<hbm>> -> memref<800x64xf32, #tpu.memory_space<hbm>>
      tpu.enqueue_dma source(%arg17 : memref<800x64xf32, #tpu.memory_space<vmem>>) target(%dma_start3A_282 : memref<800x64xf32, #tpu.memory_space<hbm>>) target_semaphore(%run_scoped3A : memref<!tpu.dma_semaphore, #tpu.memory_space<semaphore_mem>>)
      %dma_wait3A_283 = arith.constant 0 : i32
      %dma_wait3A_284 = tpu.memref_slice %arg12[%add3A_74, %dma_wait3A_283] : memref<204800x64xf32, #tpu.memory_space<hbm>> -> memref<800x64xf32, #tpu.memory_space<hbm>>
      %dma_wait3A_285 = arith.constant 0 : i32
      %dma_wait3A_286 = tpu.memref_slice %arg12[%add3A_74, %dma_wait3A_285] : memref<204800x64xf32, #tpu.memory_space<hbm>> -> memref<800x64xf32, #tpu.memory_space<hbm>>
      tpu.wait_dma2 semaphore(%run_scoped3A : memref<!tpu.dma_semaphore, #tpu.memory_space<semaphore_mem>>) src(%arg17 : memref<800x64xf32, #tpu.memory_space<vmem>>) dst(%dma_wait3A_286 : memref<800x64xf32, #tpu.memory_space<hbm>>)
      tpu.yield
    }) : () -> ()
    %mul3A_81 = arith.constant 6400 : i32
    %mul3A_82 = arith.muli %add3A, %mul3A_81 : i32
    %add3A_83 = arith.constant 0 : i32
    %add3A_84 = arith.addi %mul3A_82, %add3A_83 : i32
    "tpu.region"() ({
      %run_scoped3A = tpu.sem_alloc : memref<!tpu.dma_semaphore, #tpu.memory_space<semaphore_mem>>
      %dma_start3A_279 = tpu.memref_slice %arg7[%add3A_84] : memref<204800xi32, #tpu.memory_space<hbm>> -> memref<800xi32, #tpu.memory_space<hbm>>
      %dma_start3A_280 = tpu.memref_slice %arg7[%add3A_84] : memref<204800xi32, #tpu.memory_space<hbm>> -> memref<800xi32, #tpu.memory_space<hbm>>
      tpu.enqueue_dma source(%dma_start3A_280 : memref<800xi32, #tpu.memory_space<hbm>>) target(%arg16 : memref<800xi32, #tpu.memory_space<vmem>>) target_semaphore(%run_scoped3A : memref<!tpu.dma_semaphore, #tpu.memory_space<semaphore_mem>>)
      %dma_wait3A_281 = tpu.memref_slice %arg7[%add3A_84] : memref<204800xi32, #tpu.memory_space<hbm>> -> memref<800xi32, #tpu.memory_space<hbm>>
      %dma_wait3A_282 = tpu.memref_slice %arg7[%add3A_84] : memref<204800xi32, #tpu.memory_space<hbm>> -> memref<800xi32, #tpu.memory_space<hbm>>
      tpu.wait_dma2 semaphore(%run_scoped3A : memref<!tpu.dma_semaphore, #tpu.memory_space<semaphore_mem>>) src(%dma_wait3A_282 : memref<800xi32, #tpu.memory_space<hbm>>) dst(%arg16 : memref<800xi32, #tpu.memory_space<vmem>>)
      tpu.yield
    }) : () -> ()
    %dma_start3A_85 = arith.constant 0 : i32
    %dma_start3A_86 = arith.constant 0 : i32
    %dma_start3A_87 = tpu.memref_slice %arg2[%dma_start3A_85, %dma_start3A_86] : memref<100000x64xf32, #tpu.memory_space<hbm>> -> memref<100000x64xf32, #tpu.memory_space<hbm>>
    tpu.enqueue_indirect_dma source(%dma_start3A_87 : memref<100000x64xf32, #tpu.memory_space<hbm>>) target(%arg17 : memref<800x64xf32, #tpu.memory_space<vmem>>) offsets(%arg16 : memref<800xi32, #tpu.memory_space<vmem>>) semaphore(%arg20 : memref<!tpu.dma_semaphore, #tpu.memory_space<semaphore_mem>>)
    %dma_wait3A_88 = arith.constant 0 : i32
    %dma_wait3A_89 = arith.constant 0 : i32
    %dma_wait3A_90 = tpu.memref_slice %arg2[%dma_wait3A_88, %dma_wait3A_89] : memref<100000x64xf32, #tpu.memory_space<hbm>> -> memref<100000x64xf32, #tpu.memory_space<hbm>>
    tpu.wait_indirect_dma semaphore(%arg20 : memref<!tpu.dma_semaphore, #tpu.memory_space<semaphore_mem>>) src(%dma_wait3A_90 : memref<100000x64xf32, #tpu.memory_space<hbm>>) dst(%arg17 : memref<800x64xf32, #tpu.memory_space<vmem>>)
    "tpu.region"() ({
      %run_scoped3A = tpu.sem_alloc : memref<!tpu.dma_semaphore, #tpu.memory_space<semaphore_mem>>
      %dma_start3A_279 = arith.constant 0 : i32
      %dma_start3A_280 = tpu.memref_slice %arg13[%add3A_84, %dma_start3A_279] : memref<204800x64xf32, #tpu.memory_space<hbm>> -> memref<800x64xf32, #tpu.memory_space<hbm>>
      %dma_start3A_281 = arith.constant 0 : i32
      %dma_start3A_282 = tpu.memref_slice %arg13[%add3A_84, %dma_start3A_281] : memref<204800x64xf32, #tpu.memory_space<hbm>> -> memref<800x64xf32, #tpu.memory_space<hbm>>
      tpu.enqueue_dma source(%arg17 : memref<800x64xf32, #tpu.memory_space<vmem>>) target(%dma_start3A_282 : memref<800x64xf32, #tpu.memory_space<hbm>>) target_semaphore(%run_scoped3A : memref<!tpu.dma_semaphore, #tpu.memory_space<semaphore_mem>>)
      %dma_wait3A_283 = arith.constant 0 : i32
      %dma_wait3A_284 = tpu.memref_slice %arg13[%add3A_84, %dma_wait3A_283] : memref<204800x64xf32, #tpu.memory_space<hbm>> -> memref<800x64xf32, #tpu.memory_space<hbm>>
      %dma_wait3A_285 = arith.constant 0 : i32
      %dma_wait3A_286 = tpu.memref_slice %arg13[%add3A_84, %dma_wait3A_285] : memref<204800x64xf32, #tpu.memory_space<hbm>> -> memref<800x64xf32, #tpu.memory_space<hbm>>
      tpu.wait_dma2 semaphore(%run_scoped3A : memref<!tpu.dma_semaphore, #tpu.memory_space<semaphore_mem>>) src(%arg17 : memref<800x64xf32, #tpu.memory_space<vmem>>) dst(%dma_wait3A_286 : memref<800x64xf32, #tpu.memory_space<hbm>>)
      tpu.yield
    }) : () -> ()
    %add3A_91 = arith.constant 800 : i32
    %add3A_92 = arith.addi %mul3A_82, %add3A_91 : i32
    "tpu.region"() ({
      %run_scoped3A = tpu.sem_alloc : memref<!tpu.dma_semaphore, #tpu.memory_space<semaphore_mem>>
      %dma_start3A_279 = tpu.memref_slice %arg7[%add3A_92] : memref<204800xi32, #tpu.memory_space<hbm>> -> memref<800xi32, #tpu.memory_space<hbm>>
      %dma_start3A_280 = tpu.memref_slice %arg7[%add3A_92] : memref<204800xi32, #tpu.memory_space<hbm>> -> memref<800xi32, #tpu.memory_space<hbm>>
      tpu.enqueue_dma source(%dma_start3A_280 : memref<800xi32, #tpu.memory_space<hbm>>) target(%arg16 : memref<800xi32, #tpu.memory_space<vmem>>) target_semaphore(%run_scoped3A : memref<!tpu.dma_semaphore, #tpu.memory_space<semaphore_mem>>)
      %dma_wait3A_281 = tpu.memref_slice %arg7[%add3A_92] : memref<204800xi32, #tpu.memory_space<hbm>> -> memref<800xi32, #tpu.memory_space<hbm>>
      %dma_wait3A_282 = tpu.memref_slice %arg7[%add3A_92] : memref<204800xi32, #tpu.memory_space<hbm>> -> memref<800xi32, #tpu.memory_space<hbm>>
      tpu.wait_dma2 semaphore(%run_scoped3A : memref<!tpu.dma_semaphore, #tpu.memory_space<semaphore_mem>>) src(%dma_wait3A_282 : memref<800xi32, #tpu.memory_space<hbm>>) dst(%arg16 : memref<800xi32, #tpu.memory_space<vmem>>)
      tpu.yield
    }) : () -> ()
    %dma_start3A_93 = arith.constant 0 : i32
    %dma_start3A_94 = arith.constant 0 : i32
    %dma_start3A_95 = tpu.memref_slice %arg2[%dma_start3A_93, %dma_start3A_94] : memref<100000x64xf32, #tpu.memory_space<hbm>> -> memref<100000x64xf32, #tpu.memory_space<hbm>>
    tpu.enqueue_indirect_dma source(%dma_start3A_95 : memref<100000x64xf32, #tpu.memory_space<hbm>>) target(%arg17 : memref<800x64xf32, #tpu.memory_space<vmem>>) offsets(%arg16 : memref<800xi32, #tpu.memory_space<vmem>>) semaphore(%arg20 : memref<!tpu.dma_semaphore, #tpu.memory_space<semaphore_mem>>)
    %dma_wait3A_96 = arith.constant 0 : i32
    %dma_wait3A_97 = arith.constant 0 : i32
    %dma_wait3A_98 = tpu.memref_slice %arg2[%dma_wait3A_96, %dma_wait3A_97] : memref<100000x64xf32, #tpu.memory_space<hbm>> -> memref<100000x64xf32, #tpu.memory_space<hbm>>
    tpu.wait_indirect_dma semaphore(%arg20 : memref<!tpu.dma_semaphore, #tpu.memory_space<semaphore_mem>>) src(%dma_wait3A_98 : memref<100000x64xf32, #tpu.memory_space<hbm>>) dst(%arg17 : memref<800x64xf32, #tpu.memory_space<vmem>>)
    "tpu.region"() ({
      %run_scoped3A = tpu.sem_alloc : memref<!tpu.dma_semaphore, #tpu.memory_space<semaphore_mem>>
      %dma_start3A_279 = arith.constant 0 : i32
      %dma_start3A_280 = tpu.memref_slice %arg13[%add3A_92, %dma_start3A_279] : memref<204800x64xf32, #tpu.memory_space<hbm>> -> memref<800x64xf32, #tpu.memory_space<hbm>>
      %dma_start3A_281 = arith.constant 0 : i32
      %dma_start3A_282 = tpu.memref_slice %arg13[%add3A_92, %dma_start3A_281] : memref<204800x64xf32, #tpu.memory_space<hbm>> -> memref<800x64xf32, #tpu.memory_space<hbm>>
      tpu.enqueue_dma source(%arg17 : memref<800x64xf32, #tpu.memory_space<vmem>>) target(%dma_start3A_282 : memref<800x64xf32, #tpu.memory_space<hbm>>) target_semaphore(%run_scoped3A : memref<!tpu.dma_semaphore, #tpu.memory_space<semaphore_mem>>)
      %dma_wait3A_283 = arith.constant 0 : i32
      %dma_wait3A_284 = tpu.memref_slice %arg13[%add3A_92, %dma_wait3A_283] : memref<204800x64xf32, #tpu.memory_space<hbm>> -> memref<800x64xf32, #tpu.memory_space<hbm>>
      %dma_wait3A_285 = arith.constant 0 : i32
      %dma_wait3A_286 = tpu.memref_slice %arg13[%add3A_92, %dma_wait3A_285] : memref<204800x64xf32, #tpu.memory_space<hbm>> -> memref<800x64xf32, #tpu.memory_space<hbm>>
      tpu.wait_dma2 semaphore(%run_scoped3A : memref<!tpu.dma_semaphore, #tpu.memory_space<semaphore_mem>>) src(%arg17 : memref<800x64xf32, #tpu.memory_space<vmem>>) dst(%dma_wait3A_286 : memref<800x64xf32, #tpu.memory_space<hbm>>)
      tpu.yield
    }) : () -> ()
    %add3A_99 = arith.constant 1600 : i32
    %add3A_100 = arith.addi %mul3A_82, %add3A_99 : i32
    "tpu.region"() ({
      %run_scoped3A = tpu.sem_alloc : memref<!tpu.dma_semaphore, #tpu.memory_space<semaphore_mem>>
      %dma_start3A_279 = tpu.memref_slice %arg7[%add3A_100] : memref<204800xi32, #tpu.memory_space<hbm>> -> memref<800xi32, #tpu.memory_space<hbm>>
      %dma_start3A_280 = tpu.memref_slice %arg7[%add3A_100] : memref<204800xi32, #tpu.memory_space<hbm>> -> memref<800xi32, #tpu.memory_space<hbm>>
      tpu.enqueue_dma source(%dma_start3A_280 : memref<800xi32, #tpu.memory_space<hbm>>) target(%arg16 : memref<800xi32, #tpu.memory_space<vmem>>) target_semaphore(%run_scoped3A : memref<!tpu.dma_semaphore, #tpu.memory_space<semaphore_mem>>)
      %dma_wait3A_281 = tpu.memref_slice %arg7[%add3A_100] : memref<204800xi32, #tpu.memory_space<hbm>> -> memref<800xi32, #tpu.memory_space<hbm>>
      %dma_wait3A_282 = tpu.memref_slice %arg7[%add3A_100] : memref<204800xi32, #tpu.memory_space<hbm>> -> memref<800xi32, #tpu.memory_space<hbm>>
      tpu.wait_dma2 semaphore(%run_scoped3A : memref<!tpu.dma_semaphore, #tpu.memory_space<semaphore_mem>>) src(%dma_wait3A_282 : memref<800xi32, #tpu.memory_space<hbm>>) dst(%arg16 : memref<800xi32, #tpu.memory_space<vmem>>)
      tpu.yield
    }) : () -> ()
    %dma_start3A_101 = arith.constant 0 : i32
    %dma_start3A_102 = arith.constant 0 : i32
    %dma_start3A_103 = tpu.memref_slice %arg2[%dma_start3A_101, %dma_start3A_102] : memref<100000x64xf32, #tpu.memory_space<hbm>> -> memref<100000x64xf32, #tpu.memory_space<hbm>>
    tpu.enqueue_indirect_dma source(%dma_start3A_103 : memref<100000x64xf32, #tpu.memory_space<hbm>>) target(%arg17 : memref<800x64xf32, #tpu.memory_space<vmem>>) offsets(%arg16 : memref<800xi32, #tpu.memory_space<vmem>>) semaphore(%arg20 : memref<!tpu.dma_semaphore, #tpu.memory_space<semaphore_mem>>)
    %dma_wait3A_104 = arith.constant 0 : i32
    %dma_wait3A_105 = arith.constant 0 : i32
    %dma_wait3A_106 = tpu.memref_slice %arg2[%dma_wait3A_104, %dma_wait3A_105] : memref<100000x64xf32, #tpu.memory_space<hbm>> -> memref<100000x64xf32, #tpu.memory_space<hbm>>
    tpu.wait_indirect_dma semaphore(%arg20 : memref<!tpu.dma_semaphore, #tpu.memory_space<semaphore_mem>>) src(%dma_wait3A_106 : memref<100000x64xf32, #tpu.memory_space<hbm>>) dst(%arg17 : memref<800x64xf32, #tpu.memory_space<vmem>>)
    "tpu.region"() ({
      %run_scoped3A = tpu.sem_alloc : memref<!tpu.dma_semaphore, #tpu.memory_space<semaphore_mem>>
      %dma_start3A_279 = arith.constant 0 : i32
      %dma_start3A_280 = tpu.memref_slice %arg13[%add3A_100, %dma_start3A_279] : memref<204800x64xf32, #tpu.memory_space<hbm>> -> memref<800x64xf32, #tpu.memory_space<hbm>>
      %dma_start3A_281 = arith.constant 0 : i32
      %dma_start3A_282 = tpu.memref_slice %arg13[%add3A_100, %dma_start3A_281] : memref<204800x64xf32, #tpu.memory_space<hbm>> -> memref<800x64xf32, #tpu.memory_space<hbm>>
      tpu.enqueue_dma source(%arg17 : memref<800x64xf32, #tpu.memory_space<vmem>>) target(%dma_start3A_282 : memref<800x64xf32, #tpu.memory_space<hbm>>) target_semaphore(%run_scoped3A : memref<!tpu.dma_semaphore, #tpu.memory_space<semaphore_mem>>)
      %dma_wait3A_283 = arith.constant 0 : i32
      %dma_wait3A_284 = tpu.memref_slice %arg13[%add3A_100, %dma_wait3A_283] : memref<204800x64xf32, #tpu.memory_space<hbm>> -> memref<800x64xf32, #tpu.memory_space<hbm>>
      %dma_wait3A_285 = arith.constant 0 : i32
      %dma_wait3A_286 = tpu.memref_slice %arg13[%add3A_100, %dma_wait3A_285] : memref<204800x64xf32, #tpu.memory_space<hbm>> -> memref<800x64xf32, #tpu.memory_space<hbm>>
      tpu.wait_dma2 semaphore(%run_scoped3A : memref<!tpu.dma_semaphore, #tpu.memory_space<semaphore_mem>>) src(%arg17 : memref<800x64xf32, #tpu.memory_space<vmem>>) dst(%dma_wait3A_286 : memref<800x64xf32, #tpu.memory_space<hbm>>)
      tpu.yield
    }) : () -> ()
    %add3A_107 = arith.constant 2400 : i32
    %add3A_108 = arith.addi %mul3A_82, %add3A_107 : i32
    "tpu.region"() ({
      %run_scoped3A = tpu.sem_alloc : memref<!tpu.dma_semaphore, #tpu.memory_space<semaphore_mem>>
      %dma_start3A_279 = tpu.memref_slice %arg7[%add3A_108] : memref<204800xi32, #tpu.memory_space<hbm>> -> memref<800xi32, #tpu.memory_space<hbm>>
      %dma_start3A_280 = tpu.memref_slice %arg7[%add3A_108] : memref<204800xi32, #tpu.memory_space<hbm>> -> memref<800xi32, #tpu.memory_space<hbm>>
      tpu.enqueue_dma source(%dma_start3A_280 : memref<800xi32, #tpu.memory_space<hbm>>) target(%arg16 : memref<800xi32, #tpu.memory_space<vmem>>) target_semaphore(%run_scoped3A : memref<!tpu.dma_semaphore, #tpu.memory_space<semaphore_mem>>)
      %dma_wait3A_281 = tpu.memref_slice %arg7[%add3A_108] : memref<204800xi32, #tpu.memory_space<hbm>> -> memref<800xi32, #tpu.memory_space<hbm>>
      %dma_wait3A_282 = tpu.memref_slice %arg7[%add3A_108] : memref<204800xi32, #tpu.memory_space<hbm>> -> memref<800xi32, #tpu.memory_space<hbm>>
      tpu.wait_dma2 semaphore(%run_scoped3A : memref<!tpu.dma_semaphore, #tpu.memory_space<semaphore_mem>>) src(%dma_wait3A_282 : memref<800xi32, #tpu.memory_space<hbm>>) dst(%arg16 : memref<800xi32, #tpu.memory_space<vmem>>)
      tpu.yield
    }) : () -> ()
    %dma_start3A_109 = arith.constant 0 : i32
    %dma_start3A_110 = arith.constant 0 : i32
    %dma_start3A_111 = tpu.memref_slice %arg2[%dma_start3A_109, %dma_start3A_110] : memref<100000x64xf32, #tpu.memory_space<hbm>> -> memref<100000x64xf32, #tpu.memory_space<hbm>>
    tpu.enqueue_indirect_dma source(%dma_start3A_111 : memref<100000x64xf32, #tpu.memory_space<hbm>>) target(%arg17 : memref<800x64xf32, #tpu.memory_space<vmem>>) offsets(%arg16 : memref<800xi32, #tpu.memory_space<vmem>>) semaphore(%arg20 : memref<!tpu.dma_semaphore, #tpu.memory_space<semaphore_mem>>)
    %dma_wait3A_112 = arith.constant 0 : i32
    %dma_wait3A_113 = arith.constant 0 : i32
    %dma_wait3A_114 = tpu.memref_slice %arg2[%dma_wait3A_112, %dma_wait3A_113] : memref<100000x64xf32, #tpu.memory_space<hbm>> -> memref<100000x64xf32, #tpu.memory_space<hbm>>
    tpu.wait_indirect_dma semaphore(%arg20 : memref<!tpu.dma_semaphore, #tpu.memory_space<semaphore_mem>>) src(%dma_wait3A_114 : memref<100000x64xf32, #tpu.memory_space<hbm>>) dst(%arg17 : memref<800x64xf32, #tpu.memory_space<vmem>>)
    "tpu.region"() ({
      %run_scoped3A = tpu.sem_alloc : memref<!tpu.dma_semaphore, #tpu.memory_space<semaphore_mem>>
      %dma_start3A_279 = arith.constant 0 : i32
      %dma_start3A_280 = tpu.memref_slice %arg13[%add3A_108, %dma_start3A_279] : memref<204800x64xf32, #tpu.memory_space<hbm>> -> memref<800x64xf32, #tpu.memory_space<hbm>>
      %dma_start3A_281 = arith.constant 0 : i32
      %dma_start3A_282 = tpu.memref_slice %arg13[%add3A_108, %dma_start3A_281] : memref<204800x64xf32, #tpu.memory_space<hbm>> -> memref<800x64xf32, #tpu.memory_space<hbm>>
      tpu.enqueue_dma source(%arg17 : memref<800x64xf32, #tpu.memory_space<vmem>>) target(%dma_start3A_282 : memref<800x64xf32, #tpu.memory_space<hbm>>) target_semaphore(%run_scoped3A : memref<!tpu.dma_semaphore, #tpu.memory_space<semaphore_mem>>)
      %dma_wait3A_283 = arith.constant 0 : i32
      %dma_wait3A_284 = tpu.memref_slice %arg13[%add3A_108, %dma_wait3A_283] : memref<204800x64xf32, #tpu.memory_space<hbm>> -> memref<800x64xf32, #tpu.memory_space<hbm>>
      %dma_wait3A_285 = arith.constant 0 : i32
      %dma_wait3A_286 = tpu.memref_slice %arg13[%add3A_108, %dma_wait3A_285] : memref<204800x64xf32, #tpu.memory_space<hbm>> -> memref<800x64xf32, #tpu.memory_space<hbm>>
      tpu.wait_dma2 semaphore(%run_scoped3A : memref<!tpu.dma_semaphore, #tpu.memory_space<semaphore_mem>>) src(%arg17 : memref<800x64xf32, #tpu.memory_space<vmem>>) dst(%dma_wait3A_286 : memref<800x64xf32, #tpu.memory_space<hbm>>)
      tpu.yield
    }) : () -> ()
    %add3A_115 = arith.constant 3200 : i32
    %add3A_116 = arith.addi %mul3A_82, %add3A_115 : i32
    "tpu.region"() ({
      %run_scoped3A = tpu.sem_alloc : memref<!tpu.dma_semaphore, #tpu.memory_space<semaphore_mem>>
      %dma_start3A_279 = tpu.memref_slice %arg7[%add3A_116] : memref<204800xi32, #tpu.memory_space<hbm>> -> memref<800xi32, #tpu.memory_space<hbm>>
      %dma_start3A_280 = tpu.memref_slice %arg7[%add3A_116] : memref<204800xi32, #tpu.memory_space<hbm>> -> memref<800xi32, #tpu.memory_space<hbm>>
      tpu.enqueue_dma source(%dma_start3A_280 : memref<800xi32, #tpu.memory_space<hbm>>) target(%arg16 : memref<800xi32, #tpu.memory_space<vmem>>) target_semaphore(%run_scoped3A : memref<!tpu.dma_semaphore, #tpu.memory_space<semaphore_mem>>)
      %dma_wait3A_281 = tpu.memref_slice %arg7[%add3A_116] : memref<204800xi32, #tpu.memory_space<hbm>> -> memref<800xi32, #tpu.memory_space<hbm>>
      %dma_wait3A_282 = tpu.memref_slice %arg7[%add3A_116] : memref<204800xi32, #tpu.memory_space<hbm>> -> memref<800xi32, #tpu.memory_space<hbm>>
      tpu.wait_dma2 semaphore(%run_scoped3A : memref<!tpu.dma_semaphore, #tpu.memory_space<semaphore_mem>>) src(%dma_wait3A_282 : memref<800xi32, #tpu.memory_space<hbm>>) dst(%arg16 : memref<800xi32, #tpu.memory_space<vmem>>)
      tpu.yield
    }) : () -> ()
    %dma_start3A_117 = arith.constant 0 : i32
    %dma_start3A_118 = arith.constant 0 : i32
    %dma_start3A_119 = tpu.memref_slice %arg2[%dma_start3A_117, %dma_start3A_118] : memref<100000x64xf32, #tpu.memory_space<hbm>> -> memref<100000x64xf32, #tpu.memory_space<hbm>>
    tpu.enqueue_indirect_dma source(%dma_start3A_119 : memref<100000x64xf32, #tpu.memory_space<hbm>>) target(%arg17 : memref<800x64xf32, #tpu.memory_space<vmem>>) offsets(%arg16 : memref<800xi32, #tpu.memory_space<vmem>>) semaphore(%arg20 : memref<!tpu.dma_semaphore, #tpu.memory_space<semaphore_mem>>)
    %dma_wait3A_120 = arith.constant 0 : i32
    %dma_wait3A_121 = arith.constant 0 : i32
    %dma_wait3A_122 = tpu.memref_slice %arg2[%dma_wait3A_120, %dma_wait3A_121] : memref<100000x64xf32, #tpu.memory_space<hbm>> -> memref<100000x64xf32, #tpu.memory_space<hbm>>
    tpu.wait_indirect_dma semaphore(%arg20 : memref<!tpu.dma_semaphore, #tpu.memory_space<semaphore_mem>>) src(%dma_wait3A_122 : memref<100000x64xf32, #tpu.memory_space<hbm>>) dst(%arg17 : memref<800x64xf32, #tpu.memory_space<vmem>>)
    "tpu.region"() ({
      %run_scoped3A = tpu.sem_alloc : memref<!tpu.dma_semaphore, #tpu.memory_space<semaphore_mem>>
      %dma_start3A_279 = arith.constant 0 : i32
      %dma_start3A_280 = tpu.memref_slice %arg13[%add3A_116, %dma_start3A_279] : memref<204800x64xf32, #tpu.memory_space<hbm>> -> memref<800x64xf32, #tpu.memory_space<hbm>>
      %dma_start3A_281 = arith.constant 0 : i32
      %dma_start3A_282 = tpu.memref_slice %arg13[%add3A_116, %dma_start3A_281] : memref<204800x64xf32, #tpu.memory_space<hbm>> -> memref<800x64xf32, #tpu.memory_space<hbm>>
      tpu.enqueue_dma source(%arg17 : memref<800x64xf32, #tpu.memory_space<vmem>>) target(%dma_start3A_282 : memref<800x64xf32, #tpu.memory_space<hbm>>) target_semaphore(%run_scoped3A : memref<!tpu.dma_semaphore, #tpu.memory_space<semaphore_mem>>)
      %dma_wait3A_283 = arith.constant 0 : i32
      %dma_wait3A_284 = tpu.memref_slice %arg13[%add3A_116, %dma_wait3A_283] : memref<204800x64xf32, #tpu.memory_space<hbm>> -> memref<800x64xf32, #tpu.memory_space<hbm>>
      %dma_wait3A_285 = arith.constant 0 : i32
      %dma_wait3A_286 = tpu.memref_slice %arg13[%add3A_116, %dma_wait3A_285] : memref<204800x64xf32, #tpu.memory_space<hbm>> -> memref<800x64xf32, #tpu.memory_space<hbm>>
      tpu.wait_dma2 semaphore(%run_scoped3A : memref<!tpu.dma_semaphore, #tpu.memory_space<semaphore_mem>>) src(%arg17 : memref<800x64xf32, #tpu.memory_space<vmem>>) dst(%dma_wait3A_286 : memref<800x64xf32, #tpu.memory_space<hbm>>)
      tpu.yield
    }) : () -> ()
    %add3A_123 = arith.constant 4000 : i32
    %add3A_124 = arith.addi %mul3A_82, %add3A_123 : i32
    "tpu.region"() ({
      %run_scoped3A = tpu.sem_alloc : memref<!tpu.dma_semaphore, #tpu.memory_space<semaphore_mem>>
      %dma_start3A_279 = tpu.memref_slice %arg7[%add3A_124] : memref<204800xi32, #tpu.memory_space<hbm>> -> memref<800xi32, #tpu.memory_space<hbm>>
      %dma_start3A_280 = tpu.memref_slice %arg7[%add3A_124] : memref<204800xi32, #tpu.memory_space<hbm>> -> memref<800xi32, #tpu.memory_space<hbm>>
      tpu.enqueue_dma source(%dma_start3A_280 : memref<800xi32, #tpu.memory_space<hbm>>) target(%arg16 : memref<800xi32, #tpu.memory_space<vmem>>) target_semaphore(%run_scoped3A : memref<!tpu.dma_semaphore, #tpu.memory_space<semaphore_mem>>)
      %dma_wait3A_281 = tpu.memref_slice %arg7[%add3A_124] : memref<204800xi32, #tpu.memory_space<hbm>> -> memref<800xi32, #tpu.memory_space<hbm>>
      %dma_wait3A_282 = tpu.memref_slice %arg7[%add3A_124] : memref<204800xi32, #tpu.memory_space<hbm>> -> memref<800xi32, #tpu.memory_space<hbm>>
      tpu.wait_dma2 semaphore(%run_scoped3A : memref<!tpu.dma_semaphore, #tpu.memory_space<semaphore_mem>>) src(%dma_wait3A_282 : memref<800xi32, #tpu.memory_space<hbm>>) dst(%arg16 : memref<800xi32, #tpu.memory_space<vmem>>)
      tpu.yield
    }) : () -> ()
    %dma_start3A_125 = arith.constant 0 : i32
    %dma_start3A_126 = arith.constant 0 : i32
    %dma_start3A_127 = tpu.memref_slice %arg2[%dma_start3A_125, %dma_start3A_126] : memref<100000x64xf32, #tpu.memory_space<hbm>> -> memref<100000x64xf32, #tpu.memory_space<hbm>>
    tpu.enqueue_indirect_dma source(%dma_start3A_127 : memref<100000x64xf32, #tpu.memory_space<hbm>>) target(%arg17 : memref<800x64xf32, #tpu.memory_space<vmem>>) offsets(%arg16 : memref<800xi32, #tpu.memory_space<vmem>>) semaphore(%arg20 : memref<!tpu.dma_semaphore, #tpu.memory_space<semaphore_mem>>)
    %dma_wait3A_128 = arith.constant 0 : i32
    %dma_wait3A_129 = arith.constant 0 : i32
    %dma_wait3A_130 = tpu.memref_slice %arg2[%dma_wait3A_128, %dma_wait3A_129] : memref<100000x64xf32, #tpu.memory_space<hbm>> -> memref<100000x64xf32, #tpu.memory_space<hbm>>
    tpu.wait_indirect_dma semaphore(%arg20 : memref<!tpu.dma_semaphore, #tpu.memory_space<semaphore_mem>>) src(%dma_wait3A_130 : memref<100000x64xf32, #tpu.memory_space<hbm>>) dst(%arg17 : memref<800x64xf32, #tpu.memory_space<vmem>>)
    "tpu.region"() ({
      %run_scoped3A = tpu.sem_alloc : memref<!tpu.dma_semaphore, #tpu.memory_space<semaphore_mem>>
      %dma_start3A_279 = arith.constant 0 : i32
      %dma_start3A_280 = tpu.memref_slice %arg13[%add3A_124, %dma_start3A_279] : memref<204800x64xf32, #tpu.memory_space<hbm>> -> memref<800x64xf32, #tpu.memory_space<hbm>>
      %dma_start3A_281 = arith.constant 0 : i32
      %dma_start3A_282 = tpu.memref_slice %arg13[%add3A_124, %dma_start3A_281] : memref<204800x64xf32, #tpu.memory_space<hbm>> -> memref<800x64xf32, #tpu.memory_space<hbm>>
      tpu.enqueue_dma source(%arg17 : memref<800x64xf32, #tpu.memory_space<vmem>>) target(%dma_start3A_282 : memref<800x64xf32, #tpu.memory_space<hbm>>) target_semaphore(%run_scoped3A : memref<!tpu.dma_semaphore, #tpu.memory_space<semaphore_mem>>)
      %dma_wait3A_283 = arith.constant 0 : i32
      %dma_wait3A_284 = tpu.memref_slice %arg13[%add3A_124, %dma_wait3A_283] : memref<204800x64xf32, #tpu.memory_space<hbm>> -> memref<800x64xf32, #tpu.memory_space<hbm>>
      %dma_wait3A_285 = arith.constant 0 : i32
      %dma_wait3A_286 = tpu.memref_slice %arg13[%add3A_124, %dma_wait3A_285] : memref<204800x64xf32, #tpu.memory_space<hbm>> -> memref<800x64xf32, #tpu.memory_space<hbm>>
      tpu.wait_dma2 semaphore(%run_scoped3A : memref<!tpu.dma_semaphore, #tpu.memory_space<semaphore_mem>>) src(%arg17 : memref<800x64xf32, #tpu.memory_space<vmem>>) dst(%dma_wait3A_286 : memref<800x64xf32, #tpu.memory_space<hbm>>)
      tpu.yield
    }) : () -> ()
    %add3A_131 = arith.constant 4800 : i32
    %add3A_132 = arith.addi %mul3A_82, %add3A_131 : i32
    "tpu.region"() ({
      %run_scoped3A = tpu.sem_alloc : memref<!tpu.dma_semaphore, #tpu.memory_space<semaphore_mem>>
      %dma_start3A_279 = tpu.memref_slice %arg7[%add3A_132] : memref<204800xi32, #tpu.memory_space<hbm>> -> memref<800xi32, #tpu.memory_space<hbm>>
      %dma_start3A_280 = tpu.memref_slice %arg7[%add3A_132] : memref<204800xi32, #tpu.memory_space<hbm>> -> memref<800xi32, #tpu.memory_space<hbm>>
      tpu.enqueue_dma source(%dma_start3A_280 : memref<800xi32, #tpu.memory_space<hbm>>) target(%arg16 : memref<800xi32, #tpu.memory_space<vmem>>) target_semaphore(%run_scoped3A : memref<!tpu.dma_semaphore, #tpu.memory_space<semaphore_mem>>)
      %dma_wait3A_281 = tpu.memref_slice %arg7[%add3A_132] : memref<204800xi32, #tpu.memory_space<hbm>> -> memref<800xi32, #tpu.memory_space<hbm>>
      %dma_wait3A_282 = tpu.memref_slice %arg7[%add3A_132] : memref<204800xi32, #tpu.memory_space<hbm>> -> memref<800xi32, #tpu.memory_space<hbm>>
      tpu.wait_dma2 semaphore(%run_scoped3A : memref<!tpu.dma_semaphore, #tpu.memory_space<semaphore_mem>>) src(%dma_wait3A_282 : memref<800xi32, #tpu.memory_space<hbm>>) dst(%arg16 : memref<800xi32, #tpu.memory_space<vmem>>)
      tpu.yield
    }) : () -> ()
    %dma_start3A_133 = arith.constant 0 : i32
    %dma_start3A_134 = arith.constant 0 : i32
    %dma_start3A_135 = tpu.memref_slice %arg2[%dma_start3A_133, %dma_start3A_134] : memref<100000x64xf32, #tpu.memory_space<hbm>> -> memref<100000x64xf32, #tpu.memory_space<hbm>>
    tpu.enqueue_indirect_dma source(%dma_start3A_135 : memref<100000x64xf32, #tpu.memory_space<hbm>>) target(%arg17 : memref<800x64xf32, #tpu.memory_space<vmem>>) offsets(%arg16 : memref<800xi32, #tpu.memory_space<vmem>>) semaphore(%arg20 : memref<!tpu.dma_semaphore, #tpu.memory_space<semaphore_mem>>)
    %dma_wait3A_136 = arith.constant 0 : i32
    %dma_wait3A_137 = arith.constant 0 : i32
    %dma_wait3A_138 = tpu.memref_slice %arg2[%dma_wait3A_136, %dma_wait3A_137] : memref<100000x64xf32, #tpu.memory_space<hbm>> -> memref<100000x64xf32, #tpu.memory_space<hbm>>
    tpu.wait_indirect_dma semaphore(%arg20 : memref<!tpu.dma_semaphore, #tpu.memory_space<semaphore_mem>>) src(%dma_wait3A_138 : memref<100000x64xf32, #tpu.memory_space<hbm>>) dst(%arg17 : memref<800x64xf32, #tpu.memory_space<vmem>>)
    "tpu.region"() ({
      %run_scoped3A = tpu.sem_alloc : memref<!tpu.dma_semaphore, #tpu.memory_space<semaphore_mem>>
      %dma_start3A_279 = arith.constant 0 : i32
      %dma_start3A_280 = tpu.memref_slice %arg13[%add3A_132, %dma_start3A_279] : memref<204800x64xf32, #tpu.memory_space<hbm>> -> memref<800x64xf32, #tpu.memory_space<hbm>>
      %dma_start3A_281 = arith.constant 0 : i32
      %dma_start3A_282 = tpu.memref_slice %arg13[%add3A_132, %dma_start3A_281] : memref<204800x64xf32, #tpu.memory_space<hbm>> -> memref<800x64xf32, #tpu.memory_space<hbm>>
      tpu.enqueue_dma source(%arg17 : memref<800x64xf32, #tpu.memory_space<vmem>>) target(%dma_start3A_282 : memref<800x64xf32, #tpu.memory_space<hbm>>) target_semaphore(%run_scoped3A : memref<!tpu.dma_semaphore, #tpu.memory_space<semaphore_mem>>)
      %dma_wait3A_283 = arith.constant 0 : i32
      %dma_wait3A_284 = tpu.memref_slice %arg13[%add3A_132, %dma_wait3A_283] : memref<204800x64xf32, #tpu.memory_space<hbm>> -> memref<800x64xf32, #tpu.memory_space<hbm>>
      %dma_wait3A_285 = arith.constant 0 : i32
      %dma_wait3A_286 = tpu.memref_slice %arg13[%add3A_132, %dma_wait3A_285] : memref<204800x64xf32, #tpu.memory_space<hbm>> -> memref<800x64xf32, #tpu.memory_space<hbm>>
      tpu.wait_dma2 semaphore(%run_scoped3A : memref<!tpu.dma_semaphore, #tpu.memory_space<semaphore_mem>>) src(%arg17 : memref<800x64xf32, #tpu.memory_space<vmem>>) dst(%dma_wait3A_286 : memref<800x64xf32, #tpu.memory_space<hbm>>)
      tpu.yield
    }) : () -> ()
    %add3A_139 = arith.constant 5600 : i32
    %add3A_140 = arith.addi %mul3A_82, %add3A_139 : i32
    "tpu.region"() ({
      %run_scoped3A = tpu.sem_alloc : memref<!tpu.dma_semaphore, #tpu.memory_space<semaphore_mem>>
      %dma_start3A_279 = tpu.memref_slice %arg7[%add3A_140] : memref<204800xi32, #tpu.memory_space<hbm>> -> memref<800xi32, #tpu.memory_space<hbm>>
      %dma_start3A_280 = tpu.memref_slice %arg7[%add3A_140] : memref<204800xi32, #tpu.memory_space<hbm>> -> memref<800xi32, #tpu.memory_space<hbm>>
      tpu.enqueue_dma source(%dma_start3A_280 : memref<800xi32, #tpu.memory_space<hbm>>) target(%arg16 : memref<800xi32, #tpu.memory_space<vmem>>) target_semaphore(%run_scoped3A : memref<!tpu.dma_semaphore, #tpu.memory_space<semaphore_mem>>)
      %dma_wait3A_281 = tpu.memref_slice %arg7[%add3A_140] : memref<204800xi32, #tpu.memory_space<hbm>> -> memref<800xi32, #tpu.memory_space<hbm>>
      %dma_wait3A_282 = tpu.memref_slice %arg7[%add3A_140] : memref<204800xi32, #tpu.memory_space<hbm>> -> memref<800xi32, #tpu.memory_space<hbm>>
      tpu.wait_dma2 semaphore(%run_scoped3A : memref<!tpu.dma_semaphore, #tpu.memory_space<semaphore_mem>>) src(%dma_wait3A_282 : memref<800xi32, #tpu.memory_space<hbm>>) dst(%arg16 : memref<800xi32, #tpu.memory_space<vmem>>)
      tpu.yield
    }) : () -> ()
    %dma_start3A_141 = arith.constant 0 : i32
    %dma_start3A_142 = arith.constant 0 : i32
    %dma_start3A_143 = tpu.memref_slice %arg2[%dma_start3A_141, %dma_start3A_142] : memref<100000x64xf32, #tpu.memory_space<hbm>> -> memref<100000x64xf32, #tpu.memory_space<hbm>>
    tpu.enqueue_indirect_dma source(%dma_start3A_143 : memref<100000x64xf32, #tpu.memory_space<hbm>>) target(%arg17 : memref<800x64xf32, #tpu.memory_space<vmem>>) offsets(%arg16 : memref<800xi32, #tpu.memory_space<vmem>>) semaphore(%arg20 : memref<!tpu.dma_semaphore, #tpu.memory_space<semaphore_mem>>)
    %dma_wait3A_144 = arith.constant 0 : i32
    %dma_wait3A_145 = arith.constant 0 : i32
    %dma_wait3A_146 = tpu.memref_slice %arg2[%dma_wait3A_144, %dma_wait3A_145] : memref<100000x64xf32, #tpu.memory_space<hbm>> -> memref<100000x64xf32, #tpu.memory_space<hbm>>
    tpu.wait_indirect_dma semaphore(%arg20 : memref<!tpu.dma_semaphore, #tpu.memory_space<semaphore_mem>>) src(%dma_wait3A_146 : memref<100000x64xf32, #tpu.memory_space<hbm>>) dst(%arg17 : memref<800x64xf32, #tpu.memory_space<vmem>>)
    "tpu.region"() ({
      %run_scoped3A = tpu.sem_alloc : memref<!tpu.dma_semaphore, #tpu.memory_space<semaphore_mem>>
      %dma_start3A_279 = arith.constant 0 : i32
      %dma_start3A_280 = tpu.memref_slice %arg13[%add3A_140, %dma_start3A_279] : memref<204800x64xf32, #tpu.memory_space<hbm>> -> memref<800x64xf32, #tpu.memory_space<hbm>>
      %dma_start3A_281 = arith.constant 0 : i32
      %dma_start3A_282 = tpu.memref_slice %arg13[%add3A_140, %dma_start3A_281] : memref<204800x64xf32, #tpu.memory_space<hbm>> -> memref<800x64xf32, #tpu.memory_space<hbm>>
      tpu.enqueue_dma source(%arg17 : memref<800x64xf32, #tpu.memory_space<vmem>>) target(%dma_start3A_282 : memref<800x64xf32, #tpu.memory_space<hbm>>) target_semaphore(%run_scoped3A : memref<!tpu.dma_semaphore, #tpu.memory_space<semaphore_mem>>)
      %dma_wait3A_283 = arith.constant 0 : i32
      %dma_wait3A_284 = tpu.memref_slice %arg13[%add3A_140, %dma_wait3A_283] : memref<204800x64xf32, #tpu.memory_space<hbm>> -> memref<800x64xf32, #tpu.memory_space<hbm>>
      %dma_wait3A_285 = arith.constant 0 : i32
      %dma_wait3A_286 = tpu.memref_slice %arg13[%add3A_140, %dma_wait3A_285] : memref<204800x64xf32, #tpu.memory_space<hbm>> -> memref<800x64xf32, #tpu.memory_space<hbm>>
      tpu.wait_dma2 semaphore(%run_scoped3A : memref<!tpu.dma_semaphore, #tpu.memory_space<semaphore_mem>>) src(%arg17 : memref<800x64xf32, #tpu.memory_space<vmem>>) dst(%dma_wait3A_286 : memref<800x64xf32, #tpu.memory_space<hbm>>)
      tpu.yield
    }) : () -> ()
    %mul3A_147 = arith.constant 6400 : i32
    %mul3A_148 = arith.muli %add3A, %mul3A_147 : i32
    %add3A_149 = arith.constant 0 : i32
    %add3A_150 = arith.addi %mul3A_148, %add3A_149 : i32
    "tpu.region"() ({
      %run_scoped3A = tpu.sem_alloc : memref<!tpu.dma_semaphore, #tpu.memory_space<semaphore_mem>>
      %dma_start3A_279 = tpu.memref_slice %arg8[%add3A_150] : memref<204800xi32, #tpu.memory_space<hbm>> -> memref<800xi32, #tpu.memory_space<hbm>>
      %dma_start3A_280 = tpu.memref_slice %arg8[%add3A_150] : memref<204800xi32, #tpu.memory_space<hbm>> -> memref<800xi32, #tpu.memory_space<hbm>>
      tpu.enqueue_dma source(%dma_start3A_280 : memref<800xi32, #tpu.memory_space<hbm>>) target(%arg16 : memref<800xi32, #tpu.memory_space<vmem>>) target_semaphore(%run_scoped3A : memref<!tpu.dma_semaphore, #tpu.memory_space<semaphore_mem>>)
      %dma_wait3A_281 = tpu.memref_slice %arg8[%add3A_150] : memref<204800xi32, #tpu.memory_space<hbm>> -> memref<800xi32, #tpu.memory_space<hbm>>
      %dma_wait3A_282 = tpu.memref_slice %arg8[%add3A_150] : memref<204800xi32, #tpu.memory_space<hbm>> -> memref<800xi32, #tpu.memory_space<hbm>>
      tpu.wait_dma2 semaphore(%run_scoped3A : memref<!tpu.dma_semaphore, #tpu.memory_space<semaphore_mem>>) src(%dma_wait3A_282 : memref<800xi32, #tpu.memory_space<hbm>>) dst(%arg16 : memref<800xi32, #tpu.memory_space<vmem>>)
      tpu.yield
    }) : () -> ()
    %dma_start3A_151 = arith.constant 0 : i32
    %dma_start3A_152 = arith.constant 0 : i32
    %dma_start3A_153 = tpu.memref_slice %arg2[%dma_start3A_151, %dma_start3A_152] : memref<100000x64xf32, #tpu.memory_space<hbm>> -> memref<100000x64xf32, #tpu.memory_space<hbm>>
    tpu.enqueue_indirect_dma source(%dma_start3A_153 : memref<100000x64xf32, #tpu.memory_space<hbm>>) target(%arg17 : memref<800x64xf32, #tpu.memory_space<vmem>>) offsets(%arg16 : memref<800xi32, #tpu.memory_space<vmem>>) semaphore(%arg20 : memref<!tpu.dma_semaphore, #tpu.memory_space<semaphore_mem>>)
    %dma_wait3A_154 = arith.constant 0 : i32
    %dma_wait3A_155 = arith.constant 0 : i32
    %dma_wait3A_156 = tpu.memref_slice %arg2[%dma_wait3A_154, %dma_wait3A_155] : memref<100000x64xf32, #tpu.memory_space<hbm>> -> memref<100000x64xf32, #tpu.memory_space<hbm>>
    tpu.wait_indirect_dma semaphore(%arg20 : memref<!tpu.dma_semaphore, #tpu.memory_space<semaphore_mem>>) src(%dma_wait3A_156 : memref<100000x64xf32, #tpu.memory_space<hbm>>) dst(%arg17 : memref<800x64xf32, #tpu.memory_space<vmem>>)
    "tpu.region"() ({
      %run_scoped3A = tpu.sem_alloc : memref<!tpu.dma_semaphore, #tpu.memory_space<semaphore_mem>>
      %dma_start3A_279 = arith.constant 0 : i32
      %dma_start3A_280 = tpu.memref_slice %arg14[%add3A_150, %dma_start3A_279] : memref<204800x64xf32, #tpu.memory_space<hbm>> -> memref<800x64xf32, #tpu.memory_space<hbm>>
      %dma_start3A_281 = arith.constant 0 : i32
      %dma_start3A_282 = tpu.memref_slice %arg14[%add3A_150, %dma_start3A_281] : memref<204800x64xf32, #tpu.memory_space<hbm>> -> memref<800x64xf32, #tpu.memory_space<hbm>>
      tpu.enqueue_dma source(%arg17 : memref<800x64xf32, #tpu.memory_space<vmem>>) target(%dma_start3A_282 : memref<800x64xf32, #tpu.memory_space<hbm>>) target_semaphore(%run_scoped3A : memref<!tpu.dma_semaphore, #tpu.memory_space<semaphore_mem>>)
      %dma_wait3A_283 = arith.constant 0 : i32
      %dma_wait3A_284 = tpu.memref_slice %arg14[%add3A_150, %dma_wait3A_283] : memref<204800x64xf32, #tpu.memory_space<hbm>> -> memref<800x64xf32, #tpu.memory_space<hbm>>
      %dma_wait3A_285 = arith.constant 0 : i32
      %dma_wait3A_286 = tpu.memref_slice %arg14[%add3A_150, %dma_wait3A_285] : memref<204800x64xf32, #tpu.memory_space<hbm>> -> memref<800x64xf32, #tpu.memory_space<hbm>>
      tpu.wait_dma2 semaphore(%run_scoped3A : memref<!tpu.dma_semaphore, #tpu.memory_space<semaphore_mem>>) src(%arg17 : memref<800x64xf32, #tpu.memory_space<vmem>>) dst(%dma_wait3A_286 : memref<800x64xf32, #tpu.memory_space<hbm>>)
      tpu.yield
    }) : () -> ()
    %add3A_157 = arith.constant 800 : i32
    %add3A_158 = arith.addi %mul3A_148, %add3A_157 : i32
    "tpu.region"() ({
      %run_scoped3A = tpu.sem_alloc : memref<!tpu.dma_semaphore, #tpu.memory_space<semaphore_mem>>
      %dma_start3A_279 = tpu.memref_slice %arg8[%add3A_158] : memref<204800xi32, #tpu.memory_space<hbm>> -> memref<800xi32, #tpu.memory_space<hbm>>
      %dma_start3A_280 = tpu.memref_slice %arg8[%add3A_158] : memref<204800xi32, #tpu.memory_space<hbm>> -> memref<800xi32, #tpu.memory_space<hbm>>
      tpu.enqueue_dma source(%dma_start3A_280 : memref<800xi32, #tpu.memory_space<hbm>>) target(%arg16 : memref<800xi32, #tpu.memory_space<vmem>>) target_semaphore(%run_scoped3A : memref<!tpu.dma_semaphore, #tpu.memory_space<semaphore_mem>>)
      %dma_wait3A_281 = tpu.memref_slice %arg8[%add3A_158] : memref<204800xi32, #tpu.memory_space<hbm>> -> memref<800xi32, #tpu.memory_space<hbm>>
      %dma_wait3A_282 = tpu.memref_slice %arg8[%add3A_158] : memref<204800xi32, #tpu.memory_space<hbm>> -> memref<800xi32, #tpu.memory_space<hbm>>
      tpu.wait_dma2 semaphore(%run_scoped3A : memref<!tpu.dma_semaphore, #tpu.memory_space<semaphore_mem>>) src(%dma_wait3A_282 : memref<800xi32, #tpu.memory_space<hbm>>) dst(%arg16 : memref<800xi32, #tpu.memory_space<vmem>>)
      tpu.yield
    }) : () -> ()
    %dma_start3A_159 = arith.constant 0 : i32
    %dma_start3A_160 = arith.constant 0 : i32
    %dma_start3A_161 = tpu.memref_slice %arg2[%dma_start3A_159, %dma_start3A_160] : memref<100000x64xf32, #tpu.memory_space<hbm>> -> memref<100000x64xf32, #tpu.memory_space<hbm>>
    tpu.enqueue_indirect_dma source(%dma_start3A_161 : memref<100000x64xf32, #tpu.memory_space<hbm>>) target(%arg17 : memref<800x64xf32, #tpu.memory_space<vmem>>) offsets(%arg16 : memref<800xi32, #tpu.memory_space<vmem>>) semaphore(%arg20 : memref<!tpu.dma_semaphore, #tpu.memory_space<semaphore_mem>>)
    %dma_wait3A_162 = arith.constant 0 : i32
    %dma_wait3A_163 = arith.constant 0 : i32
    %dma_wait3A_164 = tpu.memref_slice %arg2[%dma_wait3A_162, %dma_wait3A_163] : memref<100000x64xf32, #tpu.memory_space<hbm>> -> memref<100000x64xf32, #tpu.memory_space<hbm>>
    tpu.wait_indirect_dma semaphore(%arg20 : memref<!tpu.dma_semaphore, #tpu.memory_space<semaphore_mem>>) src(%dma_wait3A_164 : memref<100000x64xf32, #tpu.memory_space<hbm>>) dst(%arg17 : memref<800x64xf32, #tpu.memory_space<vmem>>)
    "tpu.region"() ({
      %run_scoped3A = tpu.sem_alloc : memref<!tpu.dma_semaphore, #tpu.memory_space<semaphore_mem>>
      %dma_start3A_279 = arith.constant 0 : i32
      %dma_start3A_280 = tpu.memref_slice %arg14[%add3A_158, %dma_start3A_279] : memref<204800x64xf32, #tpu.memory_space<hbm>> -> memref<800x64xf32, #tpu.memory_space<hbm>>
      %dma_start3A_281 = arith.constant 0 : i32
      %dma_start3A_282 = tpu.memref_slice %arg14[%add3A_158, %dma_start3A_281] : memref<204800x64xf32, #tpu.memory_space<hbm>> -> memref<800x64xf32, #tpu.memory_space<hbm>>
      tpu.enqueue_dma source(%arg17 : memref<800x64xf32, #tpu.memory_space<vmem>>) target(%dma_start3A_282 : memref<800x64xf32, #tpu.memory_space<hbm>>) target_semaphore(%run_scoped3A : memref<!tpu.dma_semaphore, #tpu.memory_space<semaphore_mem>>)
      %dma_wait3A_283 = arith.constant 0 : i32
      %dma_wait3A_284 = tpu.memref_slice %arg14[%add3A_158, %dma_wait3A_283] : memref<204800x64xf32, #tpu.memory_space<hbm>> -> memref<800x64xf32, #tpu.memory_space<hbm>>
      %dma_wait3A_285 = arith.constant 0 : i32
      %dma_wait3A_286 = tpu.memref_slice %arg14[%add3A_158, %dma_wait3A_285] : memref<204800x64xf32, #tpu.memory_space<hbm>> -> memref<800x64xf32, #tpu.memory_space<hbm>>
      tpu.wait_dma2 semaphore(%run_scoped3A : memref<!tpu.dma_semaphore, #tpu.memory_space<semaphore_mem>>) src(%arg17 : memref<800x64xf32, #tpu.memory_space<vmem>>) dst(%dma_wait3A_286 : memref<800x64xf32, #tpu.memory_space<hbm>>)
      tpu.yield
    }) : () -> ()
    %add3A_165 = arith.constant 1600 : i32
    %add3A_166 = arith.addi %mul3A_148, %add3A_165 : i32
    "tpu.region"() ({
      %run_scoped3A = tpu.sem_alloc : memref<!tpu.dma_semaphore, #tpu.memory_space<semaphore_mem>>
      %dma_start3A_279 = tpu.memref_slice %arg8[%add3A_166] : memref<204800xi32, #tpu.memory_space<hbm>> -> memref<800xi32, #tpu.memory_space<hbm>>
      %dma_start3A_280 = tpu.memref_slice %arg8[%add3A_166] : memref<204800xi32, #tpu.memory_space<hbm>> -> memref<800xi32, #tpu.memory_space<hbm>>
      tpu.enqueue_dma source(%dma_start3A_280 : memref<800xi32, #tpu.memory_space<hbm>>) target(%arg16 : memref<800xi32, #tpu.memory_space<vmem>>) target_semaphore(%run_scoped3A : memref<!tpu.dma_semaphore, #tpu.memory_space<semaphore_mem>>)
      %dma_wait3A_281 = tpu.memref_slice %arg8[%add3A_166] : memref<204800xi32, #tpu.memory_space<hbm>> -> memref<800xi32, #tpu.memory_space<hbm>>
      %dma_wait3A_282 = tpu.memref_slice %arg8[%add3A_166] : memref<204800xi32, #tpu.memory_space<hbm>> -> memref<800xi32, #tpu.memory_space<hbm>>
      tpu.wait_dma2 semaphore(%run_scoped3A : memref<!tpu.dma_semaphore, #tpu.memory_space<semaphore_mem>>) src(%dma_wait3A_282 : memref<800xi32, #tpu.memory_space<hbm>>) dst(%arg16 : memref<800xi32, #tpu.memory_space<vmem>>)
      tpu.yield
    }) : () -> ()
    %dma_start3A_167 = arith.constant 0 : i32
    %dma_start3A_168 = arith.constant 0 : i32
    %dma_start3A_169 = tpu.memref_slice %arg2[%dma_start3A_167, %dma_start3A_168] : memref<100000x64xf32, #tpu.memory_space<hbm>> -> memref<100000x64xf32, #tpu.memory_space<hbm>>
    tpu.enqueue_indirect_dma source(%dma_start3A_169 : memref<100000x64xf32, #tpu.memory_space<hbm>>) target(%arg17 : memref<800x64xf32, #tpu.memory_space<vmem>>) offsets(%arg16 : memref<800xi32, #tpu.memory_space<vmem>>) semaphore(%arg20 : memref<!tpu.dma_semaphore, #tpu.memory_space<semaphore_mem>>)
    %dma_wait3A_170 = arith.constant 0 : i32
    %dma_wait3A_171 = arith.constant 0 : i32
    %dma_wait3A_172 = tpu.memref_slice %arg2[%dma_wait3A_170, %dma_wait3A_171] : memref<100000x64xf32, #tpu.memory_space<hbm>> -> memref<100000x64xf32, #tpu.memory_space<hbm>>
    tpu.wait_indirect_dma semaphore(%arg20 : memref<!tpu.dma_semaphore, #tpu.memory_space<semaphore_mem>>) src(%dma_wait3A_172 : memref<100000x64xf32, #tpu.memory_space<hbm>>) dst(%arg17 : memref<800x64xf32, #tpu.memory_space<vmem>>)
    "tpu.region"() ({
      %run_scoped3A = tpu.sem_alloc : memref<!tpu.dma_semaphore, #tpu.memory_space<semaphore_mem>>
      %dma_start3A_279 = arith.constant 0 : i32
      %dma_start3A_280 = tpu.memref_slice %arg14[%add3A_166, %dma_start3A_279] : memref<204800x64xf32, #tpu.memory_space<hbm>> -> memref<800x64xf32, #tpu.memory_space<hbm>>
      %dma_start3A_281 = arith.constant 0 : i32
      %dma_start3A_282 = tpu.memref_slice %arg14[%add3A_166, %dma_start3A_281] : memref<204800x64xf32, #tpu.memory_space<hbm>> -> memref<800x64xf32, #tpu.memory_space<hbm>>
      tpu.enqueue_dma source(%arg17 : memref<800x64xf32, #tpu.memory_space<vmem>>) target(%dma_start3A_282 : memref<800x64xf32, #tpu.memory_space<hbm>>) target_semaphore(%run_scoped3A : memref<!tpu.dma_semaphore, #tpu.memory_space<semaphore_mem>>)
      %dma_wait3A_283 = arith.constant 0 : i32
      %dma_wait3A_284 = tpu.memref_slice %arg14[%add3A_166, %dma_wait3A_283] : memref<204800x64xf32, #tpu.memory_space<hbm>> -> memref<800x64xf32, #tpu.memory_space<hbm>>
      %dma_wait3A_285 = arith.constant 0 : i32
      %dma_wait3A_286 = tpu.memref_slice %arg14[%add3A_166, %dma_wait3A_285] : memref<204800x64xf32, #tpu.memory_space<hbm>> -> memref<800x64xf32, #tpu.memory_space<hbm>>
      tpu.wait_dma2 semaphore(%run_scoped3A : memref<!tpu.dma_semaphore, #tpu.memory_space<semaphore_mem>>) src(%arg17 : memref<800x64xf32, #tpu.memory_space<vmem>>) dst(%dma_wait3A_286 : memref<800x64xf32, #tpu.memory_space<hbm>>)
      tpu.yield
    }) : () -> ()
    %add3A_173 = arith.constant 2400 : i32
    %add3A_174 = arith.addi %mul3A_148, %add3A_173 : i32
    "tpu.region"() ({
      %run_scoped3A = tpu.sem_alloc : memref<!tpu.dma_semaphore, #tpu.memory_space<semaphore_mem>>
      %dma_start3A_279 = tpu.memref_slice %arg8[%add3A_174] : memref<204800xi32, #tpu.memory_space<hbm>> -> memref<800xi32, #tpu.memory_space<hbm>>
      %dma_start3A_280 = tpu.memref_slice %arg8[%add3A_174] : memref<204800xi32, #tpu.memory_space<hbm>> -> memref<800xi32, #tpu.memory_space<hbm>>
      tpu.enqueue_dma source(%dma_start3A_280 : memref<800xi32, #tpu.memory_space<hbm>>) target(%arg16 : memref<800xi32, #tpu.memory_space<vmem>>) target_semaphore(%run_scoped3A : memref<!tpu.dma_semaphore, #tpu.memory_space<semaphore_mem>>)
      %dma_wait3A_281 = tpu.memref_slice %arg8[%add3A_174] : memref<204800xi32, #tpu.memory_space<hbm>> -> memref<800xi32, #tpu.memory_space<hbm>>
      %dma_wait3A_282 = tpu.memref_slice %arg8[%add3A_174] : memref<204800xi32, #tpu.memory_space<hbm>> -> memref<800xi32, #tpu.memory_space<hbm>>
      tpu.wait_dma2 semaphore(%run_scoped3A : memref<!tpu.dma_semaphore, #tpu.memory_space<semaphore_mem>>) src(%dma_wait3A_282 : memref<800xi32, #tpu.memory_space<hbm>>) dst(%arg16 : memref<800xi32, #tpu.memory_space<vmem>>)
      tpu.yield
    }) : () -> ()
    %dma_start3A_175 = arith.constant 0 : i32
    %dma_start3A_176 = arith.constant 0 : i32
    %dma_start3A_177 = tpu.memref_slice %arg2[%dma_start3A_175, %dma_start3A_176] : memref<100000x64xf32, #tpu.memory_space<hbm>> -> memref<100000x64xf32, #tpu.memory_space<hbm>>
    tpu.enqueue_indirect_dma source(%dma_start3A_177 : memref<100000x64xf32, #tpu.memory_space<hbm>>) target(%arg17 : memref<800x64xf32, #tpu.memory_space<vmem>>) offsets(%arg16 : memref<800xi32, #tpu.memory_space<vmem>>) semaphore(%arg20 : memref<!tpu.dma_semaphore, #tpu.memory_space<semaphore_mem>>)
    %dma_wait3A_178 = arith.constant 0 : i32
    %dma_wait3A_179 = arith.constant 0 : i32
    %dma_wait3A_180 = tpu.memref_slice %arg2[%dma_wait3A_178, %dma_wait3A_179] : memref<100000x64xf32, #tpu.memory_space<hbm>> -> memref<100000x64xf32, #tpu.memory_space<hbm>>
    tpu.wait_indirect_dma semaphore(%arg20 : memref<!tpu.dma_semaphore, #tpu.memory_space<semaphore_mem>>) src(%dma_wait3A_180 : memref<100000x64xf32, #tpu.memory_space<hbm>>) dst(%arg17 : memref<800x64xf32, #tpu.memory_space<vmem>>)
    "tpu.region"() ({
      %run_scoped3A = tpu.sem_alloc : memref<!tpu.dma_semaphore, #tpu.memory_space<semaphore_mem>>
      %dma_start3A_279 = arith.constant 0 : i32
      %dma_start3A_280 = tpu.memref_slice %arg14[%add3A_174, %dma_start3A_279] : memref<204800x64xf32, #tpu.memory_space<hbm>> -> memref<800x64xf32, #tpu.memory_space<hbm>>
      %dma_start3A_281 = arith.constant 0 : i32
      %dma_start3A_282 = tpu.memref_slice %arg14[%add3A_174, %dma_start3A_281] : memref<204800x64xf32, #tpu.memory_space<hbm>> -> memref<800x64xf32, #tpu.memory_space<hbm>>
      tpu.enqueue_dma source(%arg17 : memref<800x64xf32, #tpu.memory_space<vmem>>) target(%dma_start3A_282 : memref<800x64xf32, #tpu.memory_space<hbm>>) target_semaphore(%run_scoped3A : memref<!tpu.dma_semaphore, #tpu.memory_space<semaphore_mem>>)
      %dma_wait3A_283 = arith.constant 0 : i32
      %dma_wait3A_284 = tpu.memref_slice %arg14[%add3A_174, %dma_wait3A_283] : memref<204800x64xf32, #tpu.memory_space<hbm>> -> memref<800x64xf32, #tpu.memory_space<hbm>>
      %dma_wait3A_285 = arith.constant 0 : i32
      %dma_wait3A_286 = tpu.memref_slice %arg14[%add3A_174, %dma_wait3A_285] : memref<204800x64xf32, #tpu.memory_space<hbm>> -> memref<800x64xf32, #tpu.memory_space<hbm>>
      tpu.wait_dma2 semaphore(%run_scoped3A : memref<!tpu.dma_semaphore, #tpu.memory_space<semaphore_mem>>) src(%arg17 : memref<800x64xf32, #tpu.memory_space<vmem>>) dst(%dma_wait3A_286 : memref<800x64xf32, #tpu.memory_space<hbm>>)
      tpu.yield
    }) : () -> ()
    %add3A_181 = arith.constant 3200 : i32
    %add3A_182 = arith.addi %mul3A_148, %add3A_181 : i32
    "tpu.region"() ({
      %run_scoped3A = tpu.sem_alloc : memref<!tpu.dma_semaphore, #tpu.memory_space<semaphore_mem>>
      %dma_start3A_279 = tpu.memref_slice %arg8[%add3A_182] : memref<204800xi32, #tpu.memory_space<hbm>> -> memref<800xi32, #tpu.memory_space<hbm>>
      %dma_start3A_280 = tpu.memref_slice %arg8[%add3A_182] : memref<204800xi32, #tpu.memory_space<hbm>> -> memref<800xi32, #tpu.memory_space<hbm>>
      tpu.enqueue_dma source(%dma_start3A_280 : memref<800xi32, #tpu.memory_space<hbm>>) target(%arg16 : memref<800xi32, #tpu.memory_space<vmem>>) target_semaphore(%run_scoped3A : memref<!tpu.dma_semaphore, #tpu.memory_space<semaphore_mem>>)
      %dma_wait3A_281 = tpu.memref_slice %arg8[%add3A_182] : memref<204800xi32, #tpu.memory_space<hbm>> -> memref<800xi32, #tpu.memory_space<hbm>>
      %dma_wait3A_282 = tpu.memref_slice %arg8[%add3A_182] : memref<204800xi32, #tpu.memory_space<hbm>> -> memref<800xi32, #tpu.memory_space<hbm>>
      tpu.wait_dma2 semaphore(%run_scoped3A : memref<!tpu.dma_semaphore, #tpu.memory_space<semaphore_mem>>) src(%dma_wait3A_282 : memref<800xi32, #tpu.memory_space<hbm>>) dst(%arg16 : memref<800xi32, #tpu.memory_space<vmem>>)
      tpu.yield
    }) : () -> ()
    %dma_start3A_183 = arith.constant 0 : i32
    %dma_start3A_184 = arith.constant 0 : i32
    %dma_start3A_185 = tpu.memref_slice %arg2[%dma_start3A_183, %dma_start3A_184] : memref<100000x64xf32, #tpu.memory_space<hbm>> -> memref<100000x64xf32, #tpu.memory_space<hbm>>
    tpu.enqueue_indirect_dma source(%dma_start3A_185 : memref<100000x64xf32, #tpu.memory_space<hbm>>) target(%arg17 : memref<800x64xf32, #tpu.memory_space<vmem>>) offsets(%arg16 : memref<800xi32, #tpu.memory_space<vmem>>) semaphore(%arg20 : memref<!tpu.dma_semaphore, #tpu.memory_space<semaphore_mem>>)
    %dma_wait3A_186 = arith.constant 0 : i32
    %dma_wait3A_187 = arith.constant 0 : i32
    %dma_wait3A_188 = tpu.memref_slice %arg2[%dma_wait3A_186, %dma_wait3A_187] : memref<100000x64xf32, #tpu.memory_space<hbm>> -> memref<100000x64xf32, #tpu.memory_space<hbm>>
    tpu.wait_indirect_dma semaphore(%arg20 : memref<!tpu.dma_semaphore, #tpu.memory_space<semaphore_mem>>) src(%dma_wait3A_188 : memref<100000x64xf32, #tpu.memory_space<hbm>>) dst(%arg17 : memref<800x64xf32, #tpu.memory_space<vmem>>)
    "tpu.region"() ({
      %run_scoped3A = tpu.sem_alloc : memref<!tpu.dma_semaphore, #tpu.memory_space<semaphore_mem>>
      %dma_start3A_279 = arith.constant 0 : i32
      %dma_start3A_280 = tpu.memref_slice %arg14[%add3A_182, %dma_start3A_279] : memref<204800x64xf32, #tpu.memory_space<hbm>> -> memref<800x64xf32, #tpu.memory_space<hbm>>
      %dma_start3A_281 = arith.constant 0 : i32
      %dma_start3A_282 = tpu.memref_slice %arg14[%add3A_182, %dma_start3A_281] : memref<204800x64xf32, #tpu.memory_space<hbm>> -> memref<800x64xf32, #tpu.memory_space<hbm>>
      tpu.enqueue_dma source(%arg17 : memref<800x64xf32, #tpu.memory_space<vmem>>) target(%dma_start3A_282 : memref<800x64xf32, #tpu.memory_space<hbm>>) target_semaphore(%run_scoped3A : memref<!tpu.dma_semaphore, #tpu.memory_space<semaphore_mem>>)
      %dma_wait3A_283 = arith.constant 0 : i32
      %dma_wait3A_284 = tpu.memref_slice %arg14[%add3A_182, %dma_wait3A_283] : memref<204800x64xf32, #tpu.memory_space<hbm>> -> memref<800x64xf32, #tpu.memory_space<hbm>>
      %dma_wait3A_285 = arith.constant 0 : i32
      %dma_wait3A_286 = tpu.memref_slice %arg14[%add3A_182, %dma_wait3A_285] : memref<204800x64xf32, #tpu.memory_space<hbm>> -> memref<800x64xf32, #tpu.memory_space<hbm>>
      tpu.wait_dma2 semaphore(%run_scoped3A : memref<!tpu.dma_semaphore, #tpu.memory_space<semaphore_mem>>) src(%arg17 : memref<800x64xf32, #tpu.memory_space<vmem>>) dst(%dma_wait3A_286 : memref<800x64xf32, #tpu.memory_space<hbm>>)
      tpu.yield
    }) : () -> ()
    %add3A_189 = arith.constant 4000 : i32
    %add3A_190 = arith.addi %mul3A_148, %add3A_189 : i32
    "tpu.region"() ({
      %run_scoped3A = tpu.sem_alloc : memref<!tpu.dma_semaphore, #tpu.memory_space<semaphore_mem>>
      %dma_start3A_279 = tpu.memref_slice %arg8[%add3A_190] : memref<204800xi32, #tpu.memory_space<hbm>> -> memref<800xi32, #tpu.memory_space<hbm>>
      %dma_start3A_280 = tpu.memref_slice %arg8[%add3A_190] : memref<204800xi32, #tpu.memory_space<hbm>> -> memref<800xi32, #tpu.memory_space<hbm>>
      tpu.enqueue_dma source(%dma_start3A_280 : memref<800xi32, #tpu.memory_space<hbm>>) target(%arg16 : memref<800xi32, #tpu.memory_space<vmem>>) target_semaphore(%run_scoped3A : memref<!tpu.dma_semaphore, #tpu.memory_space<semaphore_mem>>)
      %dma_wait3A_281 = tpu.memref_slice %arg8[%add3A_190] : memref<204800xi32, #tpu.memory_space<hbm>> -> memref<800xi32, #tpu.memory_space<hbm>>
      %dma_wait3A_282 = tpu.memref_slice %arg8[%add3A_190] : memref<204800xi32, #tpu.memory_space<hbm>> -> memref<800xi32, #tpu.memory_space<hbm>>
      tpu.wait_dma2 semaphore(%run_scoped3A : memref<!tpu.dma_semaphore, #tpu.memory_space<semaphore_mem>>) src(%dma_wait3A_282 : memref<800xi32, #tpu.memory_space<hbm>>) dst(%arg16 : memref<800xi32, #tpu.memory_space<vmem>>)
      tpu.yield
    }) : () -> ()
    %dma_start3A_191 = arith.constant 0 : i32
    %dma_start3A_192 = arith.constant 0 : i32
    %dma_start3A_193 = tpu.memref_slice %arg2[%dma_start3A_191, %dma_start3A_192] : memref<100000x64xf32, #tpu.memory_space<hbm>> -> memref<100000x64xf32, #tpu.memory_space<hbm>>
    tpu.enqueue_indirect_dma source(%dma_start3A_193 : memref<100000x64xf32, #tpu.memory_space<hbm>>) target(%arg17 : memref<800x64xf32, #tpu.memory_space<vmem>>) offsets(%arg16 : memref<800xi32, #tpu.memory_space<vmem>>) semaphore(%arg20 : memref<!tpu.dma_semaphore, #tpu.memory_space<semaphore_mem>>)
    %dma_wait3A_194 = arith.constant 0 : i32
    %dma_wait3A_195 = arith.constant 0 : i32
    %dma_wait3A_196 = tpu.memref_slice %arg2[%dma_wait3A_194, %dma_wait3A_195] : memref<100000x64xf32, #tpu.memory_space<hbm>> -> memref<100000x64xf32, #tpu.memory_space<hbm>>
    tpu.wait_indirect_dma semaphore(%arg20 : memref<!tpu.dma_semaphore, #tpu.memory_space<semaphore_mem>>) src(%dma_wait3A_196 : memref<100000x64xf32, #tpu.memory_space<hbm>>) dst(%arg17 : memref<800x64xf32, #tpu.memory_space<vmem>>)
    "tpu.region"() ({
      %run_scoped3A = tpu.sem_alloc : memref<!tpu.dma_semaphore, #tpu.memory_space<semaphore_mem>>
      %dma_start3A_279 = arith.constant 0 : i32
      %dma_start3A_280 = tpu.memref_slice %arg14[%add3A_190, %dma_start3A_279] : memref<204800x64xf32, #tpu.memory_space<hbm>> -> memref<800x64xf32, #tpu.memory_space<hbm>>
      %dma_start3A_281 = arith.constant 0 : i32
      %dma_start3A_282 = tpu.memref_slice %arg14[%add3A_190, %dma_start3A_281] : memref<204800x64xf32, #tpu.memory_space<hbm>> -> memref<800x64xf32, #tpu.memory_space<hbm>>
      tpu.enqueue_dma source(%arg17 : memref<800x64xf32, #tpu.memory_space<vmem>>) target(%dma_start3A_282 : memref<800x64xf32, #tpu.memory_space<hbm>>) target_semaphore(%run_scoped3A : memref<!tpu.dma_semaphore, #tpu.memory_space<semaphore_mem>>)
      %dma_wait3A_283 = arith.constant 0 : i32
      %dma_wait3A_284 = tpu.memref_slice %arg14[%add3A_190, %dma_wait3A_283] : memref<204800x64xf32, #tpu.memory_space<hbm>> -> memref<800x64xf32, #tpu.memory_space<hbm>>
      %dma_wait3A_285 = arith.constant 0 : i32
      %dma_wait3A_286 = tpu.memref_slice %arg14[%add3A_190, %dma_wait3A_285] : memref<204800x64xf32, #tpu.memory_space<hbm>> -> memref<800x64xf32, #tpu.memory_space<hbm>>
      tpu.wait_dma2 semaphore(%run_scoped3A : memref<!tpu.dma_semaphore, #tpu.memory_space<semaphore_mem>>) src(%arg17 : memref<800x64xf32, #tpu.memory_space<vmem>>) dst(%dma_wait3A_286 : memref<800x64xf32, #tpu.memory_space<hbm>>)
      tpu.yield
    }) : () -> ()
    %add3A_197 = arith.constant 4800 : i32
    %add3A_198 = arith.addi %mul3A_148, %add3A_197 : i32
    "tpu.region"() ({
      %run_scoped3A = tpu.sem_alloc : memref<!tpu.dma_semaphore, #tpu.memory_space<semaphore_mem>>
      %dma_start3A_279 = tpu.memref_slice %arg8[%add3A_198] : memref<204800xi32, #tpu.memory_space<hbm>> -> memref<800xi32, #tpu.memory_space<hbm>>
      %dma_start3A_280 = tpu.memref_slice %arg8[%add3A_198] : memref<204800xi32, #tpu.memory_space<hbm>> -> memref<800xi32, #tpu.memory_space<hbm>>
      tpu.enqueue_dma source(%dma_start3A_280 : memref<800xi32, #tpu.memory_space<hbm>>) target(%arg16 : memref<800xi32, #tpu.memory_space<vmem>>) target_semaphore(%run_scoped3A : memref<!tpu.dma_semaphore, #tpu.memory_space<semaphore_mem>>)
      %dma_wait3A_281 = tpu.memref_slice %arg8[%add3A_198] : memref<204800xi32, #tpu.memory_space<hbm>> -> memref<800xi32, #tpu.memory_space<hbm>>
      %dma_wait3A_282 = tpu.memref_slice %arg8[%add3A_198] : memref<204800xi32, #tpu.memory_space<hbm>> -> memref<800xi32, #tpu.memory_space<hbm>>
      tpu.wait_dma2 semaphore(%run_scoped3A : memref<!tpu.dma_semaphore, #tpu.memory_space<semaphore_mem>>) src(%dma_wait3A_282 : memref<800xi32, #tpu.memory_space<hbm>>) dst(%arg16 : memref<800xi32, #tpu.memory_space<vmem>>)
      tpu.yield
    }) : () -> ()
    %dma_start3A_199 = arith.constant 0 : i32
    %dma_start3A_200 = arith.constant 0 : i32
    %dma_start3A_201 = tpu.memref_slice %arg2[%dma_start3A_199, %dma_start3A_200] : memref<100000x64xf32, #tpu.memory_space<hbm>> -> memref<100000x64xf32, #tpu.memory_space<hbm>>
    tpu.enqueue_indirect_dma source(%dma_start3A_201 : memref<100000x64xf32, #tpu.memory_space<hbm>>) target(%arg17 : memref<800x64xf32, #tpu.memory_space<vmem>>) offsets(%arg16 : memref<800xi32, #tpu.memory_space<vmem>>) semaphore(%arg20 : memref<!tpu.dma_semaphore, #tpu.memory_space<semaphore_mem>>)
    %dma_wait3A_202 = arith.constant 0 : i32
    %dma_wait3A_203 = arith.constant 0 : i32
    %dma_wait3A_204 = tpu.memref_slice %arg2[%dma_wait3A_202, %dma_wait3A_203] : memref<100000x64xf32, #tpu.memory_space<hbm>> -> memref<100000x64xf32, #tpu.memory_space<hbm>>
    tpu.wait_indirect_dma semaphore(%arg20 : memref<!tpu.dma_semaphore, #tpu.memory_space<semaphore_mem>>) src(%dma_wait3A_204 : memref<100000x64xf32, #tpu.memory_space<hbm>>) dst(%arg17 : memref<800x64xf32, #tpu.memory_space<vmem>>)
    "tpu.region"() ({
      %run_scoped3A = tpu.sem_alloc : memref<!tpu.dma_semaphore, #tpu.memory_space<semaphore_mem>>
      %dma_start3A_279 = arith.constant 0 : i32
      %dma_start3A_280 = tpu.memref_slice %arg14[%add3A_198, %dma_start3A_279] : memref<204800x64xf32, #tpu.memory_space<hbm>> -> memref<800x64xf32, #tpu.memory_space<hbm>>
      %dma_start3A_281 = arith.constant 0 : i32
      %dma_start3A_282 = tpu.memref_slice %arg14[%add3A_198, %dma_start3A_281] : memref<204800x64xf32, #tpu.memory_space<hbm>> -> memref<800x64xf32, #tpu.memory_space<hbm>>
      tpu.enqueue_dma source(%arg17 : memref<800x64xf32, #tpu.memory_space<vmem>>) target(%dma_start3A_282 : memref<800x64xf32, #tpu.memory_space<hbm>>) target_semaphore(%run_scoped3A : memref<!tpu.dma_semaphore, #tpu.memory_space<semaphore_mem>>)
      %dma_wait3A_283 = arith.constant 0 : i32
      %dma_wait3A_284 = tpu.memref_slice %arg14[%add3A_198, %dma_wait3A_283] : memref<204800x64xf32, #tpu.memory_space<hbm>> -> memref<800x64xf32, #tpu.memory_space<hbm>>
      %dma_wait3A_285 = arith.constant 0 : i32
      %dma_wait3A_286 = tpu.memref_slice %arg14[%add3A_198, %dma_wait3A_285] : memref<204800x64xf32, #tpu.memory_space<hbm>> -> memref<800x64xf32, #tpu.memory_space<hbm>>
      tpu.wait_dma2 semaphore(%run_scoped3A : memref<!tpu.dma_semaphore, #tpu.memory_space<semaphore_mem>>) src(%arg17 : memref<800x64xf32, #tpu.memory_space<vmem>>) dst(%dma_wait3A_286 : memref<800x64xf32, #tpu.memory_space<hbm>>)
      tpu.yield
    }) : () -> ()
    %add3A_205 = arith.constant 5600 : i32
    %add3A_206 = arith.addi %mul3A_148, %add3A_205 : i32
    "tpu.region"() ({
      %run_scoped3A = tpu.sem_alloc : memref<!tpu.dma_semaphore, #tpu.memory_space<semaphore_mem>>
      %dma_start3A_279 = tpu.memref_slice %arg8[%add3A_206] : memref<204800xi32, #tpu.memory_space<hbm>> -> memref<800xi32, #tpu.memory_space<hbm>>
      %dma_start3A_280 = tpu.memref_slice %arg8[%add3A_206] : memref<204800xi32, #tpu.memory_space<hbm>> -> memref<800xi32, #tpu.memory_space<hbm>>
      tpu.enqueue_dma source(%dma_start3A_280 : memref<800xi32, #tpu.memory_space<hbm>>) target(%arg16 : memref<800xi32, #tpu.memory_space<vmem>>) target_semaphore(%run_scoped3A : memref<!tpu.dma_semaphore, #tpu.memory_space<semaphore_mem>>)
      %dma_wait3A_281 = tpu.memref_slice %arg8[%add3A_206] : memref<204800xi32, #tpu.memory_space<hbm>> -> memref<800xi32, #tpu.memory_space<hbm>>
      %dma_wait3A_282 = tpu.memref_slice %arg8[%add3A_206] : memref<204800xi32, #tpu.memory_space<hbm>> -> memref<800xi32, #tpu.memory_space<hbm>>
      tpu.wait_dma2 semaphore(%run_scoped3A : memref<!tpu.dma_semaphore, #tpu.memory_space<semaphore_mem>>) src(%dma_wait3A_282 : memref<800xi32, #tpu.memory_space<hbm>>) dst(%arg16 : memref<800xi32, #tpu.memory_space<vmem>>)
      tpu.yield
    }) : () -> ()
    %dma_start3A_207 = arith.constant 0 : i32
    %dma_start3A_208 = arith.constant 0 : i32
    %dma_start3A_209 = tpu.memref_slice %arg2[%dma_start3A_207, %dma_start3A_208] : memref<100000x64xf32, #tpu.memory_space<hbm>> -> memref<100000x64xf32, #tpu.memory_space<hbm>>
    tpu.enqueue_indirect_dma source(%dma_start3A_209 : memref<100000x64xf32, #tpu.memory_space<hbm>>) target(%arg17 : memref<800x64xf32, #tpu.memory_space<vmem>>) offsets(%arg16 : memref<800xi32, #tpu.memory_space<vmem>>) semaphore(%arg20 : memref<!tpu.dma_semaphore, #tpu.memory_space<semaphore_mem>>)
    %dma_wait3A_210 = arith.constant 0 : i32
    %dma_wait3A_211 = arith.constant 0 : i32
    %dma_wait3A_212 = tpu.memref_slice %arg2[%dma_wait3A_210, %dma_wait3A_211] : memref<100000x64xf32, #tpu.memory_space<hbm>> -> memref<100000x64xf32, #tpu.memory_space<hbm>>
    tpu.wait_indirect_dma semaphore(%arg20 : memref<!tpu.dma_semaphore, #tpu.memory_space<semaphore_mem>>) src(%dma_wait3A_212 : memref<100000x64xf32, #tpu.memory_space<hbm>>) dst(%arg17 : memref<800x64xf32, #tpu.memory_space<vmem>>)
    "tpu.region"() ({
      %run_scoped3A = tpu.sem_alloc : memref<!tpu.dma_semaphore, #tpu.memory_space<semaphore_mem>>
      %dma_start3A_279 = arith.constant 0 : i32
      %dma_start3A_280 = tpu.memref_slice %arg14[%add3A_206, %dma_start3A_279] : memref<204800x64xf32, #tpu.memory_space<hbm>> -> memref<800x64xf32, #tpu.memory_space<hbm>>
      %dma_start3A_281 = arith.constant 0 : i32
      %dma_start3A_282 = tpu.memref_slice %arg14[%add3A_206, %dma_start3A_281] : memref<204800x64xf32, #tpu.memory_space<hbm>> -> memref<800x64xf32, #tpu.memory_space<hbm>>
      tpu.enqueue_dma source(%arg17 : memref<800x64xf32, #tpu.memory_space<vmem>>) target(%dma_start3A_282 : memref<800x64xf32, #tpu.memory_space<hbm>>) target_semaphore(%run_scoped3A : memref<!tpu.dma_semaphore, #tpu.memory_space<semaphore_mem>>)
      %dma_wait3A_283 = arith.constant 0 : i32
      %dma_wait3A_284 = tpu.memref_slice %arg14[%add3A_206, %dma_wait3A_283] : memref<204800x64xf32, #tpu.memory_space<hbm>> -> memref<800x64xf32, #tpu.memory_space<hbm>>
      %dma_wait3A_285 = arith.constant 0 : i32
      %dma_wait3A_286 = tpu.memref_slice %arg14[%add3A_206, %dma_wait3A_285] : memref<204800x64xf32, #tpu.memory_space<hbm>> -> memref<800x64xf32, #tpu.memory_space<hbm>>
      tpu.wait_dma2 semaphore(%run_scoped3A : memref<!tpu.dma_semaphore, #tpu.memory_space<semaphore_mem>>) src(%arg17 : memref<800x64xf32, #tpu.memory_space<vmem>>) dst(%dma_wait3A_286 : memref<800x64xf32, #tpu.memory_space<hbm>>)
      tpu.yield
    }) : () -> ()
    %mul3A_213 = arith.constant 6400 : i32
    %mul3A_214 = arith.muli %add3A, %mul3A_213 : i32
    %add3A_215 = arith.constant 0 : i32
    %add3A_216 = arith.addi %mul3A_214, %add3A_215 : i32
    "tpu.region"() ({
      %run_scoped3A = tpu.sem_alloc : memref<!tpu.dma_semaphore, #tpu.memory_space<semaphore_mem>>
      %dma_start3A_279 = tpu.memref_slice %arg9[%add3A_216] : memref<204800xi32, #tpu.memory_space<hbm>> -> memref<800xi32, #tpu.memory_space<hbm>>
      %dma_start3A_280 = tpu.memref_slice %arg9[%add3A_216] : memref<204800xi32, #tpu.memory_space<hbm>> -> memref<800xi32, #tpu.memory_space<hbm>>
      tpu.enqueue_dma source(%dma_start3A_280 : memref<800xi32, #tpu.memory_space<hbm>>) target(%arg16 : memref<800xi32, #tpu.memory_space<vmem>>) target_semaphore(%run_scoped3A : memref<!tpu.dma_semaphore, #tpu.memory_space<semaphore_mem>>)
      %dma_wait3A_281 = tpu.memref_slice %arg9[%add3A_216] : memref<204800xi32, #tpu.memory_space<hbm>> -> memref<800xi32, #tpu.memory_space<hbm>>
      %dma_wait3A_282 = tpu.memref_slice %arg9[%add3A_216] : memref<204800xi32, #tpu.memory_space<hbm>> -> memref<800xi32, #tpu.memory_space<hbm>>
      tpu.wait_dma2 semaphore(%run_scoped3A : memref<!tpu.dma_semaphore, #tpu.memory_space<semaphore_mem>>) src(%dma_wait3A_282 : memref<800xi32, #tpu.memory_space<hbm>>) dst(%arg16 : memref<800xi32, #tpu.memory_space<vmem>>)
      tpu.yield
    }) : () -> ()
    %dma_start3A_217 = arith.constant 0 : i32
    %dma_start3A_218 = arith.constant 0 : i32
    %dma_start3A_219 = tpu.memref_slice %arg3[%dma_start3A_217, %dma_start3A_218] : memref<100000x64xf32, #tpu.memory_space<hbm>> -> memref<100000x64xf32, #tpu.memory_space<hbm>>
    tpu.enqueue_indirect_dma source(%dma_start3A_219 : memref<100000x64xf32, #tpu.memory_space<hbm>>) target(%arg17 : memref<800x64xf32, #tpu.memory_space<vmem>>) offsets(%arg16 : memref<800xi32, #tpu.memory_space<vmem>>) semaphore(%arg20 : memref<!tpu.dma_semaphore, #tpu.memory_space<semaphore_mem>>)
    %dma_wait3A_220 = arith.constant 0 : i32
    %dma_wait3A_221 = arith.constant 0 : i32
    %dma_wait3A_222 = tpu.memref_slice %arg3[%dma_wait3A_220, %dma_wait3A_221] : memref<100000x64xf32, #tpu.memory_space<hbm>> -> memref<100000x64xf32, #tpu.memory_space<hbm>>
    tpu.wait_indirect_dma semaphore(%arg20 : memref<!tpu.dma_semaphore, #tpu.memory_space<semaphore_mem>>) src(%dma_wait3A_222 : memref<100000x64xf32, #tpu.memory_space<hbm>>) dst(%arg17 : memref<800x64xf32, #tpu.memory_space<vmem>>)
    "tpu.region"() ({
      %run_scoped3A = tpu.sem_alloc : memref<!tpu.dma_semaphore, #tpu.memory_space<semaphore_mem>>
      %dma_start3A_279 = arith.constant 0 : i32
      %dma_start3A_280 = tpu.memref_slice %arg15[%add3A_216, %dma_start3A_279] : memref<204800x64xf32, #tpu.memory_space<hbm>> -> memref<800x64xf32, #tpu.memory_space<hbm>>
      %dma_start3A_281 = arith.constant 0 : i32
      %dma_start3A_282 = tpu.memref_slice %arg15[%add3A_216, %dma_start3A_281] : memref<204800x64xf32, #tpu.memory_space<hbm>> -> memref<800x64xf32, #tpu.memory_space<hbm>>
      tpu.enqueue_dma source(%arg17 : memref<800x64xf32, #tpu.memory_space<vmem>>) target(%dma_start3A_282 : memref<800x64xf32, #tpu.memory_space<hbm>>) target_semaphore(%run_scoped3A : memref<!tpu.dma_semaphore, #tpu.memory_space<semaphore_mem>>)
      %dma_wait3A_283 = arith.constant 0 : i32
      %dma_wait3A_284 = tpu.memref_slice %arg15[%add3A_216, %dma_wait3A_283] : memref<204800x64xf32, #tpu.memory_space<hbm>> -> memref<800x64xf32, #tpu.memory_space<hbm>>
      %dma_wait3A_285 = arith.constant 0 : i32
      %dma_wait3A_286 = tpu.memref_slice %arg15[%add3A_216, %dma_wait3A_285] : memref<204800x64xf32, #tpu.memory_space<hbm>> -> memref<800x64xf32, #tpu.memory_space<hbm>>
      tpu.wait_dma2 semaphore(%run_scoped3A : memref<!tpu.dma_semaphore, #tpu.memory_space<semaphore_mem>>) src(%arg17 : memref<800x64xf32, #tpu.memory_space<vmem>>) dst(%dma_wait3A_286 : memref<800x64xf32, #tpu.memory_space<hbm>>)
      tpu.yield
    }) : () -> ()
    %add3A_223 = arith.constant 800 : i32
    %add3A_224 = arith.addi %mul3A_214, %add3A_223 : i32
    "tpu.region"() ({
      %run_scoped3A = tpu.sem_alloc : memref<!tpu.dma_semaphore, #tpu.memory_space<semaphore_mem>>
      %dma_start3A_279 = tpu.memref_slice %arg9[%add3A_224] : memref<204800xi32, #tpu.memory_space<hbm>> -> memref<800xi32, #tpu.memory_space<hbm>>
      %dma_start3A_280 = tpu.memref_slice %arg9[%add3A_224] : memref<204800xi32, #tpu.memory_space<hbm>> -> memref<800xi32, #tpu.memory_space<hbm>>
      tpu.enqueue_dma source(%dma_start3A_280 : memref<800xi32, #tpu.memory_space<hbm>>) target(%arg16 : memref<800xi32, #tpu.memory_space<vmem>>) target_semaphore(%run_scoped3A : memref<!tpu.dma_semaphore, #tpu.memory_space<semaphore_mem>>)
      %dma_wait3A_281 = tpu.memref_slice %arg9[%add3A_224] : memref<204800xi32, #tpu.memory_space<hbm>> -> memref<800xi32, #tpu.memory_space<hbm>>
      %dma_wait3A_282 = tpu.memref_slice %arg9[%add3A_224] : memref<204800xi32, #tpu.memory_space<hbm>> -> memref<800xi32, #tpu.memory_space<hbm>>
      tpu.wait_dma2 semaphore(%run_scoped3A : memref<!tpu.dma_semaphore, #tpu.memory_space<semaphore_mem>>) src(%dma_wait3A_282 : memref<800xi32, #tpu.memory_space<hbm>>) dst(%arg16 : memref<800xi32, #tpu.memory_space<vmem>>)
      tpu.yield
    }) : () -> ()
    %dma_start3A_225 = arith.constant 0 : i32
    %dma_start3A_226 = arith.constant 0 : i32
    %dma_start3A_227 = tpu.memref_slice %arg3[%dma_start3A_225, %dma_start3A_226] : memref<100000x64xf32, #tpu.memory_space<hbm>> -> memref<100000x64xf32, #tpu.memory_space<hbm>>
    tpu.enqueue_indirect_dma source(%dma_start3A_227 : memref<100000x64xf32, #tpu.memory_space<hbm>>) target(%arg17 : memref<800x64xf32, #tpu.memory_space<vmem>>) offsets(%arg16 : memref<800xi32, #tpu.memory_space<vmem>>) semaphore(%arg20 : memref<!tpu.dma_semaphore, #tpu.memory_space<semaphore_mem>>)
    %dma_wait3A_228 = arith.constant 0 : i32
    %dma_wait3A_229 = arith.constant 0 : i32
    %dma_wait3A_230 = tpu.memref_slice %arg3[%dma_wait3A_228, %dma_wait3A_229] : memref<100000x64xf32, #tpu.memory_space<hbm>> -> memref<100000x64xf32, #tpu.memory_space<hbm>>
    tpu.wait_indirect_dma semaphore(%arg20 : memref<!tpu.dma_semaphore, #tpu.memory_space<semaphore_mem>>) src(%dma_wait3A_230 : memref<100000x64xf32, #tpu.memory_space<hbm>>) dst(%arg17 : memref<800x64xf32, #tpu.memory_space<vmem>>)
    "tpu.region"() ({
      %run_scoped3A = tpu.sem_alloc : memref<!tpu.dma_semaphore, #tpu.memory_space<semaphore_mem>>
      %dma_start3A_279 = arith.constant 0 : i32
      %dma_start3A_280 = tpu.memref_slice %arg15[%add3A_224, %dma_start3A_279] : memref<204800x64xf32, #tpu.memory_space<hbm>> -> memref<800x64xf32, #tpu.memory_space<hbm>>
      %dma_start3A_281 = arith.constant 0 : i32
      %dma_start3A_282 = tpu.memref_slice %arg15[%add3A_224, %dma_start3A_281] : memref<204800x64xf32, #tpu.memory_space<hbm>> -> memref<800x64xf32, #tpu.memory_space<hbm>>
      tpu.enqueue_dma source(%arg17 : memref<800x64xf32, #tpu.memory_space<vmem>>) target(%dma_start3A_282 : memref<800x64xf32, #tpu.memory_space<hbm>>) target_semaphore(%run_scoped3A : memref<!tpu.dma_semaphore, #tpu.memory_space<semaphore_mem>>)
      %dma_wait3A_283 = arith.constant 0 : i32
      %dma_wait3A_284 = tpu.memref_slice %arg15[%add3A_224, %dma_wait3A_283] : memref<204800x64xf32, #tpu.memory_space<hbm>> -> memref<800x64xf32, #tpu.memory_space<hbm>>
      %dma_wait3A_285 = arith.constant 0 : i32
      %dma_wait3A_286 = tpu.memref_slice %arg15[%add3A_224, %dma_wait3A_285] : memref<204800x64xf32, #tpu.memory_space<hbm>> -> memref<800x64xf32, #tpu.memory_space<hbm>>
      tpu.wait_dma2 semaphore(%run_scoped3A : memref<!tpu.dma_semaphore, #tpu.memory_space<semaphore_mem>>) src(%arg17 : memref<800x64xf32, #tpu.memory_space<vmem>>) dst(%dma_wait3A_286 : memref<800x64xf32, #tpu.memory_space<hbm>>)
      tpu.yield
    }) : () -> ()
    %add3A_231 = arith.constant 1600 : i32
    %add3A_232 = arith.addi %mul3A_214, %add3A_231 : i32
    "tpu.region"() ({
      %run_scoped3A = tpu.sem_alloc : memref<!tpu.dma_semaphore, #tpu.memory_space<semaphore_mem>>
      %dma_start3A_279 = tpu.memref_slice %arg9[%add3A_232] : memref<204800xi32, #tpu.memory_space<hbm>> -> memref<800xi32, #tpu.memory_space<hbm>>
      %dma_start3A_280 = tpu.memref_slice %arg9[%add3A_232] : memref<204800xi32, #tpu.memory_space<hbm>> -> memref<800xi32, #tpu.memory_space<hbm>>
      tpu.enqueue_dma source(%dma_start3A_280 : memref<800xi32, #tpu.memory_space<hbm>>) target(%arg16 : memref<800xi32, #tpu.memory_space<vmem>>) target_semaphore(%run_scoped3A : memref<!tpu.dma_semaphore, #tpu.memory_space<semaphore_mem>>)
      %dma_wait3A_281 = tpu.memref_slice %arg9[%add3A_232] : memref<204800xi32, #tpu.memory_space<hbm>> -> memref<800xi32, #tpu.memory_space<hbm>>
      %dma_wait3A_282 = tpu.memref_slice %arg9[%add3A_232] : memref<204800xi32, #tpu.memory_space<hbm>> -> memref<800xi32, #tpu.memory_space<hbm>>
      tpu.wait_dma2 semaphore(%run_scoped3A : memref<!tpu.dma_semaphore, #tpu.memory_space<semaphore_mem>>) src(%dma_wait3A_282 : memref<800xi32, #tpu.memory_space<hbm>>) dst(%arg16 : memref<800xi32, #tpu.memory_space<vmem>>)
      tpu.yield
    }) : () -> ()
    %dma_start3A_233 = arith.constant 0 : i32
    %dma_start3A_234 = arith.constant 0 : i32
    %dma_start3A_235 = tpu.memref_slice %arg3[%dma_start3A_233, %dma_start3A_234] : memref<100000x64xf32, #tpu.memory_space<hbm>> -> memref<100000x64xf32, #tpu.memory_space<hbm>>
    tpu.enqueue_indirect_dma source(%dma_start3A_235 : memref<100000x64xf32, #tpu.memory_space<hbm>>) target(%arg17 : memref<800x64xf32, #tpu.memory_space<vmem>>) offsets(%arg16 : memref<800xi32, #tpu.memory_space<vmem>>) semaphore(%arg20 : memref<!tpu.dma_semaphore, #tpu.memory_space<semaphore_mem>>)
    %dma_wait3A_236 = arith.constant 0 : i32
    %dma_wait3A_237 = arith.constant 0 : i32
    %dma_wait3A_238 = tpu.memref_slice %arg3[%dma_wait3A_236, %dma_wait3A_237] : memref<100000x64xf32, #tpu.memory_space<hbm>> -> memref<100000x64xf32, #tpu.memory_space<hbm>>
    tpu.wait_indirect_dma semaphore(%arg20 : memref<!tpu.dma_semaphore, #tpu.memory_space<semaphore_mem>>) src(%dma_wait3A_238 : memref<100000x64xf32, #tpu.memory_space<hbm>>) dst(%arg17 : memref<800x64xf32, #tpu.memory_space<vmem>>)
    "tpu.region"() ({
      %run_scoped3A = tpu.sem_alloc : memref<!tpu.dma_semaphore, #tpu.memory_space<semaphore_mem>>
      %dma_start3A_279 = arith.constant 0 : i32
      %dma_start3A_280 = tpu.memref_slice %arg15[%add3A_232, %dma_start3A_279] : memref<204800x64xf32, #tpu.memory_space<hbm>> -> memref<800x64xf32, #tpu.memory_space<hbm>>
      %dma_start3A_281 = arith.constant 0 : i32
      %dma_start3A_282 = tpu.memref_slice %arg15[%add3A_232, %dma_start3A_281] : memref<204800x64xf32, #tpu.memory_space<hbm>> -> memref<800x64xf32, #tpu.memory_space<hbm>>
      tpu.enqueue_dma source(%arg17 : memref<800x64xf32, #tpu.memory_space<vmem>>) target(%dma_start3A_282 : memref<800x64xf32, #tpu.memory_space<hbm>>) target_semaphore(%run_scoped3A : memref<!tpu.dma_semaphore, #tpu.memory_space<semaphore_mem>>)
      %dma_wait3A_283 = arith.constant 0 : i32
      %dma_wait3A_284 = tpu.memref_slice %arg15[%add3A_232, %dma_wait3A_283] : memref<204800x64xf32, #tpu.memory_space<hbm>> -> memref<800x64xf32, #tpu.memory_space<hbm>>
      %dma_wait3A_285 = arith.constant 0 : i32
      %dma_wait3A_286 = tpu.memref_slice %arg15[%add3A_232, %dma_wait3A_285] : memref<204800x64xf32, #tpu.memory_space<hbm>> -> memref<800x64xf32, #tpu.memory_space<hbm>>
      tpu.wait_dma2 semaphore(%run_scoped3A : memref<!tpu.dma_semaphore, #tpu.memory_space<semaphore_mem>>) src(%arg17 : memref<800x64xf32, #tpu.memory_space<vmem>>) dst(%dma_wait3A_286 : memref<800x64xf32, #tpu.memory_space<hbm>>)
      tpu.yield
    }) : () -> ()
    %add3A_239 = arith.constant 2400 : i32
    %add3A_240 = arith.addi %mul3A_214, %add3A_239 : i32
    "tpu.region"() ({
      %run_scoped3A = tpu.sem_alloc : memref<!tpu.dma_semaphore, #tpu.memory_space<semaphore_mem>>
      %dma_start3A_279 = tpu.memref_slice %arg9[%add3A_240] : memref<204800xi32, #tpu.memory_space<hbm>> -> memref<800xi32, #tpu.memory_space<hbm>>
      %dma_start3A_280 = tpu.memref_slice %arg9[%add3A_240] : memref<204800xi32, #tpu.memory_space<hbm>> -> memref<800xi32, #tpu.memory_space<hbm>>
      tpu.enqueue_dma source(%dma_start3A_280 : memref<800xi32, #tpu.memory_space<hbm>>) target(%arg16 : memref<800xi32, #tpu.memory_space<vmem>>) target_semaphore(%run_scoped3A : memref<!tpu.dma_semaphore, #tpu.memory_space<semaphore_mem>>)
      %dma_wait3A_281 = tpu.memref_slice %arg9[%add3A_240] : memref<204800xi32, #tpu.memory_space<hbm>> -> memref<800xi32, #tpu.memory_space<hbm>>
      %dma_wait3A_282 = tpu.memref_slice %arg9[%add3A_240] : memref<204800xi32, #tpu.memory_space<hbm>> -> memref<800xi32, #tpu.memory_space<hbm>>
      tpu.wait_dma2 semaphore(%run_scoped3A : memref<!tpu.dma_semaphore, #tpu.memory_space<semaphore_mem>>) src(%dma_wait3A_282 : memref<800xi32, #tpu.memory_space<hbm>>) dst(%arg16 : memref<800xi32, #tpu.memory_space<vmem>>)
      tpu.yield
    }) : () -> ()
    %dma_start3A_241 = arith.constant 0 : i32
    %dma_start3A_242 = arith.constant 0 : i32
    %dma_start3A_243 = tpu.memref_slice %arg3[%dma_start3A_241, %dma_start3A_242] : memref<100000x64xf32, #tpu.memory_space<hbm>> -> memref<100000x64xf32, #tpu.memory_space<hbm>>
    tpu.enqueue_indirect_dma source(%dma_start3A_243 : memref<100000x64xf32, #tpu.memory_space<hbm>>) target(%arg17 : memref<800x64xf32, #tpu.memory_space<vmem>>) offsets(%arg16 : memref<800xi32, #tpu.memory_space<vmem>>) semaphore(%arg20 : memref<!tpu.dma_semaphore, #tpu.memory_space<semaphore_mem>>)
    %dma_wait3A_244 = arith.constant 0 : i32
    %dma_wait3A_245 = arith.constant 0 : i32
    %dma_wait3A_246 = tpu.memref_slice %arg3[%dma_wait3A_244, %dma_wait3A_245] : memref<100000x64xf32, #tpu.memory_space<hbm>> -> memref<100000x64xf32, #tpu.memory_space<hbm>>
    tpu.wait_indirect_dma semaphore(%arg20 : memref<!tpu.dma_semaphore, #tpu.memory_space<semaphore_mem>>) src(%dma_wait3A_246 : memref<100000x64xf32, #tpu.memory_space<hbm>>) dst(%arg17 : memref<800x64xf32, #tpu.memory_space<vmem>>)
    "tpu.region"() ({
      %run_scoped3A = tpu.sem_alloc : memref<!tpu.dma_semaphore, #tpu.memory_space<semaphore_mem>>
      %dma_start3A_279 = arith.constant 0 : i32
      %dma_start3A_280 = tpu.memref_slice %arg15[%add3A_240, %dma_start3A_279] : memref<204800x64xf32, #tpu.memory_space<hbm>> -> memref<800x64xf32, #tpu.memory_space<hbm>>
      %dma_start3A_281 = arith.constant 0 : i32
      %dma_start3A_282 = tpu.memref_slice %arg15[%add3A_240, %dma_start3A_281] : memref<204800x64xf32, #tpu.memory_space<hbm>> -> memref<800x64xf32, #tpu.memory_space<hbm>>
      tpu.enqueue_dma source(%arg17 : memref<800x64xf32, #tpu.memory_space<vmem>>) target(%dma_start3A_282 : memref<800x64xf32, #tpu.memory_space<hbm>>) target_semaphore(%run_scoped3A : memref<!tpu.dma_semaphore, #tpu.memory_space<semaphore_mem>>)
      %dma_wait3A_283 = arith.constant 0 : i32
      %dma_wait3A_284 = tpu.memref_slice %arg15[%add3A_240, %dma_wait3A_283] : memref<204800x64xf32, #tpu.memory_space<hbm>> -> memref<800x64xf32, #tpu.memory_space<hbm>>
      %dma_wait3A_285 = arith.constant 0 : i32
      %dma_wait3A_286 = tpu.memref_slice %arg15[%add3A_240, %dma_wait3A_285] : memref<204800x64xf32, #tpu.memory_space<hbm>> -> memref<800x64xf32, #tpu.memory_space<hbm>>
      tpu.wait_dma2 semaphore(%run_scoped3A : memref<!tpu.dma_semaphore, #tpu.memory_space<semaphore_mem>>) src(%arg17 : memref<800x64xf32, #tpu.memory_space<vmem>>) dst(%dma_wait3A_286 : memref<800x64xf32, #tpu.memory_space<hbm>>)
      tpu.yield
    }) : () -> ()
    %add3A_247 = arith.constant 3200 : i32
    %add3A_248 = arith.addi %mul3A_214, %add3A_247 : i32
    "tpu.region"() ({
      %run_scoped3A = tpu.sem_alloc : memref<!tpu.dma_semaphore, #tpu.memory_space<semaphore_mem>>
      %dma_start3A_279 = tpu.memref_slice %arg9[%add3A_248] : memref<204800xi32, #tpu.memory_space<hbm>> -> memref<800xi32, #tpu.memory_space<hbm>>
      %dma_start3A_280 = tpu.memref_slice %arg9[%add3A_248] : memref<204800xi32, #tpu.memory_space<hbm>> -> memref<800xi32, #tpu.memory_space<hbm>>
      tpu.enqueue_dma source(%dma_start3A_280 : memref<800xi32, #tpu.memory_space<hbm>>) target(%arg16 : memref<800xi32, #tpu.memory_space<vmem>>) target_semaphore(%run_scoped3A : memref<!tpu.dma_semaphore, #tpu.memory_space<semaphore_mem>>)
      %dma_wait3A_281 = tpu.memref_slice %arg9[%add3A_248] : memref<204800xi32, #tpu.memory_space<hbm>> -> memref<800xi32, #tpu.memory_space<hbm>>
      %dma_wait3A_282 = tpu.memref_slice %arg9[%add3A_248] : memref<204800xi32, #tpu.memory_space<hbm>> -> memref<800xi32, #tpu.memory_space<hbm>>
      tpu.wait_dma2 semaphore(%run_scoped3A : memref<!tpu.dma_semaphore, #tpu.memory_space<semaphore_mem>>) src(%dma_wait3A_282 : memref<800xi32, #tpu.memory_space<hbm>>) dst(%arg16 : memref<800xi32, #tpu.memory_space<vmem>>)
      tpu.yield
    }) : () -> ()
    %dma_start3A_249 = arith.constant 0 : i32
    %dma_start3A_250 = arith.constant 0 : i32
    %dma_start3A_251 = tpu.memref_slice %arg3[%dma_start3A_249, %dma_start3A_250] : memref<100000x64xf32, #tpu.memory_space<hbm>> -> memref<100000x64xf32, #tpu.memory_space<hbm>>
    tpu.enqueue_indirect_dma source(%dma_start3A_251 : memref<100000x64xf32, #tpu.memory_space<hbm>>) target(%arg17 : memref<800x64xf32, #tpu.memory_space<vmem>>) offsets(%arg16 : memref<800xi32, #tpu.memory_space<vmem>>) semaphore(%arg20 : memref<!tpu.dma_semaphore, #tpu.memory_space<semaphore_mem>>)
    %dma_wait3A_252 = arith.constant 0 : i32
    %dma_wait3A_253 = arith.constant 0 : i32
    %dma_wait3A_254 = tpu.memref_slice %arg3[%dma_wait3A_252, %dma_wait3A_253] : memref<100000x64xf32, #tpu.memory_space<hbm>> -> memref<100000x64xf32, #tpu.memory_space<hbm>>
    tpu.wait_indirect_dma semaphore(%arg20 : memref<!tpu.dma_semaphore, #tpu.memory_space<semaphore_mem>>) src(%dma_wait3A_254 : memref<100000x64xf32, #tpu.memory_space<hbm>>) dst(%arg17 : memref<800x64xf32, #tpu.memory_space<vmem>>)
    "tpu.region"() ({
      %run_scoped3A = tpu.sem_alloc : memref<!tpu.dma_semaphore, #tpu.memory_space<semaphore_mem>>
      %dma_start3A_279 = arith.constant 0 : i32
      %dma_start3A_280 = tpu.memref_slice %arg15[%add3A_248, %dma_start3A_279] : memref<204800x64xf32, #tpu.memory_space<hbm>> -> memref<800x64xf32, #tpu.memory_space<hbm>>
      %dma_start3A_281 = arith.constant 0 : i32
      %dma_start3A_282 = tpu.memref_slice %arg15[%add3A_248, %dma_start3A_281] : memref<204800x64xf32, #tpu.memory_space<hbm>> -> memref<800x64xf32, #tpu.memory_space<hbm>>
      tpu.enqueue_dma source(%arg17 : memref<800x64xf32, #tpu.memory_space<vmem>>) target(%dma_start3A_282 : memref<800x64xf32, #tpu.memory_space<hbm>>) target_semaphore(%run_scoped3A : memref<!tpu.dma_semaphore, #tpu.memory_space<semaphore_mem>>)
      %dma_wait3A_283 = arith.constant 0 : i32
      %dma_wait3A_284 = tpu.memref_slice %arg15[%add3A_248, %dma_wait3A_283] : memref<204800x64xf32, #tpu.memory_space<hbm>> -> memref<800x64xf32, #tpu.memory_space<hbm>>
      %dma_wait3A_285 = arith.constant 0 : i32
      %dma_wait3A_286 = tpu.memref_slice %arg15[%add3A_248, %dma_wait3A_285] : memref<204800x64xf32, #tpu.memory_space<hbm>> -> memref<800x64xf32, #tpu.memory_space<hbm>>
      tpu.wait_dma2 semaphore(%run_scoped3A : memref<!tpu.dma_semaphore, #tpu.memory_space<semaphore_mem>>) src(%arg17 : memref<800x64xf32, #tpu.memory_space<vmem>>) dst(%dma_wait3A_286 : memref<800x64xf32, #tpu.memory_space<hbm>>)
      tpu.yield
    }) : () -> ()
    %add3A_255 = arith.constant 4000 : i32
    %add3A_256 = arith.addi %mul3A_214, %add3A_255 : i32
    "tpu.region"() ({
      %run_scoped3A = tpu.sem_alloc : memref<!tpu.dma_semaphore, #tpu.memory_space<semaphore_mem>>
      %dma_start3A_279 = tpu.memref_slice %arg9[%add3A_256] : memref<204800xi32, #tpu.memory_space<hbm>> -> memref<800xi32, #tpu.memory_space<hbm>>
      %dma_start3A_280 = tpu.memref_slice %arg9[%add3A_256] : memref<204800xi32, #tpu.memory_space<hbm>> -> memref<800xi32, #tpu.memory_space<hbm>>
      tpu.enqueue_dma source(%dma_start3A_280 : memref<800xi32, #tpu.memory_space<hbm>>) target(%arg16 : memref<800xi32, #tpu.memory_space<vmem>>) target_semaphore(%run_scoped3A : memref<!tpu.dma_semaphore, #tpu.memory_space<semaphore_mem>>)
      %dma_wait3A_281 = tpu.memref_slice %arg9[%add3A_256] : memref<204800xi32, #tpu.memory_space<hbm>> -> memref<800xi32, #tpu.memory_space<hbm>>
      %dma_wait3A_282 = tpu.memref_slice %arg9[%add3A_256] : memref<204800xi32, #tpu.memory_space<hbm>> -> memref<800xi32, #tpu.memory_space<hbm>>
      tpu.wait_dma2 semaphore(%run_scoped3A : memref<!tpu.dma_semaphore, #tpu.memory_space<semaphore_mem>>) src(%dma_wait3A_282 : memref<800xi32, #tpu.memory_space<hbm>>) dst(%arg16 : memref<800xi32, #tpu.memory_space<vmem>>)
      tpu.yield
    }) : () -> ()
    %dma_start3A_257 = arith.constant 0 : i32
    %dma_start3A_258 = arith.constant 0 : i32
    %dma_start3A_259 = tpu.memref_slice %arg3[%dma_start3A_257, %dma_start3A_258] : memref<100000x64xf32, #tpu.memory_space<hbm>> -> memref<100000x64xf32, #tpu.memory_space<hbm>>
    tpu.enqueue_indirect_dma source(%dma_start3A_259 : memref<100000x64xf32, #tpu.memory_space<hbm>>) target(%arg17 : memref<800x64xf32, #tpu.memory_space<vmem>>) offsets(%arg16 : memref<800xi32, #tpu.memory_space<vmem>>) semaphore(%arg20 : memref<!tpu.dma_semaphore, #tpu.memory_space<semaphore_mem>>)
    %dma_wait3A_260 = arith.constant 0 : i32
    %dma_wait3A_261 = arith.constant 0 : i32
    %dma_wait3A_262 = tpu.memref_slice %arg3[%dma_wait3A_260, %dma_wait3A_261] : memref<100000x64xf32, #tpu.memory_space<hbm>> -> memref<100000x64xf32, #tpu.memory_space<hbm>>
    tpu.wait_indirect_dma semaphore(%arg20 : memref<!tpu.dma_semaphore, #tpu.memory_space<semaphore_mem>>) src(%dma_wait3A_262 : memref<100000x64xf32, #tpu.memory_space<hbm>>) dst(%arg17 : memref<800x64xf32, #tpu.memory_space<vmem>>)
    "tpu.region"() ({
      %run_scoped3A = tpu.sem_alloc : memref<!tpu.dma_semaphore, #tpu.memory_space<semaphore_mem>>
      %dma_start3A_279 = arith.constant 0 : i32
      %dma_start3A_280 = tpu.memref_slice %arg15[%add3A_256, %dma_start3A_279] : memref<204800x64xf32, #tpu.memory_space<hbm>> -> memref<800x64xf32, #tpu.memory_space<hbm>>
      %dma_start3A_281 = arith.constant 0 : i32
      %dma_start3A_282 = tpu.memref_slice %arg15[%add3A_256, %dma_start3A_281] : memref<204800x64xf32, #tpu.memory_space<hbm>> -> memref<800x64xf32, #tpu.memory_space<hbm>>
      tpu.enqueue_dma source(%arg17 : memref<800x64xf32, #tpu.memory_space<vmem>>) target(%dma_start3A_282 : memref<800x64xf32, #tpu.memory_space<hbm>>) target_semaphore(%run_scoped3A : memref<!tpu.dma_semaphore, #tpu.memory_space<semaphore_mem>>)
      %dma_wait3A_283 = arith.constant 0 : i32
      %dma_wait3A_284 = tpu.memref_slice %arg15[%add3A_256, %dma_wait3A_283] : memref<204800x64xf32, #tpu.memory_space<hbm>> -> memref<800x64xf32, #tpu.memory_space<hbm>>
      %dma_wait3A_285 = arith.constant 0 : i32
      %dma_wait3A_286 = tpu.memref_slice %arg15[%add3A_256, %dma_wait3A_285] : memref<204800x64xf32, #tpu.memory_space<hbm>> -> memref<800x64xf32, #tpu.memory_space<hbm>>
      tpu.wait_dma2 semaphore(%run_scoped3A : memref<!tpu.dma_semaphore, #tpu.memory_space<semaphore_mem>>) src(%arg17 : memref<800x64xf32, #tpu.memory_space<vmem>>) dst(%dma_wait3A_286 : memref<800x64xf32, #tpu.memory_space<hbm>>)
      tpu.yield
    }) : () -> ()
    %add3A_263 = arith.constant 4800 : i32
    %add3A_264 = arith.addi %mul3A_214, %add3A_263 : i32
    "tpu.region"() ({
      %run_scoped3A = tpu.sem_alloc : memref<!tpu.dma_semaphore, #tpu.memory_space<semaphore_mem>>
      %dma_start3A_279 = tpu.memref_slice %arg9[%add3A_264] : memref<204800xi32, #tpu.memory_space<hbm>> -> memref<800xi32, #tpu.memory_space<hbm>>
      %dma_start3A_280 = tpu.memref_slice %arg9[%add3A_264] : memref<204800xi32, #tpu.memory_space<hbm>> -> memref<800xi32, #tpu.memory_space<hbm>>
      tpu.enqueue_dma source(%dma_start3A_280 : memref<800xi32, #tpu.memory_space<hbm>>) target(%arg16 : memref<800xi32, #tpu.memory_space<vmem>>) target_semaphore(%run_scoped3A : memref<!tpu.dma_semaphore, #tpu.memory_space<semaphore_mem>>)
      %dma_wait3A_281 = tpu.memref_slice %arg9[%add3A_264] : memref<204800xi32, #tpu.memory_space<hbm>> -> memref<800xi32, #tpu.memory_space<hbm>>
      %dma_wait3A_282 = tpu.memref_slice %arg9[%add3A_264] : memref<204800xi32, #tpu.memory_space<hbm>> -> memref<800xi32, #tpu.memory_space<hbm>>
      tpu.wait_dma2 semaphore(%run_scoped3A : memref<!tpu.dma_semaphore, #tpu.memory_space<semaphore_mem>>) src(%dma_wait3A_282 : memref<800xi32, #tpu.memory_space<hbm>>) dst(%arg16 : memref<800xi32, #tpu.memory_space<vmem>>)
      tpu.yield
    }) : () -> ()
    %dma_start3A_265 = arith.constant 0 : i32
    %dma_start3A_266 = arith.constant 0 : i32
    %dma_start3A_267 = tpu.memref_slice %arg3[%dma_start3A_265, %dma_start3A_266] : memref<100000x64xf32, #tpu.memory_space<hbm>> -> memref<100000x64xf32, #tpu.memory_space<hbm>>
    tpu.enqueue_indirect_dma source(%dma_start3A_267 : memref<100000x64xf32, #tpu.memory_space<hbm>>) target(%arg17 : memref<800x64xf32, #tpu.memory_space<vmem>>) offsets(%arg16 : memref<800xi32, #tpu.memory_space<vmem>>) semaphore(%arg20 : memref<!tpu.dma_semaphore, #tpu.memory_space<semaphore_mem>>)
    %dma_wait3A_268 = arith.constant 0 : i32
    %dma_wait3A_269 = arith.constant 0 : i32
    %dma_wait3A_270 = tpu.memref_slice %arg3[%dma_wait3A_268, %dma_wait3A_269] : memref<100000x64xf32, #tpu.memory_space<hbm>> -> memref<100000x64xf32, #tpu.memory_space<hbm>>
    tpu.wait_indirect_dma semaphore(%arg20 : memref<!tpu.dma_semaphore, #tpu.memory_space<semaphore_mem>>) src(%dma_wait3A_270 : memref<100000x64xf32, #tpu.memory_space<hbm>>) dst(%arg17 : memref<800x64xf32, #tpu.memory_space<vmem>>)
    "tpu.region"() ({
      %run_scoped3A = tpu.sem_alloc : memref<!tpu.dma_semaphore, #tpu.memory_space<semaphore_mem>>
      %dma_start3A_279 = arith.constant 0 : i32
      %dma_start3A_280 = tpu.memref_slice %arg15[%add3A_264, %dma_start3A_279] : memref<204800x64xf32, #tpu.memory_space<hbm>> -> memref<800x64xf32, #tpu.memory_space<hbm>>
      %dma_start3A_281 = arith.constant 0 : i32
      %dma_start3A_282 = tpu.memref_slice %arg15[%add3A_264, %dma_start3A_281] : memref<204800x64xf32, #tpu.memory_space<hbm>> -> memref<800x64xf32, #tpu.memory_space<hbm>>
      tpu.enqueue_dma source(%arg17 : memref<800x64xf32, #tpu.memory_space<vmem>>) target(%dma_start3A_282 : memref<800x64xf32, #tpu.memory_space<hbm>>) target_semaphore(%run_scoped3A : memref<!tpu.dma_semaphore, #tpu.memory_space<semaphore_mem>>)
      %dma_wait3A_283 = arith.constant 0 : i32
      %dma_wait3A_284 = tpu.memref_slice %arg15[%add3A_264, %dma_wait3A_283] : memref<204800x64xf32, #tpu.memory_space<hbm>> -> memref<800x64xf32, #tpu.memory_space<hbm>>
      %dma_wait3A_285 = arith.constant 0 : i32
      %dma_wait3A_286 = tpu.memref_slice %arg15[%add3A_264, %dma_wait3A_285] : memref<204800x64xf32, #tpu.memory_space<hbm>> -> memref<800x64xf32, #tpu.memory_space<hbm>>
      tpu.wait_dma2 semaphore(%run_scoped3A : memref<!tpu.dma_semaphore, #tpu.memory_space<semaphore_mem>>) src(%arg17 : memref<800x64xf32, #tpu.memory_space<vmem>>) dst(%dma_wait3A_286 : memref<800x64xf32, #tpu.memory_space<hbm>>)
      tpu.yield
    }) : () -> ()
    %add3A_271 = arith.constant 5600 : i32
    %add3A_272 = arith.addi %mul3A_214, %add3A_271 : i32
    "tpu.region"() ({
      %run_scoped3A = tpu.sem_alloc : memref<!tpu.dma_semaphore, #tpu.memory_space<semaphore_mem>>
      %dma_start3A_279 = tpu.memref_slice %arg9[%add3A_272] : memref<204800xi32, #tpu.memory_space<hbm>> -> memref<800xi32, #tpu.memory_space<hbm>>
      %dma_start3A_280 = tpu.memref_slice %arg9[%add3A_272] : memref<204800xi32, #tpu.memory_space<hbm>> -> memref<800xi32, #tpu.memory_space<hbm>>
      tpu.enqueue_dma source(%dma_start3A_280 : memref<800xi32, #tpu.memory_space<hbm>>) target(%arg16 : memref<800xi32, #tpu.memory_space<vmem>>) target_semaphore(%run_scoped3A : memref<!tpu.dma_semaphore, #tpu.memory_space<semaphore_mem>>)
      %dma_wait3A_281 = tpu.memref_slice %arg9[%add3A_272] : memref<204800xi32, #tpu.memory_space<hbm>> -> memref<800xi32, #tpu.memory_space<hbm>>
      %dma_wait3A_282 = tpu.memref_slice %arg9[%add3A_272] : memref<204800xi32, #tpu.memory_space<hbm>> -> memref<800xi32, #tpu.memory_space<hbm>>
      tpu.wait_dma2 semaphore(%run_scoped3A : memref<!tpu.dma_semaphore, #tpu.memory_space<semaphore_mem>>) src(%dma_wait3A_282 : memref<800xi32, #tpu.memory_space<hbm>>) dst(%arg16 : memref<800xi32, #tpu.memory_space<vmem>>)
      tpu.yield
    }) : () -> ()
    %dma_start3A_273 = arith.constant 0 : i32
    %dma_start3A_274 = arith.constant 0 : i32
    %dma_start3A_275 = tpu.memref_slice %arg3[%dma_start3A_273, %dma_start3A_274] : memref<100000x64xf32, #tpu.memory_space<hbm>> -> memref<100000x64xf32, #tpu.memory_space<hbm>>
    tpu.enqueue_indirect_dma source(%dma_start3A_275 : memref<100000x64xf32, #tpu.memory_space<hbm>>) target(%arg17 : memref<800x64xf32, #tpu.memory_space<vmem>>) offsets(%arg16 : memref<800xi32, #tpu.memory_space<vmem>>) semaphore(%arg20 : memref<!tpu.dma_semaphore, #tpu.memory_space<semaphore_mem>>)
    %dma_wait3A_276 = arith.constant 0 : i32
    %dma_wait3A_277 = arith.constant 0 : i32
    %dma_wait3A_278 = tpu.memref_slice %arg3[%dma_wait3A_276, %dma_wait3A_277] : memref<100000x64xf32, #tpu.memory_space<hbm>> -> memref<100000x64xf32, #tpu.memory_space<hbm>>
    tpu.wait_indirect_dma semaphore(%arg20 : memref<!tpu.dma_semaphore, #tpu.memory_space<semaphore_mem>>) src(%dma_wait3A_278 : memref<100000x64xf32, #tpu.memory_space<hbm>>) dst(%arg17 : memref<800x64xf32, #tpu.memory_space<vmem>>)
    "tpu.region"() ({
      %run_scoped3A = tpu.sem_alloc : memref<!tpu.dma_semaphore, #tpu.memory_space<semaphore_mem>>
      %dma_start3A_279 = arith.constant 0 : i32
      %dma_start3A_280 = tpu.memref_slice %arg15[%add3A_272, %dma_start3A_279] : memref<204800x64xf32, #tpu.memory_space<hbm>> -> memref<800x64xf32, #tpu.memory_space<hbm>>
      %dma_start3A_281 = arith.constant 0 : i32
      %dma_start3A_282 = tpu.memref_slice %arg15[%add3A_272, %dma_start3A_281] : memref<204800x64xf32, #tpu.memory_space<hbm>> -> memref<800x64xf32, #tpu.memory_space<hbm>>
      tpu.enqueue_dma source(%arg17 : memref<800x64xf32, #tpu.memory_space<vmem>>) target(%dma_start3A_282 : memref<800x64xf32, #tpu.memory_space<hbm>>) target_semaphore(%run_scoped3A : memref<!tpu.dma_semaphore, #tpu.memory_space<semaphore_mem>>)
      %dma_wait3A_283 = arith.constant 0 : i32
      %dma_wait3A_284 = tpu.memref_slice %arg15[%add3A_272, %dma_wait3A_283] : memref<204800x64xf32, #tpu.memory_space<hbm>> -> memref<800x64xf32, #tpu.memory_space<hbm>>
      %dma_wait3A_285 = arith.constant 0 : i32
      %dma_wait3A_286 = tpu.memref_slice %arg15[%add3A_272, %dma_wait3A_285] : memref<204800x64xf32, #tpu.memory_space<hbm>> -> memref<800x64xf32, #tpu.memory_space<hbm>>
      tpu.wait_dma2 semaphore(%run_scoped3A : memref<!tpu.dma_semaphore, #tpu.memory_space<semaphore_mem>>) src(%arg17 : memref<800x64xf32, #tpu.memory_space<vmem>>) dst(%dma_wait3A_286 : memref<800x64xf32, #tpu.memory_space<hbm>>)
      tpu.yield
    }) : () -> ()
    return
  }
}

module attributes {stable_mosaic.version = 14 : i64} {
  func.func @_tc_body(%arg0: i32, %arg1: memref<128x64xf32, #tpu.memory_space<vmem>>, %arg2: memref<128x64xf32, #tpu.memory_space<vmem>>, %arg3: memref<50x128x64xf32, #tpu.memory_space<vmem>>, %arg4: memref<50x128x64xf32, #tpu.memory_space<vmem>>, %arg5: memref<50x128x64xf32, #tpu.memory_space<vmem>>, %arg6: memref<50x128x64xf32, #tpu.memory_space<vmem>>, %arg7: memref<100x128xf32, #tpu.memory_space<vmem>>, %arg8: memref<100x128xf32, #tpu.memory_space<vmem>>, %arg9: memref<100x128xi32, #tpu.memory_space<vmem>>, %arg10: memref<100x128xi32, #tpu.memory_space<vmem>>, %arg11: memref<1x128xf32, #tpu.memory_space<vmem>>, %arg12: memref<64x128xf32, #tpu.memory_space<vmem>>, %arg13: memref<64x1xf32, #tpu.memory_space<vmem>>, %arg14: memref<64x128xf32, #tpu.memory_space<vmem>>, %arg15: memref<64x1xf32, #tpu.memory_space<vmem>>, %arg16: memref<8x64xf32, #tpu.memory_space<vmem>>, %arg17: memref<1x1x128xf32, #tpu.memory_space<vmem>>) attributes {dimension_semantics = [#tpu.dimension_semantics<arbitrary>], iteration_bounds = array<i64: 32>, scalar_prefetch = 0 : i64, scratch_operands = 0 : i64, tpu.core_type = #tpu.core_type<tc>, window_params = [{transform_indices = @transform_0, window_bounds = array<i64: 128, 64>}, {transform_indices = @transform_1, window_bounds = array<i64: 128, 64>}, {transform_indices = @transform_2, window_bounds = array<i64: 50, 128, 64>}, {transform_indices = @transform_3, window_bounds = array<i64: 50, 128, 64>}, {transform_indices = @transform_4, window_bounds = array<i64: 50, 128, 64>}, {transform_indices = @transform_5, window_bounds = array<i64: 50, 128, 64>}, {transform_indices = @transform_6, window_bounds = array<i64: 100, 128>}, {transform_indices = @transform_7, window_bounds = array<i64: 100, 128>}, {transform_indices = @transform_8, window_bounds = array<i64: 100, 128>}, {transform_indices = @transform_9, window_bounds = array<i64: 100, 128>}, {pipeline_mode = #tpu.pipeline_mode<synchronous>, transform_indices = @transform_10, window_bounds = array<i64: 1, 128>}, {pipeline_mode = #tpu.pipeline_mode<synchronous>, transform_indices = @transform_11, window_bounds = array<i64: 64, 128>}, {pipeline_mode = #tpu.pipeline_mode<synchronous>, transform_indices = @transform_12, window_bounds = array<i64: 64, 1>}, {pipeline_mode = #tpu.pipeline_mode<synchronous>, transform_indices = @transform_13, window_bounds = array<i64: 64, 128>}, {pipeline_mode = #tpu.pipeline_mode<synchronous>, transform_indices = @transform_14, window_bounds = array<i64: 64, 1>}, {pipeline_mode = #tpu.pipeline_mode<synchronous>, transform_indices = @transform_15, window_bounds = array<i64: 8, 64>}, {transform_indices = @transform_16, window_bounds = array<i64: 1, 1, 128>}]} {
    %get3A = arith.constant 0 : index
    %get3A_0 = arith.constant 0 : index
    %get3A_1 = vector.load %arg11[%get3A, %get3A_0] : memref<1x128xf32, #tpu.memory_space<vmem>>, vector<1x64xf32>
    %transpose3A = tpu.transpose %get3A_1, [1, 0] : vector<1x64xf32> -> vector<64x1xf32>
    %get3A_2 = arith.constant 0 : index
    %get3A_3 = arith.constant 64 : index
    %get3A_4 = vector.load %arg11[%get3A_2, %get3A_3] : memref<1x128xf32, #tpu.memory_space<vmem>>, vector<1x64xf32>
    %iota3A = tpu.iota {dimensions = array<i32: 1>} : vector<100x100xi32>
    %iota3A_5 = tpu.iota {dimensions = array<i32: 0>} : vector<100x100xi32>
    %le3A = arith.cmpi sle, %iota3A, %iota3A_5 : vector<100x100xi32>
    %convert_element_type3A = arith.extui %le3A : vector<100x100xi1> to vector<100x100xi32>
    %convert_element_type3A_6 = arith.sitofp %convert_element_type3A : vector<100x100xi32> to vector<100x100xf32>
    %get3A_7 = arith.constant 0 : index
    %get3A_8 = arith.constant 0 : index
    %get3A_9 = vector.load %arg1[%get3A_7, %get3A_8] : memref<128x64xf32, #tpu.memory_space<vmem>>, vector<128x64xf32>
    %transpose3A_10 = tpu.transpose %get3A_9, [1, 0] : vector<128x64xf32> -> vector<64x128xf32>
    %get3A_11 = arith.constant 0 : index
    %get3A_12 = arith.constant 0 : index
    %get3A_13 = vector.load %arg2[%get3A_11, %get3A_12] : memref<128x64xf32, #tpu.memory_space<vmem>>, vector<128x64xf32>
    %transpose3A_14 = tpu.transpose %get3A_13, [1, 0] : vector<128x64xf32> -> vector<64x128xf32>
    %get3A_15 = arith.constant 0 : index
    %get3A_16 = arith.constant 0 : index
    %get3A_17 = arith.constant 0 : index
    %get3A_18 = vector.load %arg3[%get3A_15, %get3A_16, %get3A_17] : memref<50x128x64xf32, #tpu.memory_space<vmem>>, vector<50x128x64xf32>
    %reshape3A = vector.shape_cast %get3A_18 : vector<50x128x64xf32> to vector<6400x64xf32>
    %transpose3A_19 = tpu.transpose %reshape3A, [1, 0] : vector<6400x64xf32> -> vector<64x6400xf32>
    %reshape3A_20 = vector.shape_cast %transpose3A_19 : vector<64x6400xf32> to vector<64x50x128xf32>
    %get3A_21 = arith.constant 0 : index
    %get3A_22 = arith.constant 0 : index
    %get3A_23 = arith.constant 0 : index
    %get3A_24 = vector.load %arg4[%get3A_21, %get3A_22, %get3A_23] : memref<50x128x64xf32, #tpu.memory_space<vmem>>, vector<50x128x64xf32>
    %reshape3A_25 = vector.shape_cast %get3A_24 : vector<50x128x64xf32> to vector<6400x64xf32>
    %transpose3A_26 = tpu.transpose %reshape3A_25, [1, 0] : vector<6400x64xf32> -> vector<64x6400xf32>
    %reshape3A_27 = vector.shape_cast %transpose3A_26 : vector<64x6400xf32> to vector<64x50x128xf32>
    %get3A_28 = arith.constant 0 : index
    %get3A_29 = arith.constant 0 : index
    %get3A_30 = vector.load %arg7[%get3A_28, %get3A_29] : memref<100x128xf32, #tpu.memory_space<vmem>>, vector<100x128xf32>
    %get3A_31 = arith.constant 0 : index
    %get3A_32 = arith.constant 0 : index
    %get3A_33 = vector.load %arg9[%get3A_31, %get3A_32] : memref<100x128xi32, #tpu.memory_space<vmem>>, vector<100x128xi32>
    %concatenate3A = tpu.concatenate %transpose3A_10, %transpose3A_14 in 0 : vector<64x128xf32>, vector<64x128xf32> -> vector<128x128xf32>
    %get3A_34 = arith.constant 0 : index
    %get3A_35 = arith.constant 0 : index
    %get3A_36 = vector.load %arg12[%get3A_34, %get3A_35] : memref<64x128xf32, #tpu.memory_space<vmem>>, vector<64x128xf32>
    %dot_general3A = arith.constant dense<0.000000e+00> : vector<64x128xf32>
    %dot_general3A_37 = tpu.matmul %get3A_36, %concatenate3A, %dot_general3A {dimension_numbers = #tpu.dot_dimension_numbers<[1], [0], [0], [1], [0, 0, 1, 1], [], []>, transpose_lhs_hint = false} : vector<64x128xf32>, vector<128x128xf32>, vector<64x128xf32> -> vector<64x128xf32>
    %get3A_38 = arith.constant 0 : index
    %get3A_39 = arith.constant 0 : index
    %get3A_40 = vector.load %arg13[%get3A_38, %get3A_39] : memref<64x1xf32, #tpu.memory_space<vmem>>, vector<64x1xf32>
    %add3A = vector.broadcast %get3A_40 : vector<64x1xf32> to vector<64x128xf32>
    %add3A_41 = arith.addf %dot_general3A_37, %add3A : vector<64x128xf32>
    %broadcast_in_dim3A = vector.shape_cast %add3A_41 : vector<64x128xf32> to vector<64x1x128xf32>
    %sub3A = vector.broadcast %broadcast_in_dim3A : vector<64x1x128xf32> to vector<64x50x128xf32>
    %sub3A_42 = arith.subf %sub3A, %reshape3A_20 : vector<64x50x128xf32>
    %mul3A = arith.mulf %sub3A_42, %sub3A_42 : vector<64x50x128xf32>
    %reduce_sum3A = arith.constant dense<0.000000e+00> : vector<50x128xf32>
    %reduce_sum3A_43 = vector.multi_reduction <add>, %mul3A, %reduce_sum3A [0] : vector<64x50x128xf32> to vector<50x128xf32>
    %broadcast_in_dim3A_44 = vector.shape_cast %transpose3A : vector<64x1xf32> to vector<64x1x1xf32>
    %mul3A_45 = vector.broadcast %broadcast_in_dim3A_44 : vector<64x1x1xf32> to vector<64x50x128xf32>
    %mul3A_46 = arith.mulf %reshape3A_20, %mul3A_45 : vector<64x50x128xf32>
    %reduce_sum3A_47 = arith.constant dense<0.000000e+00> : vector<50x128xf32>
    %reduce_sum3A_48 = vector.multi_reduction <add>, %mul3A_46, %reduce_sum3A_47 [0] : vector<64x50x128xf32> to vector<50x128xf32>
    %broadcast_in_dim3A_49 = vector.shape_cast %add3A_41 : vector<64x128xf32> to vector<64x1x128xf32>
    %sub3A_50 = vector.broadcast %broadcast_in_dim3A_49 : vector<64x1x128xf32> to vector<64x50x128xf32>
    %sub3A_51 = arith.subf %sub3A_50, %reshape3A_27 : vector<64x50x128xf32>
    %mul3A_52 = arith.mulf %sub3A_51, %sub3A_51 : vector<64x50x128xf32>
    %reduce_sum3A_53 = arith.constant dense<0.000000e+00> : vector<50x128xf32>
    %reduce_sum3A_54 = vector.multi_reduction <add>, %mul3A_52, %reduce_sum3A_53 [0] : vector<64x50x128xf32> to vector<50x128xf32>
    %broadcast_in_dim3A_55 = vector.shape_cast %transpose3A : vector<64x1xf32> to vector<64x1x1xf32>
    %mul3A_56 = vector.broadcast %broadcast_in_dim3A_55 : vector<64x1x1xf32> to vector<64x50x128xf32>
    %mul3A_57 = arith.mulf %reshape3A_27, %mul3A_56 : vector<64x50x128xf32>
    %reduce_sum3A_58 = arith.constant dense<0.000000e+00> : vector<50x128xf32>
    %reduce_sum3A_59 = vector.multi_reduction <add>, %mul3A_57, %reduce_sum3A_58 [0] : vector<64x50x128xf32> to vector<50x128xf32>
    %concatenate3A_60 = tpu.concatenate %reduce_sum3A_43, %reduce_sum3A_54 in 0 : vector<50x128xf32>, vector<50x128xf32> -> vector<100x128xf32>
    %sqrt3A = math.sqrt %concatenate3A_60 : vector<100x128xf32>
    %sub3A_61 = arith.subf %get3A_30, %sqrt3A : vector<100x128xf32>
    %bitcast_convert_type3A = tpu.bitcast %sub3A_61 : vector<100x128xf32> -> vector<100x128xi32>
    %lt3A = arith.constant 0 : i32
    %lt3A_62 = vector.broadcast %lt3A : i32 to vector<100x128xi32>
    %lt3A_63 = arith.cmpi slt, %bitcast_convert_type3A, %lt3A_62 : vector<100x128xi32>
    %xor3A = arith.constant 2147483647 : i32
    %xor3A_64 = vector.broadcast %xor3A : i32 to vector<100x128xi32>
    %xor3A_65 = arith.xori %bitcast_convert_type3A, %xor3A_64 : vector<100x128xi32>
    %select_n3A = arith.select %lt3A_63, %xor3A_65, %bitcast_convert_type3A : vector<100x128xi1>, vector<100x128xi32>
    %reduce_min3A = arith.constant dense<2147483647> : vector<128xi32>
    %reduce_min3A_66 = vector.multi_reduction <minsi>, %select_n3A, %reduce_min3A [0] : vector<100x128xi32> to vector<128xi32>
    %broadcast_in_dim3A_67 = vector.shape_cast %reduce_min3A_66 : vector<128xi32> to vector<1x128xi32>
    %reduce_max3A = arith.constant dense<-2147483648> : vector<128xi32>
    %reduce_max3A_68 = vector.multi_reduction <maxsi>, %select_n3A, %reduce_max3A [0] : vector<100x128xi32> to vector<128xi32>
    %broadcast_in_dim3A_69 = vector.shape_cast %reduce_max3A_68 : vector<128xi32> to vector<1x128xi32>
    %shift_right_arithmetic3A = arith.constant 1 : i32
    %shift_right_arithmetic3A_70 = vector.broadcast %shift_right_arithmetic3A : i32 to vector<1x128xi32>
    %shift_right_arithmetic3A_71 = arith.shrsi %broadcast_in_dim3A_67, %shift_right_arithmetic3A_70 : vector<1x128xi32>
    %shift_right_arithmetic3A_72 = arith.constant 1 : i32
    %shift_right_arithmetic3A_73 = vector.broadcast %shift_right_arithmetic3A_72 : i32 to vector<1x128xi32>
    %shift_right_arithmetic3A_74 = arith.shrsi %broadcast_in_dim3A_69, %shift_right_arithmetic3A_73 : vector<1x128xi32>
    %add3A_75 = arith.addi %shift_right_arithmetic3A_71, %shift_right_arithmetic3A_74 : vector<1x128xi32>
    %and3A = arith.andi %broadcast_in_dim3A_67, %broadcast_in_dim3A_69 : vector<1x128xi32>
    %and3A_76 = arith.constant 1 : i32
    %and3A_77 = vector.broadcast %and3A_76 : i32 to vector<1x128xi32>
    %and3A_78 = arith.andi %and3A, %and3A_77 : vector<1x128xi32>
    %add3A_79 = arith.addi %add3A_75, %and3A_78 : vector<1x128xi32>
    %gt3A = vector.broadcast %add3A_79 : vector<1x128xi32> to vector<100x128xi32>
    %gt3A_80 = arith.cmpi sgt, %select_n3A, %gt3A : vector<100x128xi32>
    %convert_element_type3A_81 = arith.extui %gt3A_80 : vector<100x128xi1> to vector<100x128xi32>
    %reduce_sum3A_82 = arith.constant dense<0> : vector<128xi32>
    %reduce_sum3A_83 = vector.multi_reduction <add>, %convert_element_type3A_81, %reduce_sum3A_82 [0] : vector<100x128xi32> to vector<128xi32>
    %broadcast_in_dim3A_84 = vector.shape_cast %reduce_sum3A_83 : vector<128xi32> to vector<1x128xi32>
    %ge3A = arith.constant 50 : i32
    %ge3A_85 = vector.broadcast %ge3A : i32 to vector<1x128xi32>
    %ge3A_86 = arith.cmpi sge, %broadcast_in_dim3A_84, %ge3A_85 : vector<1x128xi32>
    %add3A_87 = arith.constant 1 : i32
    %add3A_88 = vector.broadcast %add3A_87 : i32 to vector<1x128xi32>
    %add3A_89 = arith.addi %add3A_79, %add3A_88 : vector<1x128xi32>
    %select_n3A_90 = arith.select %ge3A_86, %add3A_89, %broadcast_in_dim3A_67 : vector<1x128xi1>, vector<1x128xi32>
    %select_n3A_91 = arith.select %ge3A_86, %broadcast_in_dim3A_69, %add3A_79 : vector<1x128xi1>, vector<1x128xi32>
    %shift_right_arithmetic3A_92 = arith.constant 1 : i32
    %shift_right_arithmetic3A_93 = vector.broadcast %shift_right_arithmetic3A_92 : i32 to vector<1x128xi32>
    %shift_right_arithmetic3A_94 = arith.shrsi %select_n3A_90, %shift_right_arithmetic3A_93 : vector<1x128xi32>
    %shift_right_arithmetic3A_95 = arith.constant 1 : i32
    %shift_right_arithmetic3A_96 = vector.broadcast %shift_right_arithmetic3A_95 : i32 to vector<1x128xi32>
    %shift_right_arithmetic3A_97 = arith.shrsi %select_n3A_91, %shift_right_arithmetic3A_96 : vector<1x128xi32>
    %add3A_98 = arith.addi %shift_right_arithmetic3A_94, %shift_right_arithmetic3A_97 : vector<1x128xi32>
    %and3A_99 = arith.andi %select_n3A_90, %select_n3A_91 : vector<1x128xi32>
    %and3A_100 = arith.constant 1 : i32
    %and3A_101 = vector.broadcast %and3A_100 : i32 to vector<1x128xi32>
    %and3A_102 = arith.andi %and3A_99, %and3A_101 : vector<1x128xi32>
    %add3A_103 = arith.addi %add3A_98, %and3A_102 : vector<1x128xi32>
    %gt3A_104 = vector.broadcast %add3A_103 : vector<1x128xi32> to vector<100x128xi32>
    %gt3A_105 = arith.cmpi sgt, %select_n3A, %gt3A_104 : vector<100x128xi32>
    %convert_element_type3A_106 = arith.extui %gt3A_105 : vector<100x128xi1> to vector<100x128xi32>
    %reduce_sum3A_107 = arith.constant dense<0> : vector<128xi32>
    %reduce_sum3A_108 = vector.multi_reduction <add>, %convert_element_type3A_106, %reduce_sum3A_107 [0] : vector<100x128xi32> to vector<128xi32>
    %broadcast_in_dim3A_109 = vector.shape_cast %reduce_sum3A_108 : vector<128xi32> to vector<1x128xi32>
    %ge3A_110 = arith.constant 50 : i32
    %ge3A_111 = vector.broadcast %ge3A_110 : i32 to vector<1x128xi32>
    %ge3A_112 = arith.cmpi sge, %broadcast_in_dim3A_109, %ge3A_111 : vector<1x128xi32>
    %add3A_113 = arith.constant 1 : i32
    %add3A_114 = vector.broadcast %add3A_113 : i32 to vector<1x128xi32>
    %add3A_115 = arith.addi %add3A_103, %add3A_114 : vector<1x128xi32>
    %select_n3A_116 = arith.select %ge3A_112, %add3A_115, %select_n3A_90 : vector<1x128xi1>, vector<1x128xi32>
    %select_n3A_117 = arith.select %ge3A_112, %select_n3A_91, %add3A_103 : vector<1x128xi1>, vector<1x128xi32>
    %shift_right_arithmetic3A_118 = arith.constant 1 : i32
    %shift_right_arithmetic3A_119 = vector.broadcast %shift_right_arithmetic3A_118 : i32 to vector<1x128xi32>
    %shift_right_arithmetic3A_120 = arith.shrsi %select_n3A_116, %shift_right_arithmetic3A_119 : vector<1x128xi32>
    %shift_right_arithmetic3A_121 = arith.constant 1 : i32
    %shift_right_arithmetic3A_122 = vector.broadcast %shift_right_arithmetic3A_121 : i32 to vector<1x128xi32>
    %shift_right_arithmetic3A_123 = arith.shrsi %select_n3A_117, %shift_right_arithmetic3A_122 : vector<1x128xi32>
    %add3A_124 = arith.addi %shift_right_arithmetic3A_120, %shift_right_arithmetic3A_123 : vector<1x128xi32>
    %and3A_125 = arith.andi %select_n3A_116, %select_n3A_117 : vector<1x128xi32>
    %and3A_126 = arith.constant 1 : i32
    %and3A_127 = vector.broadcast %and3A_126 : i32 to vector<1x128xi32>
    %and3A_128 = arith.andi %and3A_125, %and3A_127 : vector<1x128xi32>
    %add3A_129 = arith.addi %add3A_124, %and3A_128 : vector<1x128xi32>
    %gt3A_130 = vector.broadcast %add3A_129 : vector<1x128xi32> to vector<100x128xi32>
    %gt3A_131 = arith.cmpi sgt, %select_n3A, %gt3A_130 : vector<100x128xi32>
    %convert_element_type3A_132 = arith.extui %gt3A_131 : vector<100x128xi1> to vector<100x128xi32>
    %reduce_sum3A_133 = arith.constant dense<0> : vector<128xi32>
    %reduce_sum3A_134 = vector.multi_reduction <add>, %convert_element_type3A_132, %reduce_sum3A_133 [0] : vector<100x128xi32> to vector<128xi32>
    %broadcast_in_dim3A_135 = vector.shape_cast %reduce_sum3A_134 : vector<128xi32> to vector<1x128xi32>
    %ge3A_136 = arith.constant 50 : i32
    %ge3A_137 = vector.broadcast %ge3A_136 : i32 to vector<1x128xi32>
    %ge3A_138 = arith.cmpi sge, %broadcast_in_dim3A_135, %ge3A_137 : vector<1x128xi32>
    %add3A_139 = arith.constant 1 : i32
    %add3A_140 = vector.broadcast %add3A_139 : i32 to vector<1x128xi32>
    %add3A_141 = arith.addi %add3A_129, %add3A_140 : vector<1x128xi32>
    %select_n3A_142 = arith.select %ge3A_138, %add3A_141, %select_n3A_116 : vector<1x128xi1>, vector<1x128xi32>
    %select_n3A_143 = arith.select %ge3A_138, %select_n3A_117, %add3A_129 : vector<1x128xi1>, vector<1x128xi32>
    %shift_right_arithmetic3A_144 = arith.constant 1 : i32
    %shift_right_arithmetic3A_145 = vector.broadcast %shift_right_arithmetic3A_144 : i32 to vector<1x128xi32>
    %shift_right_arithmetic3A_146 = arith.shrsi %select_n3A_142, %shift_right_arithmetic3A_145 : vector<1x128xi32>
    %shift_right_arithmetic3A_147 = arith.constant 1 : i32
    %shift_right_arithmetic3A_148 = vector.broadcast %shift_right_arithmetic3A_147 : i32 to vector<1x128xi32>
    %shift_right_arithmetic3A_149 = arith.shrsi %select_n3A_143, %shift_right_arithmetic3A_148 : vector<1x128xi32>
    %add3A_150 = arith.addi %shift_right_arithmetic3A_146, %shift_right_arithmetic3A_149 : vector<1x128xi32>
    %and3A_151 = arith.andi %select_n3A_142, %select_n3A_143 : vector<1x128xi32>
    %and3A_152 = arith.constant 1 : i32
    %and3A_153 = vector.broadcast %and3A_152 : i32 to vector<1x128xi32>
    %and3A_154 = arith.andi %and3A_151, %and3A_153 : vector<1x128xi32>
    %add3A_155 = arith.addi %add3A_150, %and3A_154 : vector<1x128xi32>
    %gt3A_156 = vector.broadcast %add3A_155 : vector<1x128xi32> to vector<100x128xi32>
    %gt3A_157 = arith.cmpi sgt, %select_n3A, %gt3A_156 : vector<100x128xi32>
    %convert_element_type3A_158 = arith.extui %gt3A_157 : vector<100x128xi1> to vector<100x128xi32>
    %reduce_sum3A_159 = arith.constant dense<0> : vector<128xi32>
    %reduce_sum3A_160 = vector.multi_reduction <add>, %convert_element_type3A_158, %reduce_sum3A_159 [0] : vector<100x128xi32> to vector<128xi32>
    %broadcast_in_dim3A_161 = vector.shape_cast %reduce_sum3A_160 : vector<128xi32> to vector<1x128xi32>
    %ge3A_162 = arith.constant 50 : i32
    %ge3A_163 = vector.broadcast %ge3A_162 : i32 to vector<1x128xi32>
    %ge3A_164 = arith.cmpi sge, %broadcast_in_dim3A_161, %ge3A_163 : vector<1x128xi32>
    %add3A_165 = arith.constant 1 : i32
    %add3A_166 = vector.broadcast %add3A_165 : i32 to vector<1x128xi32>
    %add3A_167 = arith.addi %add3A_155, %add3A_166 : vector<1x128xi32>
    %select_n3A_168 = arith.select %ge3A_164, %add3A_167, %select_n3A_142 : vector<1x128xi1>, vector<1x128xi32>
    %select_n3A_169 = arith.select %ge3A_164, %select_n3A_143, %add3A_155 : vector<1x128xi1>, vector<1x128xi32>
    %shift_right_arithmetic3A_170 = arith.constant 1 : i32
    %shift_right_arithmetic3A_171 = vector.broadcast %shift_right_arithmetic3A_170 : i32 to vector<1x128xi32>
    %shift_right_arithmetic3A_172 = arith.shrsi %select_n3A_168, %shift_right_arithmetic3A_171 : vector<1x128xi32>
    %shift_right_arithmetic3A_173 = arith.constant 1 : i32
    %shift_right_arithmetic3A_174 = vector.broadcast %shift_right_arithmetic3A_173 : i32 to vector<1x128xi32>
    %shift_right_arithmetic3A_175 = arith.shrsi %select_n3A_169, %shift_right_arithmetic3A_174 : vector<1x128xi32>
    %add3A_176 = arith.addi %shift_right_arithmetic3A_172, %shift_right_arithmetic3A_175 : vector<1x128xi32>
    %and3A_177 = arith.andi %select_n3A_168, %select_n3A_169 : vector<1x128xi32>
    %and3A_178 = arith.constant 1 : i32
    %and3A_179 = vector.broadcast %and3A_178 : i32 to vector<1x128xi32>
    %and3A_180 = arith.andi %and3A_177, %and3A_179 : vector<1x128xi32>
    %add3A_181 = arith.addi %add3A_176, %and3A_180 : vector<1x128xi32>
    %gt3A_182 = vector.broadcast %add3A_181 : vector<1x128xi32> to vector<100x128xi32>
    %gt3A_183 = arith.cmpi sgt, %select_n3A, %gt3A_182 : vector<100x128xi32>
    %convert_element_type3A_184 = arith.extui %gt3A_183 : vector<100x128xi1> to vector<100x128xi32>
    %reduce_sum3A_185 = arith.constant dense<0> : vector<128xi32>
    %reduce_sum3A_186 = vector.multi_reduction <add>, %convert_element_type3A_184, %reduce_sum3A_185 [0] : vector<100x128xi32> to vector<128xi32>
    %broadcast_in_dim3A_187 = vector.shape_cast %reduce_sum3A_186 : vector<128xi32> to vector<1x128xi32>
    %ge3A_188 = arith.constant 50 : i32
    %ge3A_189 = vector.broadcast %ge3A_188 : i32 to vector<1x128xi32>
    %ge3A_190 = arith.cmpi sge, %broadcast_in_dim3A_187, %ge3A_189 : vector<1x128xi32>
    %add3A_191 = arith.constant 1 : i32
    %add3A_192 = vector.broadcast %add3A_191 : i32 to vector<1x128xi32>
    %add3A_193 = arith.addi %add3A_181, %add3A_192 : vector<1x128xi32>
    %select_n3A_194 = arith.select %ge3A_190, %add3A_193, %select_n3A_168 : vector<1x128xi1>, vector<1x128xi32>
    %select_n3A_195 = arith.select %ge3A_190, %select_n3A_169, %add3A_181 : vector<1x128xi1>, vector<1x128xi32>
    %shift_right_arithmetic3A_196 = arith.constant 1 : i32
    %shift_right_arithmetic3A_197 = vector.broadcast %shift_right_arithmetic3A_196 : i32 to vector<1x128xi32>
    %shift_right_arithmetic3A_198 = arith.shrsi %select_n3A_194, %shift_right_arithmetic3A_197 : vector<1x128xi32>
    %shift_right_arithmetic3A_199 = arith.constant 1 : i32
    %shift_right_arithmetic3A_200 = vector.broadcast %shift_right_arithmetic3A_199 : i32 to vector<1x128xi32>
    %shift_right_arithmetic3A_201 = arith.shrsi %select_n3A_195, %shift_right_arithmetic3A_200 : vector<1x128xi32>
    %add3A_202 = arith.addi %shift_right_arithmetic3A_198, %shift_right_arithmetic3A_201 : vector<1x128xi32>
    %and3A_203 = arith.andi %select_n3A_194, %select_n3A_195 : vector<1x128xi32>
    %and3A_204 = arith.constant 1 : i32
    %and3A_205 = vector.broadcast %and3A_204 : i32 to vector<1x128xi32>
    %and3A_206 = arith.andi %and3A_203, %and3A_205 : vector<1x128xi32>
    %add3A_207 = arith.addi %add3A_202, %and3A_206 : vector<1x128xi32>
    %gt3A_208 = vector.broadcast %add3A_207 : vector<1x128xi32> to vector<100x128xi32>
    %gt3A_209 = arith.cmpi sgt, %select_n3A, %gt3A_208 : vector<100x128xi32>
    %convert_element_type3A_210 = arith.extui %gt3A_209 : vector<100x128xi1> to vector<100x128xi32>
    %reduce_sum3A_211 = arith.constant dense<0> : vector<128xi32>
    %reduce_sum3A_212 = vector.multi_reduction <add>, %convert_element_type3A_210, %reduce_sum3A_211 [0] : vector<100x128xi32> to vector<128xi32>
    %broadcast_in_dim3A_213 = vector.shape_cast %reduce_sum3A_212 : vector<128xi32> to vector<1x128xi32>
    %ge3A_214 = arith.constant 50 : i32
    %ge3A_215 = vector.broadcast %ge3A_214 : i32 to vector<1x128xi32>
    %ge3A_216 = arith.cmpi sge, %broadcast_in_dim3A_213, %ge3A_215 : vector<1x128xi32>
    %add3A_217 = arith.constant 1 : i32
    %add3A_218 = vector.broadcast %add3A_217 : i32 to vector<1x128xi32>
    %add3A_219 = arith.addi %add3A_207, %add3A_218 : vector<1x128xi32>
    %select_n3A_220 = arith.select %ge3A_216, %add3A_219, %select_n3A_194 : vector<1x128xi1>, vector<1x128xi32>
    %select_n3A_221 = arith.select %ge3A_216, %select_n3A_195, %add3A_207 : vector<1x128xi1>, vector<1x128xi32>
    %shift_right_arithmetic3A_222 = arith.constant 1 : i32
    %shift_right_arithmetic3A_223 = vector.broadcast %shift_right_arithmetic3A_222 : i32 to vector<1x128xi32>
    %shift_right_arithmetic3A_224 = arith.shrsi %select_n3A_220, %shift_right_arithmetic3A_223 : vector<1x128xi32>
    %shift_right_arithmetic3A_225 = arith.constant 1 : i32
    %shift_right_arithmetic3A_226 = vector.broadcast %shift_right_arithmetic3A_225 : i32 to vector<1x128xi32>
    %shift_right_arithmetic3A_227 = arith.shrsi %select_n3A_221, %shift_right_arithmetic3A_226 : vector<1x128xi32>
    %add3A_228 = arith.addi %shift_right_arithmetic3A_224, %shift_right_arithmetic3A_227 : vector<1x128xi32>
    %and3A_229 = arith.andi %select_n3A_220, %select_n3A_221 : vector<1x128xi32>
    %and3A_230 = arith.constant 1 : i32
    %and3A_231 = vector.broadcast %and3A_230 : i32 to vector<1x128xi32>
    %and3A_232 = arith.andi %and3A_229, %and3A_231 : vector<1x128xi32>
    %add3A_233 = arith.addi %add3A_228, %and3A_232 : vector<1x128xi32>
    %gt3A_234 = vector.broadcast %add3A_233 : vector<1x128xi32> to vector<100x128xi32>
    %gt3A_235 = arith.cmpi sgt, %select_n3A, %gt3A_234 : vector<100x128xi32>
    %convert_element_type3A_236 = arith.extui %gt3A_235 : vector<100x128xi1> to vector<100x128xi32>
    %reduce_sum3A_237 = arith.constant dense<0> : vector<128xi32>
    %reduce_sum3A_238 = vector.multi_reduction <add>, %convert_element_type3A_236, %reduce_sum3A_237 [0] : vector<100x128xi32> to vector<128xi32>
    %broadcast_in_dim3A_239 = vector.shape_cast %reduce_sum3A_238 : vector<128xi32> to vector<1x128xi32>
    %ge3A_240 = arith.constant 50 : i32
    %ge3A_241 = vector.broadcast %ge3A_240 : i32 to vector<1x128xi32>
    %ge3A_242 = arith.cmpi sge, %broadcast_in_dim3A_239, %ge3A_241 : vector<1x128xi32>
    %add3A_243 = arith.constant 1 : i32
    %add3A_244 = vector.broadcast %add3A_243 : i32 to vector<1x128xi32>
    %add3A_245 = arith.addi %add3A_233, %add3A_244 : vector<1x128xi32>
    %select_n3A_246 = arith.select %ge3A_242, %add3A_245, %select_n3A_220 : vector<1x128xi1>, vector<1x128xi32>
    %select_n3A_247 = arith.select %ge3A_242, %select_n3A_221, %add3A_233 : vector<1x128xi1>, vector<1x128xi32>
    %shift_right_arithmetic3A_248 = arith.constant 1 : i32
    %shift_right_arithmetic3A_249 = vector.broadcast %shift_right_arithmetic3A_248 : i32 to vector<1x128xi32>
    %shift_right_arithmetic3A_250 = arith.shrsi %select_n3A_246, %shift_right_arithmetic3A_249 : vector<1x128xi32>
    %shift_right_arithmetic3A_251 = arith.constant 1 : i32
    %shift_right_arithmetic3A_252 = vector.broadcast %shift_right_arithmetic3A_251 : i32 to vector<1x128xi32>
    %shift_right_arithmetic3A_253 = arith.shrsi %select_n3A_247, %shift_right_arithmetic3A_252 : vector<1x128xi32>
    %add3A_254 = arith.addi %shift_right_arithmetic3A_250, %shift_right_arithmetic3A_253 : vector<1x128xi32>
    %and3A_255 = arith.andi %select_n3A_246, %select_n3A_247 : vector<1x128xi32>
    %and3A_256 = arith.constant 1 : i32
    %and3A_257 = vector.broadcast %and3A_256 : i32 to vector<1x128xi32>
    %and3A_258 = arith.andi %and3A_255, %and3A_257 : vector<1x128xi32>
    %add3A_259 = arith.addi %add3A_254, %and3A_258 : vector<1x128xi32>
    %gt3A_260 = vector.broadcast %add3A_259 : vector<1x128xi32> to vector<100x128xi32>
    %gt3A_261 = arith.cmpi sgt, %select_n3A, %gt3A_260 : vector<100x128xi32>
    %convert_element_type3A_262 = arith.extui %gt3A_261 : vector<100x128xi1> to vector<100x128xi32>
    %reduce_sum3A_263 = arith.constant dense<0> : vector<128xi32>
    %reduce_sum3A_264 = vector.multi_reduction <add>, %convert_element_type3A_262, %reduce_sum3A_263 [0] : vector<100x128xi32> to vector<128xi32>
    %broadcast_in_dim3A_265 = vector.shape_cast %reduce_sum3A_264 : vector<128xi32> to vector<1x128xi32>
    %ge3A_266 = arith.constant 50 : i32
    %ge3A_267 = vector.broadcast %ge3A_266 : i32 to vector<1x128xi32>
    %ge3A_268 = arith.cmpi sge, %broadcast_in_dim3A_265, %ge3A_267 : vector<1x128xi32>
    %add3A_269 = arith.constant 1 : i32
    %add3A_270 = vector.broadcast %add3A_269 : i32 to vector<1x128xi32>
    %add3A_271 = arith.addi %add3A_259, %add3A_270 : vector<1x128xi32>
    %select_n3A_272 = arith.select %ge3A_268, %add3A_271, %select_n3A_246 : vector<1x128xi1>, vector<1x128xi32>
    %select_n3A_273 = arith.select %ge3A_268, %select_n3A_247, %add3A_259 : vector<1x128xi1>, vector<1x128xi32>
    %shift_right_arithmetic3A_274 = arith.constant 1 : i32
    %shift_right_arithmetic3A_275 = vector.broadcast %shift_right_arithmetic3A_274 : i32 to vector<1x128xi32>
    %shift_right_arithmetic3A_276 = arith.shrsi %select_n3A_272, %shift_right_arithmetic3A_275 : vector<1x128xi32>
    %shift_right_arithmetic3A_277 = arith.constant 1 : i32
    %shift_right_arithmetic3A_278 = vector.broadcast %shift_right_arithmetic3A_277 : i32 to vector<1x128xi32>
    %shift_right_arithmetic3A_279 = arith.shrsi %select_n3A_273, %shift_right_arithmetic3A_278 : vector<1x128xi32>
    %add3A_280 = arith.addi %shift_right_arithmetic3A_276, %shift_right_arithmetic3A_279 : vector<1x128xi32>
    %and3A_281 = arith.andi %select_n3A_272, %select_n3A_273 : vector<1x128xi32>
    %and3A_282 = arith.constant 1 : i32
    %and3A_283 = vector.broadcast %and3A_282 : i32 to vector<1x128xi32>
    %and3A_284 = arith.andi %and3A_281, %and3A_283 : vector<1x128xi32>
    %add3A_285 = arith.addi %add3A_280, %and3A_284 : vector<1x128xi32>
    %gt3A_286 = vector.broadcast %add3A_285 : vector<1x128xi32> to vector<100x128xi32>
    %gt3A_287 = arith.cmpi sgt, %select_n3A, %gt3A_286 : vector<100x128xi32>
    %convert_element_type3A_288 = arith.extui %gt3A_287 : vector<100x128xi1> to vector<100x128xi32>
    %reduce_sum3A_289 = arith.constant dense<0> : vector<128xi32>
    %reduce_sum3A_290 = vector.multi_reduction <add>, %convert_element_type3A_288, %reduce_sum3A_289 [0] : vector<100x128xi32> to vector<128xi32>
    %broadcast_in_dim3A_291 = vector.shape_cast %reduce_sum3A_290 : vector<128xi32> to vector<1x128xi32>
    %ge3A_292 = arith.constant 50 : i32
    %ge3A_293 = vector.broadcast %ge3A_292 : i32 to vector<1x128xi32>
    %ge3A_294 = arith.cmpi sge, %broadcast_in_dim3A_291, %ge3A_293 : vector<1x128xi32>
    %add3A_295 = arith.constant 1 : i32
    %add3A_296 = vector.broadcast %add3A_295 : i32 to vector<1x128xi32>
    %add3A_297 = arith.addi %add3A_285, %add3A_296 : vector<1x128xi32>
    %select_n3A_298 = arith.select %ge3A_294, %add3A_297, %select_n3A_272 : vector<1x128xi1>, vector<1x128xi32>
    %select_n3A_299 = arith.select %ge3A_294, %select_n3A_273, %add3A_285 : vector<1x128xi1>, vector<1x128xi32>
    %shift_right_arithmetic3A_300 = arith.constant 1 : i32
    %shift_right_arithmetic3A_301 = vector.broadcast %shift_right_arithmetic3A_300 : i32 to vector<1x128xi32>
    %shift_right_arithmetic3A_302 = arith.shrsi %select_n3A_298, %shift_right_arithmetic3A_301 : vector<1x128xi32>
    %shift_right_arithmetic3A_303 = arith.constant 1 : i32
    %shift_right_arithmetic3A_304 = vector.broadcast %shift_right_arithmetic3A_303 : i32 to vector<1x128xi32>
    %shift_right_arithmetic3A_305 = arith.shrsi %select_n3A_299, %shift_right_arithmetic3A_304 : vector<1x128xi32>
    %add3A_306 = arith.addi %shift_right_arithmetic3A_302, %shift_right_arithmetic3A_305 : vector<1x128xi32>
    %and3A_307 = arith.andi %select_n3A_298, %select_n3A_299 : vector<1x128xi32>
    %and3A_308 = arith.constant 1 : i32
    %and3A_309 = vector.broadcast %and3A_308 : i32 to vector<1x128xi32>
    %and3A_310 = arith.andi %and3A_307, %and3A_309 : vector<1x128xi32>
    %add3A_311 = arith.addi %add3A_306, %and3A_310 : vector<1x128xi32>
    %gt3A_312 = vector.broadcast %add3A_311 : vector<1x128xi32> to vector<100x128xi32>
    %gt3A_313 = arith.cmpi sgt, %select_n3A, %gt3A_312 : vector<100x128xi32>
    %convert_element_type3A_314 = arith.extui %gt3A_313 : vector<100x128xi1> to vector<100x128xi32>
    %reduce_sum3A_315 = arith.constant dense<0> : vector<128xi32>
    %reduce_sum3A_316 = vector.multi_reduction <add>, %convert_element_type3A_314, %reduce_sum3A_315 [0] : vector<100x128xi32> to vector<128xi32>
    %broadcast_in_dim3A_317 = vector.shape_cast %reduce_sum3A_316 : vector<128xi32> to vector<1x128xi32>
    %ge3A_318 = arith.constant 50 : i32
    %ge3A_319 = vector.broadcast %ge3A_318 : i32 to vector<1x128xi32>
    %ge3A_320 = arith.cmpi sge, %broadcast_in_dim3A_317, %ge3A_319 : vector<1x128xi32>
    %add3A_321 = arith.constant 1 : i32
    %add3A_322 = vector.broadcast %add3A_321 : i32 to vector<1x128xi32>
    %add3A_323 = arith.addi %add3A_311, %add3A_322 : vector<1x128xi32>
    %select_n3A_324 = arith.select %ge3A_320, %add3A_323, %select_n3A_298 : vector<1x128xi1>, vector<1x128xi32>
    %select_n3A_325 = arith.select %ge3A_320, %select_n3A_299, %add3A_311 : vector<1x128xi1>, vector<1x128xi32>
    %shift_right_arithmetic3A_326 = arith.constant 1 : i32
    %shift_right_arithmetic3A_327 = vector.broadcast %shift_right_arithmetic3A_326 : i32 to vector<1x128xi32>
    %shift_right_arithmetic3A_328 = arith.shrsi %select_n3A_324, %shift_right_arithmetic3A_327 : vector<1x128xi32>
    %shift_right_arithmetic3A_329 = arith.constant 1 : i32
    %shift_right_arithmetic3A_330 = vector.broadcast %shift_right_arithmetic3A_329 : i32 to vector<1x128xi32>
    %shift_right_arithmetic3A_331 = arith.shrsi %select_n3A_325, %shift_right_arithmetic3A_330 : vector<1x128xi32>
    %add3A_332 = arith.addi %shift_right_arithmetic3A_328, %shift_right_arithmetic3A_331 : vector<1x128xi32>
    %and3A_333 = arith.andi %select_n3A_324, %select_n3A_325 : vector<1x128xi32>
    %and3A_334 = arith.constant 1 : i32
    %and3A_335 = vector.broadcast %and3A_334 : i32 to vector<1x128xi32>
    %and3A_336 = arith.andi %and3A_333, %and3A_335 : vector<1x128xi32>
    %add3A_337 = arith.addi %add3A_332, %and3A_336 : vector<1x128xi32>
    %gt3A_338 = vector.broadcast %add3A_337 : vector<1x128xi32> to vector<100x128xi32>
    %gt3A_339 = arith.cmpi sgt, %select_n3A, %gt3A_338 : vector<100x128xi32>
    %convert_element_type3A_340 = arith.extui %gt3A_339 : vector<100x128xi1> to vector<100x128xi32>
    %reduce_sum3A_341 = arith.constant dense<0> : vector<128xi32>
    %reduce_sum3A_342 = vector.multi_reduction <add>, %convert_element_type3A_340, %reduce_sum3A_341 [0] : vector<100x128xi32> to vector<128xi32>
    %broadcast_in_dim3A_343 = vector.shape_cast %reduce_sum3A_342 : vector<128xi32> to vector<1x128xi32>
    %ge3A_344 = arith.constant 50 : i32
    %ge3A_345 = vector.broadcast %ge3A_344 : i32 to vector<1x128xi32>
    %ge3A_346 = arith.cmpi sge, %broadcast_in_dim3A_343, %ge3A_345 : vector<1x128xi32>
    %add3A_347 = arith.constant 1 : i32
    %add3A_348 = vector.broadcast %add3A_347 : i32 to vector<1x128xi32>
    %add3A_349 = arith.addi %add3A_337, %add3A_348 : vector<1x128xi32>
    %select_n3A_350 = arith.select %ge3A_346, %add3A_349, %select_n3A_324 : vector<1x128xi1>, vector<1x128xi32>
    %select_n3A_351 = arith.select %ge3A_346, %select_n3A_325, %add3A_337 : vector<1x128xi1>, vector<1x128xi32>
    %shift_right_arithmetic3A_352 = arith.constant 1 : i32
    %shift_right_arithmetic3A_353 = vector.broadcast %shift_right_arithmetic3A_352 : i32 to vector<1x128xi32>
    %shift_right_arithmetic3A_354 = arith.shrsi %select_n3A_350, %shift_right_arithmetic3A_353 : vector<1x128xi32>
    %shift_right_arithmetic3A_355 = arith.constant 1 : i32
    %shift_right_arithmetic3A_356 = vector.broadcast %shift_right_arithmetic3A_355 : i32 to vector<1x128xi32>
    %shift_right_arithmetic3A_357 = arith.shrsi %select_n3A_351, %shift_right_arithmetic3A_356 : vector<1x128xi32>
    %add3A_358 = arith.addi %shift_right_arithmetic3A_354, %shift_right_arithmetic3A_357 : vector<1x128xi32>
    %and3A_359 = arith.andi %select_n3A_350, %select_n3A_351 : vector<1x128xi32>
    %and3A_360 = arith.constant 1 : i32
    %and3A_361 = vector.broadcast %and3A_360 : i32 to vector<1x128xi32>
    %and3A_362 = arith.andi %and3A_359, %and3A_361 : vector<1x128xi32>
    %add3A_363 = arith.addi %add3A_358, %and3A_362 : vector<1x128xi32>
    %gt3A_364 = vector.broadcast %add3A_363 : vector<1x128xi32> to vector<100x128xi32>
    %gt3A_365 = arith.cmpi sgt, %select_n3A, %gt3A_364 : vector<100x128xi32>
    %convert_element_type3A_366 = arith.extui %gt3A_365 : vector<100x128xi1> to vector<100x128xi32>
    %reduce_sum3A_367 = arith.constant dense<0> : vector<128xi32>
    %reduce_sum3A_368 = vector.multi_reduction <add>, %convert_element_type3A_366, %reduce_sum3A_367 [0] : vector<100x128xi32> to vector<128xi32>
    %broadcast_in_dim3A_369 = vector.shape_cast %reduce_sum3A_368 : vector<128xi32> to vector<1x128xi32>
    %ge3A_370 = arith.constant 50 : i32
    %ge3A_371 = vector.broadcast %ge3A_370 : i32 to vector<1x128xi32>
    %ge3A_372 = arith.cmpi sge, %broadcast_in_dim3A_369, %ge3A_371 : vector<1x128xi32>
    %add3A_373 = arith.constant 1 : i32
    %add3A_374 = vector.broadcast %add3A_373 : i32 to vector<1x128xi32>
    %add3A_375 = arith.addi %add3A_363, %add3A_374 : vector<1x128xi32>
    %select_n3A_376 = arith.select %ge3A_372, %add3A_375, %select_n3A_350 : vector<1x128xi1>, vector<1x128xi32>
    %select_n3A_377 = arith.select %ge3A_372, %select_n3A_351, %add3A_363 : vector<1x128xi1>, vector<1x128xi32>
    %shift_right_arithmetic3A_378 = arith.constant 1 : i32
    %shift_right_arithmetic3A_379 = vector.broadcast %shift_right_arithmetic3A_378 : i32 to vector<1x128xi32>
    %shift_right_arithmetic3A_380 = arith.shrsi %select_n3A_376, %shift_right_arithmetic3A_379 : vector<1x128xi32>
    %shift_right_arithmetic3A_381 = arith.constant 1 : i32
    %shift_right_arithmetic3A_382 = vector.broadcast %shift_right_arithmetic3A_381 : i32 to vector<1x128xi32>
    %shift_right_arithmetic3A_383 = arith.shrsi %select_n3A_377, %shift_right_arithmetic3A_382 : vector<1x128xi32>
    %add3A_384 = arith.addi %shift_right_arithmetic3A_380, %shift_right_arithmetic3A_383 : vector<1x128xi32>
    %and3A_385 = arith.andi %select_n3A_376, %select_n3A_377 : vector<1x128xi32>
    %and3A_386 = arith.constant 1 : i32
    %and3A_387 = vector.broadcast %and3A_386 : i32 to vector<1x128xi32>
    %and3A_388 = arith.andi %and3A_385, %and3A_387 : vector<1x128xi32>
    %add3A_389 = arith.addi %add3A_384, %and3A_388 : vector<1x128xi32>
    %gt3A_390 = vector.broadcast %add3A_389 : vector<1x128xi32> to vector<100x128xi32>
    %gt3A_391 = arith.cmpi sgt, %select_n3A, %gt3A_390 : vector<100x128xi32>
    %convert_element_type3A_392 = arith.extui %gt3A_391 : vector<100x128xi1> to vector<100x128xi32>
    %reduce_sum3A_393 = arith.constant dense<0> : vector<128xi32>
    %reduce_sum3A_394 = vector.multi_reduction <add>, %convert_element_type3A_392, %reduce_sum3A_393 [0] : vector<100x128xi32> to vector<128xi32>
    %broadcast_in_dim3A_395 = vector.shape_cast %reduce_sum3A_394 : vector<128xi32> to vector<1x128xi32>
    %ge3A_396 = arith.constant 50 : i32
    %ge3A_397 = vector.broadcast %ge3A_396 : i32 to vector<1x128xi32>
    %ge3A_398 = arith.cmpi sge, %broadcast_in_dim3A_395, %ge3A_397 : vector<1x128xi32>
    %add3A_399 = arith.constant 1 : i32
    %add3A_400 = vector.broadcast %add3A_399 : i32 to vector<1x128xi32>
    %add3A_401 = arith.addi %add3A_389, %add3A_400 : vector<1x128xi32>
    %select_n3A_402 = arith.select %ge3A_398, %add3A_401, %select_n3A_376 : vector<1x128xi1>, vector<1x128xi32>
    %select_n3A_403 = arith.select %ge3A_398, %select_n3A_377, %add3A_389 : vector<1x128xi1>, vector<1x128xi32>
    %shift_right_arithmetic3A_404 = arith.constant 1 : i32
    %shift_right_arithmetic3A_405 = vector.broadcast %shift_right_arithmetic3A_404 : i32 to vector<1x128xi32>
    %shift_right_arithmetic3A_406 = arith.shrsi %select_n3A_402, %shift_right_arithmetic3A_405 : vector<1x128xi32>
    %shift_right_arithmetic3A_407 = arith.constant 1 : i32
    %shift_right_arithmetic3A_408 = vector.broadcast %shift_right_arithmetic3A_407 : i32 to vector<1x128xi32>
    %shift_right_arithmetic3A_409 = arith.shrsi %select_n3A_403, %shift_right_arithmetic3A_408 : vector<1x128xi32>
    %add3A_410 = arith.addi %shift_right_arithmetic3A_406, %shift_right_arithmetic3A_409 : vector<1x128xi32>
    %and3A_411 = arith.andi %select_n3A_402, %select_n3A_403 : vector<1x128xi32>
    %and3A_412 = arith.constant 1 : i32
    %and3A_413 = vector.broadcast %and3A_412 : i32 to vector<1x128xi32>
    %and3A_414 = arith.andi %and3A_411, %and3A_413 : vector<1x128xi32>
    %add3A_415 = arith.addi %add3A_410, %and3A_414 : vector<1x128xi32>
    %gt3A_416 = vector.broadcast %add3A_415 : vector<1x128xi32> to vector<100x128xi32>
    %gt3A_417 = arith.cmpi sgt, %select_n3A, %gt3A_416 : vector<100x128xi32>
    %convert_element_type3A_418 = arith.extui %gt3A_417 : vector<100x128xi1> to vector<100x128xi32>
    %reduce_sum3A_419 = arith.constant dense<0> : vector<128xi32>
    %reduce_sum3A_420 = vector.multi_reduction <add>, %convert_element_type3A_418, %reduce_sum3A_419 [0] : vector<100x128xi32> to vector<128xi32>
    %broadcast_in_dim3A_421 = vector.shape_cast %reduce_sum3A_420 : vector<128xi32> to vector<1x128xi32>
    %ge3A_422 = arith.constant 50 : i32
    %ge3A_423 = vector.broadcast %ge3A_422 : i32 to vector<1x128xi32>
    %ge3A_424 = arith.cmpi sge, %broadcast_in_dim3A_421, %ge3A_423 : vector<1x128xi32>
    %add3A_425 = arith.constant 1 : i32
    %add3A_426 = vector.broadcast %add3A_425 : i32 to vector<1x128xi32>
    %add3A_427 = arith.addi %add3A_415, %add3A_426 : vector<1x128xi32>
    %select_n3A_428 = arith.select %ge3A_424, %add3A_427, %select_n3A_402 : vector<1x128xi1>, vector<1x128xi32>
    %select_n3A_429 = arith.select %ge3A_424, %select_n3A_403, %add3A_415 : vector<1x128xi1>, vector<1x128xi32>
    %shift_right_arithmetic3A_430 = arith.constant 1 : i32
    %shift_right_arithmetic3A_431 = vector.broadcast %shift_right_arithmetic3A_430 : i32 to vector<1x128xi32>
    %shift_right_arithmetic3A_432 = arith.shrsi %select_n3A_428, %shift_right_arithmetic3A_431 : vector<1x128xi32>
    %shift_right_arithmetic3A_433 = arith.constant 1 : i32
    %shift_right_arithmetic3A_434 = vector.broadcast %shift_right_arithmetic3A_433 : i32 to vector<1x128xi32>
    %shift_right_arithmetic3A_435 = arith.shrsi %select_n3A_429, %shift_right_arithmetic3A_434 : vector<1x128xi32>
    %add3A_436 = arith.addi %shift_right_arithmetic3A_432, %shift_right_arithmetic3A_435 : vector<1x128xi32>
    %and3A_437 = arith.andi %select_n3A_428, %select_n3A_429 : vector<1x128xi32>
    %and3A_438 = arith.constant 1 : i32
    %and3A_439 = vector.broadcast %and3A_438 : i32 to vector<1x128xi32>
    %and3A_440 = arith.andi %and3A_437, %and3A_439 : vector<1x128xi32>
    %add3A_441 = arith.addi %add3A_436, %and3A_440 : vector<1x128xi32>
    %gt3A_442 = vector.broadcast %add3A_441 : vector<1x128xi32> to vector<100x128xi32>
    %gt3A_443 = arith.cmpi sgt, %select_n3A, %gt3A_442 : vector<100x128xi32>
    %convert_element_type3A_444 = arith.extui %gt3A_443 : vector<100x128xi1> to vector<100x128xi32>
    %reduce_sum3A_445 = arith.constant dense<0> : vector<128xi32>
    %reduce_sum3A_446 = vector.multi_reduction <add>, %convert_element_type3A_444, %reduce_sum3A_445 [0] : vector<100x128xi32> to vector<128xi32>
    %broadcast_in_dim3A_447 = vector.shape_cast %reduce_sum3A_446 : vector<128xi32> to vector<1x128xi32>
    %ge3A_448 = arith.constant 50 : i32
    %ge3A_449 = vector.broadcast %ge3A_448 : i32 to vector<1x128xi32>
    %ge3A_450 = arith.cmpi sge, %broadcast_in_dim3A_447, %ge3A_449 : vector<1x128xi32>
    %add3A_451 = arith.constant 1 : i32
    %add3A_452 = vector.broadcast %add3A_451 : i32 to vector<1x128xi32>
    %add3A_453 = arith.addi %add3A_441, %add3A_452 : vector<1x128xi32>
    %select_n3A_454 = arith.select %ge3A_450, %add3A_453, %select_n3A_428 : vector<1x128xi1>, vector<1x128xi32>
    %select_n3A_455 = arith.select %ge3A_450, %select_n3A_429, %add3A_441 : vector<1x128xi1>, vector<1x128xi32>
    %shift_right_arithmetic3A_456 = arith.constant 1 : i32
    %shift_right_arithmetic3A_457 = vector.broadcast %shift_right_arithmetic3A_456 : i32 to vector<1x128xi32>
    %shift_right_arithmetic3A_458 = arith.shrsi %select_n3A_454, %shift_right_arithmetic3A_457 : vector<1x128xi32>
    %shift_right_arithmetic3A_459 = arith.constant 1 : i32
    %shift_right_arithmetic3A_460 = vector.broadcast %shift_right_arithmetic3A_459 : i32 to vector<1x128xi32>
    %shift_right_arithmetic3A_461 = arith.shrsi %select_n3A_455, %shift_right_arithmetic3A_460 : vector<1x128xi32>
    %add3A_462 = arith.addi %shift_right_arithmetic3A_458, %shift_right_arithmetic3A_461 : vector<1x128xi32>
    %and3A_463 = arith.andi %select_n3A_454, %select_n3A_455 : vector<1x128xi32>
    %and3A_464 = arith.constant 1 : i32
    %and3A_465 = vector.broadcast %and3A_464 : i32 to vector<1x128xi32>
    %and3A_466 = arith.andi %and3A_463, %and3A_465 : vector<1x128xi32>
    %add3A_467 = arith.addi %add3A_462, %and3A_466 : vector<1x128xi32>
    %gt3A_468 = vector.broadcast %add3A_467 : vector<1x128xi32> to vector<100x128xi32>
    %gt3A_469 = arith.cmpi sgt, %select_n3A, %gt3A_468 : vector<100x128xi32>
    %convert_element_type3A_470 = arith.extui %gt3A_469 : vector<100x128xi1> to vector<100x128xi32>
    %reduce_sum3A_471 = arith.constant dense<0> : vector<128xi32>
    %reduce_sum3A_472 = vector.multi_reduction <add>, %convert_element_type3A_470, %reduce_sum3A_471 [0] : vector<100x128xi32> to vector<128xi32>
    %broadcast_in_dim3A_473 = vector.shape_cast %reduce_sum3A_472 : vector<128xi32> to vector<1x128xi32>
    %ge3A_474 = arith.constant 50 : i32
    %ge3A_475 = vector.broadcast %ge3A_474 : i32 to vector<1x128xi32>
    %ge3A_476 = arith.cmpi sge, %broadcast_in_dim3A_473, %ge3A_475 : vector<1x128xi32>
    %add3A_477 = arith.constant 1 : i32
    %add3A_478 = vector.broadcast %add3A_477 : i32 to vector<1x128xi32>
    %add3A_479 = arith.addi %add3A_467, %add3A_478 : vector<1x128xi32>
    %select_n3A_480 = arith.select %ge3A_476, %add3A_479, %select_n3A_454 : vector<1x128xi1>, vector<1x128xi32>
    %select_n3A_481 = arith.select %ge3A_476, %select_n3A_455, %add3A_467 : vector<1x128xi1>, vector<1x128xi32>
    %shift_right_arithmetic3A_482 = arith.constant 1 : i32
    %shift_right_arithmetic3A_483 = vector.broadcast %shift_right_arithmetic3A_482 : i32 to vector<1x128xi32>
    %shift_right_arithmetic3A_484 = arith.shrsi %select_n3A_480, %shift_right_arithmetic3A_483 : vector<1x128xi32>
    %shift_right_arithmetic3A_485 = arith.constant 1 : i32
    %shift_right_arithmetic3A_486 = vector.broadcast %shift_right_arithmetic3A_485 : i32 to vector<1x128xi32>
    %shift_right_arithmetic3A_487 = arith.shrsi %select_n3A_481, %shift_right_arithmetic3A_486 : vector<1x128xi32>
    %add3A_488 = arith.addi %shift_right_arithmetic3A_484, %shift_right_arithmetic3A_487 : vector<1x128xi32>
    %and3A_489 = arith.andi %select_n3A_480, %select_n3A_481 : vector<1x128xi32>
    %and3A_490 = arith.constant 1 : i32
    %and3A_491 = vector.broadcast %and3A_490 : i32 to vector<1x128xi32>
    %and3A_492 = arith.andi %and3A_489, %and3A_491 : vector<1x128xi32>
    %add3A_493 = arith.addi %add3A_488, %and3A_492 : vector<1x128xi32>
    %gt3A_494 = vector.broadcast %add3A_493 : vector<1x128xi32> to vector<100x128xi32>
    %gt3A_495 = arith.cmpi sgt, %select_n3A, %gt3A_494 : vector<100x128xi32>
    %convert_element_type3A_496 = arith.extui %gt3A_495 : vector<100x128xi1> to vector<100x128xi32>
    %reduce_sum3A_497 = arith.constant dense<0> : vector<128xi32>
    %reduce_sum3A_498 = vector.multi_reduction <add>, %convert_element_type3A_496, %reduce_sum3A_497 [0] : vector<100x128xi32> to vector<128xi32>
    %broadcast_in_dim3A_499 = vector.shape_cast %reduce_sum3A_498 : vector<128xi32> to vector<1x128xi32>
    %ge3A_500 = arith.constant 50 : i32
    %ge3A_501 = vector.broadcast %ge3A_500 : i32 to vector<1x128xi32>
    %ge3A_502 = arith.cmpi sge, %broadcast_in_dim3A_499, %ge3A_501 : vector<1x128xi32>
    %add3A_503 = arith.constant 1 : i32
    %add3A_504 = vector.broadcast %add3A_503 : i32 to vector<1x128xi32>
    %add3A_505 = arith.addi %add3A_493, %add3A_504 : vector<1x128xi32>
    %select_n3A_506 = arith.select %ge3A_502, %add3A_505, %select_n3A_480 : vector<1x128xi1>, vector<1x128xi32>
    %select_n3A_507 = arith.select %ge3A_502, %select_n3A_481, %add3A_493 : vector<1x128xi1>, vector<1x128xi32>
    %shift_right_arithmetic3A_508 = arith.constant 1 : i32
    %shift_right_arithmetic3A_509 = vector.broadcast %shift_right_arithmetic3A_508 : i32 to vector<1x128xi32>
    %shift_right_arithmetic3A_510 = arith.shrsi %select_n3A_506, %shift_right_arithmetic3A_509 : vector<1x128xi32>
    %shift_right_arithmetic3A_511 = arith.constant 1 : i32
    %shift_right_arithmetic3A_512 = vector.broadcast %shift_right_arithmetic3A_511 : i32 to vector<1x128xi32>
    %shift_right_arithmetic3A_513 = arith.shrsi %select_n3A_507, %shift_right_arithmetic3A_512 : vector<1x128xi32>
    %add3A_514 = arith.addi %shift_right_arithmetic3A_510, %shift_right_arithmetic3A_513 : vector<1x128xi32>
    %and3A_515 = arith.andi %select_n3A_506, %select_n3A_507 : vector<1x128xi32>
    %and3A_516 = arith.constant 1 : i32
    %and3A_517 = vector.broadcast %and3A_516 : i32 to vector<1x128xi32>
    %and3A_518 = arith.andi %and3A_515, %and3A_517 : vector<1x128xi32>
    %add3A_519 = arith.addi %add3A_514, %and3A_518 : vector<1x128xi32>
    %gt3A_520 = vector.broadcast %add3A_519 : vector<1x128xi32> to vector<100x128xi32>
    %gt3A_521 = arith.cmpi sgt, %select_n3A, %gt3A_520 : vector<100x128xi32>
    %convert_element_type3A_522 = arith.extui %gt3A_521 : vector<100x128xi1> to vector<100x128xi32>
    %reduce_sum3A_523 = arith.constant dense<0> : vector<128xi32>
    %reduce_sum3A_524 = vector.multi_reduction <add>, %convert_element_type3A_522, %reduce_sum3A_523 [0] : vector<100x128xi32> to vector<128xi32>
    %broadcast_in_dim3A_525 = vector.shape_cast %reduce_sum3A_524 : vector<128xi32> to vector<1x128xi32>
    %ge3A_526 = arith.constant 50 : i32
    %ge3A_527 = vector.broadcast %ge3A_526 : i32 to vector<1x128xi32>
    %ge3A_528 = arith.cmpi sge, %broadcast_in_dim3A_525, %ge3A_527 : vector<1x128xi32>
    %add3A_529 = arith.constant 1 : i32
    %add3A_530 = vector.broadcast %add3A_529 : i32 to vector<1x128xi32>
    %add3A_531 = arith.addi %add3A_519, %add3A_530 : vector<1x128xi32>
    %select_n3A_532 = arith.select %ge3A_528, %add3A_531, %select_n3A_506 : vector<1x128xi1>, vector<1x128xi32>
    %select_n3A_533 = arith.select %ge3A_528, %select_n3A_507, %add3A_519 : vector<1x128xi1>, vector<1x128xi32>
    %shift_right_arithmetic3A_534 = arith.constant 1 : i32
    %shift_right_arithmetic3A_535 = vector.broadcast %shift_right_arithmetic3A_534 : i32 to vector<1x128xi32>
    %shift_right_arithmetic3A_536 = arith.shrsi %select_n3A_532, %shift_right_arithmetic3A_535 : vector<1x128xi32>
    %shift_right_arithmetic3A_537 = arith.constant 1 : i32
    %shift_right_arithmetic3A_538 = vector.broadcast %shift_right_arithmetic3A_537 : i32 to vector<1x128xi32>
    %shift_right_arithmetic3A_539 = arith.shrsi %select_n3A_533, %shift_right_arithmetic3A_538 : vector<1x128xi32>
    %add3A_540 = arith.addi %shift_right_arithmetic3A_536, %shift_right_arithmetic3A_539 : vector<1x128xi32>
    %and3A_541 = arith.andi %select_n3A_532, %select_n3A_533 : vector<1x128xi32>
    %and3A_542 = arith.constant 1 : i32
    %and3A_543 = vector.broadcast %and3A_542 : i32 to vector<1x128xi32>
    %and3A_544 = arith.andi %and3A_541, %and3A_543 : vector<1x128xi32>
    %add3A_545 = arith.addi %add3A_540, %and3A_544 : vector<1x128xi32>
    %gt3A_546 = vector.broadcast %add3A_545 : vector<1x128xi32> to vector<100x128xi32>
    %gt3A_547 = arith.cmpi sgt, %select_n3A, %gt3A_546 : vector<100x128xi32>
    %convert_element_type3A_548 = arith.extui %gt3A_547 : vector<100x128xi1> to vector<100x128xi32>
    %reduce_sum3A_549 = arith.constant dense<0> : vector<128xi32>
    %reduce_sum3A_550 = vector.multi_reduction <add>, %convert_element_type3A_548, %reduce_sum3A_549 [0] : vector<100x128xi32> to vector<128xi32>
    %broadcast_in_dim3A_551 = vector.shape_cast %reduce_sum3A_550 : vector<128xi32> to vector<1x128xi32>
    %ge3A_552 = arith.constant 50 : i32
    %ge3A_553 = vector.broadcast %ge3A_552 : i32 to vector<1x128xi32>
    %ge3A_554 = arith.cmpi sge, %broadcast_in_dim3A_551, %ge3A_553 : vector<1x128xi32>
    %add3A_555 = arith.constant 1 : i32
    %add3A_556 = vector.broadcast %add3A_555 : i32 to vector<1x128xi32>
    %add3A_557 = arith.addi %add3A_545, %add3A_556 : vector<1x128xi32>
    %select_n3A_558 = arith.select %ge3A_554, %add3A_557, %select_n3A_532 : vector<1x128xi1>, vector<1x128xi32>
    %select_n3A_559 = arith.select %ge3A_554, %select_n3A_533, %add3A_545 : vector<1x128xi1>, vector<1x128xi32>
    %shift_right_arithmetic3A_560 = arith.constant 1 : i32
    %shift_right_arithmetic3A_561 = vector.broadcast %shift_right_arithmetic3A_560 : i32 to vector<1x128xi32>
    %shift_right_arithmetic3A_562 = arith.shrsi %select_n3A_558, %shift_right_arithmetic3A_561 : vector<1x128xi32>
    %shift_right_arithmetic3A_563 = arith.constant 1 : i32
    %shift_right_arithmetic3A_564 = vector.broadcast %shift_right_arithmetic3A_563 : i32 to vector<1x128xi32>
    %shift_right_arithmetic3A_565 = arith.shrsi %select_n3A_559, %shift_right_arithmetic3A_564 : vector<1x128xi32>
    %add3A_566 = arith.addi %shift_right_arithmetic3A_562, %shift_right_arithmetic3A_565 : vector<1x128xi32>
    %and3A_567 = arith.andi %select_n3A_558, %select_n3A_559 : vector<1x128xi32>
    %and3A_568 = arith.constant 1 : i32
    %and3A_569 = vector.broadcast %and3A_568 : i32 to vector<1x128xi32>
    %and3A_570 = arith.andi %and3A_567, %and3A_569 : vector<1x128xi32>
    %add3A_571 = arith.addi %add3A_566, %and3A_570 : vector<1x128xi32>
    %gt3A_572 = vector.broadcast %add3A_571 : vector<1x128xi32> to vector<100x128xi32>
    %gt3A_573 = arith.cmpi sgt, %select_n3A, %gt3A_572 : vector<100x128xi32>
    %convert_element_type3A_574 = arith.extui %gt3A_573 : vector<100x128xi1> to vector<100x128xi32>
    %reduce_sum3A_575 = arith.constant dense<0> : vector<128xi32>
    %reduce_sum3A_576 = vector.multi_reduction <add>, %convert_element_type3A_574, %reduce_sum3A_575 [0] : vector<100x128xi32> to vector<128xi32>
    %broadcast_in_dim3A_577 = vector.shape_cast %reduce_sum3A_576 : vector<128xi32> to vector<1x128xi32>
    %ge3A_578 = arith.constant 50 : i32
    %ge3A_579 = vector.broadcast %ge3A_578 : i32 to vector<1x128xi32>
    %ge3A_580 = arith.cmpi sge, %broadcast_in_dim3A_577, %ge3A_579 : vector<1x128xi32>
    %add3A_581 = arith.constant 1 : i32
    %add3A_582 = vector.broadcast %add3A_581 : i32 to vector<1x128xi32>
    %add3A_583 = arith.addi %add3A_571, %add3A_582 : vector<1x128xi32>
    %select_n3A_584 = arith.select %ge3A_580, %add3A_583, %select_n3A_558 : vector<1x128xi1>, vector<1x128xi32>
    %select_n3A_585 = arith.select %ge3A_580, %select_n3A_559, %add3A_571 : vector<1x128xi1>, vector<1x128xi32>
    %shift_right_arithmetic3A_586 = arith.constant 1 : i32
    %shift_right_arithmetic3A_587 = vector.broadcast %shift_right_arithmetic3A_586 : i32 to vector<1x128xi32>
    %shift_right_arithmetic3A_588 = arith.shrsi %select_n3A_584, %shift_right_arithmetic3A_587 : vector<1x128xi32>
    %shift_right_arithmetic3A_589 = arith.constant 1 : i32
    %shift_right_arithmetic3A_590 = vector.broadcast %shift_right_arithmetic3A_589 : i32 to vector<1x128xi32>
    %shift_right_arithmetic3A_591 = arith.shrsi %select_n3A_585, %shift_right_arithmetic3A_590 : vector<1x128xi32>
    %add3A_592 = arith.addi %shift_right_arithmetic3A_588, %shift_right_arithmetic3A_591 : vector<1x128xi32>
    %and3A_593 = arith.andi %select_n3A_584, %select_n3A_585 : vector<1x128xi32>
    %and3A_594 = arith.constant 1 : i32
    %and3A_595 = vector.broadcast %and3A_594 : i32 to vector<1x128xi32>
    %and3A_596 = arith.andi %and3A_593, %and3A_595 : vector<1x128xi32>
    %add3A_597 = arith.addi %add3A_592, %and3A_596 : vector<1x128xi32>
    %gt3A_598 = vector.broadcast %add3A_597 : vector<1x128xi32> to vector<100x128xi32>
    %gt3A_599 = arith.cmpi sgt, %select_n3A, %gt3A_598 : vector<100x128xi32>
    %convert_element_type3A_600 = arith.extui %gt3A_599 : vector<100x128xi1> to vector<100x128xi32>
    %reduce_sum3A_601 = arith.constant dense<0> : vector<128xi32>
    %reduce_sum3A_602 = vector.multi_reduction <add>, %convert_element_type3A_600, %reduce_sum3A_601 [0] : vector<100x128xi32> to vector<128xi32>
    %broadcast_in_dim3A_603 = vector.shape_cast %reduce_sum3A_602 : vector<128xi32> to vector<1x128xi32>
    %ge3A_604 = arith.constant 50 : i32
    %ge3A_605 = vector.broadcast %ge3A_604 : i32 to vector<1x128xi32>
    %ge3A_606 = arith.cmpi sge, %broadcast_in_dim3A_603, %ge3A_605 : vector<1x128xi32>
    %add3A_607 = arith.constant 1 : i32
    %add3A_608 = vector.broadcast %add3A_607 : i32 to vector<1x128xi32>
    %add3A_609 = arith.addi %add3A_597, %add3A_608 : vector<1x128xi32>
    %select_n3A_610 = arith.select %ge3A_606, %add3A_609, %select_n3A_584 : vector<1x128xi1>, vector<1x128xi32>
    %select_n3A_611 = arith.select %ge3A_606, %select_n3A_585, %add3A_597 : vector<1x128xi1>, vector<1x128xi32>
    %shift_right_arithmetic3A_612 = arith.constant 1 : i32
    %shift_right_arithmetic3A_613 = vector.broadcast %shift_right_arithmetic3A_612 : i32 to vector<1x128xi32>
    %shift_right_arithmetic3A_614 = arith.shrsi %select_n3A_610, %shift_right_arithmetic3A_613 : vector<1x128xi32>
    %shift_right_arithmetic3A_615 = arith.constant 1 : i32
    %shift_right_arithmetic3A_616 = vector.broadcast %shift_right_arithmetic3A_615 : i32 to vector<1x128xi32>
    %shift_right_arithmetic3A_617 = arith.shrsi %select_n3A_611, %shift_right_arithmetic3A_616 : vector<1x128xi32>
    %add3A_618 = arith.addi %shift_right_arithmetic3A_614, %shift_right_arithmetic3A_617 : vector<1x128xi32>
    %and3A_619 = arith.andi %select_n3A_610, %select_n3A_611 : vector<1x128xi32>
    %and3A_620 = arith.constant 1 : i32
    %and3A_621 = vector.broadcast %and3A_620 : i32 to vector<1x128xi32>
    %and3A_622 = arith.andi %and3A_619, %and3A_621 : vector<1x128xi32>
    %add3A_623 = arith.addi %add3A_618, %and3A_622 : vector<1x128xi32>
    %gt3A_624 = vector.broadcast %add3A_623 : vector<1x128xi32> to vector<100x128xi32>
    %gt3A_625 = arith.cmpi sgt, %select_n3A, %gt3A_624 : vector<100x128xi32>
    %convert_element_type3A_626 = arith.extui %gt3A_625 : vector<100x128xi1> to vector<100x128xi32>
    %reduce_sum3A_627 = arith.constant dense<0> : vector<128xi32>
    %reduce_sum3A_628 = vector.multi_reduction <add>, %convert_element_type3A_626, %reduce_sum3A_627 [0] : vector<100x128xi32> to vector<128xi32>
    %broadcast_in_dim3A_629 = vector.shape_cast %reduce_sum3A_628 : vector<128xi32> to vector<1x128xi32>
    %ge3A_630 = arith.constant 50 : i32
    %ge3A_631 = vector.broadcast %ge3A_630 : i32 to vector<1x128xi32>
    %ge3A_632 = arith.cmpi sge, %broadcast_in_dim3A_629, %ge3A_631 : vector<1x128xi32>
    %add3A_633 = arith.constant 1 : i32
    %add3A_634 = vector.broadcast %add3A_633 : i32 to vector<1x128xi32>
    %add3A_635 = arith.addi %add3A_623, %add3A_634 : vector<1x128xi32>
    %select_n3A_636 = arith.select %ge3A_632, %add3A_635, %select_n3A_610 : vector<1x128xi1>, vector<1x128xi32>
    %select_n3A_637 = arith.select %ge3A_632, %select_n3A_611, %add3A_623 : vector<1x128xi1>, vector<1x128xi32>
    %shift_right_arithmetic3A_638 = arith.constant 1 : i32
    %shift_right_arithmetic3A_639 = vector.broadcast %shift_right_arithmetic3A_638 : i32 to vector<1x128xi32>
    %shift_right_arithmetic3A_640 = arith.shrsi %select_n3A_636, %shift_right_arithmetic3A_639 : vector<1x128xi32>
    %shift_right_arithmetic3A_641 = arith.constant 1 : i32
    %shift_right_arithmetic3A_642 = vector.broadcast %shift_right_arithmetic3A_641 : i32 to vector<1x128xi32>
    %shift_right_arithmetic3A_643 = arith.shrsi %select_n3A_637, %shift_right_arithmetic3A_642 : vector<1x128xi32>
    %add3A_644 = arith.addi %shift_right_arithmetic3A_640, %shift_right_arithmetic3A_643 : vector<1x128xi32>
    %and3A_645 = arith.andi %select_n3A_636, %select_n3A_637 : vector<1x128xi32>
    %and3A_646 = arith.constant 1 : i32
    %and3A_647 = vector.broadcast %and3A_646 : i32 to vector<1x128xi32>
    %and3A_648 = arith.andi %and3A_645, %and3A_647 : vector<1x128xi32>
    %add3A_649 = arith.addi %add3A_644, %and3A_648 : vector<1x128xi32>
    %gt3A_650 = vector.broadcast %add3A_649 : vector<1x128xi32> to vector<100x128xi32>
    %gt3A_651 = arith.cmpi sgt, %select_n3A, %gt3A_650 : vector<100x128xi32>
    %convert_element_type3A_652 = arith.extui %gt3A_651 : vector<100x128xi1> to vector<100x128xi32>
    %reduce_sum3A_653 = arith.constant dense<0> : vector<128xi32>
    %reduce_sum3A_654 = vector.multi_reduction <add>, %convert_element_type3A_652, %reduce_sum3A_653 [0] : vector<100x128xi32> to vector<128xi32>
    %broadcast_in_dim3A_655 = vector.shape_cast %reduce_sum3A_654 : vector<128xi32> to vector<1x128xi32>
    %ge3A_656 = arith.constant 50 : i32
    %ge3A_657 = vector.broadcast %ge3A_656 : i32 to vector<1x128xi32>
    %ge3A_658 = arith.cmpi sge, %broadcast_in_dim3A_655, %ge3A_657 : vector<1x128xi32>
    %add3A_659 = arith.constant 1 : i32
    %add3A_660 = vector.broadcast %add3A_659 : i32 to vector<1x128xi32>
    %add3A_661 = arith.addi %add3A_649, %add3A_660 : vector<1x128xi32>
    %select_n3A_662 = arith.select %ge3A_658, %add3A_661, %select_n3A_636 : vector<1x128xi1>, vector<1x128xi32>
    %select_n3A_663 = arith.select %ge3A_658, %select_n3A_637, %add3A_649 : vector<1x128xi1>, vector<1x128xi32>
    %shift_right_arithmetic3A_664 = arith.constant 1 : i32
    %shift_right_arithmetic3A_665 = vector.broadcast %shift_right_arithmetic3A_664 : i32 to vector<1x128xi32>
    %shift_right_arithmetic3A_666 = arith.shrsi %select_n3A_662, %shift_right_arithmetic3A_665 : vector<1x128xi32>
    %shift_right_arithmetic3A_667 = arith.constant 1 : i32
    %shift_right_arithmetic3A_668 = vector.broadcast %shift_right_arithmetic3A_667 : i32 to vector<1x128xi32>
    %shift_right_arithmetic3A_669 = arith.shrsi %select_n3A_663, %shift_right_arithmetic3A_668 : vector<1x128xi32>
    %add3A_670 = arith.addi %shift_right_arithmetic3A_666, %shift_right_arithmetic3A_669 : vector<1x128xi32>
    %and3A_671 = arith.andi %select_n3A_662, %select_n3A_663 : vector<1x128xi32>
    %and3A_672 = arith.constant 1 : i32
    %and3A_673 = vector.broadcast %and3A_672 : i32 to vector<1x128xi32>
    %and3A_674 = arith.andi %and3A_671, %and3A_673 : vector<1x128xi32>
    %add3A_675 = arith.addi %add3A_670, %and3A_674 : vector<1x128xi32>
    %gt3A_676 = vector.broadcast %add3A_675 : vector<1x128xi32> to vector<100x128xi32>
    %gt3A_677 = arith.cmpi sgt, %select_n3A, %gt3A_676 : vector<100x128xi32>
    %convert_element_type3A_678 = arith.extui %gt3A_677 : vector<100x128xi1> to vector<100x128xi32>
    %reduce_sum3A_679 = arith.constant dense<0> : vector<128xi32>
    %reduce_sum3A_680 = vector.multi_reduction <add>, %convert_element_type3A_678, %reduce_sum3A_679 [0] : vector<100x128xi32> to vector<128xi32>
    %broadcast_in_dim3A_681 = vector.shape_cast %reduce_sum3A_680 : vector<128xi32> to vector<1x128xi32>
    %ge3A_682 = arith.constant 50 : i32
    %ge3A_683 = vector.broadcast %ge3A_682 : i32 to vector<1x128xi32>
    %ge3A_684 = arith.cmpi sge, %broadcast_in_dim3A_681, %ge3A_683 : vector<1x128xi32>
    %add3A_685 = arith.constant 1 : i32
    %add3A_686 = vector.broadcast %add3A_685 : i32 to vector<1x128xi32>
    %add3A_687 = arith.addi %add3A_675, %add3A_686 : vector<1x128xi32>
    %select_n3A_688 = arith.select %ge3A_684, %add3A_687, %select_n3A_662 : vector<1x128xi1>, vector<1x128xi32>
    %select_n3A_689 = arith.select %ge3A_684, %select_n3A_663, %add3A_675 : vector<1x128xi1>, vector<1x128xi32>
    %shift_right_arithmetic3A_690 = arith.constant 1 : i32
    %shift_right_arithmetic3A_691 = vector.broadcast %shift_right_arithmetic3A_690 : i32 to vector<1x128xi32>
    %shift_right_arithmetic3A_692 = arith.shrsi %select_n3A_688, %shift_right_arithmetic3A_691 : vector<1x128xi32>
    %shift_right_arithmetic3A_693 = arith.constant 1 : i32
    %shift_right_arithmetic3A_694 = vector.broadcast %shift_right_arithmetic3A_693 : i32 to vector<1x128xi32>
    %shift_right_arithmetic3A_695 = arith.shrsi %select_n3A_689, %shift_right_arithmetic3A_694 : vector<1x128xi32>
    %add3A_696 = arith.addi %shift_right_arithmetic3A_692, %shift_right_arithmetic3A_695 : vector<1x128xi32>
    %and3A_697 = arith.andi %select_n3A_688, %select_n3A_689 : vector<1x128xi32>
    %and3A_698 = arith.constant 1 : i32
    %and3A_699 = vector.broadcast %and3A_698 : i32 to vector<1x128xi32>
    %and3A_700 = arith.andi %and3A_697, %and3A_699 : vector<1x128xi32>
    %add3A_701 = arith.addi %add3A_696, %and3A_700 : vector<1x128xi32>
    %gt3A_702 = vector.broadcast %add3A_701 : vector<1x128xi32> to vector<100x128xi32>
    %gt3A_703 = arith.cmpi sgt, %select_n3A, %gt3A_702 : vector<100x128xi32>
    %convert_element_type3A_704 = arith.extui %gt3A_703 : vector<100x128xi1> to vector<100x128xi32>
    %reduce_sum3A_705 = arith.constant dense<0> : vector<128xi32>
    %reduce_sum3A_706 = vector.multi_reduction <add>, %convert_element_type3A_704, %reduce_sum3A_705 [0] : vector<100x128xi32> to vector<128xi32>
    %broadcast_in_dim3A_707 = vector.shape_cast %reduce_sum3A_706 : vector<128xi32> to vector<1x128xi32>
    %ge3A_708 = arith.constant 50 : i32
    %ge3A_709 = vector.broadcast %ge3A_708 : i32 to vector<1x128xi32>
    %ge3A_710 = arith.cmpi sge, %broadcast_in_dim3A_707, %ge3A_709 : vector<1x128xi32>
    %add3A_711 = arith.constant 1 : i32
    %add3A_712 = vector.broadcast %add3A_711 : i32 to vector<1x128xi32>
    %add3A_713 = arith.addi %add3A_701, %add3A_712 : vector<1x128xi32>
    %select_n3A_714 = arith.select %ge3A_710, %add3A_713, %select_n3A_688 : vector<1x128xi1>, vector<1x128xi32>
    %select_n3A_715 = arith.select %ge3A_710, %select_n3A_689, %add3A_701 : vector<1x128xi1>, vector<1x128xi32>
    %shift_right_arithmetic3A_716 = arith.constant 1 : i32
    %shift_right_arithmetic3A_717 = vector.broadcast %shift_right_arithmetic3A_716 : i32 to vector<1x128xi32>
    %shift_right_arithmetic3A_718 = arith.shrsi %select_n3A_714, %shift_right_arithmetic3A_717 : vector<1x128xi32>
    %shift_right_arithmetic3A_719 = arith.constant 1 : i32
    %shift_right_arithmetic3A_720 = vector.broadcast %shift_right_arithmetic3A_719 : i32 to vector<1x128xi32>
    %shift_right_arithmetic3A_721 = arith.shrsi %select_n3A_715, %shift_right_arithmetic3A_720 : vector<1x128xi32>
    %add3A_722 = arith.addi %shift_right_arithmetic3A_718, %shift_right_arithmetic3A_721 : vector<1x128xi32>
    %and3A_723 = arith.andi %select_n3A_714, %select_n3A_715 : vector<1x128xi32>
    %and3A_724 = arith.constant 1 : i32
    %and3A_725 = vector.broadcast %and3A_724 : i32 to vector<1x128xi32>
    %and3A_726 = arith.andi %and3A_723, %and3A_725 : vector<1x128xi32>
    %add3A_727 = arith.addi %add3A_722, %and3A_726 : vector<1x128xi32>
    %gt3A_728 = vector.broadcast %add3A_727 : vector<1x128xi32> to vector<100x128xi32>
    %gt3A_729 = arith.cmpi sgt, %select_n3A, %gt3A_728 : vector<100x128xi32>
    %convert_element_type3A_730 = arith.extui %gt3A_729 : vector<100x128xi1> to vector<100x128xi32>
    %reduce_sum3A_731 = arith.constant dense<0> : vector<128xi32>
    %reduce_sum3A_732 = vector.multi_reduction <add>, %convert_element_type3A_730, %reduce_sum3A_731 [0] : vector<100x128xi32> to vector<128xi32>
    %broadcast_in_dim3A_733 = vector.shape_cast %reduce_sum3A_732 : vector<128xi32> to vector<1x128xi32>
    %ge3A_734 = arith.constant 50 : i32
    %ge3A_735 = vector.broadcast %ge3A_734 : i32 to vector<1x128xi32>
    %ge3A_736 = arith.cmpi sge, %broadcast_in_dim3A_733, %ge3A_735 : vector<1x128xi32>
    %add3A_737 = arith.constant 1 : i32
    %add3A_738 = vector.broadcast %add3A_737 : i32 to vector<1x128xi32>
    %add3A_739 = arith.addi %add3A_727, %add3A_738 : vector<1x128xi32>
    %select_n3A_740 = arith.select %ge3A_736, %add3A_739, %select_n3A_714 : vector<1x128xi1>, vector<1x128xi32>
    %select_n3A_741 = arith.select %ge3A_736, %select_n3A_715, %add3A_727 : vector<1x128xi1>, vector<1x128xi32>
    %shift_right_arithmetic3A_742 = arith.constant 1 : i32
    %shift_right_arithmetic3A_743 = vector.broadcast %shift_right_arithmetic3A_742 : i32 to vector<1x128xi32>
    %shift_right_arithmetic3A_744 = arith.shrsi %select_n3A_740, %shift_right_arithmetic3A_743 : vector<1x128xi32>
    %shift_right_arithmetic3A_745 = arith.constant 1 : i32
    %shift_right_arithmetic3A_746 = vector.broadcast %shift_right_arithmetic3A_745 : i32 to vector<1x128xi32>
    %shift_right_arithmetic3A_747 = arith.shrsi %select_n3A_741, %shift_right_arithmetic3A_746 : vector<1x128xi32>
    %add3A_748 = arith.addi %shift_right_arithmetic3A_744, %shift_right_arithmetic3A_747 : vector<1x128xi32>
    %and3A_749 = arith.andi %select_n3A_740, %select_n3A_741 : vector<1x128xi32>
    %and3A_750 = arith.constant 1 : i32
    %and3A_751 = vector.broadcast %and3A_750 : i32 to vector<1x128xi32>
    %and3A_752 = arith.andi %and3A_749, %and3A_751 : vector<1x128xi32>
    %add3A_753 = arith.addi %add3A_748, %and3A_752 : vector<1x128xi32>
    %gt3A_754 = vector.broadcast %add3A_753 : vector<1x128xi32> to vector<100x128xi32>
    %gt3A_755 = arith.cmpi sgt, %select_n3A, %gt3A_754 : vector<100x128xi32>
    %convert_element_type3A_756 = arith.extui %gt3A_755 : vector<100x128xi1> to vector<100x128xi32>
    %reduce_sum3A_757 = arith.constant dense<0> : vector<128xi32>
    %reduce_sum3A_758 = vector.multi_reduction <add>, %convert_element_type3A_756, %reduce_sum3A_757 [0] : vector<100x128xi32> to vector<128xi32>
    %broadcast_in_dim3A_759 = vector.shape_cast %reduce_sum3A_758 : vector<128xi32> to vector<1x128xi32>
    %ge3A_760 = arith.constant 50 : i32
    %ge3A_761 = vector.broadcast %ge3A_760 : i32 to vector<1x128xi32>
    %ge3A_762 = arith.cmpi sge, %broadcast_in_dim3A_759, %ge3A_761 : vector<1x128xi32>
    %add3A_763 = arith.constant 1 : i32
    %add3A_764 = vector.broadcast %add3A_763 : i32 to vector<1x128xi32>
    %add3A_765 = arith.addi %add3A_753, %add3A_764 : vector<1x128xi32>
    %select_n3A_766 = arith.select %ge3A_762, %add3A_765, %select_n3A_740 : vector<1x128xi1>, vector<1x128xi32>
    %select_n3A_767 = arith.select %ge3A_762, %select_n3A_741, %add3A_753 : vector<1x128xi1>, vector<1x128xi32>
    %shift_right_arithmetic3A_768 = arith.constant 1 : i32
    %shift_right_arithmetic3A_769 = vector.broadcast %shift_right_arithmetic3A_768 : i32 to vector<1x128xi32>
    %shift_right_arithmetic3A_770 = arith.shrsi %select_n3A_766, %shift_right_arithmetic3A_769 : vector<1x128xi32>
    %shift_right_arithmetic3A_771 = arith.constant 1 : i32
    %shift_right_arithmetic3A_772 = vector.broadcast %shift_right_arithmetic3A_771 : i32 to vector<1x128xi32>
    %shift_right_arithmetic3A_773 = arith.shrsi %select_n3A_767, %shift_right_arithmetic3A_772 : vector<1x128xi32>
    %add3A_774 = arith.addi %shift_right_arithmetic3A_770, %shift_right_arithmetic3A_773 : vector<1x128xi32>
    %and3A_775 = arith.andi %select_n3A_766, %select_n3A_767 : vector<1x128xi32>
    %and3A_776 = arith.constant 1 : i32
    %and3A_777 = vector.broadcast %and3A_776 : i32 to vector<1x128xi32>
    %and3A_778 = arith.andi %and3A_775, %and3A_777 : vector<1x128xi32>
    %add3A_779 = arith.addi %add3A_774, %and3A_778 : vector<1x128xi32>
    %gt3A_780 = vector.broadcast %add3A_779 : vector<1x128xi32> to vector<100x128xi32>
    %gt3A_781 = arith.cmpi sgt, %select_n3A, %gt3A_780 : vector<100x128xi32>
    %convert_element_type3A_782 = arith.extui %gt3A_781 : vector<100x128xi1> to vector<100x128xi32>
    %reduce_sum3A_783 = arith.constant dense<0> : vector<128xi32>
    %reduce_sum3A_784 = vector.multi_reduction <add>, %convert_element_type3A_782, %reduce_sum3A_783 [0] : vector<100x128xi32> to vector<128xi32>
    %broadcast_in_dim3A_785 = vector.shape_cast %reduce_sum3A_784 : vector<128xi32> to vector<1x128xi32>
    %ge3A_786 = arith.constant 50 : i32
    %ge3A_787 = vector.broadcast %ge3A_786 : i32 to vector<1x128xi32>
    %ge3A_788 = arith.cmpi sge, %broadcast_in_dim3A_785, %ge3A_787 : vector<1x128xi32>
    %add3A_789 = arith.constant 1 : i32
    %add3A_790 = vector.broadcast %add3A_789 : i32 to vector<1x128xi32>
    %add3A_791 = arith.addi %add3A_779, %add3A_790 : vector<1x128xi32>
    %select_n3A_792 = arith.select %ge3A_788, %add3A_791, %select_n3A_766 : vector<1x128xi1>, vector<1x128xi32>
    %select_n3A_793 = arith.select %ge3A_788, %select_n3A_767, %add3A_779 : vector<1x128xi1>, vector<1x128xi32>
    %shift_right_arithmetic3A_794 = arith.constant 1 : i32
    %shift_right_arithmetic3A_795 = vector.broadcast %shift_right_arithmetic3A_794 : i32 to vector<1x128xi32>
    %shift_right_arithmetic3A_796 = arith.shrsi %select_n3A_792, %shift_right_arithmetic3A_795 : vector<1x128xi32>
    %shift_right_arithmetic3A_797 = arith.constant 1 : i32
    %shift_right_arithmetic3A_798 = vector.broadcast %shift_right_arithmetic3A_797 : i32 to vector<1x128xi32>
    %shift_right_arithmetic3A_799 = arith.shrsi %select_n3A_793, %shift_right_arithmetic3A_798 : vector<1x128xi32>
    %add3A_800 = arith.addi %shift_right_arithmetic3A_796, %shift_right_arithmetic3A_799 : vector<1x128xi32>
    %and3A_801 = arith.andi %select_n3A_792, %select_n3A_793 : vector<1x128xi32>
    %and3A_802 = arith.constant 1 : i32
    %and3A_803 = vector.broadcast %and3A_802 : i32 to vector<1x128xi32>
    %and3A_804 = arith.andi %and3A_801, %and3A_803 : vector<1x128xi32>
    %add3A_805 = arith.addi %add3A_800, %and3A_804 : vector<1x128xi32>
    %gt3A_806 = vector.broadcast %add3A_805 : vector<1x128xi32> to vector<100x128xi32>
    %gt3A_807 = arith.cmpi sgt, %select_n3A, %gt3A_806 : vector<100x128xi32>
    %convert_element_type3A_808 = arith.extui %gt3A_807 : vector<100x128xi1> to vector<100x128xi32>
    %reduce_sum3A_809 = arith.constant dense<0> : vector<128xi32>
    %reduce_sum3A_810 = vector.multi_reduction <add>, %convert_element_type3A_808, %reduce_sum3A_809 [0] : vector<100x128xi32> to vector<128xi32>
    %broadcast_in_dim3A_811 = vector.shape_cast %reduce_sum3A_810 : vector<128xi32> to vector<1x128xi32>
    %ge3A_812 = arith.constant 50 : i32
    %ge3A_813 = vector.broadcast %ge3A_812 : i32 to vector<1x128xi32>
    %ge3A_814 = arith.cmpi sge, %broadcast_in_dim3A_811, %ge3A_813 : vector<1x128xi32>
    %add3A_815 = arith.constant 1 : i32
    %add3A_816 = vector.broadcast %add3A_815 : i32 to vector<1x128xi32>
    %add3A_817 = arith.addi %add3A_805, %add3A_816 : vector<1x128xi32>
    %select_n3A_818 = arith.select %ge3A_814, %add3A_817, %select_n3A_792 : vector<1x128xi1>, vector<1x128xi32>
    %select_n3A_819 = arith.select %ge3A_814, %select_n3A_793, %add3A_805 : vector<1x128xi1>, vector<1x128xi32>
    %shift_right_arithmetic3A_820 = arith.constant 1 : i32
    %shift_right_arithmetic3A_821 = vector.broadcast %shift_right_arithmetic3A_820 : i32 to vector<1x128xi32>
    %shift_right_arithmetic3A_822 = arith.shrsi %select_n3A_818, %shift_right_arithmetic3A_821 : vector<1x128xi32>
    %shift_right_arithmetic3A_823 = arith.constant 1 : i32
    %shift_right_arithmetic3A_824 = vector.broadcast %shift_right_arithmetic3A_823 : i32 to vector<1x128xi32>
    %shift_right_arithmetic3A_825 = arith.shrsi %select_n3A_819, %shift_right_arithmetic3A_824 : vector<1x128xi32>
    %add3A_826 = arith.addi %shift_right_arithmetic3A_822, %shift_right_arithmetic3A_825 : vector<1x128xi32>
    %and3A_827 = arith.andi %select_n3A_818, %select_n3A_819 : vector<1x128xi32>
    %and3A_828 = arith.constant 1 : i32
    %and3A_829 = vector.broadcast %and3A_828 : i32 to vector<1x128xi32>
    %and3A_830 = arith.andi %and3A_827, %and3A_829 : vector<1x128xi32>
    %add3A_831 = arith.addi %add3A_826, %and3A_830 : vector<1x128xi32>
    %gt3A_832 = vector.broadcast %add3A_831 : vector<1x128xi32> to vector<100x128xi32>
    %gt3A_833 = arith.cmpi sgt, %select_n3A, %gt3A_832 : vector<100x128xi32>
    %convert_element_type3A_834 = arith.extui %gt3A_833 : vector<100x128xi1> to vector<100x128xi32>
    %reduce_sum3A_835 = arith.constant dense<0> : vector<128xi32>
    %reduce_sum3A_836 = vector.multi_reduction <add>, %convert_element_type3A_834, %reduce_sum3A_835 [0] : vector<100x128xi32> to vector<128xi32>
    %broadcast_in_dim3A_837 = vector.shape_cast %reduce_sum3A_836 : vector<128xi32> to vector<1x128xi32>
    %ge3A_838 = arith.constant 50 : i32
    %ge3A_839 = vector.broadcast %ge3A_838 : i32 to vector<1x128xi32>
    %ge3A_840 = arith.cmpi sge, %broadcast_in_dim3A_837, %ge3A_839 : vector<1x128xi32>
    %add3A_841 = arith.constant 1 : i32
    %add3A_842 = vector.broadcast %add3A_841 : i32 to vector<1x128xi32>
    %add3A_843 = arith.addi %add3A_831, %add3A_842 : vector<1x128xi32>
    %select_n3A_844 = arith.select %ge3A_840, %add3A_843, %select_n3A_818 : vector<1x128xi1>, vector<1x128xi32>
    %select_n3A_845 = arith.select %ge3A_840, %select_n3A_819, %add3A_831 : vector<1x128xi1>, vector<1x128xi32>
    %shift_right_arithmetic3A_846 = arith.constant 1 : i32
    %shift_right_arithmetic3A_847 = vector.broadcast %shift_right_arithmetic3A_846 : i32 to vector<1x128xi32>
    %shift_right_arithmetic3A_848 = arith.shrsi %select_n3A_844, %shift_right_arithmetic3A_847 : vector<1x128xi32>
    %shift_right_arithmetic3A_849 = arith.constant 1 : i32
    %shift_right_arithmetic3A_850 = vector.broadcast %shift_right_arithmetic3A_849 : i32 to vector<1x128xi32>
    %shift_right_arithmetic3A_851 = arith.shrsi %select_n3A_845, %shift_right_arithmetic3A_850 : vector<1x128xi32>
    %add3A_852 = arith.addi %shift_right_arithmetic3A_848, %shift_right_arithmetic3A_851 : vector<1x128xi32>
    %and3A_853 = arith.andi %select_n3A_844, %select_n3A_845 : vector<1x128xi32>
    %and3A_854 = arith.constant 1 : i32
    %and3A_855 = vector.broadcast %and3A_854 : i32 to vector<1x128xi32>
    %and3A_856 = arith.andi %and3A_853, %and3A_855 : vector<1x128xi32>
    %add3A_857 = arith.addi %add3A_852, %and3A_856 : vector<1x128xi32>
    %gt3A_858 = vector.broadcast %add3A_857 : vector<1x128xi32> to vector<100x128xi32>
    %gt3A_859 = arith.cmpi sgt, %select_n3A, %gt3A_858 : vector<100x128xi32>
    %convert_element_type3A_860 = arith.extui %gt3A_859 : vector<100x128xi1> to vector<100x128xi32>
    %reduce_sum3A_861 = arith.constant dense<0> : vector<128xi32>
    %reduce_sum3A_862 = vector.multi_reduction <add>, %convert_element_type3A_860, %reduce_sum3A_861 [0] : vector<100x128xi32> to vector<128xi32>
    %broadcast_in_dim3A_863 = vector.shape_cast %reduce_sum3A_862 : vector<128xi32> to vector<1x128xi32>
    %ge3A_864 = arith.constant 50 : i32
    %ge3A_865 = vector.broadcast %ge3A_864 : i32 to vector<1x128xi32>
    %ge3A_866 = arith.cmpi sge, %broadcast_in_dim3A_863, %ge3A_865 : vector<1x128xi32>
    %add3A_867 = arith.constant 1 : i32
    %add3A_868 = vector.broadcast %add3A_867 : i32 to vector<1x128xi32>
    %add3A_869 = arith.addi %add3A_857, %add3A_868 : vector<1x128xi32>
    %select_n3A_870 = arith.select %ge3A_866, %add3A_869, %select_n3A_844 : vector<1x128xi1>, vector<1x128xi32>
    %select_n3A_871 = arith.select %ge3A_866, %select_n3A_845, %add3A_857 : vector<1x128xi1>, vector<1x128xi32>
    %shift_right_arithmetic3A_872 = arith.constant 1 : i32
    %shift_right_arithmetic3A_873 = vector.broadcast %shift_right_arithmetic3A_872 : i32 to vector<1x128xi32>
    %shift_right_arithmetic3A_874 = arith.shrsi %select_n3A_870, %shift_right_arithmetic3A_873 : vector<1x128xi32>
    %shift_right_arithmetic3A_875 = arith.constant 1 : i32
    %shift_right_arithmetic3A_876 = vector.broadcast %shift_right_arithmetic3A_875 : i32 to vector<1x128xi32>
    %shift_right_arithmetic3A_877 = arith.shrsi %select_n3A_871, %shift_right_arithmetic3A_876 : vector<1x128xi32>
    %add3A_878 = arith.addi %shift_right_arithmetic3A_874, %shift_right_arithmetic3A_877 : vector<1x128xi32>
    %and3A_879 = arith.andi %select_n3A_870, %select_n3A_871 : vector<1x128xi32>
    %and3A_880 = arith.constant 1 : i32
    %and3A_881 = vector.broadcast %and3A_880 : i32 to vector<1x128xi32>
    %and3A_882 = arith.andi %and3A_879, %and3A_881 : vector<1x128xi32>
    %add3A_883 = arith.addi %add3A_878, %and3A_882 : vector<1x128xi32>
    %gt3A_884 = vector.broadcast %add3A_883 : vector<1x128xi32> to vector<100x128xi32>
    %gt3A_885 = arith.cmpi sgt, %select_n3A, %gt3A_884 : vector<100x128xi32>
    %convert_element_type3A_886 = arith.extui %gt3A_885 : vector<100x128xi1> to vector<100x128xi32>
    %reduce_sum3A_887 = arith.constant dense<0> : vector<128xi32>
    %reduce_sum3A_888 = vector.multi_reduction <add>, %convert_element_type3A_886, %reduce_sum3A_887 [0] : vector<100x128xi32> to vector<128xi32>
    %broadcast_in_dim3A_889 = vector.shape_cast %reduce_sum3A_888 : vector<128xi32> to vector<1x128xi32>
    %ge3A_890 = arith.constant 50 : i32
    %ge3A_891 = vector.broadcast %ge3A_890 : i32 to vector<1x128xi32>
    %ge3A_892 = arith.cmpi sge, %broadcast_in_dim3A_889, %ge3A_891 : vector<1x128xi32>
    %add3A_893 = arith.constant 1 : i32
    %add3A_894 = vector.broadcast %add3A_893 : i32 to vector<1x128xi32>
    %add3A_895 = arith.addi %add3A_883, %add3A_894 : vector<1x128xi32>
    %select_n3A_896 = arith.select %ge3A_892, %add3A_895, %select_n3A_870 : vector<1x128xi1>, vector<1x128xi32>
    %gt3A_897 = vector.broadcast %select_n3A_896 : vector<1x128xi32> to vector<100x128xi32>
    %gt3A_898 = arith.cmpi sgt, %select_n3A, %gt3A_897 : vector<100x128xi32>
    %eq3A = vector.broadcast %select_n3A_896 : vector<1x128xi32> to vector<100x128xi32>
    %eq3A_899 = arith.cmpi eq, %select_n3A, %eq3A : vector<100x128xi32>
    %convert_element_type3A_900 = arith.extui %gt3A_898 : vector<100x128xi1> to vector<100x128xi32>
    %reduce_sum3A_901 = arith.constant dense<0> : vector<128xi32>
    %reduce_sum3A_902 = vector.multi_reduction <add>, %convert_element_type3A_900, %reduce_sum3A_901 [0] : vector<100x128xi32> to vector<128xi32>
    %broadcast_in_dim3A_903 = vector.shape_cast %reduce_sum3A_902 : vector<128xi32> to vector<1x128xi32>
    %convert_element_type3A_904 = arith.extui %eq3A_899 : vector<100x128xi1> to vector<100x128xi32>
    %convert_element_type3A_905 = arith.sitofp %convert_element_type3A_904 : vector<100x128xi32> to vector<100x128xf32>
    %dot_general3A_906 = arith.constant dense<0.000000e+00> : vector<100x128xf32>
    %dot_general3A_907 = tpu.matmul %convert_element_type3A_6, %convert_element_type3A_905, %dot_general3A_906 {dimension_numbers = #tpu.dot_dimension_numbers<[1], [0], [0], [1], [0, 0, 1, 1], [], []>, transpose_lhs_hint = false} : vector<100x100xf32>, vector<100x128xf32>, vector<100x128xf32> -> vector<100x128xf32>
    %sub3A_908 = arith.constant 50 : i32
    %sub3A_909 = vector.broadcast %sub3A_908 : i32 to vector<1x128xi32>
    %sub3A_910 = arith.subi %sub3A_909, %broadcast_in_dim3A_903 : vector<1x128xi32>
    %convert_element_type3A_911 = arith.sitofp %sub3A_910 : vector<1x128xi32> to vector<1x128xf32>
    %le3A_912 = vector.broadcast %convert_element_type3A_911 : vector<1x128xf32> to vector<100x128xf32>
    %le3A_913 = arith.cmpf ole, %dot_general3A_907, %le3A_912 : vector<100x128xf32>
    %and3A_914 = arith.andi %eq3A_899, %le3A_913 : vector<100x128xi1>
    %or3A = arith.ori %gt3A_898, %and3A_914 : vector<100x128xi1>
    %broadcast_in_dim3A_915 = arith.constant 0.000000e+00 : f32
    %broadcast_in_dim3A_916 = vector.broadcast %broadcast_in_dim3A_915 : f32 to vector<100x128xf32>
    %get3A_917 = arith.constant 0 : index
    %get3A_918 = arith.constant 0 : index
    %get3A_919 = vector.load %arg16[%get3A_917, %get3A_918] : memref<8x64xf32, #tpu.memory_space<vmem>>, vector<1x64xf32>
    %mul3A_920 = arith.mulf %get3A_919, %get3A_4 : vector<1x64xf32>
    %reduce_sum3A_921 = vector.shape_cast %mul3A_920 : vector<1x64xf32> to vector<1x1x64xf32>
    %reduce_sum3A_922 = arith.constant dense<0.000000e+00> : vector<1xf32>
    %reduce_sum3A_923 = vector.multi_reduction <add>, %reduce_sum3A_921, %reduce_sum3A_922 [1, 2] : vector<1x1x64xf32> to vector<1xf32>
    %reduce_sum3A_924 = vector.shape_cast %reduce_sum3A_923 : vector<1xf32> to vector<1x1x1xf32>
    %reduce_sum3A_925 = vector.extract %reduce_sum3A_924[0, 0, 0] : f32 from vector<1x1x1xf32>
    %eq3A_926 = arith.constant 0 : i32
    %eq3A_927 = vector.broadcast %eq3A_926 : i32 to vector<100x128xi32>
    %eq3A_928 = arith.cmpi eq, %get3A_33, %eq3A_927 : vector<100x128xi32>
    %jit3A = arith.constant 0.000000e+00 : f32
    %broadcast_in_dim3A_929 = vector.broadcast %reduce_sum3A_925 : f32 to vector<100x128xf32>
    %broadcast_in_dim3A_930 = vector.broadcast %jit3A : f32 to vector<100x128xf32>
    %select_n3A_931 = arith.select %eq3A_928, %broadcast_in_dim3A_929, %broadcast_in_dim3A_930 : vector<100x128xi1>, vector<100x128xf32>
    %add3A_932 = arith.addf %broadcast_in_dim3A_916, %select_n3A_931 : vector<100x128xf32>
    %get3A_933 = arith.constant 1 : index
    %get3A_934 = arith.constant 0 : index
    %get3A_935 = vector.load %arg16[%get3A_933, %get3A_934] : memref<8x64xf32, #tpu.memory_space<vmem>>, vector<1x64xf32>
    %mul3A_936 = arith.mulf %get3A_935, %get3A_4 : vector<1x64xf32>
    %reduce_sum3A_937 = vector.shape_cast %mul3A_936 : vector<1x64xf32> to vector<1x1x64xf32>
    %reduce_sum3A_938 = arith.constant dense<0.000000e+00> : vector<1xf32>
    %reduce_sum3A_939 = vector.multi_reduction <add>, %reduce_sum3A_937, %reduce_sum3A_938 [1, 2] : vector<1x1x64xf32> to vector<1xf32>
    %reduce_sum3A_940 = vector.shape_cast %reduce_sum3A_939 : vector<1xf32> to vector<1x1x1xf32>
    %reduce_sum3A_941 = vector.extract %reduce_sum3A_940[0, 0, 0] : f32 from vector<1x1x1xf32>
    %eq3A_942 = arith.constant 1 : i32
    %eq3A_943 = vector.broadcast %eq3A_942 : i32 to vector<100x128xi32>
    %eq3A_944 = arith.cmpi eq, %get3A_33, %eq3A_943 : vector<100x128xi32>
    %jit3A_945 = arith.constant 0.000000e+00 : f32
    %broadcast_in_dim3A_946 = vector.broadcast %reduce_sum3A_941 : f32 to vector<100x128xf32>
    %broadcast_in_dim3A_947 = vector.broadcast %jit3A_945 : f32 to vector<100x128xf32>
    %select_n3A_948 = arith.select %eq3A_944, %broadcast_in_dim3A_946, %broadcast_in_dim3A_947 : vector<100x128xi1>, vector<100x128xf32>
    %add3A_949 = arith.addf %add3A_932, %select_n3A_948 : vector<100x128xf32>
    %get3A_950 = arith.constant 2 : index
    %get3A_951 = arith.constant 0 : index
    %get3A_952 = vector.load %arg16[%get3A_950, %get3A_951] : memref<8x64xf32, #tpu.memory_space<vmem>>, vector<1x64xf32>
    %mul3A_953 = arith.mulf %get3A_952, %get3A_4 : vector<1x64xf32>
    %reduce_sum3A_954 = vector.shape_cast %mul3A_953 : vector<1x64xf32> to vector<1x1x64xf32>
    %reduce_sum3A_955 = arith.constant dense<0.000000e+00> : vector<1xf32>
    %reduce_sum3A_956 = vector.multi_reduction <add>, %reduce_sum3A_954, %reduce_sum3A_955 [1, 2] : vector<1x1x64xf32> to vector<1xf32>
    %reduce_sum3A_957 = vector.shape_cast %reduce_sum3A_956 : vector<1xf32> to vector<1x1x1xf32>
    %reduce_sum3A_958 = vector.extract %reduce_sum3A_957[0, 0, 0] : f32 from vector<1x1x1xf32>
    %eq3A_959 = arith.constant 2 : i32
    %eq3A_960 = vector.broadcast %eq3A_959 : i32 to vector<100x128xi32>
    %eq3A_961 = arith.cmpi eq, %get3A_33, %eq3A_960 : vector<100x128xi32>
    %jit3A_962 = arith.constant 0.000000e+00 : f32
    %broadcast_in_dim3A_963 = vector.broadcast %reduce_sum3A_958 : f32 to vector<100x128xf32>
    %broadcast_in_dim3A_964 = vector.broadcast %jit3A_962 : f32 to vector<100x128xf32>
    %select_n3A_965 = arith.select %eq3A_961, %broadcast_in_dim3A_963, %broadcast_in_dim3A_964 : vector<100x128xi1>, vector<100x128xf32>
    %add3A_966 = arith.addf %add3A_949, %select_n3A_965 : vector<100x128xf32>
    %get3A_967 = arith.constant 3 : index
    %get3A_968 = arith.constant 0 : index
    %get3A_969 = vector.load %arg16[%get3A_967, %get3A_968] : memref<8x64xf32, #tpu.memory_space<vmem>>, vector<1x64xf32>
    %mul3A_970 = arith.mulf %get3A_969, %get3A_4 : vector<1x64xf32>
    %reduce_sum3A_971 = vector.shape_cast %mul3A_970 : vector<1x64xf32> to vector<1x1x64xf32>
    %reduce_sum3A_972 = arith.constant dense<0.000000e+00> : vector<1xf32>
    %reduce_sum3A_973 = vector.multi_reduction <add>, %reduce_sum3A_971, %reduce_sum3A_972 [1, 2] : vector<1x1x64xf32> to vector<1xf32>
    %reduce_sum3A_974 = vector.shape_cast %reduce_sum3A_973 : vector<1xf32> to vector<1x1x1xf32>
    %reduce_sum3A_975 = vector.extract %reduce_sum3A_974[0, 0, 0] : f32 from vector<1x1x1xf32>
    %eq3A_976 = arith.constant 3 : i32
    %eq3A_977 = vector.broadcast %eq3A_976 : i32 to vector<100x128xi32>
    %eq3A_978 = arith.cmpi eq, %get3A_33, %eq3A_977 : vector<100x128xi32>
    %jit3A_979 = arith.constant 0.000000e+00 : f32
    %broadcast_in_dim3A_980 = vector.broadcast %reduce_sum3A_975 : f32 to vector<100x128xf32>
    %broadcast_in_dim3A_981 = vector.broadcast %jit3A_979 : f32 to vector<100x128xf32>
    %select_n3A_982 = arith.select %eq3A_978, %broadcast_in_dim3A_980, %broadcast_in_dim3A_981 : vector<100x128xi1>, vector<100x128xf32>
    %add3A_983 = arith.addf %add3A_966, %select_n3A_982 : vector<100x128xf32>
    %get3A_984 = arith.constant 4 : index
    %get3A_985 = arith.constant 0 : index
    %get3A_986 = vector.load %arg16[%get3A_984, %get3A_985] : memref<8x64xf32, #tpu.memory_space<vmem>>, vector<1x64xf32>
    %mul3A_987 = arith.mulf %get3A_986, %get3A_4 : vector<1x64xf32>
    %reduce_sum3A_988 = vector.shape_cast %mul3A_987 : vector<1x64xf32> to vector<1x1x64xf32>
    %reduce_sum3A_989 = arith.constant dense<0.000000e+00> : vector<1xf32>
    %reduce_sum3A_990 = vector.multi_reduction <add>, %reduce_sum3A_988, %reduce_sum3A_989 [1, 2] : vector<1x1x64xf32> to vector<1xf32>
    %reduce_sum3A_991 = vector.shape_cast %reduce_sum3A_990 : vector<1xf32> to vector<1x1x1xf32>
    %reduce_sum3A_992 = vector.extract %reduce_sum3A_991[0, 0, 0] : f32 from vector<1x1x1xf32>
    %eq3A_993 = arith.constant 4 : i32
    %eq3A_994 = vector.broadcast %eq3A_993 : i32 to vector<100x128xi32>
    %eq3A_995 = arith.cmpi eq, %get3A_33, %eq3A_994 : vector<100x128xi32>
    %jit3A_996 = arith.constant 0.000000e+00 : f32
    %broadcast_in_dim3A_997 = vector.broadcast %reduce_sum3A_992 : f32 to vector<100x128xf32>
    %broadcast_in_dim3A_998 = vector.broadcast %jit3A_996 : f32 to vector<100x128xf32>
    %select_n3A_999 = arith.select %eq3A_995, %broadcast_in_dim3A_997, %broadcast_in_dim3A_998 : vector<100x128xi1>, vector<100x128xf32>
    %add3A_1000 = arith.addf %add3A_983, %select_n3A_999 : vector<100x128xf32>
    %get3A_1001 = arith.constant 5 : index
    %get3A_1002 = arith.constant 0 : index
    %get3A_1003 = vector.load %arg16[%get3A_1001, %get3A_1002] : memref<8x64xf32, #tpu.memory_space<vmem>>, vector<1x64xf32>
    %mul3A_1004 = arith.mulf %get3A_1003, %get3A_4 : vector<1x64xf32>
    %reduce_sum3A_1005 = vector.shape_cast %mul3A_1004 : vector<1x64xf32> to vector<1x1x64xf32>
    %reduce_sum3A_1006 = arith.constant dense<0.000000e+00> : vector<1xf32>
    %reduce_sum3A_1007 = vector.multi_reduction <add>, %reduce_sum3A_1005, %reduce_sum3A_1006 [1, 2] : vector<1x1x64xf32> to vector<1xf32>
    %reduce_sum3A_1008 = vector.shape_cast %reduce_sum3A_1007 : vector<1xf32> to vector<1x1x1xf32>
    %reduce_sum3A_1009 = vector.extract %reduce_sum3A_1008[0, 0, 0] : f32 from vector<1x1x1xf32>
    %eq3A_1010 = arith.constant 5 : i32
    %eq3A_1011 = vector.broadcast %eq3A_1010 : i32 to vector<100x128xi32>
    %eq3A_1012 = arith.cmpi eq, %get3A_33, %eq3A_1011 : vector<100x128xi32>
    %jit3A_1013 = arith.constant 0.000000e+00 : f32
    %broadcast_in_dim3A_1014 = vector.broadcast %reduce_sum3A_1009 : f32 to vector<100x128xf32>
    %broadcast_in_dim3A_1015 = vector.broadcast %jit3A_1013 : f32 to vector<100x128xf32>
    %select_n3A_1016 = arith.select %eq3A_1012, %broadcast_in_dim3A_1014, %broadcast_in_dim3A_1015 : vector<100x128xi1>, vector<100x128xf32>
    %add3A_1017 = arith.addf %add3A_1000, %select_n3A_1016 : vector<100x128xf32>
    %get3A_1018 = arith.constant 6 : index
    %get3A_1019 = arith.constant 0 : index
    %get3A_1020 = vector.load %arg16[%get3A_1018, %get3A_1019] : memref<8x64xf32, #tpu.memory_space<vmem>>, vector<1x64xf32>
    %mul3A_1021 = arith.mulf %get3A_1020, %get3A_4 : vector<1x64xf32>
    %reduce_sum3A_1022 = vector.shape_cast %mul3A_1021 : vector<1x64xf32> to vector<1x1x64xf32>
    %reduce_sum3A_1023 = arith.constant dense<0.000000e+00> : vector<1xf32>
    %reduce_sum3A_1024 = vector.multi_reduction <add>, %reduce_sum3A_1022, %reduce_sum3A_1023 [1, 2] : vector<1x1x64xf32> to vector<1xf32>
    %reduce_sum3A_1025 = vector.shape_cast %reduce_sum3A_1024 : vector<1xf32> to vector<1x1x1xf32>
    %reduce_sum3A_1026 = vector.extract %reduce_sum3A_1025[0, 0, 0] : f32 from vector<1x1x1xf32>
    %eq3A_1027 = arith.constant 6 : i32
    %eq3A_1028 = vector.broadcast %eq3A_1027 : i32 to vector<100x128xi32>
    %eq3A_1029 = arith.cmpi eq, %get3A_33, %eq3A_1028 : vector<100x128xi32>
    %jit3A_1030 = arith.constant 0.000000e+00 : f32
    %broadcast_in_dim3A_1031 = vector.broadcast %reduce_sum3A_1026 : f32 to vector<100x128xf32>
    %broadcast_in_dim3A_1032 = vector.broadcast %jit3A_1030 : f32 to vector<100x128xf32>
    %select_n3A_1033 = arith.select %eq3A_1029, %broadcast_in_dim3A_1031, %broadcast_in_dim3A_1032 : vector<100x128xi1>, vector<100x128xf32>
    %add3A_1034 = arith.addf %add3A_1017, %select_n3A_1033 : vector<100x128xf32>
    %concatenate3A_1035 = tpu.concatenate %reduce_sum3A_48, %reduce_sum3A_59 in 0 : vector<50x128xf32>, vector<50x128xf32> -> vector<100x128xf32>
    %add3A_1036 = arith.addf %concatenate3A_1035, %add3A_1034 : vector<100x128xf32>
    %jit3A_1037 = arith.constant 0xFF800000 : f32
    %broadcast_in_dim3A_1038 = vector.broadcast %jit3A_1037 : f32 to vector<100x128xf32>
    %select_n3A_1039 = arith.select %or3A, %add3A_1036, %broadcast_in_dim3A_1038 : vector<100x128xi1>, vector<100x128xf32>
    %reduce_max3A_1040 = arith.constant dense<0xFF800000> : vector<128xf32>
    %reduce_max3A_1041 = vector.multi_reduction <maximumf>, %select_n3A_1039, %reduce_max3A_1040 [0] : vector<100x128xf32> to vector<128xf32>
    %broadcast_in_dim3A_1042 = vector.shape_cast %reduce_max3A_1041 : vector<128xf32> to vector<1x128xf32>
    %sub3A_1043 = vector.broadcast %broadcast_in_dim3A_1042 : vector<1x128xf32> to vector<100x128xf32>
    %sub3A_1044 = arith.subf %select_n3A_1039, %sub3A_1043 : vector<100x128xf32>
    %exp3A = math.exp %sub3A_1044 : vector<100x128xf32>
    %jit3A_1045 = arith.constant 0.000000e+00 : f32
    %broadcast_in_dim3A_1046 = vector.broadcast %jit3A_1045 : f32 to vector<100x128xf32>
    %select_n3A_1047 = arith.select %or3A, %exp3A, %broadcast_in_dim3A_1046 : vector<100x128xi1>, vector<100x128xf32>
    %reduce_sum3A_1048 = arith.constant dense<0.000000e+00> : vector<128xf32>
    %reduce_sum3A_1049 = vector.multi_reduction <add>, %select_n3A_1047, %reduce_sum3A_1048 [0] : vector<100x128xf32> to vector<128xf32>
    %broadcast_in_dim3A_1050 = vector.shape_cast %reduce_sum3A_1049 : vector<128xf32> to vector<1x128xf32>
    %div3A = arith.constant 1.000000e+00 : f32
    %div3A_1051 = vector.broadcast %div3A : f32 to vector<1x128xf32>
    %div3A_1052 = arith.divf %div3A_1051, %broadcast_in_dim3A_1050 : vector<1x128xf32>
    %mul3A_1053 = vector.broadcast %div3A_1052 : vector<1x128xf32> to vector<100x128xf32>
    %mul3A_1054 = arith.mulf %select_n3A_1047, %mul3A_1053 : vector<100x128xf32>
    %slice3A = vector.extract_strided_slice %mul3A_1054 {offsets = [0, 0], sizes = [50, 128], strides = [1, 1]} : vector<100x128xf32> to vector<50x128xf32>
    %broadcast_in_dim3A_1055 = vector.shape_cast %slice3A : vector<50x128xf32> to vector<1x50x128xf32>
    %mul3A_1056 = vector.broadcast %broadcast_in_dim3A_1055 : vector<1x50x128xf32> to vector<64x50x128xf32>
    %mul3A_1057 = arith.mulf %reshape3A_20, %mul3A_1056 : vector<64x50x128xf32>
    %reduce_sum3A_1058 = arith.constant dense<0.000000e+00> : vector<64x128xf32>
    %reduce_sum3A_1059 = vector.multi_reduction <add>, %mul3A_1057, %reduce_sum3A_1058 [1] : vector<64x50x128xf32> to vector<64x128xf32>
    %slice3A_1060 = vector.extract_strided_slice %mul3A_1054 {offsets = [50, 0], sizes = [50, 128], strides = [1, 1]} : vector<100x128xf32> to vector<50x128xf32>
    %broadcast_in_dim3A_1061 = vector.shape_cast %slice3A_1060 : vector<50x128xf32> to vector<1x50x128xf32>
    %mul3A_1062 = vector.broadcast %broadcast_in_dim3A_1061 : vector<1x50x128xf32> to vector<64x50x128xf32>
    %mul3A_1063 = arith.mulf %reshape3A_27, %mul3A_1062 : vector<64x50x128xf32>
    %reduce_sum3A_1064 = arith.constant dense<0.000000e+00> : vector<64x128xf32>
    %reduce_sum3A_1065 = vector.multi_reduction <add>, %mul3A_1063, %reduce_sum3A_1064 [1] : vector<64x50x128xf32> to vector<64x128xf32>
    %add3A_1066 = arith.addf %reduce_sum3A_1059, %reduce_sum3A_1065 : vector<64x128xf32>
    %get3A_1067 = arith.constant 0 : index
    %get3A_1068 = arith.constant 0 : index
    %get3A_1069 = vector.load %arg14[%get3A_1067, %get3A_1068] : memref<64x128xf32, #tpu.memory_space<vmem>>, vector<64x128xf32>
    %concatenate3A_1070 = tpu.concatenate %transpose3A_10, %add3A_1066 in 0 : vector<64x128xf32>, vector<64x128xf32> -> vector<128x128xf32>
    %dot_general3A_1071 = arith.constant dense<0.000000e+00> : vector<64x128xf32>
    %dot_general3A_1072 = tpu.matmul %get3A_1069, %concatenate3A_1070, %dot_general3A_1071 {dimension_numbers = #tpu.dot_dimension_numbers<[1], [0], [0], [1], [0, 0, 1, 1], [], []>, transpose_lhs_hint = false} : vector<64x128xf32>, vector<128x128xf32>, vector<64x128xf32> -> vector<64x128xf32>
    %get3A_1073 = arith.constant 0 : index
    %get3A_1074 = arith.constant 0 : index
    %get3A_1075 = vector.load %arg15[%get3A_1073, %get3A_1074] : memref<64x1xf32, #tpu.memory_space<vmem>>, vector<64x1xf32>
    %add3A_1076 = vector.broadcast %get3A_1075 : vector<64x1xf32> to vector<64x128xf32>
    %add3A_1077 = arith.addf %dot_general3A_1072, %add3A_1076 : vector<64x128xf32>
    %max3A = arith.constant 0.000000e+00 : f32
    %max3A_1078 = vector.broadcast %max3A : f32 to vector<64x128xf32>
    %max3A_1079 = arith.maximumf %add3A_1077, %max3A_1078 : vector<64x128xf32>
    %get3A_1080 = arith.constant 0 : index
    %get3A_1081 = arith.constant 0 : index
    %get3A_1082 = arith.constant 0 : index
    %get3A_1083 = vector.load %arg5[%get3A_1080, %get3A_1081, %get3A_1082] : memref<50x128x64xf32, #tpu.memory_space<vmem>>, vector<50x128x64xf32>
    %reshape3A_1084 = vector.shape_cast %get3A_1083 : vector<50x128x64xf32> to vector<6400x64xf32>
    %transpose3A_1085 = tpu.transpose %reshape3A_1084, [1, 0] : vector<6400x64xf32> -> vector<64x6400xf32>
    %reshape3A_1086 = vector.shape_cast %transpose3A_1085 : vector<64x6400xf32> to vector<64x50x128xf32>
    %get3A_1087 = arith.constant 0 : index
    %get3A_1088 = arith.constant 0 : index
    %get3A_1089 = arith.constant 0 : index
    %get3A_1090 = vector.load %arg6[%get3A_1087, %get3A_1088, %get3A_1089] : memref<50x128x64xf32, #tpu.memory_space<vmem>>, vector<50x128x64xf32>
    %reshape3A_1091 = vector.shape_cast %get3A_1090 : vector<50x128x64xf32> to vector<6400x64xf32>
    %transpose3A_1092 = tpu.transpose %reshape3A_1091, [1, 0] : vector<6400x64xf32> -> vector<64x6400xf32>
    %reshape3A_1093 = vector.shape_cast %transpose3A_1092 : vector<64x6400xf32> to vector<64x50x128xf32>
    %get3A_1094 = arith.constant 0 : index
    %get3A_1095 = arith.constant 0 : index
    %get3A_1096 = vector.load %arg8[%get3A_1094, %get3A_1095] : memref<100x128xf32, #tpu.memory_space<vmem>>, vector<100x128xf32>
    %get3A_1097 = arith.constant 0 : index
    %get3A_1098 = arith.constant 0 : index
    %get3A_1099 = vector.load %arg10[%get3A_1097, %get3A_1098] : memref<100x128xi32, #tpu.memory_space<vmem>>, vector<100x128xi32>
    %concatenate3A_1100 = tpu.concatenate %transpose3A_14, %transpose3A_10 in 0 : vector<64x128xf32>, vector<64x128xf32> -> vector<128x128xf32>
    %get3A_1101 = arith.constant 0 : index
    %get3A_1102 = arith.constant 0 : index
    %get3A_1103 = vector.load %arg12[%get3A_1101, %get3A_1102] : memref<64x128xf32, #tpu.memory_space<vmem>>, vector<64x128xf32>
    %dot_general3A_1104 = arith.constant dense<0.000000e+00> : vector<64x128xf32>
    %dot_general3A_1105 = tpu.matmul %get3A_1103, %concatenate3A_1100, %dot_general3A_1104 {dimension_numbers = #tpu.dot_dimension_numbers<[1], [0], [0], [1], [0, 0, 1, 1], [], []>, transpose_lhs_hint = false} : vector<64x128xf32>, vector<128x128xf32>, vector<64x128xf32> -> vector<64x128xf32>
    %get3A_1106 = arith.constant 0 : index
    %get3A_1107 = arith.constant 0 : index
    %get3A_1108 = vector.load %arg13[%get3A_1106, %get3A_1107] : memref<64x1xf32, #tpu.memory_space<vmem>>, vector<64x1xf32>
    %add3A_1109 = vector.broadcast %get3A_1108 : vector<64x1xf32> to vector<64x128xf32>
    %add3A_1110 = arith.addf %dot_general3A_1105, %add3A_1109 : vector<64x128xf32>
    %broadcast_in_dim3A_1111 = vector.shape_cast %add3A_1110 : vector<64x128xf32> to vector<64x1x128xf32>
    %sub3A_1112 = vector.broadcast %broadcast_in_dim3A_1111 : vector<64x1x128xf32> to vector<64x50x128xf32>
    %sub3A_1113 = arith.subf %sub3A_1112, %reshape3A_1086 : vector<64x50x128xf32>
    %mul3A_1114 = arith.mulf %sub3A_1113, %sub3A_1113 : vector<64x50x128xf32>
    %reduce_sum3A_1115 = arith.constant dense<0.000000e+00> : vector<50x128xf32>
    %reduce_sum3A_1116 = vector.multi_reduction <add>, %mul3A_1114, %reduce_sum3A_1115 [0] : vector<64x50x128xf32> to vector<50x128xf32>
    %broadcast_in_dim3A_1117 = vector.shape_cast %transpose3A : vector<64x1xf32> to vector<64x1x1xf32>
    %mul3A_1118 = vector.broadcast %broadcast_in_dim3A_1117 : vector<64x1x1xf32> to vector<64x50x128xf32>
    %mul3A_1119 = arith.mulf %reshape3A_1086, %mul3A_1118 : vector<64x50x128xf32>
    %reduce_sum3A_1120 = arith.constant dense<0.000000e+00> : vector<50x128xf32>
    %reduce_sum3A_1121 = vector.multi_reduction <add>, %mul3A_1119, %reduce_sum3A_1120 [0] : vector<64x50x128xf32> to vector<50x128xf32>
    %broadcast_in_dim3A_1122 = vector.shape_cast %add3A_1110 : vector<64x128xf32> to vector<64x1x128xf32>
    %sub3A_1123 = vector.broadcast %broadcast_in_dim3A_1122 : vector<64x1x128xf32> to vector<64x50x128xf32>
    %sub3A_1124 = arith.subf %sub3A_1123, %reshape3A_1093 : vector<64x50x128xf32>
    %mul3A_1125 = arith.mulf %sub3A_1124, %sub3A_1124 : vector<64x50x128xf32>
    %reduce_sum3A_1126 = arith.constant dense<0.000000e+00> : vector<50x128xf32>
    %reduce_sum3A_1127 = vector.multi_reduction <add>, %mul3A_1125, %reduce_sum3A_1126 [0] : vector<64x50x128xf32> to vector<50x128xf32>
    %broadcast_in_dim3A_1128 = vector.shape_cast %transpose3A : vector<64x1xf32> to vector<64x1x1xf32>
    %mul3A_1129 = vector.broadcast %broadcast_in_dim3A_1128 : vector<64x1x1xf32> to vector<64x50x128xf32>
    %mul3A_1130 = arith.mulf %reshape3A_1093, %mul3A_1129 : vector<64x50x128xf32>
    %reduce_sum3A_1131 = arith.constant dense<0.000000e+00> : vector<50x128xf32>
    %reduce_sum3A_1132 = vector.multi_reduction <add>, %mul3A_1130, %reduce_sum3A_1131 [0] : vector<64x50x128xf32> to vector<50x128xf32>
    %concatenate3A_1133 = tpu.concatenate %reduce_sum3A_1116, %reduce_sum3A_1127 in 0 : vector<50x128xf32>, vector<50x128xf32> -> vector<100x128xf32>
    %sqrt3A_1134 = math.sqrt %concatenate3A_1133 : vector<100x128xf32>
    %sub3A_1135 = arith.subf %get3A_1096, %sqrt3A_1134 : vector<100x128xf32>
    %bitcast_convert_type3A_1136 = tpu.bitcast %sub3A_1135 : vector<100x128xf32> -> vector<100x128xi32>
    %lt3A_1137 = arith.constant 0 : i32
    %lt3A_1138 = vector.broadcast %lt3A_1137 : i32 to vector<100x128xi32>
    %lt3A_1139 = arith.cmpi slt, %bitcast_convert_type3A_1136, %lt3A_1138 : vector<100x128xi32>
    %xor3A_1140 = arith.constant 2147483647 : i32
    %xor3A_1141 = vector.broadcast %xor3A_1140 : i32 to vector<100x128xi32>
    %xor3A_1142 = arith.xori %bitcast_convert_type3A_1136, %xor3A_1141 : vector<100x128xi32>
    %select_n3A_1143 = arith.select %lt3A_1139, %xor3A_1142, %bitcast_convert_type3A_1136 : vector<100x128xi1>, vector<100x128xi32>
    %reduce_min3A_1144 = arith.constant dense<2147483647> : vector<128xi32>
    %reduce_min3A_1145 = vector.multi_reduction <minsi>, %select_n3A_1143, %reduce_min3A_1144 [0] : vector<100x128xi32> to vector<128xi32>
    %broadcast_in_dim3A_1146 = vector.shape_cast %reduce_min3A_1145 : vector<128xi32> to vector<1x128xi32>
    %reduce_max3A_1147 = arith.constant dense<-2147483648> : vector<128xi32>
    %reduce_max3A_1148 = vector.multi_reduction <maxsi>, %select_n3A_1143, %reduce_max3A_1147 [0] : vector<100x128xi32> to vector<128xi32>
    %broadcast_in_dim3A_1149 = vector.shape_cast %reduce_max3A_1148 : vector<128xi32> to vector<1x128xi32>
    %shift_right_arithmetic3A_1150 = arith.constant 1 : i32
    %shift_right_arithmetic3A_1151 = vector.broadcast %shift_right_arithmetic3A_1150 : i32 to vector<1x128xi32>
    %shift_right_arithmetic3A_1152 = arith.shrsi %broadcast_in_dim3A_1146, %shift_right_arithmetic3A_1151 : vector<1x128xi32>
    %shift_right_arithmetic3A_1153 = arith.constant 1 : i32
    %shift_right_arithmetic3A_1154 = vector.broadcast %shift_right_arithmetic3A_1153 : i32 to vector<1x128xi32>
    %shift_right_arithmetic3A_1155 = arith.shrsi %broadcast_in_dim3A_1149, %shift_right_arithmetic3A_1154 : vector<1x128xi32>
    %add3A_1156 = arith.addi %shift_right_arithmetic3A_1152, %shift_right_arithmetic3A_1155 : vector<1x128xi32>
    %and3A_1157 = arith.andi %broadcast_in_dim3A_1146, %broadcast_in_dim3A_1149 : vector<1x128xi32>
    %and3A_1158 = arith.constant 1 : i32
    %and3A_1159 = vector.broadcast %and3A_1158 : i32 to vector<1x128xi32>
    %and3A_1160 = arith.andi %and3A_1157, %and3A_1159 : vector<1x128xi32>
    %add3A_1161 = arith.addi %add3A_1156, %and3A_1160 : vector<1x128xi32>
    %gt3A_1162 = vector.broadcast %add3A_1161 : vector<1x128xi32> to vector<100x128xi32>
    %gt3A_1163 = arith.cmpi sgt, %select_n3A_1143, %gt3A_1162 : vector<100x128xi32>
    %convert_element_type3A_1164 = arith.extui %gt3A_1163 : vector<100x128xi1> to vector<100x128xi32>
    %reduce_sum3A_1165 = arith.constant dense<0> : vector<128xi32>
    %reduce_sum3A_1166 = vector.multi_reduction <add>, %convert_element_type3A_1164, %reduce_sum3A_1165 [0] : vector<100x128xi32> to vector<128xi32>
    %broadcast_in_dim3A_1167 = vector.shape_cast %reduce_sum3A_1166 : vector<128xi32> to vector<1x128xi32>
    %ge3A_1168 = arith.constant 50 : i32
    %ge3A_1169 = vector.broadcast %ge3A_1168 : i32 to vector<1x128xi32>
    %ge3A_1170 = arith.cmpi sge, %broadcast_in_dim3A_1167, %ge3A_1169 : vector<1x128xi32>
    %add3A_1171 = arith.constant 1 : i32
    %add3A_1172 = vector.broadcast %add3A_1171 : i32 to vector<1x128xi32>
    %add3A_1173 = arith.addi %add3A_1161, %add3A_1172 : vector<1x128xi32>
    %select_n3A_1174 = arith.select %ge3A_1170, %add3A_1173, %broadcast_in_dim3A_1146 : vector<1x128xi1>, vector<1x128xi32>
    %select_n3A_1175 = arith.select %ge3A_1170, %broadcast_in_dim3A_1149, %add3A_1161 : vector<1x128xi1>, vector<1x128xi32>
    %shift_right_arithmetic3A_1176 = arith.constant 1 : i32
    %shift_right_arithmetic3A_1177 = vector.broadcast %shift_right_arithmetic3A_1176 : i32 to vector<1x128xi32>
    %shift_right_arithmetic3A_1178 = arith.shrsi %select_n3A_1174, %shift_right_arithmetic3A_1177 : vector<1x128xi32>
    %shift_right_arithmetic3A_1179 = arith.constant 1 : i32
    %shift_right_arithmetic3A_1180 = vector.broadcast %shift_right_arithmetic3A_1179 : i32 to vector<1x128xi32>
    %shift_right_arithmetic3A_1181 = arith.shrsi %select_n3A_1175, %shift_right_arithmetic3A_1180 : vector<1x128xi32>
    %add3A_1182 = arith.addi %shift_right_arithmetic3A_1178, %shift_right_arithmetic3A_1181 : vector<1x128xi32>
    %and3A_1183 = arith.andi %select_n3A_1174, %select_n3A_1175 : vector<1x128xi32>
    %and3A_1184 = arith.constant 1 : i32
    %and3A_1185 = vector.broadcast %and3A_1184 : i32 to vector<1x128xi32>
    %and3A_1186 = arith.andi %and3A_1183, %and3A_1185 : vector<1x128xi32>
    %add3A_1187 = arith.addi %add3A_1182, %and3A_1186 : vector<1x128xi32>
    %gt3A_1188 = vector.broadcast %add3A_1187 : vector<1x128xi32> to vector<100x128xi32>
    %gt3A_1189 = arith.cmpi sgt, %select_n3A_1143, %gt3A_1188 : vector<100x128xi32>
    %convert_element_type3A_1190 = arith.extui %gt3A_1189 : vector<100x128xi1> to vector<100x128xi32>
    %reduce_sum3A_1191 = arith.constant dense<0> : vector<128xi32>
    %reduce_sum3A_1192 = vector.multi_reduction <add>, %convert_element_type3A_1190, %reduce_sum3A_1191 [0] : vector<100x128xi32> to vector<128xi32>
    %broadcast_in_dim3A_1193 = vector.shape_cast %reduce_sum3A_1192 : vector<128xi32> to vector<1x128xi32>
    %ge3A_1194 = arith.constant 50 : i32
    %ge3A_1195 = vector.broadcast %ge3A_1194 : i32 to vector<1x128xi32>
    %ge3A_1196 = arith.cmpi sge, %broadcast_in_dim3A_1193, %ge3A_1195 : vector<1x128xi32>
    %add3A_1197 = arith.constant 1 : i32
    %add3A_1198 = vector.broadcast %add3A_1197 : i32 to vector<1x128xi32>
    %add3A_1199 = arith.addi %add3A_1187, %add3A_1198 : vector<1x128xi32>
    %select_n3A_1200 = arith.select %ge3A_1196, %add3A_1199, %select_n3A_1174 : vector<1x128xi1>, vector<1x128xi32>
    %select_n3A_1201 = arith.select %ge3A_1196, %select_n3A_1175, %add3A_1187 : vector<1x128xi1>, vector<1x128xi32>
    %shift_right_arithmetic3A_1202 = arith.constant 1 : i32
    %shift_right_arithmetic3A_1203 = vector.broadcast %shift_right_arithmetic3A_1202 : i32 to vector<1x128xi32>
    %shift_right_arithmetic3A_1204 = arith.shrsi %select_n3A_1200, %shift_right_arithmetic3A_1203 : vector<1x128xi32>
    %shift_right_arithmetic3A_1205 = arith.constant 1 : i32
    %shift_right_arithmetic3A_1206 = vector.broadcast %shift_right_arithmetic3A_1205 : i32 to vector<1x128xi32>
    %shift_right_arithmetic3A_1207 = arith.shrsi %select_n3A_1201, %shift_right_arithmetic3A_1206 : vector<1x128xi32>
    %add3A_1208 = arith.addi %shift_right_arithmetic3A_1204, %shift_right_arithmetic3A_1207 : vector<1x128xi32>
    %and3A_1209 = arith.andi %select_n3A_1200, %select_n3A_1201 : vector<1x128xi32>
    %and3A_1210 = arith.constant 1 : i32
    %and3A_1211 = vector.broadcast %and3A_1210 : i32 to vector<1x128xi32>
    %and3A_1212 = arith.andi %and3A_1209, %and3A_1211 : vector<1x128xi32>
    %add3A_1213 = arith.addi %add3A_1208, %and3A_1212 : vector<1x128xi32>
    %gt3A_1214 = vector.broadcast %add3A_1213 : vector<1x128xi32> to vector<100x128xi32>
    %gt3A_1215 = arith.cmpi sgt, %select_n3A_1143, %gt3A_1214 : vector<100x128xi32>
    %convert_element_type3A_1216 = arith.extui %gt3A_1215 : vector<100x128xi1> to vector<100x128xi32>
    %reduce_sum3A_1217 = arith.constant dense<0> : vector<128xi32>
    %reduce_sum3A_1218 = vector.multi_reduction <add>, %convert_element_type3A_1216, %reduce_sum3A_1217 [0] : vector<100x128xi32> to vector<128xi32>
    %broadcast_in_dim3A_1219 = vector.shape_cast %reduce_sum3A_1218 : vector<128xi32> to vector<1x128xi32>
    %ge3A_1220 = arith.constant 50 : i32
    %ge3A_1221 = vector.broadcast %ge3A_1220 : i32 to vector<1x128xi32>
    %ge3A_1222 = arith.cmpi sge, %broadcast_in_dim3A_1219, %ge3A_1221 : vector<1x128xi32>
    %add3A_1223 = arith.constant 1 : i32
    %add3A_1224 = vector.broadcast %add3A_1223 : i32 to vector<1x128xi32>
    %add3A_1225 = arith.addi %add3A_1213, %add3A_1224 : vector<1x128xi32>
    %select_n3A_1226 = arith.select %ge3A_1222, %add3A_1225, %select_n3A_1200 : vector<1x128xi1>, vector<1x128xi32>
    %select_n3A_1227 = arith.select %ge3A_1222, %select_n3A_1201, %add3A_1213 : vector<1x128xi1>, vector<1x128xi32>
    %shift_right_arithmetic3A_1228 = arith.constant 1 : i32
    %shift_right_arithmetic3A_1229 = vector.broadcast %shift_right_arithmetic3A_1228 : i32 to vector<1x128xi32>
    %shift_right_arithmetic3A_1230 = arith.shrsi %select_n3A_1226, %shift_right_arithmetic3A_1229 : vector<1x128xi32>
    %shift_right_arithmetic3A_1231 = arith.constant 1 : i32
    %shift_right_arithmetic3A_1232 = vector.broadcast %shift_right_arithmetic3A_1231 : i32 to vector<1x128xi32>
    %shift_right_arithmetic3A_1233 = arith.shrsi %select_n3A_1227, %shift_right_arithmetic3A_1232 : vector<1x128xi32>
    %add3A_1234 = arith.addi %shift_right_arithmetic3A_1230, %shift_right_arithmetic3A_1233 : vector<1x128xi32>
    %and3A_1235 = arith.andi %select_n3A_1226, %select_n3A_1227 : vector<1x128xi32>
    %and3A_1236 = arith.constant 1 : i32
    %and3A_1237 = vector.broadcast %and3A_1236 : i32 to vector<1x128xi32>
    %and3A_1238 = arith.andi %and3A_1235, %and3A_1237 : vector<1x128xi32>
    %add3A_1239 = arith.addi %add3A_1234, %and3A_1238 : vector<1x128xi32>
    %gt3A_1240 = vector.broadcast %add3A_1239 : vector<1x128xi32> to vector<100x128xi32>
    %gt3A_1241 = arith.cmpi sgt, %select_n3A_1143, %gt3A_1240 : vector<100x128xi32>
    %convert_element_type3A_1242 = arith.extui %gt3A_1241 : vector<100x128xi1> to vector<100x128xi32>
    %reduce_sum3A_1243 = arith.constant dense<0> : vector<128xi32>
    %reduce_sum3A_1244 = vector.multi_reduction <add>, %convert_element_type3A_1242, %reduce_sum3A_1243 [0] : vector<100x128xi32> to vector<128xi32>
    %broadcast_in_dim3A_1245 = vector.shape_cast %reduce_sum3A_1244 : vector<128xi32> to vector<1x128xi32>
    %ge3A_1246 = arith.constant 50 : i32
    %ge3A_1247 = vector.broadcast %ge3A_1246 : i32 to vector<1x128xi32>
    %ge3A_1248 = arith.cmpi sge, %broadcast_in_dim3A_1245, %ge3A_1247 : vector<1x128xi32>
    %add3A_1249 = arith.constant 1 : i32
    %add3A_1250 = vector.broadcast %add3A_1249 : i32 to vector<1x128xi32>
    %add3A_1251 = arith.addi %add3A_1239, %add3A_1250 : vector<1x128xi32>
    %select_n3A_1252 = arith.select %ge3A_1248, %add3A_1251, %select_n3A_1226 : vector<1x128xi1>, vector<1x128xi32>
    %select_n3A_1253 = arith.select %ge3A_1248, %select_n3A_1227, %add3A_1239 : vector<1x128xi1>, vector<1x128xi32>
    %shift_right_arithmetic3A_1254 = arith.constant 1 : i32
    %shift_right_arithmetic3A_1255 = vector.broadcast %shift_right_arithmetic3A_1254 : i32 to vector<1x128xi32>
    %shift_right_arithmetic3A_1256 = arith.shrsi %select_n3A_1252, %shift_right_arithmetic3A_1255 : vector<1x128xi32>
    %shift_right_arithmetic3A_1257 = arith.constant 1 : i32
    %shift_right_arithmetic3A_1258 = vector.broadcast %shift_right_arithmetic3A_1257 : i32 to vector<1x128xi32>
    %shift_right_arithmetic3A_1259 = arith.shrsi %select_n3A_1253, %shift_right_arithmetic3A_1258 : vector<1x128xi32>
    %add3A_1260 = arith.addi %shift_right_arithmetic3A_1256, %shift_right_arithmetic3A_1259 : vector<1x128xi32>
    %and3A_1261 = arith.andi %select_n3A_1252, %select_n3A_1253 : vector<1x128xi32>
    %and3A_1262 = arith.constant 1 : i32
    %and3A_1263 = vector.broadcast %and3A_1262 : i32 to vector<1x128xi32>
    %and3A_1264 = arith.andi %and3A_1261, %and3A_1263 : vector<1x128xi32>
    %add3A_1265 = arith.addi %add3A_1260, %and3A_1264 : vector<1x128xi32>
    %gt3A_1266 = vector.broadcast %add3A_1265 : vector<1x128xi32> to vector<100x128xi32>
    %gt3A_1267 = arith.cmpi sgt, %select_n3A_1143, %gt3A_1266 : vector<100x128xi32>
    %convert_element_type3A_1268 = arith.extui %gt3A_1267 : vector<100x128xi1> to vector<100x128xi32>
    %reduce_sum3A_1269 = arith.constant dense<0> : vector<128xi32>
    %reduce_sum3A_1270 = vector.multi_reduction <add>, %convert_element_type3A_1268, %reduce_sum3A_1269 [0] : vector<100x128xi32> to vector<128xi32>
    %broadcast_in_dim3A_1271 = vector.shape_cast %reduce_sum3A_1270 : vector<128xi32> to vector<1x128xi32>
    %ge3A_1272 = arith.constant 50 : i32
    %ge3A_1273 = vector.broadcast %ge3A_1272 : i32 to vector<1x128xi32>
    %ge3A_1274 = arith.cmpi sge, %broadcast_in_dim3A_1271, %ge3A_1273 : vector<1x128xi32>
    %add3A_1275 = arith.constant 1 : i32
    %add3A_1276 = vector.broadcast %add3A_1275 : i32 to vector<1x128xi32>
    %add3A_1277 = arith.addi %add3A_1265, %add3A_1276 : vector<1x128xi32>
    %select_n3A_1278 = arith.select %ge3A_1274, %add3A_1277, %select_n3A_1252 : vector<1x128xi1>, vector<1x128xi32>
    %select_n3A_1279 = arith.select %ge3A_1274, %select_n3A_1253, %add3A_1265 : vector<1x128xi1>, vector<1x128xi32>
    %shift_right_arithmetic3A_1280 = arith.constant 1 : i32
    %shift_right_arithmetic3A_1281 = vector.broadcast %shift_right_arithmetic3A_1280 : i32 to vector<1x128xi32>
    %shift_right_arithmetic3A_1282 = arith.shrsi %select_n3A_1278, %shift_right_arithmetic3A_1281 : vector<1x128xi32>
    %shift_right_arithmetic3A_1283 = arith.constant 1 : i32
    %shift_right_arithmetic3A_1284 = vector.broadcast %shift_right_arithmetic3A_1283 : i32 to vector<1x128xi32>
    %shift_right_arithmetic3A_1285 = arith.shrsi %select_n3A_1279, %shift_right_arithmetic3A_1284 : vector<1x128xi32>
    %add3A_1286 = arith.addi %shift_right_arithmetic3A_1282, %shift_right_arithmetic3A_1285 : vector<1x128xi32>
    %and3A_1287 = arith.andi %select_n3A_1278, %select_n3A_1279 : vector<1x128xi32>
    %and3A_1288 = arith.constant 1 : i32
    %and3A_1289 = vector.broadcast %and3A_1288 : i32 to vector<1x128xi32>
    %and3A_1290 = arith.andi %and3A_1287, %and3A_1289 : vector<1x128xi32>
    %add3A_1291 = arith.addi %add3A_1286, %and3A_1290 : vector<1x128xi32>
    %gt3A_1292 = vector.broadcast %add3A_1291 : vector<1x128xi32> to vector<100x128xi32>
    %gt3A_1293 = arith.cmpi sgt, %select_n3A_1143, %gt3A_1292 : vector<100x128xi32>
    %convert_element_type3A_1294 = arith.extui %gt3A_1293 : vector<100x128xi1> to vector<100x128xi32>
    %reduce_sum3A_1295 = arith.constant dense<0> : vector<128xi32>
    %reduce_sum3A_1296 = vector.multi_reduction <add>, %convert_element_type3A_1294, %reduce_sum3A_1295 [0] : vector<100x128xi32> to vector<128xi32>
    %broadcast_in_dim3A_1297 = vector.shape_cast %reduce_sum3A_1296 : vector<128xi32> to vector<1x128xi32>
    %ge3A_1298 = arith.constant 50 : i32
    %ge3A_1299 = vector.broadcast %ge3A_1298 : i32 to vector<1x128xi32>
    %ge3A_1300 = arith.cmpi sge, %broadcast_in_dim3A_1297, %ge3A_1299 : vector<1x128xi32>
    %add3A_1301 = arith.constant 1 : i32
    %add3A_1302 = vector.broadcast %add3A_1301 : i32 to vector<1x128xi32>
    %add3A_1303 = arith.addi %add3A_1291, %add3A_1302 : vector<1x128xi32>
    %select_n3A_1304 = arith.select %ge3A_1300, %add3A_1303, %select_n3A_1278 : vector<1x128xi1>, vector<1x128xi32>
    %select_n3A_1305 = arith.select %ge3A_1300, %select_n3A_1279, %add3A_1291 : vector<1x128xi1>, vector<1x128xi32>
    %shift_right_arithmetic3A_1306 = arith.constant 1 : i32
    %shift_right_arithmetic3A_1307 = vector.broadcast %shift_right_arithmetic3A_1306 : i32 to vector<1x128xi32>
    %shift_right_arithmetic3A_1308 = arith.shrsi %select_n3A_1304, %shift_right_arithmetic3A_1307 : vector<1x128xi32>
    %shift_right_arithmetic3A_1309 = arith.constant 1 : i32
    %shift_right_arithmetic3A_1310 = vector.broadcast %shift_right_arithmetic3A_1309 : i32 to vector<1x128xi32>
    %shift_right_arithmetic3A_1311 = arith.shrsi %select_n3A_1305, %shift_right_arithmetic3A_1310 : vector<1x128xi32>
    %add3A_1312 = arith.addi %shift_right_arithmetic3A_1308, %shift_right_arithmetic3A_1311 : vector<1x128xi32>
    %and3A_1313 = arith.andi %select_n3A_1304, %select_n3A_1305 : vector<1x128xi32>
    %and3A_1314 = arith.constant 1 : i32
    %and3A_1315 = vector.broadcast %and3A_1314 : i32 to vector<1x128xi32>
    %and3A_1316 = arith.andi %and3A_1313, %and3A_1315 : vector<1x128xi32>
    %add3A_1317 = arith.addi %add3A_1312, %and3A_1316 : vector<1x128xi32>
    %gt3A_1318 = vector.broadcast %add3A_1317 : vector<1x128xi32> to vector<100x128xi32>
    %gt3A_1319 = arith.cmpi sgt, %select_n3A_1143, %gt3A_1318 : vector<100x128xi32>
    %convert_element_type3A_1320 = arith.extui %gt3A_1319 : vector<100x128xi1> to vector<100x128xi32>
    %reduce_sum3A_1321 = arith.constant dense<0> : vector<128xi32>
    %reduce_sum3A_1322 = vector.multi_reduction <add>, %convert_element_type3A_1320, %reduce_sum3A_1321 [0] : vector<100x128xi32> to vector<128xi32>
    %broadcast_in_dim3A_1323 = vector.shape_cast %reduce_sum3A_1322 : vector<128xi32> to vector<1x128xi32>
    %ge3A_1324 = arith.constant 50 : i32
    %ge3A_1325 = vector.broadcast %ge3A_1324 : i32 to vector<1x128xi32>
    %ge3A_1326 = arith.cmpi sge, %broadcast_in_dim3A_1323, %ge3A_1325 : vector<1x128xi32>
    %add3A_1327 = arith.constant 1 : i32
    %add3A_1328 = vector.broadcast %add3A_1327 : i32 to vector<1x128xi32>
    %add3A_1329 = arith.addi %add3A_1317, %add3A_1328 : vector<1x128xi32>
    %select_n3A_1330 = arith.select %ge3A_1326, %add3A_1329, %select_n3A_1304 : vector<1x128xi1>, vector<1x128xi32>
    %select_n3A_1331 = arith.select %ge3A_1326, %select_n3A_1305, %add3A_1317 : vector<1x128xi1>, vector<1x128xi32>
    %shift_right_arithmetic3A_1332 = arith.constant 1 : i32
    %shift_right_arithmetic3A_1333 = vector.broadcast %shift_right_arithmetic3A_1332 : i32 to vector<1x128xi32>
    %shift_right_arithmetic3A_1334 = arith.shrsi %select_n3A_1330, %shift_right_arithmetic3A_1333 : vector<1x128xi32>
    %shift_right_arithmetic3A_1335 = arith.constant 1 : i32
    %shift_right_arithmetic3A_1336 = vector.broadcast %shift_right_arithmetic3A_1335 : i32 to vector<1x128xi32>
    %shift_right_arithmetic3A_1337 = arith.shrsi %select_n3A_1331, %shift_right_arithmetic3A_1336 : vector<1x128xi32>
    %add3A_1338 = arith.addi %shift_right_arithmetic3A_1334, %shift_right_arithmetic3A_1337 : vector<1x128xi32>
    %and3A_1339 = arith.andi %select_n3A_1330, %select_n3A_1331 : vector<1x128xi32>
    %and3A_1340 = arith.constant 1 : i32
    %and3A_1341 = vector.broadcast %and3A_1340 : i32 to vector<1x128xi32>
    %and3A_1342 = arith.andi %and3A_1339, %and3A_1341 : vector<1x128xi32>
    %add3A_1343 = arith.addi %add3A_1338, %and3A_1342 : vector<1x128xi32>
    %gt3A_1344 = vector.broadcast %add3A_1343 : vector<1x128xi32> to vector<100x128xi32>
    %gt3A_1345 = arith.cmpi sgt, %select_n3A_1143, %gt3A_1344 : vector<100x128xi32>
    %convert_element_type3A_1346 = arith.extui %gt3A_1345 : vector<100x128xi1> to vector<100x128xi32>
    %reduce_sum3A_1347 = arith.constant dense<0> : vector<128xi32>
    %reduce_sum3A_1348 = vector.multi_reduction <add>, %convert_element_type3A_1346, %reduce_sum3A_1347 [0] : vector<100x128xi32> to vector<128xi32>
    %broadcast_in_dim3A_1349 = vector.shape_cast %reduce_sum3A_1348 : vector<128xi32> to vector<1x128xi32>
    %ge3A_1350 = arith.constant 50 : i32
    %ge3A_1351 = vector.broadcast %ge3A_1350 : i32 to vector<1x128xi32>
    %ge3A_1352 = arith.cmpi sge, %broadcast_in_dim3A_1349, %ge3A_1351 : vector<1x128xi32>
    %add3A_1353 = arith.constant 1 : i32
    %add3A_1354 = vector.broadcast %add3A_1353 : i32 to vector<1x128xi32>
    %add3A_1355 = arith.addi %add3A_1343, %add3A_1354 : vector<1x128xi32>
    %select_n3A_1356 = arith.select %ge3A_1352, %add3A_1355, %select_n3A_1330 : vector<1x128xi1>, vector<1x128xi32>
    %select_n3A_1357 = arith.select %ge3A_1352, %select_n3A_1331, %add3A_1343 : vector<1x128xi1>, vector<1x128xi32>
    %shift_right_arithmetic3A_1358 = arith.constant 1 : i32
    %shift_right_arithmetic3A_1359 = vector.broadcast %shift_right_arithmetic3A_1358 : i32 to vector<1x128xi32>
    %shift_right_arithmetic3A_1360 = arith.shrsi %select_n3A_1356, %shift_right_arithmetic3A_1359 : vector<1x128xi32>
    %shift_right_arithmetic3A_1361 = arith.constant 1 : i32
    %shift_right_arithmetic3A_1362 = vector.broadcast %shift_right_arithmetic3A_1361 : i32 to vector<1x128xi32>
    %shift_right_arithmetic3A_1363 = arith.shrsi %select_n3A_1357, %shift_right_arithmetic3A_1362 : vector<1x128xi32>
    %add3A_1364 = arith.addi %shift_right_arithmetic3A_1360, %shift_right_arithmetic3A_1363 : vector<1x128xi32>
    %and3A_1365 = arith.andi %select_n3A_1356, %select_n3A_1357 : vector<1x128xi32>
    %and3A_1366 = arith.constant 1 : i32
    %and3A_1367 = vector.broadcast %and3A_1366 : i32 to vector<1x128xi32>
    %and3A_1368 = arith.andi %and3A_1365, %and3A_1367 : vector<1x128xi32>
    %add3A_1369 = arith.addi %add3A_1364, %and3A_1368 : vector<1x128xi32>
    %gt3A_1370 = vector.broadcast %add3A_1369 : vector<1x128xi32> to vector<100x128xi32>
    %gt3A_1371 = arith.cmpi sgt, %select_n3A_1143, %gt3A_1370 : vector<100x128xi32>
    %convert_element_type3A_1372 = arith.extui %gt3A_1371 : vector<100x128xi1> to vector<100x128xi32>
    %reduce_sum3A_1373 = arith.constant dense<0> : vector<128xi32>
    %reduce_sum3A_1374 = vector.multi_reduction <add>, %convert_element_type3A_1372, %reduce_sum3A_1373 [0] : vector<100x128xi32> to vector<128xi32>
    %broadcast_in_dim3A_1375 = vector.shape_cast %reduce_sum3A_1374 : vector<128xi32> to vector<1x128xi32>
    %ge3A_1376 = arith.constant 50 : i32
    %ge3A_1377 = vector.broadcast %ge3A_1376 : i32 to vector<1x128xi32>
    %ge3A_1378 = arith.cmpi sge, %broadcast_in_dim3A_1375, %ge3A_1377 : vector<1x128xi32>
    %add3A_1379 = arith.constant 1 : i32
    %add3A_1380 = vector.broadcast %add3A_1379 : i32 to vector<1x128xi32>
    %add3A_1381 = arith.addi %add3A_1369, %add3A_1380 : vector<1x128xi32>
    %select_n3A_1382 = arith.select %ge3A_1378, %add3A_1381, %select_n3A_1356 : vector<1x128xi1>, vector<1x128xi32>
    %select_n3A_1383 = arith.select %ge3A_1378, %select_n3A_1357, %add3A_1369 : vector<1x128xi1>, vector<1x128xi32>
    %shift_right_arithmetic3A_1384 = arith.constant 1 : i32
    %shift_right_arithmetic3A_1385 = vector.broadcast %shift_right_arithmetic3A_1384 : i32 to vector<1x128xi32>
    %shift_right_arithmetic3A_1386 = arith.shrsi %select_n3A_1382, %shift_right_arithmetic3A_1385 : vector<1x128xi32>
    %shift_right_arithmetic3A_1387 = arith.constant 1 : i32
    %shift_right_arithmetic3A_1388 = vector.broadcast %shift_right_arithmetic3A_1387 : i32 to vector<1x128xi32>
    %shift_right_arithmetic3A_1389 = arith.shrsi %select_n3A_1383, %shift_right_arithmetic3A_1388 : vector<1x128xi32>
    %add3A_1390 = arith.addi %shift_right_arithmetic3A_1386, %shift_right_arithmetic3A_1389 : vector<1x128xi32>
    %and3A_1391 = arith.andi %select_n3A_1382, %select_n3A_1383 : vector<1x128xi32>
    %and3A_1392 = arith.constant 1 : i32
    %and3A_1393 = vector.broadcast %and3A_1392 : i32 to vector<1x128xi32>
    %and3A_1394 = arith.andi %and3A_1391, %and3A_1393 : vector<1x128xi32>
    %add3A_1395 = arith.addi %add3A_1390, %and3A_1394 : vector<1x128xi32>
    %gt3A_1396 = vector.broadcast %add3A_1395 : vector<1x128xi32> to vector<100x128xi32>
    %gt3A_1397 = arith.cmpi sgt, %select_n3A_1143, %gt3A_1396 : vector<100x128xi32>
    %convert_element_type3A_1398 = arith.extui %gt3A_1397 : vector<100x128xi1> to vector<100x128xi32>
    %reduce_sum3A_1399 = arith.constant dense<0> : vector<128xi32>
    %reduce_sum3A_1400 = vector.multi_reduction <add>, %convert_element_type3A_1398, %reduce_sum3A_1399 [0] : vector<100x128xi32> to vector<128xi32>
    %broadcast_in_dim3A_1401 = vector.shape_cast %reduce_sum3A_1400 : vector<128xi32> to vector<1x128xi32>
    %ge3A_1402 = arith.constant 50 : i32
    %ge3A_1403 = vector.broadcast %ge3A_1402 : i32 to vector<1x128xi32>
    %ge3A_1404 = arith.cmpi sge, %broadcast_in_dim3A_1401, %ge3A_1403 : vector<1x128xi32>
    %add3A_1405 = arith.constant 1 : i32
    %add3A_1406 = vector.broadcast %add3A_1405 : i32 to vector<1x128xi32>
    %add3A_1407 = arith.addi %add3A_1395, %add3A_1406 : vector<1x128xi32>
    %select_n3A_1408 = arith.select %ge3A_1404, %add3A_1407, %select_n3A_1382 : vector<1x128xi1>, vector<1x128xi32>
    %select_n3A_1409 = arith.select %ge3A_1404, %select_n3A_1383, %add3A_1395 : vector<1x128xi1>, vector<1x128xi32>
    %shift_right_arithmetic3A_1410 = arith.constant 1 : i32
    %shift_right_arithmetic3A_1411 = vector.broadcast %shift_right_arithmetic3A_1410 : i32 to vector<1x128xi32>
    %shift_right_arithmetic3A_1412 = arith.shrsi %select_n3A_1408, %shift_right_arithmetic3A_1411 : vector<1x128xi32>
    %shift_right_arithmetic3A_1413 = arith.constant 1 : i32
    %shift_right_arithmetic3A_1414 = vector.broadcast %shift_right_arithmetic3A_1413 : i32 to vector<1x128xi32>
    %shift_right_arithmetic3A_1415 = arith.shrsi %select_n3A_1409, %shift_right_arithmetic3A_1414 : vector<1x128xi32>
    %add3A_1416 = arith.addi %shift_right_arithmetic3A_1412, %shift_right_arithmetic3A_1415 : vector<1x128xi32>
    %and3A_1417 = arith.andi %select_n3A_1408, %select_n3A_1409 : vector<1x128xi32>
    %and3A_1418 = arith.constant 1 : i32
    %and3A_1419 = vector.broadcast %and3A_1418 : i32 to vector<1x128xi32>
    %and3A_1420 = arith.andi %and3A_1417, %and3A_1419 : vector<1x128xi32>
    %add3A_1421 = arith.addi %add3A_1416, %and3A_1420 : vector<1x128xi32>
    %gt3A_1422 = vector.broadcast %add3A_1421 : vector<1x128xi32> to vector<100x128xi32>
    %gt3A_1423 = arith.cmpi sgt, %select_n3A_1143, %gt3A_1422 : vector<100x128xi32>
    %convert_element_type3A_1424 = arith.extui %gt3A_1423 : vector<100x128xi1> to vector<100x128xi32>
    %reduce_sum3A_1425 = arith.constant dense<0> : vector<128xi32>
    %reduce_sum3A_1426 = vector.multi_reduction <add>, %convert_element_type3A_1424, %reduce_sum3A_1425 [0] : vector<100x128xi32> to vector<128xi32>
    %broadcast_in_dim3A_1427 = vector.shape_cast %reduce_sum3A_1426 : vector<128xi32> to vector<1x128xi32>
    %ge3A_1428 = arith.constant 50 : i32
    %ge3A_1429 = vector.broadcast %ge3A_1428 : i32 to vector<1x128xi32>
    %ge3A_1430 = arith.cmpi sge, %broadcast_in_dim3A_1427, %ge3A_1429 : vector<1x128xi32>
    %add3A_1431 = arith.constant 1 : i32
    %add3A_1432 = vector.broadcast %add3A_1431 : i32 to vector<1x128xi32>
    %add3A_1433 = arith.addi %add3A_1421, %add3A_1432 : vector<1x128xi32>
    %select_n3A_1434 = arith.select %ge3A_1430, %add3A_1433, %select_n3A_1408 : vector<1x128xi1>, vector<1x128xi32>
    %select_n3A_1435 = arith.select %ge3A_1430, %select_n3A_1409, %add3A_1421 : vector<1x128xi1>, vector<1x128xi32>
    %shift_right_arithmetic3A_1436 = arith.constant 1 : i32
    %shift_right_arithmetic3A_1437 = vector.broadcast %shift_right_arithmetic3A_1436 : i32 to vector<1x128xi32>
    %shift_right_arithmetic3A_1438 = arith.shrsi %select_n3A_1434, %shift_right_arithmetic3A_1437 : vector<1x128xi32>
    %shift_right_arithmetic3A_1439 = arith.constant 1 : i32
    %shift_right_arithmetic3A_1440 = vector.broadcast %shift_right_arithmetic3A_1439 : i32 to vector<1x128xi32>
    %shift_right_arithmetic3A_1441 = arith.shrsi %select_n3A_1435, %shift_right_arithmetic3A_1440 : vector<1x128xi32>
    %add3A_1442 = arith.addi %shift_right_arithmetic3A_1438, %shift_right_arithmetic3A_1441 : vector<1x128xi32>
    %and3A_1443 = arith.andi %select_n3A_1434, %select_n3A_1435 : vector<1x128xi32>
    %and3A_1444 = arith.constant 1 : i32
    %and3A_1445 = vector.broadcast %and3A_1444 : i32 to vector<1x128xi32>
    %and3A_1446 = arith.andi %and3A_1443, %and3A_1445 : vector<1x128xi32>
    %add3A_1447 = arith.addi %add3A_1442, %and3A_1446 : vector<1x128xi32>
    %gt3A_1448 = vector.broadcast %add3A_1447 : vector<1x128xi32> to vector<100x128xi32>
    %gt3A_1449 = arith.cmpi sgt, %select_n3A_1143, %gt3A_1448 : vector<100x128xi32>
    %convert_element_type3A_1450 = arith.extui %gt3A_1449 : vector<100x128xi1> to vector<100x128xi32>
    %reduce_sum3A_1451 = arith.constant dense<0> : vector<128xi32>
    %reduce_sum3A_1452 = vector.multi_reduction <add>, %convert_element_type3A_1450, %reduce_sum3A_1451 [0] : vector<100x128xi32> to vector<128xi32>
    %broadcast_in_dim3A_1453 = vector.shape_cast %reduce_sum3A_1452 : vector<128xi32> to vector<1x128xi32>
    %ge3A_1454 = arith.constant 50 : i32
    %ge3A_1455 = vector.broadcast %ge3A_1454 : i32 to vector<1x128xi32>
    %ge3A_1456 = arith.cmpi sge, %broadcast_in_dim3A_1453, %ge3A_1455 : vector<1x128xi32>
    %add3A_1457 = arith.constant 1 : i32
    %add3A_1458 = vector.broadcast %add3A_1457 : i32 to vector<1x128xi32>
    %add3A_1459 = arith.addi %add3A_1447, %add3A_1458 : vector<1x128xi32>
    %select_n3A_1460 = arith.select %ge3A_1456, %add3A_1459, %select_n3A_1434 : vector<1x128xi1>, vector<1x128xi32>
    %select_n3A_1461 = arith.select %ge3A_1456, %select_n3A_1435, %add3A_1447 : vector<1x128xi1>, vector<1x128xi32>
    %shift_right_arithmetic3A_1462 = arith.constant 1 : i32
    %shift_right_arithmetic3A_1463 = vector.broadcast %shift_right_arithmetic3A_1462 : i32 to vector<1x128xi32>
    %shift_right_arithmetic3A_1464 = arith.shrsi %select_n3A_1460, %shift_right_arithmetic3A_1463 : vector<1x128xi32>
    %shift_right_arithmetic3A_1465 = arith.constant 1 : i32
    %shift_right_arithmetic3A_1466 = vector.broadcast %shift_right_arithmetic3A_1465 : i32 to vector<1x128xi32>
    %shift_right_arithmetic3A_1467 = arith.shrsi %select_n3A_1461, %shift_right_arithmetic3A_1466 : vector<1x128xi32>
    %add3A_1468 = arith.addi %shift_right_arithmetic3A_1464, %shift_right_arithmetic3A_1467 : vector<1x128xi32>
    %and3A_1469 = arith.andi %select_n3A_1460, %select_n3A_1461 : vector<1x128xi32>
    %and3A_1470 = arith.constant 1 : i32
    %and3A_1471 = vector.broadcast %and3A_1470 : i32 to vector<1x128xi32>
    %and3A_1472 = arith.andi %and3A_1469, %and3A_1471 : vector<1x128xi32>
    %add3A_1473 = arith.addi %add3A_1468, %and3A_1472 : vector<1x128xi32>
    %gt3A_1474 = vector.broadcast %add3A_1473 : vector<1x128xi32> to vector<100x128xi32>
    %gt3A_1475 = arith.cmpi sgt, %select_n3A_1143, %gt3A_1474 : vector<100x128xi32>
    %convert_element_type3A_1476 = arith.extui %gt3A_1475 : vector<100x128xi1> to vector<100x128xi32>
    %reduce_sum3A_1477 = arith.constant dense<0> : vector<128xi32>
    %reduce_sum3A_1478 = vector.multi_reduction <add>, %convert_element_type3A_1476, %reduce_sum3A_1477 [0] : vector<100x128xi32> to vector<128xi32>
    %broadcast_in_dim3A_1479 = vector.shape_cast %reduce_sum3A_1478 : vector<128xi32> to vector<1x128xi32>
    %ge3A_1480 = arith.constant 50 : i32
    %ge3A_1481 = vector.broadcast %ge3A_1480 : i32 to vector<1x128xi32>
    %ge3A_1482 = arith.cmpi sge, %broadcast_in_dim3A_1479, %ge3A_1481 : vector<1x128xi32>
    %add3A_1483 = arith.constant 1 : i32
    %add3A_1484 = vector.broadcast %add3A_1483 : i32 to vector<1x128xi32>
    %add3A_1485 = arith.addi %add3A_1473, %add3A_1484 : vector<1x128xi32>
    %select_n3A_1486 = arith.select %ge3A_1482, %add3A_1485, %select_n3A_1460 : vector<1x128xi1>, vector<1x128xi32>
    %select_n3A_1487 = arith.select %ge3A_1482, %select_n3A_1461, %add3A_1473 : vector<1x128xi1>, vector<1x128xi32>
    %shift_right_arithmetic3A_1488 = arith.constant 1 : i32
    %shift_right_arithmetic3A_1489 = vector.broadcast %shift_right_arithmetic3A_1488 : i32 to vector<1x128xi32>
    %shift_right_arithmetic3A_1490 = arith.shrsi %select_n3A_1486, %shift_right_arithmetic3A_1489 : vector<1x128xi32>
    %shift_right_arithmetic3A_1491 = arith.constant 1 : i32
    %shift_right_arithmetic3A_1492 = vector.broadcast %shift_right_arithmetic3A_1491 : i32 to vector<1x128xi32>
    %shift_right_arithmetic3A_1493 = arith.shrsi %select_n3A_1487, %shift_right_arithmetic3A_1492 : vector<1x128xi32>
    %add3A_1494 = arith.addi %shift_right_arithmetic3A_1490, %shift_right_arithmetic3A_1493 : vector<1x128xi32>
    %and3A_1495 = arith.andi %select_n3A_1486, %select_n3A_1487 : vector<1x128xi32>
    %and3A_1496 = arith.constant 1 : i32
    %and3A_1497 = vector.broadcast %and3A_1496 : i32 to vector<1x128xi32>
    %and3A_1498 = arith.andi %and3A_1495, %and3A_1497 : vector<1x128xi32>
    %add3A_1499 = arith.addi %add3A_1494, %and3A_1498 : vector<1x128xi32>
    %gt3A_1500 = vector.broadcast %add3A_1499 : vector<1x128xi32> to vector<100x128xi32>
    %gt3A_1501 = arith.cmpi sgt, %select_n3A_1143, %gt3A_1500 : vector<100x128xi32>
    %convert_element_type3A_1502 = arith.extui %gt3A_1501 : vector<100x128xi1> to vector<100x128xi32>
    %reduce_sum3A_1503 = arith.constant dense<0> : vector<128xi32>
    %reduce_sum3A_1504 = vector.multi_reduction <add>, %convert_element_type3A_1502, %reduce_sum3A_1503 [0] : vector<100x128xi32> to vector<128xi32>
    %broadcast_in_dim3A_1505 = vector.shape_cast %reduce_sum3A_1504 : vector<128xi32> to vector<1x128xi32>
    %ge3A_1506 = arith.constant 50 : i32
    %ge3A_1507 = vector.broadcast %ge3A_1506 : i32 to vector<1x128xi32>
    %ge3A_1508 = arith.cmpi sge, %broadcast_in_dim3A_1505, %ge3A_1507 : vector<1x128xi32>
    %add3A_1509 = arith.constant 1 : i32
    %add3A_1510 = vector.broadcast %add3A_1509 : i32 to vector<1x128xi32>
    %add3A_1511 = arith.addi %add3A_1499, %add3A_1510 : vector<1x128xi32>
    %select_n3A_1512 = arith.select %ge3A_1508, %add3A_1511, %select_n3A_1486 : vector<1x128xi1>, vector<1x128xi32>
    %select_n3A_1513 = arith.select %ge3A_1508, %select_n3A_1487, %add3A_1499 : vector<1x128xi1>, vector<1x128xi32>
    %shift_right_arithmetic3A_1514 = arith.constant 1 : i32
    %shift_right_arithmetic3A_1515 = vector.broadcast %shift_right_arithmetic3A_1514 : i32 to vector<1x128xi32>
    %shift_right_arithmetic3A_1516 = arith.shrsi %select_n3A_1512, %shift_right_arithmetic3A_1515 : vector<1x128xi32>
    %shift_right_arithmetic3A_1517 = arith.constant 1 : i32
    %shift_right_arithmetic3A_1518 = vector.broadcast %shift_right_arithmetic3A_1517 : i32 to vector<1x128xi32>
    %shift_right_arithmetic3A_1519 = arith.shrsi %select_n3A_1513, %shift_right_arithmetic3A_1518 : vector<1x128xi32>
    %add3A_1520 = arith.addi %shift_right_arithmetic3A_1516, %shift_right_arithmetic3A_1519 : vector<1x128xi32>
    %and3A_1521 = arith.andi %select_n3A_1512, %select_n3A_1513 : vector<1x128xi32>
    %and3A_1522 = arith.constant 1 : i32
    %and3A_1523 = vector.broadcast %and3A_1522 : i32 to vector<1x128xi32>
    %and3A_1524 = arith.andi %and3A_1521, %and3A_1523 : vector<1x128xi32>
    %add3A_1525 = arith.addi %add3A_1520, %and3A_1524 : vector<1x128xi32>
    %gt3A_1526 = vector.broadcast %add3A_1525 : vector<1x128xi32> to vector<100x128xi32>
    %gt3A_1527 = arith.cmpi sgt, %select_n3A_1143, %gt3A_1526 : vector<100x128xi32>
    %convert_element_type3A_1528 = arith.extui %gt3A_1527 : vector<100x128xi1> to vector<100x128xi32>
    %reduce_sum3A_1529 = arith.constant dense<0> : vector<128xi32>
    %reduce_sum3A_1530 = vector.multi_reduction <add>, %convert_element_type3A_1528, %reduce_sum3A_1529 [0] : vector<100x128xi32> to vector<128xi32>
    %broadcast_in_dim3A_1531 = vector.shape_cast %reduce_sum3A_1530 : vector<128xi32> to vector<1x128xi32>
    %ge3A_1532 = arith.constant 50 : i32
    %ge3A_1533 = vector.broadcast %ge3A_1532 : i32 to vector<1x128xi32>
    %ge3A_1534 = arith.cmpi sge, %broadcast_in_dim3A_1531, %ge3A_1533 : vector<1x128xi32>
    %add3A_1535 = arith.constant 1 : i32
    %add3A_1536 = vector.broadcast %add3A_1535 : i32 to vector<1x128xi32>
    %add3A_1537 = arith.addi %add3A_1525, %add3A_1536 : vector<1x128xi32>
    %select_n3A_1538 = arith.select %ge3A_1534, %add3A_1537, %select_n3A_1512 : vector<1x128xi1>, vector<1x128xi32>
    %select_n3A_1539 = arith.select %ge3A_1534, %select_n3A_1513, %add3A_1525 : vector<1x128xi1>, vector<1x128xi32>
    %shift_right_arithmetic3A_1540 = arith.constant 1 : i32
    %shift_right_arithmetic3A_1541 = vector.broadcast %shift_right_arithmetic3A_1540 : i32 to vector<1x128xi32>
    %shift_right_arithmetic3A_1542 = arith.shrsi %select_n3A_1538, %shift_right_arithmetic3A_1541 : vector<1x128xi32>
    %shift_right_arithmetic3A_1543 = arith.constant 1 : i32
    %shift_right_arithmetic3A_1544 = vector.broadcast %shift_right_arithmetic3A_1543 : i32 to vector<1x128xi32>
    %shift_right_arithmetic3A_1545 = arith.shrsi %select_n3A_1539, %shift_right_arithmetic3A_1544 : vector<1x128xi32>
    %add3A_1546 = arith.addi %shift_right_arithmetic3A_1542, %shift_right_arithmetic3A_1545 : vector<1x128xi32>
    %and3A_1547 = arith.andi %select_n3A_1538, %select_n3A_1539 : vector<1x128xi32>
    %and3A_1548 = arith.constant 1 : i32
    %and3A_1549 = vector.broadcast %and3A_1548 : i32 to vector<1x128xi32>
    %and3A_1550 = arith.andi %and3A_1547, %and3A_1549 : vector<1x128xi32>
    %add3A_1551 = arith.addi %add3A_1546, %and3A_1550 : vector<1x128xi32>
    %gt3A_1552 = vector.broadcast %add3A_1551 : vector<1x128xi32> to vector<100x128xi32>
    %gt3A_1553 = arith.cmpi sgt, %select_n3A_1143, %gt3A_1552 : vector<100x128xi32>
    %convert_element_type3A_1554 = arith.extui %gt3A_1553 : vector<100x128xi1> to vector<100x128xi32>
    %reduce_sum3A_1555 = arith.constant dense<0> : vector<128xi32>
    %reduce_sum3A_1556 = vector.multi_reduction <add>, %convert_element_type3A_1554, %reduce_sum3A_1555 [0] : vector<100x128xi32> to vector<128xi32>
    %broadcast_in_dim3A_1557 = vector.shape_cast %reduce_sum3A_1556 : vector<128xi32> to vector<1x128xi32>
    %ge3A_1558 = arith.constant 50 : i32
    %ge3A_1559 = vector.broadcast %ge3A_1558 : i32 to vector<1x128xi32>
    %ge3A_1560 = arith.cmpi sge, %broadcast_in_dim3A_1557, %ge3A_1559 : vector<1x128xi32>
    %add3A_1561 = arith.constant 1 : i32
    %add3A_1562 = vector.broadcast %add3A_1561 : i32 to vector<1x128xi32>
    %add3A_1563 = arith.addi %add3A_1551, %add3A_1562 : vector<1x128xi32>
    %select_n3A_1564 = arith.select %ge3A_1560, %add3A_1563, %select_n3A_1538 : vector<1x128xi1>, vector<1x128xi32>
    %select_n3A_1565 = arith.select %ge3A_1560, %select_n3A_1539, %add3A_1551 : vector<1x128xi1>, vector<1x128xi32>
    %shift_right_arithmetic3A_1566 = arith.constant 1 : i32
    %shift_right_arithmetic3A_1567 = vector.broadcast %shift_right_arithmetic3A_1566 : i32 to vector<1x128xi32>
    %shift_right_arithmetic3A_1568 = arith.shrsi %select_n3A_1564, %shift_right_arithmetic3A_1567 : vector<1x128xi32>
    %shift_right_arithmetic3A_1569 = arith.constant 1 : i32
    %shift_right_arithmetic3A_1570 = vector.broadcast %shift_right_arithmetic3A_1569 : i32 to vector<1x128xi32>
    %shift_right_arithmetic3A_1571 = arith.shrsi %select_n3A_1565, %shift_right_arithmetic3A_1570 : vector<1x128xi32>
    %add3A_1572 = arith.addi %shift_right_arithmetic3A_1568, %shift_right_arithmetic3A_1571 : vector<1x128xi32>
    %and3A_1573 = arith.andi %select_n3A_1564, %select_n3A_1565 : vector<1x128xi32>
    %and3A_1574 = arith.constant 1 : i32
    %and3A_1575 = vector.broadcast %and3A_1574 : i32 to vector<1x128xi32>
    %and3A_1576 = arith.andi %and3A_1573, %and3A_1575 : vector<1x128xi32>
    %add3A_1577 = arith.addi %add3A_1572, %and3A_1576 : vector<1x128xi32>
    %gt3A_1578 = vector.broadcast %add3A_1577 : vector<1x128xi32> to vector<100x128xi32>
    %gt3A_1579 = arith.cmpi sgt, %select_n3A_1143, %gt3A_1578 : vector<100x128xi32>
    %convert_element_type3A_1580 = arith.extui %gt3A_1579 : vector<100x128xi1> to vector<100x128xi32>
    %reduce_sum3A_1581 = arith.constant dense<0> : vector<128xi32>
    %reduce_sum3A_1582 = vector.multi_reduction <add>, %convert_element_type3A_1580, %reduce_sum3A_1581 [0] : vector<100x128xi32> to vector<128xi32>
    %broadcast_in_dim3A_1583 = vector.shape_cast %reduce_sum3A_1582 : vector<128xi32> to vector<1x128xi32>
    %ge3A_1584 = arith.constant 50 : i32
    %ge3A_1585 = vector.broadcast %ge3A_1584 : i32 to vector<1x128xi32>
    %ge3A_1586 = arith.cmpi sge, %broadcast_in_dim3A_1583, %ge3A_1585 : vector<1x128xi32>
    %add3A_1587 = arith.constant 1 : i32
    %add3A_1588 = vector.broadcast %add3A_1587 : i32 to vector<1x128xi32>
    %add3A_1589 = arith.addi %add3A_1577, %add3A_1588 : vector<1x128xi32>
    %select_n3A_1590 = arith.select %ge3A_1586, %add3A_1589, %select_n3A_1564 : vector<1x128xi1>, vector<1x128xi32>
    %select_n3A_1591 = arith.select %ge3A_1586, %select_n3A_1565, %add3A_1577 : vector<1x128xi1>, vector<1x128xi32>
    %shift_right_arithmetic3A_1592 = arith.constant 1 : i32
    %shift_right_arithmetic3A_1593 = vector.broadcast %shift_right_arithmetic3A_1592 : i32 to vector<1x128xi32>
    %shift_right_arithmetic3A_1594 = arith.shrsi %select_n3A_1590, %shift_right_arithmetic3A_1593 : vector<1x128xi32>
    %shift_right_arithmetic3A_1595 = arith.constant 1 : i32
    %shift_right_arithmetic3A_1596 = vector.broadcast %shift_right_arithmetic3A_1595 : i32 to vector<1x128xi32>
    %shift_right_arithmetic3A_1597 = arith.shrsi %select_n3A_1591, %shift_right_arithmetic3A_1596 : vector<1x128xi32>
    %add3A_1598 = arith.addi %shift_right_arithmetic3A_1594, %shift_right_arithmetic3A_1597 : vector<1x128xi32>
    %and3A_1599 = arith.andi %select_n3A_1590, %select_n3A_1591 : vector<1x128xi32>
    %and3A_1600 = arith.constant 1 : i32
    %and3A_1601 = vector.broadcast %and3A_1600 : i32 to vector<1x128xi32>
    %and3A_1602 = arith.andi %and3A_1599, %and3A_1601 : vector<1x128xi32>
    %add3A_1603 = arith.addi %add3A_1598, %and3A_1602 : vector<1x128xi32>
    %gt3A_1604 = vector.broadcast %add3A_1603 : vector<1x128xi32> to vector<100x128xi32>
    %gt3A_1605 = arith.cmpi sgt, %select_n3A_1143, %gt3A_1604 : vector<100x128xi32>
    %convert_element_type3A_1606 = arith.extui %gt3A_1605 : vector<100x128xi1> to vector<100x128xi32>
    %reduce_sum3A_1607 = arith.constant dense<0> : vector<128xi32>
    %reduce_sum3A_1608 = vector.multi_reduction <add>, %convert_element_type3A_1606, %reduce_sum3A_1607 [0] : vector<100x128xi32> to vector<128xi32>
    %broadcast_in_dim3A_1609 = vector.shape_cast %reduce_sum3A_1608 : vector<128xi32> to vector<1x128xi32>
    %ge3A_1610 = arith.constant 50 : i32
    %ge3A_1611 = vector.broadcast %ge3A_1610 : i32 to vector<1x128xi32>
    %ge3A_1612 = arith.cmpi sge, %broadcast_in_dim3A_1609, %ge3A_1611 : vector<1x128xi32>
    %add3A_1613 = arith.constant 1 : i32
    %add3A_1614 = vector.broadcast %add3A_1613 : i32 to vector<1x128xi32>
    %add3A_1615 = arith.addi %add3A_1603, %add3A_1614 : vector<1x128xi32>
    %select_n3A_1616 = arith.select %ge3A_1612, %add3A_1615, %select_n3A_1590 : vector<1x128xi1>, vector<1x128xi32>
    %select_n3A_1617 = arith.select %ge3A_1612, %select_n3A_1591, %add3A_1603 : vector<1x128xi1>, vector<1x128xi32>
    %shift_right_arithmetic3A_1618 = arith.constant 1 : i32
    %shift_right_arithmetic3A_1619 = vector.broadcast %shift_right_arithmetic3A_1618 : i32 to vector<1x128xi32>
    %shift_right_arithmetic3A_1620 = arith.shrsi %select_n3A_1616, %shift_right_arithmetic3A_1619 : vector<1x128xi32>
    %shift_right_arithmetic3A_1621 = arith.constant 1 : i32
    %shift_right_arithmetic3A_1622 = vector.broadcast %shift_right_arithmetic3A_1621 : i32 to vector<1x128xi32>
    %shift_right_arithmetic3A_1623 = arith.shrsi %select_n3A_1617, %shift_right_arithmetic3A_1622 : vector<1x128xi32>
    %add3A_1624 = arith.addi %shift_right_arithmetic3A_1620, %shift_right_arithmetic3A_1623 : vector<1x128xi32>
    %and3A_1625 = arith.andi %select_n3A_1616, %select_n3A_1617 : vector<1x128xi32>
    %and3A_1626 = arith.constant 1 : i32
    %and3A_1627 = vector.broadcast %and3A_1626 : i32 to vector<1x128xi32>
    %and3A_1628 = arith.andi %and3A_1625, %and3A_1627 : vector<1x128xi32>
    %add3A_1629 = arith.addi %add3A_1624, %and3A_1628 : vector<1x128xi32>
    %gt3A_1630 = vector.broadcast %add3A_1629 : vector<1x128xi32> to vector<100x128xi32>
    %gt3A_1631 = arith.cmpi sgt, %select_n3A_1143, %gt3A_1630 : vector<100x128xi32>
    %convert_element_type3A_1632 = arith.extui %gt3A_1631 : vector<100x128xi1> to vector<100x128xi32>
    %reduce_sum3A_1633 = arith.constant dense<0> : vector<128xi32>
    %reduce_sum3A_1634 = vector.multi_reduction <add>, %convert_element_type3A_1632, %reduce_sum3A_1633 [0] : vector<100x128xi32> to vector<128xi32>
    %broadcast_in_dim3A_1635 = vector.shape_cast %reduce_sum3A_1634 : vector<128xi32> to vector<1x128xi32>
    %ge3A_1636 = arith.constant 50 : i32
    %ge3A_1637 = vector.broadcast %ge3A_1636 : i32 to vector<1x128xi32>
    %ge3A_1638 = arith.cmpi sge, %broadcast_in_dim3A_1635, %ge3A_1637 : vector<1x128xi32>
    %add3A_1639 = arith.constant 1 : i32
    %add3A_1640 = vector.broadcast %add3A_1639 : i32 to vector<1x128xi32>
    %add3A_1641 = arith.addi %add3A_1629, %add3A_1640 : vector<1x128xi32>
    %select_n3A_1642 = arith.select %ge3A_1638, %add3A_1641, %select_n3A_1616 : vector<1x128xi1>, vector<1x128xi32>
    %select_n3A_1643 = arith.select %ge3A_1638, %select_n3A_1617, %add3A_1629 : vector<1x128xi1>, vector<1x128xi32>
    %shift_right_arithmetic3A_1644 = arith.constant 1 : i32
    %shift_right_arithmetic3A_1645 = vector.broadcast %shift_right_arithmetic3A_1644 : i32 to vector<1x128xi32>
    %shift_right_arithmetic3A_1646 = arith.shrsi %select_n3A_1642, %shift_right_arithmetic3A_1645 : vector<1x128xi32>
    %shift_right_arithmetic3A_1647 = arith.constant 1 : i32
    %shift_right_arithmetic3A_1648 = vector.broadcast %shift_right_arithmetic3A_1647 : i32 to vector<1x128xi32>
    %shift_right_arithmetic3A_1649 = arith.shrsi %select_n3A_1643, %shift_right_arithmetic3A_1648 : vector<1x128xi32>
    %add3A_1650 = arith.addi %shift_right_arithmetic3A_1646, %shift_right_arithmetic3A_1649 : vector<1x128xi32>
    %and3A_1651 = arith.andi %select_n3A_1642, %select_n3A_1643 : vector<1x128xi32>
    %and3A_1652 = arith.constant 1 : i32
    %and3A_1653 = vector.broadcast %and3A_1652 : i32 to vector<1x128xi32>
    %and3A_1654 = arith.andi %and3A_1651, %and3A_1653 : vector<1x128xi32>
    %add3A_1655 = arith.addi %add3A_1650, %and3A_1654 : vector<1x128xi32>
    %gt3A_1656 = vector.broadcast %add3A_1655 : vector<1x128xi32> to vector<100x128xi32>
    %gt3A_1657 = arith.cmpi sgt, %select_n3A_1143, %gt3A_1656 : vector<100x128xi32>
    %convert_element_type3A_1658 = arith.extui %gt3A_1657 : vector<100x128xi1> to vector<100x128xi32>
    %reduce_sum3A_1659 = arith.constant dense<0> : vector<128xi32>
    %reduce_sum3A_1660 = vector.multi_reduction <add>, %convert_element_type3A_1658, %reduce_sum3A_1659 [0] : vector<100x128xi32> to vector<128xi32>
    %broadcast_in_dim3A_1661 = vector.shape_cast %reduce_sum3A_1660 : vector<128xi32> to vector<1x128xi32>
    %ge3A_1662 = arith.constant 50 : i32
    %ge3A_1663 = vector.broadcast %ge3A_1662 : i32 to vector<1x128xi32>
    %ge3A_1664 = arith.cmpi sge, %broadcast_in_dim3A_1661, %ge3A_1663 : vector<1x128xi32>
    %add3A_1665 = arith.constant 1 : i32
    %add3A_1666 = vector.broadcast %add3A_1665 : i32 to vector<1x128xi32>
    %add3A_1667 = arith.addi %add3A_1655, %add3A_1666 : vector<1x128xi32>
    %select_n3A_1668 = arith.select %ge3A_1664, %add3A_1667, %select_n3A_1642 : vector<1x128xi1>, vector<1x128xi32>
    %select_n3A_1669 = arith.select %ge3A_1664, %select_n3A_1643, %add3A_1655 : vector<1x128xi1>, vector<1x128xi32>
    %shift_right_arithmetic3A_1670 = arith.constant 1 : i32
    %shift_right_arithmetic3A_1671 = vector.broadcast %shift_right_arithmetic3A_1670 : i32 to vector<1x128xi32>
    %shift_right_arithmetic3A_1672 = arith.shrsi %select_n3A_1668, %shift_right_arithmetic3A_1671 : vector<1x128xi32>
    %shift_right_arithmetic3A_1673 = arith.constant 1 : i32
    %shift_right_arithmetic3A_1674 = vector.broadcast %shift_right_arithmetic3A_1673 : i32 to vector<1x128xi32>
    %shift_right_arithmetic3A_1675 = arith.shrsi %select_n3A_1669, %shift_right_arithmetic3A_1674 : vector<1x128xi32>
    %add3A_1676 = arith.addi %shift_right_arithmetic3A_1672, %shift_right_arithmetic3A_1675 : vector<1x128xi32>
    %and3A_1677 = arith.andi %select_n3A_1668, %select_n3A_1669 : vector<1x128xi32>
    %and3A_1678 = arith.constant 1 : i32
    %and3A_1679 = vector.broadcast %and3A_1678 : i32 to vector<1x128xi32>
    %and3A_1680 = arith.andi %and3A_1677, %and3A_1679 : vector<1x128xi32>
    %add3A_1681 = arith.addi %add3A_1676, %and3A_1680 : vector<1x128xi32>
    %gt3A_1682 = vector.broadcast %add3A_1681 : vector<1x128xi32> to vector<100x128xi32>
    %gt3A_1683 = arith.cmpi sgt, %select_n3A_1143, %gt3A_1682 : vector<100x128xi32>
    %convert_element_type3A_1684 = arith.extui %gt3A_1683 : vector<100x128xi1> to vector<100x128xi32>
    %reduce_sum3A_1685 = arith.constant dense<0> : vector<128xi32>
    %reduce_sum3A_1686 = vector.multi_reduction <add>, %convert_element_type3A_1684, %reduce_sum3A_1685 [0] : vector<100x128xi32> to vector<128xi32>
    %broadcast_in_dim3A_1687 = vector.shape_cast %reduce_sum3A_1686 : vector<128xi32> to vector<1x128xi32>
    %ge3A_1688 = arith.constant 50 : i32
    %ge3A_1689 = vector.broadcast %ge3A_1688 : i32 to vector<1x128xi32>
    %ge3A_1690 = arith.cmpi sge, %broadcast_in_dim3A_1687, %ge3A_1689 : vector<1x128xi32>
    %add3A_1691 = arith.constant 1 : i32
    %add3A_1692 = vector.broadcast %add3A_1691 : i32 to vector<1x128xi32>
    %add3A_1693 = arith.addi %add3A_1681, %add3A_1692 : vector<1x128xi32>
    %select_n3A_1694 = arith.select %ge3A_1690, %add3A_1693, %select_n3A_1668 : vector<1x128xi1>, vector<1x128xi32>
    %select_n3A_1695 = arith.select %ge3A_1690, %select_n3A_1669, %add3A_1681 : vector<1x128xi1>, vector<1x128xi32>
    %shift_right_arithmetic3A_1696 = arith.constant 1 : i32
    %shift_right_arithmetic3A_1697 = vector.broadcast %shift_right_arithmetic3A_1696 : i32 to vector<1x128xi32>
    %shift_right_arithmetic3A_1698 = arith.shrsi %select_n3A_1694, %shift_right_arithmetic3A_1697 : vector<1x128xi32>
    %shift_right_arithmetic3A_1699 = arith.constant 1 : i32
    %shift_right_arithmetic3A_1700 = vector.broadcast %shift_right_arithmetic3A_1699 : i32 to vector<1x128xi32>
    %shift_right_arithmetic3A_1701 = arith.shrsi %select_n3A_1695, %shift_right_arithmetic3A_1700 : vector<1x128xi32>
    %add3A_1702 = arith.addi %shift_right_arithmetic3A_1698, %shift_right_arithmetic3A_1701 : vector<1x128xi32>
    %and3A_1703 = arith.andi %select_n3A_1694, %select_n3A_1695 : vector<1x128xi32>
    %and3A_1704 = arith.constant 1 : i32
    %and3A_1705 = vector.broadcast %and3A_1704 : i32 to vector<1x128xi32>
    %and3A_1706 = arith.andi %and3A_1703, %and3A_1705 : vector<1x128xi32>
    %add3A_1707 = arith.addi %add3A_1702, %and3A_1706 : vector<1x128xi32>
    %gt3A_1708 = vector.broadcast %add3A_1707 : vector<1x128xi32> to vector<100x128xi32>
    %gt3A_1709 = arith.cmpi sgt, %select_n3A_1143, %gt3A_1708 : vector<100x128xi32>
    %convert_element_type3A_1710 = arith.extui %gt3A_1709 : vector<100x128xi1> to vector<100x128xi32>
    %reduce_sum3A_1711 = arith.constant dense<0> : vector<128xi32>
    %reduce_sum3A_1712 = vector.multi_reduction <add>, %convert_element_type3A_1710, %reduce_sum3A_1711 [0] : vector<100x128xi32> to vector<128xi32>
    %broadcast_in_dim3A_1713 = vector.shape_cast %reduce_sum3A_1712 : vector<128xi32> to vector<1x128xi32>
    %ge3A_1714 = arith.constant 50 : i32
    %ge3A_1715 = vector.broadcast %ge3A_1714 : i32 to vector<1x128xi32>
    %ge3A_1716 = arith.cmpi sge, %broadcast_in_dim3A_1713, %ge3A_1715 : vector<1x128xi32>
    %add3A_1717 = arith.constant 1 : i32
    %add3A_1718 = vector.broadcast %add3A_1717 : i32 to vector<1x128xi32>
    %add3A_1719 = arith.addi %add3A_1707, %add3A_1718 : vector<1x128xi32>
    %select_n3A_1720 = arith.select %ge3A_1716, %add3A_1719, %select_n3A_1694 : vector<1x128xi1>, vector<1x128xi32>
    %select_n3A_1721 = arith.select %ge3A_1716, %select_n3A_1695, %add3A_1707 : vector<1x128xi1>, vector<1x128xi32>
    %shift_right_arithmetic3A_1722 = arith.constant 1 : i32
    %shift_right_arithmetic3A_1723 = vector.broadcast %shift_right_arithmetic3A_1722 : i32 to vector<1x128xi32>
    %shift_right_arithmetic3A_1724 = arith.shrsi %select_n3A_1720, %shift_right_arithmetic3A_1723 : vector<1x128xi32>
    %shift_right_arithmetic3A_1725 = arith.constant 1 : i32
    %shift_right_arithmetic3A_1726 = vector.broadcast %shift_right_arithmetic3A_1725 : i32 to vector<1x128xi32>
    %shift_right_arithmetic3A_1727 = arith.shrsi %select_n3A_1721, %shift_right_arithmetic3A_1726 : vector<1x128xi32>
    %add3A_1728 = arith.addi %shift_right_arithmetic3A_1724, %shift_right_arithmetic3A_1727 : vector<1x128xi32>
    %and3A_1729 = arith.andi %select_n3A_1720, %select_n3A_1721 : vector<1x128xi32>
    %and3A_1730 = arith.constant 1 : i32
    %and3A_1731 = vector.broadcast %and3A_1730 : i32 to vector<1x128xi32>
    %and3A_1732 = arith.andi %and3A_1729, %and3A_1731 : vector<1x128xi32>
    %add3A_1733 = arith.addi %add3A_1728, %and3A_1732 : vector<1x128xi32>
    %gt3A_1734 = vector.broadcast %add3A_1733 : vector<1x128xi32> to vector<100x128xi32>
    %gt3A_1735 = arith.cmpi sgt, %select_n3A_1143, %gt3A_1734 : vector<100x128xi32>
    %convert_element_type3A_1736 = arith.extui %gt3A_1735 : vector<100x128xi1> to vector<100x128xi32>
    %reduce_sum3A_1737 = arith.constant dense<0> : vector<128xi32>
    %reduce_sum3A_1738 = vector.multi_reduction <add>, %convert_element_type3A_1736, %reduce_sum3A_1737 [0] : vector<100x128xi32> to vector<128xi32>
    %broadcast_in_dim3A_1739 = vector.shape_cast %reduce_sum3A_1738 : vector<128xi32> to vector<1x128xi32>
    %ge3A_1740 = arith.constant 50 : i32
    %ge3A_1741 = vector.broadcast %ge3A_1740 : i32 to vector<1x128xi32>
    %ge3A_1742 = arith.cmpi sge, %broadcast_in_dim3A_1739, %ge3A_1741 : vector<1x128xi32>
    %add3A_1743 = arith.constant 1 : i32
    %add3A_1744 = vector.broadcast %add3A_1743 : i32 to vector<1x128xi32>
    %add3A_1745 = arith.addi %add3A_1733, %add3A_1744 : vector<1x128xi32>
    %select_n3A_1746 = arith.select %ge3A_1742, %add3A_1745, %select_n3A_1720 : vector<1x128xi1>, vector<1x128xi32>
    %select_n3A_1747 = arith.select %ge3A_1742, %select_n3A_1721, %add3A_1733 : vector<1x128xi1>, vector<1x128xi32>
    %shift_right_arithmetic3A_1748 = arith.constant 1 : i32
    %shift_right_arithmetic3A_1749 = vector.broadcast %shift_right_arithmetic3A_1748 : i32 to vector<1x128xi32>
    %shift_right_arithmetic3A_1750 = arith.shrsi %select_n3A_1746, %shift_right_arithmetic3A_1749 : vector<1x128xi32>
    %shift_right_arithmetic3A_1751 = arith.constant 1 : i32
    %shift_right_arithmetic3A_1752 = vector.broadcast %shift_right_arithmetic3A_1751 : i32 to vector<1x128xi32>
    %shift_right_arithmetic3A_1753 = arith.shrsi %select_n3A_1747, %shift_right_arithmetic3A_1752 : vector<1x128xi32>
    %add3A_1754 = arith.addi %shift_right_arithmetic3A_1750, %shift_right_arithmetic3A_1753 : vector<1x128xi32>
    %and3A_1755 = arith.andi %select_n3A_1746, %select_n3A_1747 : vector<1x128xi32>
    %and3A_1756 = arith.constant 1 : i32
    %and3A_1757 = vector.broadcast %and3A_1756 : i32 to vector<1x128xi32>
    %and3A_1758 = arith.andi %and3A_1755, %and3A_1757 : vector<1x128xi32>
    %add3A_1759 = arith.addi %add3A_1754, %and3A_1758 : vector<1x128xi32>
    %gt3A_1760 = vector.broadcast %add3A_1759 : vector<1x128xi32> to vector<100x128xi32>
    %gt3A_1761 = arith.cmpi sgt, %select_n3A_1143, %gt3A_1760 : vector<100x128xi32>
    %convert_element_type3A_1762 = arith.extui %gt3A_1761 : vector<100x128xi1> to vector<100x128xi32>
    %reduce_sum3A_1763 = arith.constant dense<0> : vector<128xi32>
    %reduce_sum3A_1764 = vector.multi_reduction <add>, %convert_element_type3A_1762, %reduce_sum3A_1763 [0] : vector<100x128xi32> to vector<128xi32>
    %broadcast_in_dim3A_1765 = vector.shape_cast %reduce_sum3A_1764 : vector<128xi32> to vector<1x128xi32>
    %ge3A_1766 = arith.constant 50 : i32
    %ge3A_1767 = vector.broadcast %ge3A_1766 : i32 to vector<1x128xi32>
    %ge3A_1768 = arith.cmpi sge, %broadcast_in_dim3A_1765, %ge3A_1767 : vector<1x128xi32>
    %add3A_1769 = arith.constant 1 : i32
    %add3A_1770 = vector.broadcast %add3A_1769 : i32 to vector<1x128xi32>
    %add3A_1771 = arith.addi %add3A_1759, %add3A_1770 : vector<1x128xi32>
    %select_n3A_1772 = arith.select %ge3A_1768, %add3A_1771, %select_n3A_1746 : vector<1x128xi1>, vector<1x128xi32>
    %select_n3A_1773 = arith.select %ge3A_1768, %select_n3A_1747, %add3A_1759 : vector<1x128xi1>, vector<1x128xi32>
    %shift_right_arithmetic3A_1774 = arith.constant 1 : i32
    %shift_right_arithmetic3A_1775 = vector.broadcast %shift_right_arithmetic3A_1774 : i32 to vector<1x128xi32>
    %shift_right_arithmetic3A_1776 = arith.shrsi %select_n3A_1772, %shift_right_arithmetic3A_1775 : vector<1x128xi32>
    %shift_right_arithmetic3A_1777 = arith.constant 1 : i32
    %shift_right_arithmetic3A_1778 = vector.broadcast %shift_right_arithmetic3A_1777 : i32 to vector<1x128xi32>
    %shift_right_arithmetic3A_1779 = arith.shrsi %select_n3A_1773, %shift_right_arithmetic3A_1778 : vector<1x128xi32>
    %add3A_1780 = arith.addi %shift_right_arithmetic3A_1776, %shift_right_arithmetic3A_1779 : vector<1x128xi32>
    %and3A_1781 = arith.andi %select_n3A_1772, %select_n3A_1773 : vector<1x128xi32>
    %and3A_1782 = arith.constant 1 : i32
    %and3A_1783 = vector.broadcast %and3A_1782 : i32 to vector<1x128xi32>
    %and3A_1784 = arith.andi %and3A_1781, %and3A_1783 : vector<1x128xi32>
    %add3A_1785 = arith.addi %add3A_1780, %and3A_1784 : vector<1x128xi32>
    %gt3A_1786 = vector.broadcast %add3A_1785 : vector<1x128xi32> to vector<100x128xi32>
    %gt3A_1787 = arith.cmpi sgt, %select_n3A_1143, %gt3A_1786 : vector<100x128xi32>
    %convert_element_type3A_1788 = arith.extui %gt3A_1787 : vector<100x128xi1> to vector<100x128xi32>
    %reduce_sum3A_1789 = arith.constant dense<0> : vector<128xi32>
    %reduce_sum3A_1790 = vector.multi_reduction <add>, %convert_element_type3A_1788, %reduce_sum3A_1789 [0] : vector<100x128xi32> to vector<128xi32>
    %broadcast_in_dim3A_1791 = vector.shape_cast %reduce_sum3A_1790 : vector<128xi32> to vector<1x128xi32>
    %ge3A_1792 = arith.constant 50 : i32
    %ge3A_1793 = vector.broadcast %ge3A_1792 : i32 to vector<1x128xi32>
    %ge3A_1794 = arith.cmpi sge, %broadcast_in_dim3A_1791, %ge3A_1793 : vector<1x128xi32>
    %add3A_1795 = arith.constant 1 : i32
    %add3A_1796 = vector.broadcast %add3A_1795 : i32 to vector<1x128xi32>
    %add3A_1797 = arith.addi %add3A_1785, %add3A_1796 : vector<1x128xi32>
    %select_n3A_1798 = arith.select %ge3A_1794, %add3A_1797, %select_n3A_1772 : vector<1x128xi1>, vector<1x128xi32>
    %select_n3A_1799 = arith.select %ge3A_1794, %select_n3A_1773, %add3A_1785 : vector<1x128xi1>, vector<1x128xi32>
    %shift_right_arithmetic3A_1800 = arith.constant 1 : i32
    %shift_right_arithmetic3A_1801 = vector.broadcast %shift_right_arithmetic3A_1800 : i32 to vector<1x128xi32>
    %shift_right_arithmetic3A_1802 = arith.shrsi %select_n3A_1798, %shift_right_arithmetic3A_1801 : vector<1x128xi32>
    %shift_right_arithmetic3A_1803 = arith.constant 1 : i32
    %shift_right_arithmetic3A_1804 = vector.broadcast %shift_right_arithmetic3A_1803 : i32 to vector<1x128xi32>
    %shift_right_arithmetic3A_1805 = arith.shrsi %select_n3A_1799, %shift_right_arithmetic3A_1804 : vector<1x128xi32>
    %add3A_1806 = arith.addi %shift_right_arithmetic3A_1802, %shift_right_arithmetic3A_1805 : vector<1x128xi32>
    %and3A_1807 = arith.andi %select_n3A_1798, %select_n3A_1799 : vector<1x128xi32>
    %and3A_1808 = arith.constant 1 : i32
    %and3A_1809 = vector.broadcast %and3A_1808 : i32 to vector<1x128xi32>
    %and3A_1810 = arith.andi %and3A_1807, %and3A_1809 : vector<1x128xi32>
    %add3A_1811 = arith.addi %add3A_1806, %and3A_1810 : vector<1x128xi32>
    %gt3A_1812 = vector.broadcast %add3A_1811 : vector<1x128xi32> to vector<100x128xi32>
    %gt3A_1813 = arith.cmpi sgt, %select_n3A_1143, %gt3A_1812 : vector<100x128xi32>
    %convert_element_type3A_1814 = arith.extui %gt3A_1813 : vector<100x128xi1> to vector<100x128xi32>
    %reduce_sum3A_1815 = arith.constant dense<0> : vector<128xi32>
    %reduce_sum3A_1816 = vector.multi_reduction <add>, %convert_element_type3A_1814, %reduce_sum3A_1815 [0] : vector<100x128xi32> to vector<128xi32>
    %broadcast_in_dim3A_1817 = vector.shape_cast %reduce_sum3A_1816 : vector<128xi32> to vector<1x128xi32>
    %ge3A_1818 = arith.constant 50 : i32
    %ge3A_1819 = vector.broadcast %ge3A_1818 : i32 to vector<1x128xi32>
    %ge3A_1820 = arith.cmpi sge, %broadcast_in_dim3A_1817, %ge3A_1819 : vector<1x128xi32>
    %add3A_1821 = arith.constant 1 : i32
    %add3A_1822 = vector.broadcast %add3A_1821 : i32 to vector<1x128xi32>
    %add3A_1823 = arith.addi %add3A_1811, %add3A_1822 : vector<1x128xi32>
    %select_n3A_1824 = arith.select %ge3A_1820, %add3A_1823, %select_n3A_1798 : vector<1x128xi1>, vector<1x128xi32>
    %select_n3A_1825 = arith.select %ge3A_1820, %select_n3A_1799, %add3A_1811 : vector<1x128xi1>, vector<1x128xi32>
    %shift_right_arithmetic3A_1826 = arith.constant 1 : i32
    %shift_right_arithmetic3A_1827 = vector.broadcast %shift_right_arithmetic3A_1826 : i32 to vector<1x128xi32>
    %shift_right_arithmetic3A_1828 = arith.shrsi %select_n3A_1824, %shift_right_arithmetic3A_1827 : vector<1x128xi32>
    %shift_right_arithmetic3A_1829 = arith.constant 1 : i32
    %shift_right_arithmetic3A_1830 = vector.broadcast %shift_right_arithmetic3A_1829 : i32 to vector<1x128xi32>
    %shift_right_arithmetic3A_1831 = arith.shrsi %select_n3A_1825, %shift_right_arithmetic3A_1830 : vector<1x128xi32>
    %add3A_1832 = arith.addi %shift_right_arithmetic3A_1828, %shift_right_arithmetic3A_1831 : vector<1x128xi32>
    %and3A_1833 = arith.andi %select_n3A_1824, %select_n3A_1825 : vector<1x128xi32>
    %and3A_1834 = arith.constant 1 : i32
    %and3A_1835 = vector.broadcast %and3A_1834 : i32 to vector<1x128xi32>
    %and3A_1836 = arith.andi %and3A_1833, %and3A_1835 : vector<1x128xi32>
    %add3A_1837 = arith.addi %add3A_1832, %and3A_1836 : vector<1x128xi32>
    %gt3A_1838 = vector.broadcast %add3A_1837 : vector<1x128xi32> to vector<100x128xi32>
    %gt3A_1839 = arith.cmpi sgt, %select_n3A_1143, %gt3A_1838 : vector<100x128xi32>
    %convert_element_type3A_1840 = arith.extui %gt3A_1839 : vector<100x128xi1> to vector<100x128xi32>
    %reduce_sum3A_1841 = arith.constant dense<0> : vector<128xi32>
    %reduce_sum3A_1842 = vector.multi_reduction <add>, %convert_element_type3A_1840, %reduce_sum3A_1841 [0] : vector<100x128xi32> to vector<128xi32>
    %broadcast_in_dim3A_1843 = vector.shape_cast %reduce_sum3A_1842 : vector<128xi32> to vector<1x128xi32>
    %ge3A_1844 = arith.constant 50 : i32
    %ge3A_1845 = vector.broadcast %ge3A_1844 : i32 to vector<1x128xi32>
    %ge3A_1846 = arith.cmpi sge, %broadcast_in_dim3A_1843, %ge3A_1845 : vector<1x128xi32>
    %add3A_1847 = arith.constant 1 : i32
    %add3A_1848 = vector.broadcast %add3A_1847 : i32 to vector<1x128xi32>
    %add3A_1849 = arith.addi %add3A_1837, %add3A_1848 : vector<1x128xi32>
    %select_n3A_1850 = arith.select %ge3A_1846, %add3A_1849, %select_n3A_1824 : vector<1x128xi1>, vector<1x128xi32>
    %select_n3A_1851 = arith.select %ge3A_1846, %select_n3A_1825, %add3A_1837 : vector<1x128xi1>, vector<1x128xi32>
    %shift_right_arithmetic3A_1852 = arith.constant 1 : i32
    %shift_right_arithmetic3A_1853 = vector.broadcast %shift_right_arithmetic3A_1852 : i32 to vector<1x128xi32>
    %shift_right_arithmetic3A_1854 = arith.shrsi %select_n3A_1850, %shift_right_arithmetic3A_1853 : vector<1x128xi32>
    %shift_right_arithmetic3A_1855 = arith.constant 1 : i32
    %shift_right_arithmetic3A_1856 = vector.broadcast %shift_right_arithmetic3A_1855 : i32 to vector<1x128xi32>
    %shift_right_arithmetic3A_1857 = arith.shrsi %select_n3A_1851, %shift_right_arithmetic3A_1856 : vector<1x128xi32>
    %add3A_1858 = arith.addi %shift_right_arithmetic3A_1854, %shift_right_arithmetic3A_1857 : vector<1x128xi32>
    %and3A_1859 = arith.andi %select_n3A_1850, %select_n3A_1851 : vector<1x128xi32>
    %and3A_1860 = arith.constant 1 : i32
    %and3A_1861 = vector.broadcast %and3A_1860 : i32 to vector<1x128xi32>
    %and3A_1862 = arith.andi %and3A_1859, %and3A_1861 : vector<1x128xi32>
    %add3A_1863 = arith.addi %add3A_1858, %and3A_1862 : vector<1x128xi32>
    %gt3A_1864 = vector.broadcast %add3A_1863 : vector<1x128xi32> to vector<100x128xi32>
    %gt3A_1865 = arith.cmpi sgt, %select_n3A_1143, %gt3A_1864 : vector<100x128xi32>
    %convert_element_type3A_1866 = arith.extui %gt3A_1865 : vector<100x128xi1> to vector<100x128xi32>
    %reduce_sum3A_1867 = arith.constant dense<0> : vector<128xi32>
    %reduce_sum3A_1868 = vector.multi_reduction <add>, %convert_element_type3A_1866, %reduce_sum3A_1867 [0] : vector<100x128xi32> to vector<128xi32>
    %broadcast_in_dim3A_1869 = vector.shape_cast %reduce_sum3A_1868 : vector<128xi32> to vector<1x128xi32>
    %ge3A_1870 = arith.constant 50 : i32
    %ge3A_1871 = vector.broadcast %ge3A_1870 : i32 to vector<1x128xi32>
    %ge3A_1872 = arith.cmpi sge, %broadcast_in_dim3A_1869, %ge3A_1871 : vector<1x128xi32>
    %add3A_1873 = arith.constant 1 : i32
    %add3A_1874 = vector.broadcast %add3A_1873 : i32 to vector<1x128xi32>
    %add3A_1875 = arith.addi %add3A_1863, %add3A_1874 : vector<1x128xi32>
    %select_n3A_1876 = arith.select %ge3A_1872, %add3A_1875, %select_n3A_1850 : vector<1x128xi1>, vector<1x128xi32>
    %select_n3A_1877 = arith.select %ge3A_1872, %select_n3A_1851, %add3A_1863 : vector<1x128xi1>, vector<1x128xi32>
    %shift_right_arithmetic3A_1878 = arith.constant 1 : i32
    %shift_right_arithmetic3A_1879 = vector.broadcast %shift_right_arithmetic3A_1878 : i32 to vector<1x128xi32>
    %shift_right_arithmetic3A_1880 = arith.shrsi %select_n3A_1876, %shift_right_arithmetic3A_1879 : vector<1x128xi32>
    %shift_right_arithmetic3A_1881 = arith.constant 1 : i32
    %shift_right_arithmetic3A_1882 = vector.broadcast %shift_right_arithmetic3A_1881 : i32 to vector<1x128xi32>
    %shift_right_arithmetic3A_1883 = arith.shrsi %select_n3A_1877, %shift_right_arithmetic3A_1882 : vector<1x128xi32>
    %add3A_1884 = arith.addi %shift_right_arithmetic3A_1880, %shift_right_arithmetic3A_1883 : vector<1x128xi32>
    %and3A_1885 = arith.andi %select_n3A_1876, %select_n3A_1877 : vector<1x128xi32>
    %and3A_1886 = arith.constant 1 : i32
    %and3A_1887 = vector.broadcast %and3A_1886 : i32 to vector<1x128xi32>
    %and3A_1888 = arith.andi %and3A_1885, %and3A_1887 : vector<1x128xi32>
    %add3A_1889 = arith.addi %add3A_1884, %and3A_1888 : vector<1x128xi32>
    %gt3A_1890 = vector.broadcast %add3A_1889 : vector<1x128xi32> to vector<100x128xi32>
    %gt3A_1891 = arith.cmpi sgt, %select_n3A_1143, %gt3A_1890 : vector<100x128xi32>
    %convert_element_type3A_1892 = arith.extui %gt3A_1891 : vector<100x128xi1> to vector<100x128xi32>
    %reduce_sum3A_1893 = arith.constant dense<0> : vector<128xi32>
    %reduce_sum3A_1894 = vector.multi_reduction <add>, %convert_element_type3A_1892, %reduce_sum3A_1893 [0] : vector<100x128xi32> to vector<128xi32>
    %broadcast_in_dim3A_1895 = vector.shape_cast %reduce_sum3A_1894 : vector<128xi32> to vector<1x128xi32>
    %ge3A_1896 = arith.constant 50 : i32
    %ge3A_1897 = vector.broadcast %ge3A_1896 : i32 to vector<1x128xi32>
    %ge3A_1898 = arith.cmpi sge, %broadcast_in_dim3A_1895, %ge3A_1897 : vector<1x128xi32>
    %add3A_1899 = arith.constant 1 : i32
    %add3A_1900 = vector.broadcast %add3A_1899 : i32 to vector<1x128xi32>
    %add3A_1901 = arith.addi %add3A_1889, %add3A_1900 : vector<1x128xi32>
    %select_n3A_1902 = arith.select %ge3A_1898, %add3A_1901, %select_n3A_1876 : vector<1x128xi1>, vector<1x128xi32>
    %select_n3A_1903 = arith.select %ge3A_1898, %select_n3A_1877, %add3A_1889 : vector<1x128xi1>, vector<1x128xi32>
    %shift_right_arithmetic3A_1904 = arith.constant 1 : i32
    %shift_right_arithmetic3A_1905 = vector.broadcast %shift_right_arithmetic3A_1904 : i32 to vector<1x128xi32>
    %shift_right_arithmetic3A_1906 = arith.shrsi %select_n3A_1902, %shift_right_arithmetic3A_1905 : vector<1x128xi32>
    %shift_right_arithmetic3A_1907 = arith.constant 1 : i32
    %shift_right_arithmetic3A_1908 = vector.broadcast %shift_right_arithmetic3A_1907 : i32 to vector<1x128xi32>
    %shift_right_arithmetic3A_1909 = arith.shrsi %select_n3A_1903, %shift_right_arithmetic3A_1908 : vector<1x128xi32>
    %add3A_1910 = arith.addi %shift_right_arithmetic3A_1906, %shift_right_arithmetic3A_1909 : vector<1x128xi32>
    %and3A_1911 = arith.andi %select_n3A_1902, %select_n3A_1903 : vector<1x128xi32>
    %and3A_1912 = arith.constant 1 : i32
    %and3A_1913 = vector.broadcast %and3A_1912 : i32 to vector<1x128xi32>
    %and3A_1914 = arith.andi %and3A_1911, %and3A_1913 : vector<1x128xi32>
    %add3A_1915 = arith.addi %add3A_1910, %and3A_1914 : vector<1x128xi32>
    %gt3A_1916 = vector.broadcast %add3A_1915 : vector<1x128xi32> to vector<100x128xi32>
    %gt3A_1917 = arith.cmpi sgt, %select_n3A_1143, %gt3A_1916 : vector<100x128xi32>
    %convert_element_type3A_1918 = arith.extui %gt3A_1917 : vector<100x128xi1> to vector<100x128xi32>
    %reduce_sum3A_1919 = arith.constant dense<0> : vector<128xi32>
    %reduce_sum3A_1920 = vector.multi_reduction <add>, %convert_element_type3A_1918, %reduce_sum3A_1919 [0] : vector<100x128xi32> to vector<128xi32>
    %broadcast_in_dim3A_1921 = vector.shape_cast %reduce_sum3A_1920 : vector<128xi32> to vector<1x128xi32>
    %ge3A_1922 = arith.constant 50 : i32
    %ge3A_1923 = vector.broadcast %ge3A_1922 : i32 to vector<1x128xi32>
    %ge3A_1924 = arith.cmpi sge, %broadcast_in_dim3A_1921, %ge3A_1923 : vector<1x128xi32>
    %add3A_1925 = arith.constant 1 : i32
    %add3A_1926 = vector.broadcast %add3A_1925 : i32 to vector<1x128xi32>
    %add3A_1927 = arith.addi %add3A_1915, %add3A_1926 : vector<1x128xi32>
    %select_n3A_1928 = arith.select %ge3A_1924, %add3A_1927, %select_n3A_1902 : vector<1x128xi1>, vector<1x128xi32>
    %select_n3A_1929 = arith.select %ge3A_1924, %select_n3A_1903, %add3A_1915 : vector<1x128xi1>, vector<1x128xi32>
    %shift_right_arithmetic3A_1930 = arith.constant 1 : i32
    %shift_right_arithmetic3A_1931 = vector.broadcast %shift_right_arithmetic3A_1930 : i32 to vector<1x128xi32>
    %shift_right_arithmetic3A_1932 = arith.shrsi %select_n3A_1928, %shift_right_arithmetic3A_1931 : vector<1x128xi32>
    %shift_right_arithmetic3A_1933 = arith.constant 1 : i32
    %shift_right_arithmetic3A_1934 = vector.broadcast %shift_right_arithmetic3A_1933 : i32 to vector<1x128xi32>
    %shift_right_arithmetic3A_1935 = arith.shrsi %select_n3A_1929, %shift_right_arithmetic3A_1934 : vector<1x128xi32>
    %add3A_1936 = arith.addi %shift_right_arithmetic3A_1932, %shift_right_arithmetic3A_1935 : vector<1x128xi32>
    %and3A_1937 = arith.andi %select_n3A_1928, %select_n3A_1929 : vector<1x128xi32>
    %and3A_1938 = arith.constant 1 : i32
    %and3A_1939 = vector.broadcast %and3A_1938 : i32 to vector<1x128xi32>
    %and3A_1940 = arith.andi %and3A_1937, %and3A_1939 : vector<1x128xi32>
    %add3A_1941 = arith.addi %add3A_1936, %and3A_1940 : vector<1x128xi32>
    %gt3A_1942 = vector.broadcast %add3A_1941 : vector<1x128xi32> to vector<100x128xi32>
    %gt3A_1943 = arith.cmpi sgt, %select_n3A_1143, %gt3A_1942 : vector<100x128xi32>
    %convert_element_type3A_1944 = arith.extui %gt3A_1943 : vector<100x128xi1> to vector<100x128xi32>
    %reduce_sum3A_1945 = arith.constant dense<0> : vector<128xi32>
    %reduce_sum3A_1946 = vector.multi_reduction <add>, %convert_element_type3A_1944, %reduce_sum3A_1945 [0] : vector<100x128xi32> to vector<128xi32>
    %broadcast_in_dim3A_1947 = vector.shape_cast %reduce_sum3A_1946 : vector<128xi32> to vector<1x128xi32>
    %ge3A_1948 = arith.constant 50 : i32
    %ge3A_1949 = vector.broadcast %ge3A_1948 : i32 to vector<1x128xi32>
    %ge3A_1950 = arith.cmpi sge, %broadcast_in_dim3A_1947, %ge3A_1949 : vector<1x128xi32>
    %add3A_1951 = arith.constant 1 : i32
    %add3A_1952 = vector.broadcast %add3A_1951 : i32 to vector<1x128xi32>
    %add3A_1953 = arith.addi %add3A_1941, %add3A_1952 : vector<1x128xi32>
    %select_n3A_1954 = arith.select %ge3A_1950, %add3A_1953, %select_n3A_1928 : vector<1x128xi1>, vector<1x128xi32>
    %select_n3A_1955 = arith.select %ge3A_1950, %select_n3A_1929, %add3A_1941 : vector<1x128xi1>, vector<1x128xi32>
    %shift_right_arithmetic3A_1956 = arith.constant 1 : i32
    %shift_right_arithmetic3A_1957 = vector.broadcast %shift_right_arithmetic3A_1956 : i32 to vector<1x128xi32>
    %shift_right_arithmetic3A_1958 = arith.shrsi %select_n3A_1954, %shift_right_arithmetic3A_1957 : vector<1x128xi32>
    %shift_right_arithmetic3A_1959 = arith.constant 1 : i32
    %shift_right_arithmetic3A_1960 = vector.broadcast %shift_right_arithmetic3A_1959 : i32 to vector<1x128xi32>
    %shift_right_arithmetic3A_1961 = arith.shrsi %select_n3A_1955, %shift_right_arithmetic3A_1960 : vector<1x128xi32>
    %add3A_1962 = arith.addi %shift_right_arithmetic3A_1958, %shift_right_arithmetic3A_1961 : vector<1x128xi32>
    %and3A_1963 = arith.andi %select_n3A_1954, %select_n3A_1955 : vector<1x128xi32>
    %and3A_1964 = arith.constant 1 : i32
    %and3A_1965 = vector.broadcast %and3A_1964 : i32 to vector<1x128xi32>
    %and3A_1966 = arith.andi %and3A_1963, %and3A_1965 : vector<1x128xi32>
    %add3A_1967 = arith.addi %add3A_1962, %and3A_1966 : vector<1x128xi32>
    %gt3A_1968 = vector.broadcast %add3A_1967 : vector<1x128xi32> to vector<100x128xi32>
    %gt3A_1969 = arith.cmpi sgt, %select_n3A_1143, %gt3A_1968 : vector<100x128xi32>
    %convert_element_type3A_1970 = arith.extui %gt3A_1969 : vector<100x128xi1> to vector<100x128xi32>
    %reduce_sum3A_1971 = arith.constant dense<0> : vector<128xi32>
    %reduce_sum3A_1972 = vector.multi_reduction <add>, %convert_element_type3A_1970, %reduce_sum3A_1971 [0] : vector<100x128xi32> to vector<128xi32>
    %broadcast_in_dim3A_1973 = vector.shape_cast %reduce_sum3A_1972 : vector<128xi32> to vector<1x128xi32>
    %ge3A_1974 = arith.constant 50 : i32
    %ge3A_1975 = vector.broadcast %ge3A_1974 : i32 to vector<1x128xi32>
    %ge3A_1976 = arith.cmpi sge, %broadcast_in_dim3A_1973, %ge3A_1975 : vector<1x128xi32>
    %add3A_1977 = arith.constant 1 : i32
    %add3A_1978 = vector.broadcast %add3A_1977 : i32 to vector<1x128xi32>
    %add3A_1979 = arith.addi %add3A_1967, %add3A_1978 : vector<1x128xi32>
    %select_n3A_1980 = arith.select %ge3A_1976, %add3A_1979, %select_n3A_1954 : vector<1x128xi1>, vector<1x128xi32>
    %gt3A_1981 = vector.broadcast %select_n3A_1980 : vector<1x128xi32> to vector<100x128xi32>
    %gt3A_1982 = arith.cmpi sgt, %select_n3A_1143, %gt3A_1981 : vector<100x128xi32>
    %eq3A_1983 = vector.broadcast %select_n3A_1980 : vector<1x128xi32> to vector<100x128xi32>
    %eq3A_1984 = arith.cmpi eq, %select_n3A_1143, %eq3A_1983 : vector<100x128xi32>
    %convert_element_type3A_1985 = arith.extui %gt3A_1982 : vector<100x128xi1> to vector<100x128xi32>
    %reduce_sum3A_1986 = arith.constant dense<0> : vector<128xi32>
    %reduce_sum3A_1987 = vector.multi_reduction <add>, %convert_element_type3A_1985, %reduce_sum3A_1986 [0] : vector<100x128xi32> to vector<128xi32>
    %broadcast_in_dim3A_1988 = vector.shape_cast %reduce_sum3A_1987 : vector<128xi32> to vector<1x128xi32>
    %convert_element_type3A_1989 = arith.extui %eq3A_1984 : vector<100x128xi1> to vector<100x128xi32>
    %convert_element_type3A_1990 = arith.sitofp %convert_element_type3A_1989 : vector<100x128xi32> to vector<100x128xf32>
    %dot_general3A_1991 = arith.constant dense<0.000000e+00> : vector<100x128xf32>
    %dot_general3A_1992 = tpu.matmul %convert_element_type3A_6, %convert_element_type3A_1990, %dot_general3A_1991 {dimension_numbers = #tpu.dot_dimension_numbers<[1], [0], [0], [1], [0, 0, 1, 1], [], []>, transpose_lhs_hint = false} : vector<100x100xf32>, vector<100x128xf32>, vector<100x128xf32> -> vector<100x128xf32>
    %sub3A_1993 = arith.constant 50 : i32
    %sub3A_1994 = vector.broadcast %sub3A_1993 : i32 to vector<1x128xi32>
    %sub3A_1995 = arith.subi %sub3A_1994, %broadcast_in_dim3A_1988 : vector<1x128xi32>
    %convert_element_type3A_1996 = arith.sitofp %sub3A_1995 : vector<1x128xi32> to vector<1x128xf32>
    %le3A_1997 = vector.broadcast %convert_element_type3A_1996 : vector<1x128xf32> to vector<100x128xf32>
    %le3A_1998 = arith.cmpf ole, %dot_general3A_1992, %le3A_1997 : vector<100x128xf32>
    %and3A_1999 = arith.andi %eq3A_1984, %le3A_1998 : vector<100x128xi1>
    %or3A_2000 = arith.ori %gt3A_1982, %and3A_1999 : vector<100x128xi1>
    %broadcast_in_dim3A_2001 = arith.constant 0.000000e+00 : f32
    %broadcast_in_dim3A_2002 = vector.broadcast %broadcast_in_dim3A_2001 : f32 to vector<100x128xf32>
    %get3A_2003 = arith.constant 0 : index
    %get3A_2004 = arith.constant 0 : index
    %get3A_2005 = vector.load %arg16[%get3A_2003, %get3A_2004] : memref<8x64xf32, #tpu.memory_space<vmem>>, vector<1x64xf32>
    %mul3A_2006 = arith.mulf %get3A_2005, %get3A_4 : vector<1x64xf32>
    %reduce_sum3A_2007 = vector.shape_cast %mul3A_2006 : vector<1x64xf32> to vector<1x1x64xf32>
    %reduce_sum3A_2008 = arith.constant dense<0.000000e+00> : vector<1xf32>
    %reduce_sum3A_2009 = vector.multi_reduction <add>, %reduce_sum3A_2007, %reduce_sum3A_2008 [1, 2] : vector<1x1x64xf32> to vector<1xf32>
    %reduce_sum3A_2010 = vector.shape_cast %reduce_sum3A_2009 : vector<1xf32> to vector<1x1x1xf32>
    %reduce_sum3A_2011 = vector.extract %reduce_sum3A_2010[0, 0, 0] : f32 from vector<1x1x1xf32>
    %eq3A_2012 = arith.constant 0 : i32
    %eq3A_2013 = vector.broadcast %eq3A_2012 : i32 to vector<100x128xi32>
    %eq3A_2014 = arith.cmpi eq, %get3A_1099, %eq3A_2013 : vector<100x128xi32>
    %jit3A_2015 = arith.constant 0.000000e+00 : f32
    %broadcast_in_dim3A_2016 = vector.broadcast %reduce_sum3A_2011 : f32 to vector<100x128xf32>
    %broadcast_in_dim3A_2017 = vector.broadcast %jit3A_2015 : f32 to vector<100x128xf32>
    %select_n3A_2018 = arith.select %eq3A_2014, %broadcast_in_dim3A_2016, %broadcast_in_dim3A_2017 : vector<100x128xi1>, vector<100x128xf32>
    %add3A_2019 = arith.addf %broadcast_in_dim3A_2002, %select_n3A_2018 : vector<100x128xf32>
    %get3A_2020 = arith.constant 1 : index
    %get3A_2021 = arith.constant 0 : index
    %get3A_2022 = vector.load %arg16[%get3A_2020, %get3A_2021] : memref<8x64xf32, #tpu.memory_space<vmem>>, vector<1x64xf32>
    %mul3A_2023 = arith.mulf %get3A_2022, %get3A_4 : vector<1x64xf32>
    %reduce_sum3A_2024 = vector.shape_cast %mul3A_2023 : vector<1x64xf32> to vector<1x1x64xf32>
    %reduce_sum3A_2025 = arith.constant dense<0.000000e+00> : vector<1xf32>
    %reduce_sum3A_2026 = vector.multi_reduction <add>, %reduce_sum3A_2024, %reduce_sum3A_2025 [1, 2] : vector<1x1x64xf32> to vector<1xf32>
    %reduce_sum3A_2027 = vector.shape_cast %reduce_sum3A_2026 : vector<1xf32> to vector<1x1x1xf32>
    %reduce_sum3A_2028 = vector.extract %reduce_sum3A_2027[0, 0, 0] : f32 from vector<1x1x1xf32>
    %eq3A_2029 = arith.constant 1 : i32
    %eq3A_2030 = vector.broadcast %eq3A_2029 : i32 to vector<100x128xi32>
    %eq3A_2031 = arith.cmpi eq, %get3A_1099, %eq3A_2030 : vector<100x128xi32>
    %jit3A_2032 = arith.constant 0.000000e+00 : f32
    %broadcast_in_dim3A_2033 = vector.broadcast %reduce_sum3A_2028 : f32 to vector<100x128xf32>
    %broadcast_in_dim3A_2034 = vector.broadcast %jit3A_2032 : f32 to vector<100x128xf32>
    %select_n3A_2035 = arith.select %eq3A_2031, %broadcast_in_dim3A_2033, %broadcast_in_dim3A_2034 : vector<100x128xi1>, vector<100x128xf32>
    %add3A_2036 = arith.addf %add3A_2019, %select_n3A_2035 : vector<100x128xf32>
    %get3A_2037 = arith.constant 2 : index
    %get3A_2038 = arith.constant 0 : index
    %get3A_2039 = vector.load %arg16[%get3A_2037, %get3A_2038] : memref<8x64xf32, #tpu.memory_space<vmem>>, vector<1x64xf32>
    %mul3A_2040 = arith.mulf %get3A_2039, %get3A_4 : vector<1x64xf32>
    %reduce_sum3A_2041 = vector.shape_cast %mul3A_2040 : vector<1x64xf32> to vector<1x1x64xf32>
    %reduce_sum3A_2042 = arith.constant dense<0.000000e+00> : vector<1xf32>
    %reduce_sum3A_2043 = vector.multi_reduction <add>, %reduce_sum3A_2041, %reduce_sum3A_2042 [1, 2] : vector<1x1x64xf32> to vector<1xf32>
    %reduce_sum3A_2044 = vector.shape_cast %reduce_sum3A_2043 : vector<1xf32> to vector<1x1x1xf32>
    %reduce_sum3A_2045 = vector.extract %reduce_sum3A_2044[0, 0, 0] : f32 from vector<1x1x1xf32>
    %eq3A_2046 = arith.constant 2 : i32
    %eq3A_2047 = vector.broadcast %eq3A_2046 : i32 to vector<100x128xi32>
    %eq3A_2048 = arith.cmpi eq, %get3A_1099, %eq3A_2047 : vector<100x128xi32>
    %jit3A_2049 = arith.constant 0.000000e+00 : f32
    %broadcast_in_dim3A_2050 = vector.broadcast %reduce_sum3A_2045 : f32 to vector<100x128xf32>
    %broadcast_in_dim3A_2051 = vector.broadcast %jit3A_2049 : f32 to vector<100x128xf32>
    %select_n3A_2052 = arith.select %eq3A_2048, %broadcast_in_dim3A_2050, %broadcast_in_dim3A_2051 : vector<100x128xi1>, vector<100x128xf32>
    %add3A_2053 = arith.addf %add3A_2036, %select_n3A_2052 : vector<100x128xf32>
    %get3A_2054 = arith.constant 3 : index
    %get3A_2055 = arith.constant 0 : index
    %get3A_2056 = vector.load %arg16[%get3A_2054, %get3A_2055] : memref<8x64xf32, #tpu.memory_space<vmem>>, vector<1x64xf32>
    %mul3A_2057 = arith.mulf %get3A_2056, %get3A_4 : vector<1x64xf32>
    %reduce_sum3A_2058 = vector.shape_cast %mul3A_2057 : vector<1x64xf32> to vector<1x1x64xf32>
    %reduce_sum3A_2059 = arith.constant dense<0.000000e+00> : vector<1xf32>
    %reduce_sum3A_2060 = vector.multi_reduction <add>, %reduce_sum3A_2058, %reduce_sum3A_2059 [1, 2] : vector<1x1x64xf32> to vector<1xf32>
    %reduce_sum3A_2061 = vector.shape_cast %reduce_sum3A_2060 : vector<1xf32> to vector<1x1x1xf32>
    %reduce_sum3A_2062 = vector.extract %reduce_sum3A_2061[0, 0, 0] : f32 from vector<1x1x1xf32>
    %eq3A_2063 = arith.constant 3 : i32
    %eq3A_2064 = vector.broadcast %eq3A_2063 : i32 to vector<100x128xi32>
    %eq3A_2065 = arith.cmpi eq, %get3A_1099, %eq3A_2064 : vector<100x128xi32>
    %jit3A_2066 = arith.constant 0.000000e+00 : f32
    %broadcast_in_dim3A_2067 = vector.broadcast %reduce_sum3A_2062 : f32 to vector<100x128xf32>
    %broadcast_in_dim3A_2068 = vector.broadcast %jit3A_2066 : f32 to vector<100x128xf32>
    %select_n3A_2069 = arith.select %eq3A_2065, %broadcast_in_dim3A_2067, %broadcast_in_dim3A_2068 : vector<100x128xi1>, vector<100x128xf32>
    %add3A_2070 = arith.addf %add3A_2053, %select_n3A_2069 : vector<100x128xf32>
    %get3A_2071 = arith.constant 4 : index
    %get3A_2072 = arith.constant 0 : index
    %get3A_2073 = vector.load %arg16[%get3A_2071, %get3A_2072] : memref<8x64xf32, #tpu.memory_space<vmem>>, vector<1x64xf32>
    %mul3A_2074 = arith.mulf %get3A_2073, %get3A_4 : vector<1x64xf32>
    %reduce_sum3A_2075 = vector.shape_cast %mul3A_2074 : vector<1x64xf32> to vector<1x1x64xf32>
    %reduce_sum3A_2076 = arith.constant dense<0.000000e+00> : vector<1xf32>
    %reduce_sum3A_2077 = vector.multi_reduction <add>, %reduce_sum3A_2075, %reduce_sum3A_2076 [1, 2] : vector<1x1x64xf32> to vector<1xf32>
    %reduce_sum3A_2078 = vector.shape_cast %reduce_sum3A_2077 : vector<1xf32> to vector<1x1x1xf32>
    %reduce_sum3A_2079 = vector.extract %reduce_sum3A_2078[0, 0, 0] : f32 from vector<1x1x1xf32>
    %eq3A_2080 = arith.constant 4 : i32
    %eq3A_2081 = vector.broadcast %eq3A_2080 : i32 to vector<100x128xi32>
    %eq3A_2082 = arith.cmpi eq, %get3A_1099, %eq3A_2081 : vector<100x128xi32>
    %jit3A_2083 = arith.constant 0.000000e+00 : f32
    %broadcast_in_dim3A_2084 = vector.broadcast %reduce_sum3A_2079 : f32 to vector<100x128xf32>
    %broadcast_in_dim3A_2085 = vector.broadcast %jit3A_2083 : f32 to vector<100x128xf32>
    %select_n3A_2086 = arith.select %eq3A_2082, %broadcast_in_dim3A_2084, %broadcast_in_dim3A_2085 : vector<100x128xi1>, vector<100x128xf32>
    %add3A_2087 = arith.addf %add3A_2070, %select_n3A_2086 : vector<100x128xf32>
    %get3A_2088 = arith.constant 5 : index
    %get3A_2089 = arith.constant 0 : index
    %get3A_2090 = vector.load %arg16[%get3A_2088, %get3A_2089] : memref<8x64xf32, #tpu.memory_space<vmem>>, vector<1x64xf32>
    %mul3A_2091 = arith.mulf %get3A_2090, %get3A_4 : vector<1x64xf32>
    %reduce_sum3A_2092 = vector.shape_cast %mul3A_2091 : vector<1x64xf32> to vector<1x1x64xf32>
    %reduce_sum3A_2093 = arith.constant dense<0.000000e+00> : vector<1xf32>
    %reduce_sum3A_2094 = vector.multi_reduction <add>, %reduce_sum3A_2092, %reduce_sum3A_2093 [1, 2] : vector<1x1x64xf32> to vector<1xf32>
    %reduce_sum3A_2095 = vector.shape_cast %reduce_sum3A_2094 : vector<1xf32> to vector<1x1x1xf32>
    %reduce_sum3A_2096 = vector.extract %reduce_sum3A_2095[0, 0, 0] : f32 from vector<1x1x1xf32>
    %eq3A_2097 = arith.constant 5 : i32
    %eq3A_2098 = vector.broadcast %eq3A_2097 : i32 to vector<100x128xi32>
    %eq3A_2099 = arith.cmpi eq, %get3A_1099, %eq3A_2098 : vector<100x128xi32>
    %jit3A_2100 = arith.constant 0.000000e+00 : f32
    %broadcast_in_dim3A_2101 = vector.broadcast %reduce_sum3A_2096 : f32 to vector<100x128xf32>
    %broadcast_in_dim3A_2102 = vector.broadcast %jit3A_2100 : f32 to vector<100x128xf32>
    %select_n3A_2103 = arith.select %eq3A_2099, %broadcast_in_dim3A_2101, %broadcast_in_dim3A_2102 : vector<100x128xi1>, vector<100x128xf32>
    %add3A_2104 = arith.addf %add3A_2087, %select_n3A_2103 : vector<100x128xf32>
    %get3A_2105 = arith.constant 6 : index
    %get3A_2106 = arith.constant 0 : index
    %get3A_2107 = vector.load %arg16[%get3A_2105, %get3A_2106] : memref<8x64xf32, #tpu.memory_space<vmem>>, vector<1x64xf32>
    %mul3A_2108 = arith.mulf %get3A_2107, %get3A_4 : vector<1x64xf32>
    %reduce_sum3A_2109 = vector.shape_cast %mul3A_2108 : vector<1x64xf32> to vector<1x1x64xf32>
    %reduce_sum3A_2110 = arith.constant dense<0.000000e+00> : vector<1xf32>
    %reduce_sum3A_2111 = vector.multi_reduction <add>, %reduce_sum3A_2109, %reduce_sum3A_2110 [1, 2] : vector<1x1x64xf32> to vector<1xf32>
    %reduce_sum3A_2112 = vector.shape_cast %reduce_sum3A_2111 : vector<1xf32> to vector<1x1x1xf32>
    %reduce_sum3A_2113 = vector.extract %reduce_sum3A_2112[0, 0, 0] : f32 from vector<1x1x1xf32>
    %eq3A_2114 = arith.constant 6 : i32
    %eq3A_2115 = vector.broadcast %eq3A_2114 : i32 to vector<100x128xi32>
    %eq3A_2116 = arith.cmpi eq, %get3A_1099, %eq3A_2115 : vector<100x128xi32>
    %jit3A_2117 = arith.constant 0.000000e+00 : f32
    %broadcast_in_dim3A_2118 = vector.broadcast %reduce_sum3A_2113 : f32 to vector<100x128xf32>
    %broadcast_in_dim3A_2119 = vector.broadcast %jit3A_2117 : f32 to vector<100x128xf32>
    %select_n3A_2120 = arith.select %eq3A_2116, %broadcast_in_dim3A_2118, %broadcast_in_dim3A_2119 : vector<100x128xi1>, vector<100x128xf32>
    %add3A_2121 = arith.addf %add3A_2104, %select_n3A_2120 : vector<100x128xf32>
    %concatenate3A_2122 = tpu.concatenate %reduce_sum3A_1121, %reduce_sum3A_1132 in 0 : vector<50x128xf32>, vector<50x128xf32> -> vector<100x128xf32>
    %add3A_2123 = arith.addf %concatenate3A_2122, %add3A_2121 : vector<100x128xf32>
    %jit3A_2124 = arith.constant 0xFF800000 : f32
    %broadcast_in_dim3A_2125 = vector.broadcast %jit3A_2124 : f32 to vector<100x128xf32>
    %select_n3A_2126 = arith.select %or3A_2000, %add3A_2123, %broadcast_in_dim3A_2125 : vector<100x128xi1>, vector<100x128xf32>
    %reduce_max3A_2127 = arith.constant dense<0xFF800000> : vector<128xf32>
    %reduce_max3A_2128 = vector.multi_reduction <maximumf>, %select_n3A_2126, %reduce_max3A_2127 [0] : vector<100x128xf32> to vector<128xf32>
    %broadcast_in_dim3A_2129 = vector.shape_cast %reduce_max3A_2128 : vector<128xf32> to vector<1x128xf32>
    %sub3A_2130 = vector.broadcast %broadcast_in_dim3A_2129 : vector<1x128xf32> to vector<100x128xf32>
    %sub3A_2131 = arith.subf %select_n3A_2126, %sub3A_2130 : vector<100x128xf32>
    %exp3A_2132 = math.exp %sub3A_2131 : vector<100x128xf32>
    %jit3A_2133 = arith.constant 0.000000e+00 : f32
    %broadcast_in_dim3A_2134 = vector.broadcast %jit3A_2133 : f32 to vector<100x128xf32>
    %select_n3A_2135 = arith.select %or3A_2000, %exp3A_2132, %broadcast_in_dim3A_2134 : vector<100x128xi1>, vector<100x128xf32>
    %reduce_sum3A_2136 = arith.constant dense<0.000000e+00> : vector<128xf32>
    %reduce_sum3A_2137 = vector.multi_reduction <add>, %select_n3A_2135, %reduce_sum3A_2136 [0] : vector<100x128xf32> to vector<128xf32>
    %broadcast_in_dim3A_2138 = vector.shape_cast %reduce_sum3A_2137 : vector<128xf32> to vector<1x128xf32>
    %div3A_2139 = arith.constant 1.000000e+00 : f32
    %div3A_2140 = vector.broadcast %div3A_2139 : f32 to vector<1x128xf32>
    %div3A_2141 = arith.divf %div3A_2140, %broadcast_in_dim3A_2138 : vector<1x128xf32>
    %mul3A_2142 = vector.broadcast %div3A_2141 : vector<1x128xf32> to vector<100x128xf32>
    %mul3A_2143 = arith.mulf %select_n3A_2135, %mul3A_2142 : vector<100x128xf32>
    %slice3A_2144 = vector.extract_strided_slice %mul3A_2143 {offsets = [0, 0], sizes = [50, 128], strides = [1, 1]} : vector<100x128xf32> to vector<50x128xf32>
    %broadcast_in_dim3A_2145 = vector.shape_cast %slice3A_2144 : vector<50x128xf32> to vector<1x50x128xf32>
    %mul3A_2146 = vector.broadcast %broadcast_in_dim3A_2145 : vector<1x50x128xf32> to vector<64x50x128xf32>
    %mul3A_2147 = arith.mulf %reshape3A_1086, %mul3A_2146 : vector<64x50x128xf32>
    %reduce_sum3A_2148 = arith.constant dense<0.000000e+00> : vector<64x128xf32>
    %reduce_sum3A_2149 = vector.multi_reduction <add>, %mul3A_2147, %reduce_sum3A_2148 [1] : vector<64x50x128xf32> to vector<64x128xf32>
    %slice3A_2150 = vector.extract_strided_slice %mul3A_2143 {offsets = [50, 0], sizes = [50, 128], strides = [1, 1]} : vector<100x128xf32> to vector<50x128xf32>
    %broadcast_in_dim3A_2151 = vector.shape_cast %slice3A_2150 : vector<50x128xf32> to vector<1x50x128xf32>
    %mul3A_2152 = vector.broadcast %broadcast_in_dim3A_2151 : vector<1x50x128xf32> to vector<64x50x128xf32>
    %mul3A_2153 = arith.mulf %reshape3A_1093, %mul3A_2152 : vector<64x50x128xf32>
    %reduce_sum3A_2154 = arith.constant dense<0.000000e+00> : vector<64x128xf32>
    %reduce_sum3A_2155 = vector.multi_reduction <add>, %mul3A_2153, %reduce_sum3A_2154 [1] : vector<64x50x128xf32> to vector<64x128xf32>
    %add3A_2156 = arith.addf %reduce_sum3A_2149, %reduce_sum3A_2155 : vector<64x128xf32>
    %get3A_2157 = arith.constant 0 : index
    %get3A_2158 = arith.constant 0 : index
    %get3A_2159 = vector.load %arg14[%get3A_2157, %get3A_2158] : memref<64x128xf32, #tpu.memory_space<vmem>>, vector<64x128xf32>
    %concatenate3A_2160 = tpu.concatenate %transpose3A_14, %add3A_2156 in 0 : vector<64x128xf32>, vector<64x128xf32> -> vector<128x128xf32>
    %dot_general3A_2161 = arith.constant dense<0.000000e+00> : vector<64x128xf32>
    %dot_general3A_2162 = tpu.matmul %get3A_2159, %concatenate3A_2160, %dot_general3A_2161 {dimension_numbers = #tpu.dot_dimension_numbers<[1], [0], [0], [1], [0, 0, 1, 1], [], []>, transpose_lhs_hint = false} : vector<64x128xf32>, vector<128x128xf32>, vector<64x128xf32> -> vector<64x128xf32>
    %get3A_2163 = arith.constant 0 : index
    %get3A_2164 = arith.constant 0 : index
    %get3A_2165 = vector.load %arg15[%get3A_2163, %get3A_2164] : memref<64x1xf32, #tpu.memory_space<vmem>>, vector<64x1xf32>
    %add3A_2166 = vector.broadcast %get3A_2165 : vector<64x1xf32> to vector<64x128xf32>
    %add3A_2167 = arith.addf %dot_general3A_2162, %add3A_2166 : vector<64x128xf32>
    %max3A_2168 = arith.constant 0.000000e+00 : f32
    %max3A_2169 = vector.broadcast %max3A_2168 : f32 to vector<64x128xf32>
    %max3A_2170 = arith.maximumf %add3A_2167, %max3A_2169 : vector<64x128xf32>
    %mul3A_2171 = arith.mulf %max3A_1079, %max3A_2170 : vector<64x128xf32>
    %reduce_sum3A_2172 = arith.constant dense<0.000000e+00> : vector<128xf32>
    %reduce_sum3A_2173 = vector.multi_reduction <add>, %mul3A_2171, %reduce_sum3A_2172 [0] : vector<64x128xf32> to vector<128xf32>
    %broadcast_in_dim3A_2174 = vector.shape_cast %reduce_sum3A_2173 : vector<128xf32> to vector<1x128xf32>
    %broadcast_in_dim3A_2175 = vector.shape_cast %broadcast_in_dim3A_2174 : vector<1x128xf32> to vector<1x1x128xf32>
    %swap3A = arith.constant 0 : index
    %swap3A_2176 = arith.constant 0 : index
    %swap3A_2177 = arith.constant 0 : index
    %swap3A_2178 = vector.load %arg17[%swap3A, %swap3A_2176, %swap3A_2177] : memref<1x1x128xf32, #tpu.memory_space<vmem>>, vector<1x1x128xf32>
    tpu.vector_store %arg17[%swap3A, %swap3A_2176, %swap3A_2177], %broadcast_in_dim3A_2175 {strides = array<i32>} : memref<1x1x128xf32, #tpu.memory_space<vmem>>, vector<1x1x128xf32>,
    return
  }
  func.func @transform_0(%arg0: i32) -> (i32, i32) {
    %c0_i32 = arith.constant 0 : i32
    %c0_i32_0 = arith.constant 0 : i32
    return %arg0, %c0_i32 : i32, i32
  }
  func.func @transform_1(%arg0: i32) -> (i32, i32) {
    %c0_i32 = arith.constant 0 : i32
    %c0_i32_0 = arith.constant 0 : i32
    return %arg0, %c0_i32 : i32, i32
  }
  func.func @transform_2(%arg0: i32) -> (i32, i32, i32) {
    %c0_i32 = arith.constant 0 : i32
    %c0_i32_0 = arith.constant 0 : i32
    %c0_i32_1 = arith.constant 0 : i32
    return %c0_i32, %arg0, %c0_i32_0 : i32, i32, i32
  }
  func.func @transform_3(%arg0: i32) -> (i32, i32, i32) {
    %c0_i32 = arith.constant 0 : i32
    %c0_i32_0 = arith.constant 0 : i32
    %c0_i32_1 = arith.constant 0 : i32
    return %c0_i32, %arg0, %c0_i32_0 : i32, i32, i32
  }
  func.func @transform_4(%arg0: i32) -> (i32, i32, i32) {
    %c0_i32 = arith.constant 0 : i32
    %c0_i32_0 = arith.constant 0 : i32
    %c0_i32_1 = arith.constant 0 : i32
    return %c0_i32, %arg0, %c0_i32_0 : i32, i32, i32
  }
  func.func @transform_5(%arg0: i32) -> (i32, i32, i32) {
    %c0_i32 = arith.constant 0 : i32
    %c0_i32_0 = arith.constant 0 : i32
    %c0_i32_1 = arith.constant 0 : i32
    return %c0_i32, %arg0, %c0_i32_0 : i32, i32, i32
  }
  func.func @transform_6(%arg0: i32) -> (i32, i32) {
    %c0_i32 = arith.constant 0 : i32
    %c0_i32_0 = arith.constant 0 : i32
    return %c0_i32, %arg0 : i32, i32
  }
  func.func @transform_7(%arg0: i32) -> (i32, i32) {
    %c0_i32 = arith.constant 0 : i32
    %c0_i32_0 = arith.constant 0 : i32
    return %c0_i32, %arg0 : i32, i32
  }
  func.func @transform_8(%arg0: i32) -> (i32, i32) {
    %c0_i32 = arith.constant 0 : i32
    %c0_i32_0 = arith.constant 0 : i32
    return %c0_i32, %arg0 : i32, i32
  }
  func.func @transform_9(%arg0: i32) -> (i32, i32) {
    %c0_i32 = arith.constant 0 : i32
    %c0_i32_0 = arith.constant 0 : i32
    return %c0_i32, %arg0 : i32, i32
  }
  func.func @transform_10(%arg0: i32) -> (i32, i32) {
    %c0_i32 = arith.constant 0 : i32
    %c0_i32_0 = arith.constant 0 : i32
    %c0_i32_1 = arith.constant 0 : i32
    return %c0_i32, %c0_i32_0 : i32, i32
  }
  func.func @transform_11(%arg0: i32) -> (i32, i32) {
    %c0_i32 = arith.constant 0 : i32
    %c0_i32_0 = arith.constant 0 : i32
    %c0_i32_1 = arith.constant 0 : i32
    return %c0_i32, %c0_i32_0 : i32, i32
  }
  func.func @transform_12(%arg0: i32) -> (i32, i32) {
    %c0_i32 = arith.constant 0 : i32
    %c0_i32_0 = arith.constant 0 : i32
    %c0_i32_1 = arith.constant 0 : i32
    return %c0_i32, %c0_i32_0 : i32, i32
  }
  func.func @transform_13(%arg0: i32) -> (i32, i32) {
    %c0_i32 = arith.constant 0 : i32
    %c0_i32_0 = arith.constant 0 : i32
    %c0_i32_1 = arith.constant 0 : i32
    return %c0_i32, %c0_i32_0 : i32, i32
  }
  func.func @transform_14(%arg0: i32) -> (i32, i32) {
    %c0_i32 = arith.constant 0 : i32
    %c0_i32_0 = arith.constant 0 : i32
    %c0_i32_1 = arith.constant 0 : i32
    return %c0_i32, %c0_i32_0 : i32, i32
  }
  func.func @transform_15(%arg0: i32) -> (i32, i32) {
    %c0_i32 = arith.constant 0 : i32
    %c0_i32_0 = arith.constant 0 : i32
    %c0_i32_1 = arith.constant 0 : i32
    return %c0_i32, %c0_i32_0 : i32, i32
  }
  func.func @transform_16(%arg0: i32) -> (i32, i32, i32) {
    %c0_i32 = arith.constant 0 : i32
    %c0_i32_0 = arith.constant 0 : i32
    %c0_i32_1 = arith.constant 0 : i32
    return %arg0, %c0_i32, %c0_i32_0 : i32, i32, i32
  }
}

</mosaic_0001>

<sc_bundles>
// kernel: kernel.4.cloned.1.call-start
scs
__scs_entry_jumppad:
0x0: {  	(pc) =	sbr.rel $0x88, $3  }
0x1: {  	(tag) =	ssettag $0x0;
	lr =	simm.s32 $0x1  }
0x2: {  	[smem:$0x3F91] =	sst lr;
	_ =	strace $0xD0000000  }
0x3: {  	_ = 	snop  }
0x4: {  	_ = 	snop  }
0x5: {  	_ = 	snop  }
0x6: {  	_ = 	snop  }
0x7: {  	_ = 	snop  }
__scs_overlays_trampoline_lowered:
0x8: {  	[smem:$0x3FA0] =	sst s0  }
0x9: {  	[smem:$0x3FA1] =	sst s1  }
0xa: {  	[smem:$0x3FA2] =	sst s2  }
0xb: {  	[smem:$0x3FA3] =	sst s3  }
0xc: {  	[smem:$0x3FA4] =	sst s4  }
0xd: {  	[smem:$0x3FA5] =	sst s5  }
0xe: {  	[smem:$0x3FA6] =	sst s6  }
0xf: {  	[smem:$0x3FA7] =	sst s7  }
0x10: {  	[smem:$0x3FA8] =	sst s8  }
0x11: {  	[smem:$0x3FA9] =	sst s9;
	s0 =	simm.s32 @!p0 $0x0  }
0x12: {  	s1 =	sld [smem:$0x3F8F];
	s0 =	simm.s32 @p0 $0x1  }
0x13: {  	[smem:$0x3FAA] =	sst s0;
	s0 =	simm.s32 @!p1 $0x0  }
0x14: {  	s2 =	sld [smem:$0x3F8E];
	s0 =	simm.s32 @p1 $0x1  }
0x15: {  	[smem:$0x3FAB] =	sst s0;
	s0 =	simm.s32 @!p2 $0x0  }
0x16: {  	s3 =	sld [smem:$0x3FDB];
	s0 =	simm.s32 @p2 $0x1  }
0x17: {  	s4 =	simm.s32 $0x1BF5;
	[smem:$0x3FAD] =	sst s0  }
0x18: {  	s0 =	sld [smem:$0x3F90];
	_ =	swait.ge [sflag:s4], $0x0  }
0x19: {  	s7 =	sld [smem:$0x3F91]  }
0x1a: {  	s8 =	sadd.s32 $0xFFFFE003, lr  }
0x1b: {  	s9 =	sadd.s32 $0xFFFFFEF7, lr;
	s5 =	simm.s32 $0xFFFFFFFF;
	p2 =	slt.u32 s8, $0xFFFFF086  }
0x1c: {  	p1 =	slt.u32 s9, $0xF7A;
	s5 =	simm.s32 @!p2 $0x0  }
0x1d: {  	s5 =	simm.s32 @p1 $0x1;
	p0 =	seq.s32 s7, s2  }
0x1e: {  	s7 =	smul.u32 @!p0 $0xF7A, s2;
	p2 =	seq.s32 @!p0 s5, $0x0  }
0x1f: {  	s9 =	smul.u32 $0xF7A, s1;
	s8 =	simm.s32 @!p0 $0x1BF5;
	p2 =	por !p2, p0  }
0x20: {  	[sflag:s8] =	ssyncset.s32 @!p0 $0xFFFFF086;
	s6 =	sadd.s32 @!p0 s3, s7;
	s7 =	simm.s32 @!p0 $0x108  }
0x21: {  	s3 =	sadd.s32 s3, s9;
	s6 =	sadd.s32 @!p0 $0x88, s6;
	s7 =	simm.s32 @p2 $0x1082  }
0x22: {  	[simem:s7], [sflag:s8] =	dma.local @!p0 [hbm:s6], $0xF7A  }
0x23: {  	s9 =	sor.u32 $0xD0000000, s2;
	s6 =	simm.s32 $0x108;
	_ =	swait.ge @!p0 [sflag:s8], $0x0  }
0x24: {  	s3 =	sadd.s32 $0x88, s3;
	s6 =	simm.s32 @!p1 $0x1082;
	[sflag:s4] =	ssyncset.s32 $0xFFFFF086  }
0x25: {  	[simem:s6], [sflag:s4] =	dma.local [hbm:s3], $0xF7A  }
0x26: {  	[smem:$0x3F91] =	sst s1;
	(tag) =	ssettag s2;
	_ =	strace s9  }
0x27: {  	s1 =	sld [smem:$0x3FA1]  }
0x28: {  	s2 =	sld [smem:$0x3FA2]  }
0x29: {  	s4 =	sld [smem:$0x3FA4]  }
0x2a: {  	p0 =	seq.s32 s5, $0x0;
	s5 =	sld [smem:$0x3FA5]  }
0x2b: {  	s6 =	sld [smem:$0x3FA6]  }
0x2c: {  	s7 =	sld [smem:$0x3FA7]  }
0x2d: {  	s3 =	simm.s32 $0x108;
	s8 =	sld [smem:$0x3FA8]  }
0x2e: {  	s3 =	simm.s32 @!p0 $0x1082;
	s9 =	sld [smem:$0x3FA9]  }
0x2f: {  	lr =	sadd.s32 s0, s3;
	s0 =	sld [smem:$0x3FA0]  }
0x30: {  	s3 =	sld [smem:$0x3FA3]  }
0x31: {  	[smem:$0x3FAC] =	sst s10  }
0x32: {  	s10 =	sld [smem:$0x3FAA];
	_ =	sdelay $0x3  }
0x33: {  	p0 =	seq.s32 s10, $0x1;
	s10 =	sld [smem:$0x3FAC];
	_ =	sdelay $0x3  }
0x34: {  	[smem:$0x3FAC] =	sst s10  }
0x35: {  	s10 =	sld [smem:$0x3FAB];
	_ =	sdelay $0x3  }
0x36: {  	p1 =	seq.s32 s10, $0x1;
	s10 =	sld [smem:$0x3FAC];
	_ =	sdelay $0x3  }
0x37: {  	[smem:$0x3FAC] =	sst s10  }
0x38: {  	s10 =	sld [smem:$0x3FAD]  }
0x39: {  	_ = 	snop;
	(pc) =	sbr.ind lr, $3  }
0x3a: {  	_ = 	snop  }
0x3b: {  	_ = 	snop  }
0x3c: {  	p2 =	seq.s32 s10, $0x1;
	s10 =	sld [smem:$0x3FAC]  }
0x3d: {  	_ =	shalt  }
0x3e: {  	_ =	shalt  }
0x3f: {  	_ =	shalt  }
0x40: {  	_ =	shalt  }
0x41: {  	_ =	shalt  }
0x42: {  	_ =	shalt  }
0x43: {  	_ =	shalt  }
0x44: {  	_ =	shalt  }
0x45: {  	_ =	shalt  }
0x46: {  	_ =	shalt  }
0x47: {  	_ =	shalt  }
0x48: {  	_ =	shalt  }
0x49: {  	_ =	shalt  }
0x4a: {  	_ =	shalt  }
0x4b: {  	_ =	shalt  }
0x4c: {  	_ =	shalt  }
0x4d: {  	_ =	shalt  }
0x4e: {  	_ =	shalt  }
0x4f: {  	_ =	shalt  }
0x50: {  	_ =	shalt  }
0x51: {  	_ =	shalt  }
0x52: {  	_ =	shalt  }
0x53: {  	_ =	shalt  }
0x54: {  	_ =	shalt  }
0x55: {  	_ =	shalt  }
0x56: {  	_ =	shalt  }
0x57: {  	_ =	shalt  }
0x58: {  	_ =	shalt  }
0x59: {  	_ =	shalt  }
0x5a: {  	_ =	shalt  }
0x5b: {  	_ =	shalt  }
0x5c: {  	_ =	shalt  }
0x5d: {  	_ =	shalt  }
0x5e: {  	_ =	shalt  }
0x5f: {  	_ =	shalt  }
0x60: {  	_ =	shalt  }
0x61: {  	_ =	shalt  }
0x62: {  	_ =	shalt  }
0x63: {  	_ =	shalt  }
0x64: {  	_ =	shalt  }
0x65: {  	_ =	shalt  }
0x66: {  	_ =	shalt  }
0x67: {  	_ =	shalt  }
0x68: {  	_ =	shalt  }
0x69: {  	_ =	shalt  }
0x6a: {  	_ =	shalt  }
0x6b: {  	_ =	shalt  }
0x6c: {  	_ =	shalt  }
0x6d: {  	_ =	shalt  }
0x6e: {  	_ =	shalt  }
0x6f: {  	_ =	shalt  }
0x70: {  	_ =	shalt  }
0x71: {  	_ =	shalt  }
0x72: {  	_ =	shalt  }
0x73: {  	_ =	shalt  }
0x74: {  	_ =	shalt  }
0x75: {  	_ =	shalt  }
0x76: {  	_ =	shalt  }
0x77: {  	_ =	shalt  }
0x78: {  	_ =	shalt  }
0x79: {  	_ =	shalt  }
0x7a: {  	_ =	shalt  }
0x7b: {  	_ =	shalt  }
0x7c: {  	_ =	shalt  }
0x7d: {  	_ =	shalt  }
0x7e: {  	_ =	shalt  }
0x7f: {  	_ =	shalt  }
0x80: {  	_ =	shalt  }
0x81: {  	_ =	shalt  }
0x82: {  	_ =	shalt  }
0x83: {  	_ =	shalt  }
0x84: {  	_ =	shalt  }
0x85: {  	_ =	shalt  }
0x86: {  	_ =	shalt  }
0x87: {  	_ =	shalt  }
.Lfunc_end0:
.L_simem_size_0:
called_computation_lowered:
.L_overlay_start_0:
0x88: {  	s2 =	sld [smem:$0x3FD9]  }
0x89: {  	s3 =	sld [smem:$0x3FFE];
	_ =	sdelay $0x1  }
0x8a: {  	s1 =	srdreg.scid  }
0x8b: {  	s0 =	sand.u32 $0x1, s1  }
0x8c: {  	s17 =	sshll.u32 s0, $0xA;
	s2 =	sadd.s32 s3, s2  }
0x8d: {  	s2 =	sadd.s32 s2, s17  }
0x8e: {  	[smem:$0x3FB8] =	sst s2  }
0x8f: {  	_ = 	snop  }
0x90: {  	s2 =	sld [smem:$0x3FC9]  }
0x91: {  	s18 =	sld [smem:$0x3FC8];
	(tm) =	ssettm $0x1  }
0x92: {  	s4 =	sld [smem:$0x3FFB];
	_ =	sdelay $0x3  }
0x93: {  	_ =	strace s4  }
0x94: {  	s4 =	sld [smem:$0x3FFC];
	_ =	sdelay $0x3  }
0x95: {  	_ =	strace s4  }
0x96: {  	s4 =	sld [smem:$0x3FFD];
	_ =	sdelay $0x3  }
0x97: {  	_ =	strace s4  }
0x98: {  	_ =	strace $0x8FFFFFFF  }
0x99: {  	s19 =	sld [smem:$0x3FDB];
	_ =	sdelay $0x1  }
0x9a: {  	s5 =	simm.s32 $_scs_section_size  }
0x9b: {  	s6 =	simm.s32 $_size__tile_overlayer_lowered;
	s7 =	simm.s32 $_tile_overlayer_lowered  }
0x9c: {  	s22 =	simm.s32 $0x1BFF;
	s21 =	sshll.u32 s7, $0x1;
	s4 =	sadd.s32 s5, s19  }
0x9d: {  	s8 =	simm.s32 $0x0;
	s20 =	sshll.u32 s6, $0x1;
	s6 =	sadd.s32 s21, s4  }
0x9e: {  	[timem:s8], [sflag:s22] =	dma.local [hbm:s6], s20  }
0x9f: {  	_ =	swait.ge [sflag:s22], s20  }
0xa0: {  	s5 =	ssub.s32 $0x0, s20;
	[sflag:s22] =	ssyncset.done $0x0  }
0xa1: {  	[sflag:s22] =	ssyncadd.s32 s5;
	_ =	sdelay $0x1  }
0xa2: {  	s23 =	simm.s32 $0x1B8B  }
0xa3: {  	_ =	swait.ge [sflag:s23], $0x1  }
0xa4: {  	[sflag:s23] =	ssyncset.done $0x0  }
0xa5: {  	s25 =	simm.s32 $0x1B8E;
	s24 =	sld [smem:$0x3FFE];
	[sflag:s23] =	ssyncadd.s32 $0xFFFFFFFF  }
0xa6: {  	s26 =	simm.s32 $execute0_lowered;
	[smem:$0x3FD2] =	sst s25  }
0xa7: {  	s6 =	sshll.u32 s26, $0x1;
	_ =	strace $0x80000046;
	[dreg:$0x1] =	wrdreg $0xFFFFFFFF  }
0xa8: {  	s28 =	simm.s32 $_size_execute0_lowered;
	s4 =	sadd.s32 s4, s6;
	[dreg:$0x0] =	wrdreg $0x0  }
0xa9: {  	s6 =	sshll.u32 s28, $0x1;
	[dreg:$0x2] =	wrdreg s4  }
0xaa: {  	[dreg:$0x3] =	wrdreg s6  }
0xab: {  	[dreg:$0x4] =	wrdreg $0xC0  }
0xac: {  	_ =	task [dreg:s8], $0x5FFFF  }
0xad: {  	[dreg:$0x1] =	wrdreg $0xFFFFFFFF  }
0xae: {  	[dreg:$0x0] =	wrdreg $0x60  }
0xaf: {  	[dreg:$0x2] =	wrdreg s24  }
0xb0: {  	[dreg:$0x3] =	wrdreg s2  }
0xb1: {  	[dreg:$0x4] =	wrdreg s18  }
0xb2: {  	[dreg:$0x5] =	wrdreg $0x9  }
0xb3: {  	_ =	task.clear_ibuf [dreg:s8], $0x6FFFF;
	_ =	strace $0x90000046  }
0xb4: {  	s29 =	simm.s32 $0x9;
	_ =	strace $0x80000048  }
0xb5: {  	_ =	swait.ge [sflag:s29], $0x1  }
0xb6: {  	[sflag:s29] =	ssyncadd.s32 $0xFFFFFFFF  }
0xb7: {  	_ =	strace $0x90000048  }
0xb8: {  	_ =	sfence  }
0xb9: {  	s30 =	sld [smem:$0x0];
	_ =	sdelay $0x2  }
0xba: {  	s31 =	sshll.u32 s1, $0xD;
	s1 =	sshrl.u32 s1, $0x2  }
0xbb: {  	s3 =	sand.u32 $0x4000, s31;
	s1 =	sadd.s32 s1, s30  }
0xbc: {  	s0 =	sor.u32 s3, s0;
	s1 =	sshll.u32 s1, $0x11  }
0xbd: {  	s0 =	sor.u32 s1, s0  }
0xbe: {  	s0 =	sadd.s32 $0x8F2B, s0  }
0xbf: {  	[sflag:s0] =	ssyncadd.remote.s32 $0x1  }
0xc0: {  	_ =	sfence.sel $0xFFFF  }
0xc1: {  	[dreg:$0x0] =	wrdreg $0xFFFFFFFF;
	(pc) =	sbr.abs _section_cstart, $3  }
0xc2: {  	[dreg:$0x1] =	wrdreg $0xFFFFFFFF  }
0xc3: {  	_ =	task.clear_ibuf [dreg:s8], $0x2FFFF;
	_ =	strace $0x9FFFFFFF  }
0xc4: {  	(tm) =	ssettm $0x7FFFFFFF  }
0xc5: {  	_ =	shalt  }
tec
execute0_lowered:
.L_overlay_start_1:
0x0: {  	(tag) =	ssettag $0x1  }
0x1: {  	s1 =	rddreg [dreg:$0x0]  }
0x2: {  	s2 =	srdreg.scid;
	s5 =	stileid.u32  }
0x3: {  	s0 =	rddreg [dreg:$0x1];
	s3 =	sand.u32 $0x1, s2;
	s5 =	sshll.u32 s5, $0x1  }
0x4: {  	s4 =	rddreg [dreg:$0x2];
	s2 =	simm.s32 $0x0;
	s5 =	sor.u32 s3, s5  }
0x5: {  	s17 =	sadd.s32 $0x5C00, s1;
	[smem:$0x7FF] =	sst s2;
	s7 =	sshll.u32 s5, $0x4  }
0x6: {  	s6 =	sshll.u32 s5, $0xA;
	_ =	strace $0x80000047;
	s0 =	sadd.s32 s0, s7  }
0x7: {  	s6 =	sadd.s32 s6, s1;
	s7 =	sadd.s32 s4, s7;
	[dreg:$0x4] =	wrdreg s0  }
0x8: {  	s15 =	smul.u32 $0x1900, s5;
	s26 =	sadd.s32 $0x1EC00, s6;
	[dreg:$0x6] =	wrdreg s7  }
0x9: {  	s19 =	sadd.s32 $0x313200, s1;
	s8 =	sadd.s32 $0x26C00, s6;
	[dreg:$0x5] =	wrdreg s26  }
0xa: {  	s4 =	smul.u32 $0xC800, s5;
	s21 =	sshrl.u32 s15, $0x3;
	[dreg:$0x7] =	wrdreg s8  }
0xb: {  	s10 =	sadd.s32 $0x320, s15;
	s9 =	sadd.s32 s17, s21;
	s0 =	rddreg [dreg:$0x4]  }
0xc: {  	s11 =	sadd.s32 s19, s4;
	s7 =	sshrl.u32 s10, $0x3;
	[dreg:$0x8] =	wrdreg s9  }
0xd: {  	s5 =	sshll.u32 s10, $0x3;
	s8 =	sadd.s32 $0x640, s15;
	[dreg:$0x9] =	wrdreg s11  }
0xe: {  	s12 =	sadd.s32 s17, s7;
	s13 =	sadd.s32 s19, s5;
	s10 =	sshrl.u32 s8, $0x3  }
0xf: {  	s8 =	sshll.u32 s8, $0x3;
	s9 =	sadd.s32 $0x960, s15;
	[dreg:$0xa] =	wrdreg s12  }
0x10: {  	[dreg:$0xb] =	wrdreg s13;
	s14 =	sadd.s32 s17, s10;
	s16 =	sadd.s32 s19, s8  }
0x11: {  	s11 =	sshrl.u32 s9, $0x3;
	s9 =	sshll.u32 s9, $0x3;
	[dreg:$0xc] =	wrdreg s14  }
0x12: {  	s12 =	sadd.s32 $0xC80, s15;
	[dreg:$0xd] =	wrdreg s16;
	s18 =	sadd.s32 s17, s11  }
0x13: {  	s20 =	sadd.s32 s19, s9;
	s13 =	sshrl.u32 s12, $0x3;
	[dreg:$0xe] =	wrdreg s18  }
0x14: {  	s12 =	sshll.u32 s12, $0x3;
	s16 =	sadd.s32 $0xFA0, s15;
	[dreg:$0xf] =	wrdreg s20  }
0x15: {  	s22 =	sadd.s32 s17, s13;
	s23 =	sadd.s32 s19, s12;
	s14 =	sshrl.u32 s16, $0x3  }
0x16: {  	s28 =	sshll.u32 s16, $0x3;
	s18 =	sadd.s32 $0x12C0, s15;
	[dreg:$0x10] =	wrdreg s22  }
0x17: {  	s15 =	sadd.s32 $0x15E0, s15;
	[dreg:$0x11] =	wrdreg s23;
	s24 =	sadd.s32 s17, s14  }
0x18: {  	s25 =	sadd.s32 s19, s28;
	s16 =	sshrl.u32 s18, $0x3;
	[dreg:$0x12] =	wrdreg s24  }
0x19: {  	s29 =	sshll.u32 s18, $0x3;
	[dreg:$0x13] =	wrdreg s25;
	s26 =	sadd.s32 s17, s16  }
0x1a: {  	s18 =	sshrl.u32 s15, $0x3;
	s6 =	sadd.s32 s19, s29;
	[dreg:$0x14] =	wrdreg s26  }
0x1b: {  	s30 =	sshll.u32 s15, $0x3;
	s17 =	sadd.s32 s17, s18;
	[dreg:$0x15] =	wrdreg s6  }
0x1c: {  	s15 =	sadd.s32 $0xC000, s1;
	s19 =	sadd.s32 s19, s30;
	[dreg:$0x16] =	wrdreg s17  }
0x1d: {  	s20 =	sadd.s32 s15, s21;
	[dreg:$0x17] =	wrdreg s19  }
0x1e: {  	s23 =	sadd.s32 s15, s7;
	[dreg:$0x18] =	wrdreg s20  }
0x1f: {  	s25 =	sadd.s32 s15, s10;
	[dreg:$0x1a] =	wrdreg s23  }
0x20: {  	[dreg:$0x1c] =	wrdreg s25;
	s6 =	sadd.s32 s15, s11  }
0x21: {  	s20 =	sadd.s32 s15, s13;
	[dreg:$0x1e] =	wrdreg s6  }
0x22: {  	s23 =	sadd.s32 s15, s14;
	[smem:$0x7EA] =	sst s20  }
0x23: {  	s17 =	sadd.s32 $0x4A3200, s1;
	s25 =	sadd.s32 s15, s16;
	[smem:$0x7EC] =	sst s23  }
0x24: {  	s22 =	sadd.s32 s17, s4;
	[smem:$0x7EE] =	sst s25  }
0x25: {  	s24 =	sadd.s32 s17, s5;
	[dreg:$0x19] =	wrdreg s22  }
0x26: {  	s26 =	sadd.s32 s17, s8;
	[dreg:$0x1b] =	wrdreg s24  }
0x27: {  	s19 =	sadd.s32 s17, s9;
	[dreg:$0x1d] =	wrdreg s26  }
0x28: {  	s6 =	sadd.s32 s15, s18;
	[dreg:$0x1f] =	wrdreg s19  }
0x29: {  	s22 =	sadd.s32 s17, s12;
	[smem:$0x7F0] =	sst s6  }
0x2a: {  	s24 =	sadd.s32 s17, s28;
	[smem:$0x7EB] =	sst s22  }
0x2b: {  	s26 =	sadd.s32 s17, s29;
	[smem:$0x7ED] =	sst s24  }
0x2c: {  	s15 =	sadd.s32 $0x12400, s1;
	s17 =	sadd.s32 s17, s30;
	[smem:$0x7EF] =	sst s26  }
0x2d: {  	s19 =	sadd.s32 s15, s21;
	[smem:$0x7F1] =	sst s17  }
0x2e: {  	s23 =	sadd.s32 s15, s7;
	[smem:$0x7F2] =	sst s19  }
0x2f: {  	s25 =	sadd.s32 s15, s10;
	[smem:$0x7F4] =	sst s23  }
0x30: {  	s20 =	sadd.s32 $0x633200, s1;
	s6 =	sadd.s32 s15, s11;
	[smem:$0x7F6] =	sst s25  }
0x31: {  	s22 =	sadd.s32 s20, s4;
	[smem:$0x7F8] =	sst s6  }
0x32: {  	s24 =	sadd.s32 s20, s5;
	[smem:$0x7F3] =	sst s22  }
0x33: {  	p0 =	por $0x0, $0x0;
	s26 =	sadd.s32 s20, s8;
	[smem:$0x7F5] =	sst s24  }
0x34: {  	s3 =	ssub.s32 $0x2, s3;
	s17 =	sadd.s32 s20, s9;
	[smem:$0x7F7] =	sst s26  }
0x35: {  	s19 =	sadd.s32 s15, s13;
	s23 =	sadd.s32 s20, s12;
	[smem:$0x7F9] =	sst s17  }
0x36: {  	s25 =	sshrl.u32 s3, $0x1;
	s6 =	sadd.s32 $0x7C3200, s1;
	[smem:$0x7FA] =	sst s19  }
0x37: {  	s22 =	sadd.s32 $0x18800, s1;
	[smem:$0x7FB] =	sst s23;
	s24 =	sadd.s32 s15, s14  }
0x38: {  	s26 =	sadd.s32 s20, s28;
	s31 =	ssub.s32 s3, s25;
	[smem:$0x7FC] =	sst s24  }
0x39: {  	s25 =	sadd.s32 s15, s16;
	s23 =	sadd.s32 s15, s18;
	[smem:$0x7FD] =	sst s26  }
0x3a: {  	s21 =	sadd.s32 s22, s21;
	s19 =	sadd.s32 s22, s7;
	s17 =	sadd.s32 s22, s10  }
0x3b: {  	s15 =	sadd.s32 s22, s11;
	s13 =	sadd.s32 s22, s13;
	s11 =	sadd.s32 s22, s14  }
0x3c: {  	s7 =	sadd.s32 s22, s16;
	s3 =	sadd.s32 s22, s18;
	s26 =	sadd.s32 s20, s29  }
0x3d: {  	s24 =	sadd.s32 s20, s30;
	s22 =	sadd.s32 s6, s4;
	s10 =	smax.u32 s31, $0x1  }
0x3e: {  	s20 =	sadd.s32 s6, s5;
	s18 =	sadd.s32 s6, s8;
	p1 =	sne.s32 s10, $0x1  }
.Ltmp0:
0x3f: {  	s16 =	sadd.s32 s6, s9;
	s14 =	sadd.s32 s6, s12;
	(pc) =	sbr.rel @!p1 .LBB2_3-.Ltmp0, $4  }
0x40: {  	s12 =	sadd.s32 s6, s28;
	s8 =	sadd.s32 s6, s29;
	s28 =	sadd.s32 $0x18C600, s1  }
0x41: {  	s4 =	sadd.s32 s6, s30;
	s6 =	sadd.s32 $0x24FC00, s1;
	s30 =	simm.s32 $0xCB20  }
0x42: {  	s5 =	simm.s32 $0x2;
	s31 =	simm.s32 $0x80;
	s29 =	simm.s32 $0xCBA0  }
0x43: {  	s9 =	simm.s32 $0x1;
	s1 =	sadd.s32 $0xFFFFFFFF, s10;
	s10 =	simm.s32 $0x320  }
0x44: {  	[tilespmem:s30], [sflag:$0x2] =	stream.linear.gather [hbm4b:s0+s2], $0x80, $0x38;
	[tilespmem:$0xEBA0] =	vst v63  }
0x45: {  	_ =	swait.ge [sflag:s5], $0x80  }
0x46: {  	[sflag:s5] =	ssyncset.done $0x0  }
0x47: {  	[sflag:s5] =	ssyncadd.s32 $0xFFFFFF80  }
0x48: {  	[tilespmem:s29], [sflag:$0x1] =	stream.indirect.gather [hbm4b:s28+s31], $0x40, s30, s31, $0xb8;
	[tilespmem:$0xEBA0] =	vst v63  }
0x49: {  	_ =	swait.ge [sflag:s9], $0x2000  }
0x4a: {  	[sflag:s9] =	ssyncset.done $0x0  }
0x4b: {  	s0 =	rddreg [dreg:$0x5];
	[sflag:s9] =	ssyncadd.s32 $0xFFFFE000  }
0x4c: {  	[hbm4b:s0+s2] =	stream.linear.scatter [tilespmem:s29], [sflag:$0x2], $0x2000, $0x38;
	[tilespmem:$0xEBA0] =	vst v63  }
0x4d: {  	_ =	swait.ge [sflag:s5], $0x2000  }
0x4e: {  	[sflag:s5] =	ssyncset.done $0x0  }
0x4f: {  	s0 =	rddreg [dreg:$0x6];
	[sflag:s5] =	ssyncadd.s32 $0xFFFFE000  }
0x50: {  	[tilespmem:s30], [sflag:$0x2] =	stream.linear.gather [hbm4b:s0+s2], $0x80, $0x38;
	[tilespmem:$0xEBA0] =	vst v63  }
0x51: {  	_ =	swait.ge [sflag:s5], $0x80  }
0x52: {  	[sflag:s5] =	ssyncset.done $0x0  }
0x53: {  	[sflag:s5] =	ssyncadd.s32 $0xFFFFFF80  }
0x54: {  	[tilespmem:s29], [sflag:$0x1] =	stream.indirect.gather [hbm4b:s6+s31], $0x40, s30, s31, $0xb8;
	[tilespmem:$0xEBA0] =	vst v63  }
0x55: {  	_ =	swait.ge [sflag:s9], $0x2000  }
0x56: {  	[sflag:s9] =	ssyncset.done $0x0  }
0x57: {  	s0 =	rddreg [dreg:$0x7];
	[sflag:s9] =	ssyncadd.s32 $0xFFFFE000  }
0x58: {  	[hbm4b:s0+s2] =	stream.linear.scatter [tilespmem:s29], [sflag:$0x2], $0x2000, $0x38;
	[tilespmem:$0xEBA0] =	vst v63  }
0x59: {  	_ =	swait.ge [sflag:s5], $0x2000  }
0x5a: {  	[sflag:s5] =	ssyncset.done $0x0  }
0x5b: {  	s0 =	rddreg [dreg:$0x8];
	[sflag:s5] =	ssyncadd.s32 $0xFFFFE000  }
0x5c: {  	[tilespmem:s2], [sflag:$0x2] =	stream.linear.gather [hbm4b:s0+s2], $0x320, $0x38;
	[tilespmem:$0xEBA0] =	vst v63  }
0x5d: {  	_ =	swait.ge [sflag:s5], $0x320  }
0x5e: {  	[sflag:s5] =	ssyncset.done $0x0  }
0x5f: {  	[sflag:s5] =	ssyncadd.s32 $0xFFFFFCE0  }
0x60: {  	[tilespmem:s10], [sflag:$0x1] =	stream.indirect.gather [hbm4b:s6+s10], $0x40, s2, s10, $0xb8;
	[tilespmem:$0xEBA0] =	vst v63  }
0x61: {  	_ =	swait.ge [sflag:s9], $0xC800  }
0x62: {  	[sflag:s9] =	ssyncset.done $0x0  }
0x63: {  	s0 =	rddreg [dreg:$0x9];
	[sflag:s9] =	ssyncadd.s32 $0xFFFF3800  }
0x64: {  	[hbm4b:s0+s2] =	stream.linear.scatter [tilespmem:s10], [sflag:$0x2], $0xC800, $0x38;
	[tilespmem:$0xEBA0] =	vst v63  }
0x65: {  	_ =	swait.ge [sflag:s5], $0xC800  }
0x66: {  	[sflag:s5] =	ssyncset.done $0x0  }
0x67: {  	s0 =	rddreg [dreg:$0xa];
	[sflag:s5] =	ssyncadd.s32 $0xFFFF3800  }
0x68: {  	[tilespmem:s2], [sflag:$0x2] =	stream.linear.gather [hbm4b:s0+s2], $0x320, $0x38;
	[tilespmem:$0xEBA0] =	vst v63  }
0x69: {  	_ =	swait.ge [sflag:s5], $0x320  }
0x6a: {  	[sflag:s5] =	ssyncset.done $0x0  }
0x6b: {  	[sflag:s5] =	ssyncadd.s32 $0xFFFFFCE0  }
0x6c: {  	[tilespmem:s10], [sflag:$0x1] =	stream.indirect.gather [hbm4b:s6+s10], $0x40, s2, s10, $0xb8;
	[tilespmem:$0xEBA0] =	vst v63  }
0x6d: {  	_ =	swait.ge [sflag:s9], $0xC800  }
0x6e: {  	[sflag:s9] =	ssyncset.done $0x0  }
0x6f: {  	s0 =	rddreg [dreg:$0xb];
	[sflag:s9] =	ssyncadd.s32 $0xFFFF3800  }
0x70: {  	[hbm4b:s0+s2] =	stream.linear.scatter [tilespmem:s10], [sflag:$0x2], $0xC800, $0x38;
	[tilespmem:$0xEBA0] =	vst v63  }
0x71: {  	_ =	swait.ge [sflag:s5], $0xC800  }
0x72: {  	[sflag:s5] =	ssyncset.done $0x0  }
0x73: {  	s0 =	rddreg [dreg:$0xc];
	[sflag:s5] =	ssyncadd.s32 $0xFFFF3800  }
0x74: {  	[tilespmem:s2], [sflag:$0x2] =	stream.linear.gather [hbm4b:s0+s2], $0x320, $0x38;
	[tilespmem:$0xEBA0] =	vst v63  }
0x75: {  	_ =	swait.ge [sflag:s5], $0x320  }
0x76: {  	[sflag:s5] =	ssyncset.done $0x0  }
0x77: {  	[sflag:s5] =	ssyncadd.s32 $0xFFFFFCE0  }
0x78: {  	[tilespmem:s10], [sflag:$0x1] =	stream.indirect.gather [hbm4b:s6+s10], $0x40, s2, s10, $0xb8;
	[tilespmem:$0xEBA0] =	vst v63  }
0x79: {  	_ =	swait.ge [sflag:s9], $0xC800  }
0x7a: {  	[sflag:s9] =	ssyncset.done $0x0  }
0x7b: {  	s0 =	rddreg [dreg:$0xd];
	[sflag:s9] =	ssyncadd.s32 $0xFFFF3800  }
0x7c: {  	[hbm4b:s0+s2] =	stream.linear.scatter [tilespmem:s10], [sflag:$0x2], $0xC800, $0x38;
	[tilespmem:$0xEBA0] =	vst v63  }
0x7d: {  	_ =	swait.ge [sflag:s5], $0xC800  }
0x7e: {  	[sflag:s5] =	ssyncset.done $0x0  }
0x7f: {  	s0 =	rddreg [dreg:$0xe];
	[sflag:s5] =	ssyncadd.s32 $0xFFFF3800  }
0x80: {  	[tilespmem:s2], [sflag:$0x2] =	stream.linear.gather [hbm4b:s0+s2], $0x320, $0x38;
	[tilespmem:$0xEBA0] =	vst v63  }
0x81: {  	_ =	swait.ge [sflag:s5], $0x320  }
0x82: {  	[sflag:s5] =	ssyncset.done $0x0  }
0x83: {  	[sflag:s5] =	ssyncadd.s32 $0xFFFFFCE0  }
0x84: {  	[tilespmem:s10], [sflag:$0x1] =	stream.indirect.gather [hbm4b:s6+s10], $0x40, s2, s10, $0xb8;
	[tilespmem:$0xEBA0] =	vst v63  }
0x85: {  	_ =	swait.ge [sflag:s9], $0xC800  }
0x86: {  	[sflag:s9] =	ssyncset.done $0x0  }
0x87: {  	s0 =	rddreg [dreg:$0xf];
	[sflag:s9] =	ssyncadd.s32 $0xFFFF3800  }
0x88: {  	[hbm4b:s0+s2] =	stream.linear.scatter [tilespmem:s10], [sflag:$0x2], $0xC800, $0x38;
	[tilespmem:$0xEBA0] =	vst v63  }
0x89: {  	_ =	swait.ge [sflag:s5], $0xC800  }
0x8a: {  	[sflag:s5] =	ssyncset.done $0x0  }
0x8b: {  	s0 =	rddreg [dreg:$0x10];
	[sflag:s5] =	ssyncadd.s32 $0xFFFF3800  }
0x8c: {  	[tilespmem:s2], [sflag:$0x2] =	stream.linear.gather [hbm4b:s0+s2], $0x320, $0x38;
	[tilespmem:$0xEBA0] =	vst v63  }
0x8d: {  	_ =	swait.ge [sflag:s5], $0x320  }
0x8e: {  	[sflag:s5] =	ssyncset.done $0x0  }
0x8f: {  	[sflag:s5] =	ssyncadd.s32 $0xFFFFFCE0  }
0x90: {  	[tilespmem:s10], [sflag:$0x1] =	stream.indirect.gather [hbm4b:s6+s10], $0x40, s2, s10, $0xb8;
	[tilespmem:$0xEBA0] =	vst v63  }
0x91: {  	_ =	swait.ge [sflag:s9], $0xC800  }
0x92: {  	[sflag:s9] =	ssyncset.done $0x0  }
0x93: {  	s0 =	rddreg [dreg:$0x11];
	[sflag:s9] =	ssyncadd.s32 $0xFFFF3800  }
0x94: {  	[hbm4b:s0+s2] =	stream.linear.scatter [tilespmem:s10], [sflag:$0x2], $0xC800, $0x38;
	[tilespmem:$0xEBA0] =	vst v63  }
0x95: {  	_ =	swait.ge [sflag:s5], $0xC800  }
0x96: {  	[sflag:s5] =	ssyncset.done $0x0  }
0x97: {  	s0 =	rddreg [dreg:$0x12];
	[sflag:s5] =	ssyncadd.s32 $0xFFFF3800  }
0x98: {  	[tilespmem:s2], [sflag:$0x2] =	stream.linear.gather [hbm4b:s0+s2], $0x320, $0x38;
	[tilespmem:$0xEBA0] =	vst v63  }
0x99: {  	_ =	swait.ge [sflag:s5], $0x320  }
0x9a: {  	[sflag:s5] =	ssyncset.done $0x0  }
0x9b: {  	[sflag:s5] =	ssyncadd.s32 $0xFFFFFCE0  }
0x9c: {  	[tilespmem:s10], [sflag:$0x1] =	stream.indirect.gather [hbm4b:s6+s10], $0x40, s2, s10, $0xb8;
	[tilespmem:$0xEBA0] =	vst v63  }
0x9d: {  	_ =	swait.ge [sflag:s9], $0xC800  }
0x9e: {  	[sflag:s9] =	ssyncset.done $0x0  }
0x9f: {  	s0 =	rddreg [dreg:$0x13];
	[sflag:s9] =	ssyncadd.s32 $0xFFFF3800  }
0xa0: {  	[hbm4b:s0+s2] =	stream.linear.scatter [tilespmem:s10], [sflag:$0x2], $0xC800, $0x38;
	[tilespmem:$0xEBA0] =	vst v63  }
0xa1: {  	_ =	swait.ge [sflag:s5], $0xC800  }
0xa2: {  	[sflag:s5] =	ssyncset.done $0x0  }
0xa3: {  	s0 =	rddreg [dreg:$0x14];
	[sflag:s5] =	ssyncadd.s32 $0xFFFF3800  }
0xa4: {  	[tilespmem:s2], [sflag:$0x2] =	stream.linear.gather [hbm4b:s0+s2], $0x320, $0x38;
	[tilespmem:$0xEBA0] =	vst v63  }
0xa5: {  	_ =	swait.ge [sflag:s5], $0x320  }
0xa6: {  	[sflag:s5] =	ssyncset.done $0x0  }
0xa7: {  	[sflag:s5] =	ssyncadd.s32 $0xFFFFFCE0  }
0xa8: {  	[tilespmem:s10], [sflag:$0x1] =	stream.indirect.gather [hbm4b:s6+s10], $0x40, s2, s10, $0xb8;
	[tilespmem:$0xEBA0] =	vst v63  }
0xa9: {  	_ =	swait.ge [sflag:s9], $0xC800  }
0xaa: {  	[sflag:s9] =	ssyncset.done $0x0  }
0xab: {  	s0 =	rddreg [dreg:$0x15];
	[sflag:s9] =	ssyncadd.s32 $0xFFFF3800  }
0xac: {  	[hbm4b:s0+s2] =	stream.linear.scatter [tilespmem:s10], [sflag:$0x2], $0xC800, $0x38;
	[tilespmem:$0xEBA0] =	vst v63  }
0xad: {  	_ =	swait.ge [sflag:s5], $0xC800  }
0xae: {  	[sflag:s5] =	ssyncset.done $0x0  }
0xaf: {  	s0 =	rddreg [dreg:$0x16];
	[sflag:s5] =	ssyncadd.s32 $0xFFFF3800  }
0xb0: {  	[tilespmem:s2], [sflag:$0x2] =	stream.linear.gather [hbm4b:s0+s2], $0x320, $0x38;
	[tilespmem:$0xEBA0] =	vst v63  }
0xb1: {  	_ =	swait.ge [sflag:s5], $0x320  }
0xb2: {  	[sflag:s5] =	ssyncset.done $0x0  }
0xb3: {  	[sflag:s5] =	ssyncadd.s32 $0xFFFFFCE0  }
0xb4: {  	[tilespmem:s10], [sflag:$0x1] =	stream.indirect.gather [hbm4b:s6+s10], $0x40, s2, s10, $0xb8;
	[tilespmem:$0xEBA0] =	vst v63  }
0xb5: {  	_ =	swait.ge [sflag:s9], $0xC800  }
0xb6: {  	[sflag:s9] =	ssyncset.done $0x0  }
0xb7: {  	s0 =	rddreg [dreg:$0x17];
	[sflag:s9] =	ssyncadd.s32 $0xFFFF3800  }
0xb8: {  	[hbm4b:s0+s2] =	stream.linear.scatter [tilespmem:s10], [sflag:$0x2], $0xC800, $0x38;
	[tilespmem:$0xEBA0] =	vst v63  }
0xb9: {  	_ =	swait.ge [sflag:s5], $0xC800  }
0xba: {  	[sflag:s5] =	ssyncset.done $0x0  }
0xbb: {  	s0 =	rddreg [dreg:$0x18];
	[sflag:s5] =	ssyncadd.s32 $0xFFFF3800  }
0xbc: {  	[tilespmem:s2], [sflag:$0x2] =	stream.linear.gather [hbm4b:s0+s2], $0x320, $0x38;
	[tilespmem:$0xEBA0] =	vst v63  }
0xbd: {  	_ =	swait.ge [sflag:s5], $0x320  }
0xbe: {  	[sflag:s5] =	ssyncset.done $0x0  }
0xbf: {  	[sflag:s5] =	ssyncadd.s32 $0xFFFFFCE0  }
0xc0: {  	[tilespmem:s10], [sflag:$0x1] =	stream.indirect.gather [hbm4b:s28+s10], $0x40, s2, s10, $0xb8;
	[tilespmem:$0xEBA0] =	vst v63  }
0xc1: {  	_ =	swait.ge [sflag:s9], $0xC800  }
0xc2: {  	[sflag:s9] =	ssyncset.done $0x0  }
0xc3: {  	s0 =	rddreg [dreg:$0x19];
	[sflag:s9] =	ssyncadd.s32 $0xFFFF3800  }
0xc4: {  	[hbm4b:s0+s2] =	stream.linear.scatter [tilespmem:s10], [sflag:$0x2], $0xC800, $0x38;
	[tilespmem:$0xEBA0] =	vst v63  }
0xc5: {  	_ =	swait.ge [sflag:s5], $0xC800  }
0xc6: {  	[sflag:s5] =	ssyncset.done $0x0  }
0xc7: {  	s0 =	rddreg [dreg:$0x1a];
	[sflag:s5] =	ssyncadd.s32 $0xFFFF3800  }
0xc8: {  	[tilespmem:s2], [sflag:$0x2] =	stream.linear.gather [hbm4b:s0+s2], $0x320, $0x38;
	[tilespmem:$0xEBA0] =	vst v63  }
0xc9: {  	_ =	swait.ge [sflag:s5], $0x320  }
0xca: {  	[sflag:s5] =	ssyncset.done $0x0  }
0xcb: {  	[sflag:s5] =	ssyncadd.s32 $0xFFFFFCE0  }
0xcc: {  	[tilespmem:s10], [sflag:$0x1] =	stream.indirect.gather [hbm4b:s28+s10], $0x40, s2, s10, $0xb8;
	[tilespmem:$0xEBA0] =	vst v63  }
0xcd: {  	_ =	swait.ge [sflag:s9], $0xC800  }
0xce: {  	[sflag:s9] =	ssyncset.done $0x0  }
0xcf: {  	s0 =	rddreg [dreg:$0x1b];
	[sflag:s9] =	ssyncadd.s32 $0xFFFF3800  }
0xd0: {  	[hbm4b:s0+s2] =	stream.linear.scatter [tilespmem:s10], [sflag:$0x2], $0xC800, $0x38;
	[tilespmem:$0xEBA0] =	vst v63  }
0xd1: {  	_ =	swait.ge [sflag:s5], $0xC800  }
0xd2: {  	[sflag:s5] =	ssyncset.done $0x0  }
0xd3: {  	s0 =	rddreg [dreg:$0x1c];
	[sflag:s5] =	ssyncadd.s32 $0xFFFF3800  }
0xd4: {  	[tilespmem:s2], [sflag:$0x2] =	stream.linear.gather [hbm4b:s0+s2], $0x320, $0x38;
	[tilespmem:$0xEBA0] =	vst v63  }
0xd5: {  	_ =	swait.ge [sflag:s5], $0x320  }
0xd6: {  	[sflag:s5] =	ssyncset.done $0x0  }
0xd7: {  	[sflag:s5] =	ssyncadd.s32 $0xFFFFFCE0  }
0xd8: {  	[tilespmem:s10], [sflag:$0x1] =	stream.indirect.gather [hbm4b:s28+s10], $0x40, s2, s10, $0xb8;
	[tilespmem:$0xEBA0] =	vst v63  }
0xd9: {  	_ =	swait.ge [sflag:s9], $0xC800  }
0xda: {  	[sflag:s9] =	ssyncset.done $0x0  }
0xdb: {  	s0 =	rddreg [dreg:$0x1d];
	[sflag:s9] =	ssyncadd.s32 $0xFFFF3800  }
0xdc: {  	[hbm4b:s0+s2] =	stream.linear.scatter [tilespmem:s10], [sflag:$0x2], $0xC800, $0x38;
	[tilespmem:$0xEBA0] =	vst v63  }
0xdd: {  	_ =	swait.ge [sflag:s5], $0xC800  }
0xde: {  	[sflag:s5] =	ssyncset.done $0x0  }
0xdf: {  	s0 =	rddreg [dreg:$0x1e];
	[sflag:s5] =	ssyncadd.s32 $0xFFFF3800  }
0xe0: {  	[tilespmem:s2], [sflag:$0x2] =	stream.linear.gather [hbm4b:s0+s2], $0x320, $0x38;
	[tilespmem:$0xEBA0] =	vst v63  }
0xe1: {  	_ =	swait.ge [sflag:s5], $0x320  }
0xe2: {  	[sflag:s5] =	ssyncset.done $0x0  }
0xe3: {  	[sflag:s5] =	ssyncadd.s32 $0xFFFFFCE0  }
0xe4: {  	[tilespmem:s10], [sflag:$0x1] =	stream.indirect.gather [hbm4b:s28+s10], $0x40, s2, s10, $0xb8;
	[tilespmem:$0xEBA0] =	vst v63  }
0xe5: {  	_ =	swait.ge [sflag:s9], $0xC800  }
0xe6: {  	[sflag:s9] =	ssyncset.done $0x0  }
0xe7: {  	s0 =	rddreg [dreg:$0x1f];
	[sflag:s9] =	ssyncadd.s32 $0xFFFF3800  }
0xe8: {  	[hbm4b:s0+s2] =	stream.linear.scatter [tilespmem:s10], [sflag:$0x2], $0xC800, $0x38;
	[tilespmem:$0xEBA0] =	vst v63  }
0xe9: {  	_ =	swait.ge [sflag:s5], $0xC800  }
0xea: {  	s0 =	sld [smem:$0x7EA]  }
0xeb: {  	[sflag:s5] =	ssyncset.done $0x0  }
0xec: {  	[sflag:s5] =	ssyncadd.s32 $0xFFFF3800  }
0xed: {  	[tilespmem:s2], [sflag:$0x2] =	stream.linear.gather [hbm4b:s0+s2], $0x320, $0x38;
	[tilespmem:$0xEBA0] =	vst v63  }
0xee: {  	_ =	swait.ge [sflag:s5], $0x320  }
0xef: {  	[sflag:s5] =	ssyncset.done $0x0  }
0xf0: {  	[sflag:s5] =	ssyncadd.s32 $0xFFFFFCE0  }
0xf1: {  	[tilespmem:s10], [sflag:$0x1] =	stream.indirect.gather [hbm4b:s28+s10], $0x40, s2, s10, $0xb8;
	[tilespmem:$0xEBA0] =	vst v63  }
0xf2: {  	_ =	swait.ge [sflag:s9], $0xC800  }
0xf3: {  	s0 =	sld [smem:$0x7EB]  }
0xf4: {  	[sflag:s9] =	ssyncset.done $0x0  }
0xf5: {  	[sflag:s9] =	ssyncadd.s32 $0xFFFF3800  }
0xf6: {  	[hbm4b:s0+s2] =	stream.linear.scatter [tilespmem:s10], [sflag:$0x2], $0xC800, $0x38;
	[tilespmem:$0xEBA0] =	vst v63  }
0xf7: {  	_ =	swait.ge [sflag:s5], $0xC800  }
0xf8: {  	s0 =	sld [smem:$0x7EC]  }
0xf9: {  	[sflag:s5] =	ssyncset.done $0x0  }
0xfa: {  	[sflag:s5] =	ssyncadd.s32 $0xFFFF3800  }
0xfb: {  	[tilespmem:s2], [sflag:$0x2] =	stream.linear.gather [hbm4b:s0+s2], $0x320, $0x38;
	[tilespmem:$0xEBA0] =	vst v63  }
0xfc: {  	_ =	swait.ge [sflag:s5], $0x320  }
0xfd: {  	[sflag:s5] =	ssyncset.done $0x0  }
0xfe: {  	[sflag:s5] =	ssyncadd.s32 $0xFFFFFCE0  }
0xff: {  	[tilespmem:s10], [sflag:$0x1] =	stream.indirect.gather [hbm4b:s28+s10], $0x40, s2, s10, $0xb8;
	[tilespmem:$0xEBA0] =	vst v63  }
0x100: {  	_ =	swait.ge [sflag:s9], $0xC800  }
0x101: {  	s0 =	sld [smem:$0x7ED]  }
0x102: {  	[sflag:s9] =	ssyncset.done $0x0  }
0x103: {  	[sflag:s9] =	ssyncadd.s32 $0xFFFF3800  }
0x104: {  	[hbm4b:s0+s2] =	stream.linear.scatter [tilespmem:s10], [sflag:$0x2], $0xC800, $0x38;
	[tilespmem:$0xEBA0] =	vst v63  }
0x105: {  	_ =	swait.ge [sflag:s5], $0xC800  }
0x106: {  	s0 =	sld [smem:$0x7EE]  }
0x107: {  	[sflag:s5] =	ssyncset.done $0x0  }
0x108: {  	[sflag:s5] =	ssyncadd.s32 $0xFFFF3800  }
0x109: {  	[tilespmem:s2], [sflag:$0x2] =	stream.linear.gather [hbm4b:s0+s2], $0x320, $0x38;
	[tilespmem:$0xEBA0] =	vst v63  }
0x10a: {  	_ =	swait.ge [sflag:s5], $0x320  }
0x10b: {  	[sflag:s5] =	ssyncset.done $0x0  }
0x10c: {  	[sflag:s5] =	ssyncadd.s32 $0xFFFFFCE0  }
0x10d: {  	[tilespmem:s10], [sflag:$0x1] =	stream.indirect.gather [hbm4b:s28+s10], $0x40, s2, s10, $0xb8;
	[tilespmem:$0xEBA0] =	vst v63  }
0x10e: {  	_ =	swait.ge [sflag:s9], $0xC800  }
0x10f: {  	s0 =	sld [smem:$0x7EF]  }
0x110: {  	[sflag:s9] =	ssyncset.done $0x0  }
0x111: {  	[sflag:s9] =	ssyncadd.s32 $0xFFFF3800  }
0x112: {  	[hbm4b:s0+s2] =	stream.linear.scatter [tilespmem:s10], [sflag:$0x2], $0xC800, $0x38;
	[tilespmem:$0xEBA0] =	vst v63  }
0x113: {  	_ =	swait.ge [sflag:s5], $0xC800  }
0x114: {  	s0 =	sld [smem:$0x7F0]  }
0x115: {  	[sflag:s5] =	ssyncset.done $0x0  }
0x116: {  	[sflag:s5] =	ssyncadd.s32 $0xFFFF3800  }
0x117: {  	[tilespmem:s2], [sflag:$0x2] =	stream.linear.gather [hbm4b:s0+s2], $0x320, $0x38;
	[tilespmem:$0xEBA0] =	vst v63  }
0x118: {  	_ =	swait.ge [sflag:s5], $0x320  }
0x119: {  	[sflag:s5] =	ssyncset.done $0x0  }
0x11a: {  	[sflag:s5] =	ssyncadd.s32 $0xFFFFFCE0  }
0x11b: {  	[tilespmem:s10], [sflag:$0x1] =	stream.indirect.gather [hbm4b:s28+s10], $0x40, s2, s10, $0xb8;
	[tilespmem:$0xEBA0] =	vst v63  }
0x11c: {  	_ =	swait.ge [sflag:s9], $0xC800  }
0x11d: {  	s0 =	sld [smem:$0x7F1]  }
0x11e: {  	[sflag:s9] =	ssyncset.done $0x0  }
0x11f: {  	[sflag:s9] =	ssyncadd.s32 $0xFFFF3800  }
0x120: {  	[hbm4b:s0+s2] =	stream.linear.scatter [tilespmem:s10], [sflag:$0x2], $0xC800, $0x38;
	[tilespmem:$0xEBA0] =	vst v63  }
0x121: {  	_ =	swait.ge [sflag:s5], $0xC800  }
0x122: {  	s0 =	sld [smem:$0x7F2]  }
0x123: {  	[sflag:s5] =	ssyncset.done $0x0  }
0x124: {  	[sflag:s5] =	ssyncadd.s32 $0xFFFF3800  }
0x125: {  	[tilespmem:s2], [sflag:$0x2] =	stream.linear.gather [hbm4b:s0+s2], $0x320, $0x38;
	[tilespmem:$0xEBA0] =	vst v63  }
0x126: {  	_ =	swait.ge [sflag:s5], $0x320  }
0x127: {  	[sflag:s5] =	ssyncset.done $0x0  }
0x128: {  	[sflag:s5] =	ssyncadd.s32 $0xFFFFFCE0  }
0x129: {  	[tilespmem:s10], [sflag:$0x1] =	stream.indirect.gather [hbm4b:s28+s10], $0x40, s2, s10, $0xb8;
	[tilespmem:$0xEBA0] =	vst v63  }
0x12a: {  	_ =	swait.ge [sflag:s9], $0xC800  }
0x12b: {  	s0 =	sld [smem:$0x7F3]  }
0x12c: {  	[sflag:s9] =	ssyncset.done $0x0  }
0x12d: {  	[sflag:s9] =	ssyncadd.s32 $0xFFFF3800  }
0x12e: {  	[hbm4b:s0+s2] =	stream.linear.scatter [tilespmem:s10], [sflag:$0x2], $0xC800, $0x38;
	[tilespmem:$0xEBA0] =	vst v63  }
0x12f: {  	_ =	swait.ge [sflag:s5], $0xC800  }
0x130: {  	s0 =	sld [smem:$0x7F4]  }
0x131: {  	[sflag:s5] =	ssyncset.done $0x0  }
0x132: {  	[sflag:s5] =	ssyncadd.s32 $0xFFFF3800  }
0x133: {  	[tilespmem:s2], [sflag:$0x2] =	stream.linear.gather [hbm4b:s0+s2], $0x320, $0x38;
	[tilespmem:$0xEBA0] =	vst v63  }
0x134: {  	_ =	swait.ge [sflag:s5], $0x320  }
0x135: {  	[sflag:s5] =	ssyncset.done $0x0  }
0x136: {  	[sflag:s5] =	ssyncadd.s32 $0xFFFFFCE0  }
0x137: {  	[tilespmem:s10], [sflag:$0x1] =	stream.indirect.gather [hbm4b:s28+s10], $0x40, s2, s10, $0xb8;
	[tilespmem:$0xEBA0] =	vst v63  }
0x138: {  	_ =	swait.ge [sflag:s9], $0xC800  }
0x139: {  	s0 =	sld [smem:$0x7F5]  }
0x13a: {  	[sflag:s9] =	ssyncset.done $0x0  }
0x13b: {  	[sflag:s9] =	ssyncadd.s32 $0xFFFF3800  }
0x13c: {  	[hbm4b:s0+s2] =	stream.linear.scatter [tilespmem:s10], [sflag:$0x2], $0xC800, $0x38;
	[tilespmem:$0xEBA0] =	vst v63  }
0x13d: {  	_ =	swait.ge [sflag:s5], $0xC800  }
0x13e: {  	s0 =	sld [smem:$0x7F6]  }
0x13f: {  	[sflag:s5] =	ssyncset.done $0x0  }
0x140: {  	[sflag:s5] =	ssyncadd.s32 $0xFFFF3800  }
0x141: {  	[tilespmem:s2], [sflag:$0x2] =	stream.linear.gather [hbm4b:s0+s2], $0x320, $0x38;
	[tilespmem:$0xEBA0] =	vst v63  }
0x142: {  	_ =	swait.ge [sflag:s5], $0x320  }
0x143: {  	[sflag:s5] =	ssyncset.done $0x0  }
0x144: {  	[sflag:s5] =	ssyncadd.s32 $0xFFFFFCE0  }
0x145: {  	[tilespmem:s10], [sflag:$0x1] =	stream.indirect.gather [hbm4b:s28+s10], $0x40, s2, s10, $0xb8;
	[tilespmem:$0xEBA0] =	vst v63  }
0x146: {  	_ =	swait.ge [sflag:s9], $0xC800  }
0x147: {  	s0 =	sld [smem:$0x7F7]  }
0x148: {  	[sflag:s9] =	ssyncset.done $0x0  }
0x149: {  	[sflag:s9] =	ssyncadd.s32 $0xFFFF3800  }
0x14a: {  	[hbm4b:s0+s2] =	stream.linear.scatter [tilespmem:s10], [sflag:$0x2], $0xC800, $0x38;
	[tilespmem:$0xEBA0] =	vst v63  }
0x14b: {  	_ =	swait.ge [sflag:s5], $0xC800  }
0x14c: {  	s0 =	sld [smem:$0x7F8]  }
0x14d: {  	[sflag:s5] =	ssyncset.done $0x0  }
0x14e: {  	[sflag:s5] =	ssyncadd.s32 $0xFFFF3800  }
0x14f: {  	[tilespmem:s2], [sflag:$0x2] =	stream.linear.gather [hbm4b:s0+s2], $0x320, $0x38;
	[tilespmem:$0xEBA0] =	vst v63  }
0x150: {  	_ =	swait.ge [sflag:s5], $0x320  }
0x151: {  	[sflag:s5] =	ssyncset.done $0x0  }
0x152: {  	[sflag:s5] =	ssyncadd.s32 $0xFFFFFCE0  }
0x153: {  	[tilespmem:s10], [sflag:$0x1] =	stream.indirect.gather [hbm4b:s28+s10], $0x40, s2, s10, $0xb8;
	[tilespmem:$0xEBA0] =	vst v63  }
0x154: {  	_ =	swait.ge [sflag:s9], $0xC800  }
0x155: {  	s0 =	sld [smem:$0x7F9]  }
0x156: {  	[sflag:s9] =	ssyncset.done $0x0  }
0x157: {  	[sflag:s9] =	ssyncadd.s32 $0xFFFF3800  }
0x158: {  	[hbm4b:s0+s2] =	stream.linear.scatter [tilespmem:s10], [sflag:$0x2], $0xC800, $0x38;
	[tilespmem:$0xEBA0] =	vst v63  }
0x159: {  	_ =	swait.ge [sflag:s5], $0xC800  }
0x15a: {  	s0 =	sld [smem:$0x7FA]  }
0x15b: {  	[sflag:s5] =	ssyncset.done $0x0  }
0x15c: {  	[sflag:s5] =	ssyncadd.s32 $0xFFFF3800  }
0x15d: {  	[tilespmem:s2], [sflag:$0x2] =	stream.linear.gather [hbm4b:s0+s2], $0x320, $0x38;
	[tilespmem:$0xEBA0] =	vst v63  }
0x15e: {  	_ =	swait.ge [sflag:s5], $0x320  }
0x15f: {  	[sflag:s5] =	ssyncset.done $0x0  }
0x160: {  	[sflag:s5] =	ssyncadd.s32 $0xFFFFFCE0  }
0x161: {  	[tilespmem:s10], [sflag:$0x1] =	stream.indirect.gather [hbm4b:s28+s10], $0x40, s2, s10, $0xb8;
	[tilespmem:$0xEBA0] =	vst v63  }
0x162: {  	_ =	swait.ge [sflag:s9], $0xC800  }
0x163: {  	s0 =	sld [smem:$0x7FB]  }
0x164: {  	[sflag:s9] =	ssyncset.done $0x0  }
0x165: {  	[sflag:s9] =	ssyncadd.s32 $0xFFFF3800  }
0x166: {  	[hbm4b:s0+s2] =	stream.linear.scatter [tilespmem:s10], [sflag:$0x2], $0xC800, $0x38;
	[tilespmem:$0xEBA0] =	vst v63  }
0x167: {  	_ =	swait.ge [sflag:s5], $0xC800  }
0x168: {  	s0 =	sld [smem:$0x7FC]  }
0x169: {  	[sflag:s5] =	ssyncset.done $0x0  }
0x16a: {  	[sflag:s5] =	ssyncadd.s32 $0xFFFF3800  }
0x16b: {  	[tilespmem:s2], [sflag:$0x2] =	stream.linear.gather [hbm4b:s0+s2], $0x320, $0x38;
	[tilespmem:$0xEBA0] =	vst v63  }
0x16c: {  	_ =	swait.ge [sflag:s5], $0x320  }
0x16d: {  	[sflag:s5] =	ssyncset.done $0x0  }
0x16e: {  	[sflag:s5] =	ssyncadd.s32 $0xFFFFFCE0  }
0x16f: {  	[tilespmem:s10], [sflag:$0x1] =	stream.indirect.gather [hbm4b:s28+s10], $0x40, s2, s10, $0xb8;
	[tilespmem:$0xEBA0] =	vst v63  }
0x170: {  	_ =	swait.ge [sflag:s9], $0xC800  }
0x171: {  	s0 =	sld [smem:$0x7FD]  }
0x172: {  	[sflag:s9] =	ssyncset.done $0x0  }
0x173: {  	[sflag:s9] =	ssyncadd.s32 $0xFFFF3800  }
0x174: {  	[hbm4b:s0+s2] =	stream.linear.scatter [tilespmem:s10], [sflag:$0x2], $0xC800, $0x38;
	[tilespmem:$0xEBA0] =	vst v63  }
0x175: {  	_ =	swait.ge [sflag:s5], $0xC800  }
0x176: {  	[sflag:s5] =	ssyncset.done $0x0  }
0x177: {  	[sflag:s5] =	ssyncadd.s32 $0xFFFF3800  }
0x178: {  	[tilespmem:s2], [sflag:$0x2] =	stream.linear.gather [hbm4b:s25+s2], $0x320, $0x38;
	[tilespmem:$0xEBA0] =	vst v63  }
0x179: {  	_ =	swait.ge [sflag:s5], $0x320  }
0x17a: {  	[sflag:s5] =	ssyncset.done $0x0  }
0x17b: {  	[sflag:s5] =	ssyncadd.s32 $0xFFFFFCE0  }
0x17c: {  	[tilespmem:s10], [sflag:$0x1] =	stream.indirect.gather [hbm4b:s28+s10], $0x40, s2, s10, $0xb8;
	[tilespmem:$0xEBA0] =	vst v63  }
0x17d: {  	_ =	swait.ge [sflag:s9], $0xC800  }
0x17e: {  	[sflag:s9] =	ssyncset.done $0x0  }
0x17f: {  	[sflag:s9] =	ssyncadd.s32 $0xFFFF3800  }
0x180: {  	[hbm4b:s26+s2] =	stream.linear.scatter [tilespmem:s10], [sflag:$0x2], $0xC800, $0x38;
	[tilespmem:$0xEBA0] =	vst v63  }
0x181: {  	_ =	swait.ge [sflag:s5], $0xC800  }
0x182: {  	[sflag:s5] =	ssyncset.done $0x0  }
0x183: {  	[sflag:s5] =	ssyncadd.s32 $0xFFFF3800  }
0x184: {  	[tilespmem:s2], [sflag:$0x2] =	stream.linear.gather [hbm4b:s23+s2], $0x320, $0x38;
	[tilespmem:$0xEBA0] =	vst v63  }
0x185: {  	_ =	swait.ge [sflag:s5], $0x320  }
0x186: {  	[sflag:s5] =	ssyncset.done $0x0  }
0x187: {  	[sflag:s5] =	ssyncadd.s32 $0xFFFFFCE0  }
0x188: {  	[tilespmem:s10], [sflag:$0x1] =	stream.indirect.gather [hbm4b:s28+s10], $0x40, s2, s10, $0xb8;
	[tilespmem:$0xEBA0] =	vst v63  }
0x189: {  	_ =	swait.ge [sflag:s9], $0xC800  }
0x18a: {  	[sflag:s9] =	ssyncset.done $0x0  }
0x18b: {  	[sflag:s9] =	ssyncadd.s32 $0xFFFF3800  }
0x18c: {  	[hbm4b:s24+s2] =	stream.linear.scatter [tilespmem:s10], [sflag:$0x2], $0xC800, $0x38;
	[tilespmem:$0xEBA0] =	vst v63  }
0x18d: {  	_ =	swait.ge [sflag:s5], $0xC800  }
0x18e: {  	[sflag:s5] =	ssyncset.done $0x0  }
0x18f: {  	[sflag:s5] =	ssyncadd.s32 $0xFFFF3800  }
0x190: {  	[tilespmem:s2], [sflag:$0x2] =	stream.linear.gather [hbm4b:s21+s2], $0x320, $0x38;
	[tilespmem:$0xEBA0] =	vst v63  }
0x191: {  	_ =	swait.ge [sflag:s5], $0x320  }
0x192: {  	[sflag:s5] =	ssyncset.done $0x0  }
0x193: {  	[sflag:s5] =	ssyncadd.s32 $0xFFFFFCE0  }
0x194: {  	[tilespmem:s10], [sflag:$0x1] =	stream.indirect.gather [hbm4b:s6+s10], $0x40, s2, s10, $0xb8;
	[tilespmem:$0xEBA0] =	vst v63  }
0x195: {  	_ =	swait.ge [sflag:s9], $0xC800  }
0x196: {  	[sflag:s9] =	ssyncset.done $0x0  }
0x197: {  	[sflag:s9] =	ssyncadd.s32 $0xFFFF3800  }
0x198: {  	[hbm4b:s22+s2] =	stream.linear.scatter [tilespmem:s10], [sflag:$0x2], $0xC800, $0x38;
	[tilespmem:$0xEBA0] =	vst v63  }
0x199: {  	_ =	swait.ge [sflag:s5], $0xC800  }
0x19a: {  	[sflag:s5] =	ssyncset.done $0x0  }
0x19b: {  	[sflag:s5] =	ssyncadd.s32 $0xFFFF3800  }
0x19c: {  	[tilespmem:s2], [sflag:$0x2] =	stream.linear.gather [hbm4b:s19+s2], $0x320, $0x38;
	[tilespmem:$0xEBA0] =	vst v63  }
0x19d: {  	_ =	swait.ge [sflag:s5], $0x320  }
0x19e: {  	[sflag:s5] =	ssyncset.done $0x0  }
0x19f: {  	[sflag:s5] =	ssyncadd.s32 $0xFFFFFCE0  }
0x1a0: {  	[tilespmem:s10], [sflag:$0x1] =	stream.indirect.gather [hbm4b:s6+s10], $0x40, s2, s10, $0xb8;
	[tilespmem:$0xEBA0] =	vst v63  }
0x1a1: {  	_ =	swait.ge [sflag:s9], $0xC800  }
0x1a2: {  	[sflag:s9] =	ssyncset.done $0x0  }
0x1a3: {  	[sflag:s9] =	ssyncadd.s32 $0xFFFF3800  }
0x1a4: {  	[hbm4b:s20+s2] =	stream.linear.scatter [tilespmem:s10], [sflag:$0x2], $0xC800, $0x38;
	[tilespmem:$0xEBA0] =	vst v63  }
0x1a5: {  	_ =	swait.ge [sflag:s5], $0xC800  }
0x1a6: {  	[sflag:s5] =	ssyncset.done $0x0  }
0x1a7: {  	[sflag:s5] =	ssyncadd.s32 $0xFFFF3800  }
0x1a8: {  	[tilespmem:s2], [sflag:$0x2] =	stream.linear.gather [hbm4b:s17+s2], $0x320, $0x38;
	[tilespmem:$0xEBA0] =	vst v63  }
0x1a9: {  	_ =	swait.ge [sflag:s5], $0x320  }
0x1aa: {  	[sflag:s5] =	ssyncset.done $0x0  }
0x1ab: {  	[sflag:s5] =	ssyncadd.s32 $0xFFFFFCE0  }
0x1ac: {  	[tilespmem:s10], [sflag:$0x1] =	stream.indirect.gather [hbm4b:s6+s10], $0x40, s2, s10, $0xb8;
	[tilespmem:$0xEBA0] =	vst v63  }
0x1ad: {  	_ =	swait.ge [sflag:s9], $0xC800  }
0x1ae: {  	[sflag:s9] =	ssyncset.done $0x0  }
0x1af: {  	[sflag:s9] =	ssyncadd.s32 $0xFFFF3800  }
0x1b0: {  	[hbm4b:s18+s2] =	stream.linear.scatter [tilespmem:s10], [sflag:$0x2], $0xC800, $0x38;
	[tilespmem:$0xEBA0] =	vst v63  }
0x1b1: {  	_ =	swait.ge [sflag:s5], $0xC800  }
0x1b2: {  	[sflag:s5] =	ssyncset.done $0x0  }
0x1b3: {  	[sflag:s5] =	ssyncadd.s32 $0xFFFF3800  }
0x1b4: {  	[tilespmem:s2], [sflag:$0x2] =	stream.linear.gather [hbm4b:s15+s2], $0x320, $0x38;
	[tilespmem:$0xEBA0] =	vst v63  }
0x1b5: {  	_ =	swait.ge [sflag:s5], $0x320  }
0x1b6: {  	[sflag:s5] =	ssyncset.done $0x0  }
0x1b7: {  	[sflag:s5] =	ssyncadd.s32 $0xFFFFFCE0  }
0x1b8: {  	[tilespmem:s10], [sflag:$0x1] =	stream.indirect.gather [hbm4b:s6+s10], $0x40, s2, s10, $0xb8;
	[tilespmem:$0xEBA0] =	vst v63  }
0x1b9: {  	_ =	swait.ge [sflag:s9], $0xC800  }
0x1ba: {  	[sflag:s9] =	ssyncset.done $0x0  }
0x1bb: {  	[sflag:s9] =	ssyncadd.s32 $0xFFFF3800  }
0x1bc: {  	[hbm4b:s16+s2] =	stream.linear.scatter [tilespmem:s10], [sflag:$0x2], $0xC800, $0x38;
	[tilespmem:$0xEBA0] =	vst v63  }
0x1bd: {  	_ =	swait.ge [sflag:s5], $0xC800  }
0x1be: {  	[sflag:s5] =	ssyncset.done $0x0  }
0x1bf: {  	[sflag:s5] =	ssyncadd.s32 $0xFFFF3800  }
0x1c0: {  	[tilespmem:s2], [sflag:$0x2] =	stream.linear.gather [hbm4b:s13+s2], $0x320, $0x38;
	[tilespmem:$0xEBA0] =	vst v63  }
0x1c1: {  	_ =	swait.ge [sflag:s5], $0x320  }
0x1c2: {  	[sflag:s5] =	ssyncset.done $0x0  }
0x1c3: {  	[sflag:s5] =	ssyncadd.s32 $0xFFFFFCE0  }
0x1c4: {  	[tilespmem:s10], [sflag:$0x1] =	stream.indirect.gather [hbm4b:s6+s10], $0x40, s2, s10, $0xb8;
	[tilespmem:$0xEBA0] =	vst v63  }
0x1c5: {  	_ =	swait.ge [sflag:s9], $0xC800  }
0x1c6: {  	[sflag:s9] =	ssyncset.done $0x0  }
0x1c7: {  	[sflag:s9] =	ssyncadd.s32 $0xFFFF3800  }
0x1c8: {  	[hbm4b:s14+s2] =	stream.linear.scatter [tilespmem:s10], [sflag:$0x2], $0xC800, $0x38;
	[tilespmem:$0xEBA0] =	vst v63  }
0x1c9: {  	_ =	swait.ge [sflag:s5], $0xC800  }
0x1ca: {  	[sflag:s5] =	ssyncset.done $0x0  }
0x1cb: {  	[sflag:s5] =	ssyncadd.s32 $0xFFFF3800  }
0x1cc: {  	[tilespmem:s2], [sflag:$0x2] =	stream.linear.gather [hbm4b:s11+s2], $0x320, $0x38;
	[tilespmem:$0xEBA0] =	vst v63  }
0x1cd: {  	_ =	swait.ge [sflag:s5], $0x320  }
0x1ce: {  	[sflag:s5] =	ssyncset.done $0x0  }
0x1cf: {  	[sflag:s5] =	ssyncadd.s32 $0xFFFFFCE0  }
0x1d0: {  	[tilespmem:s10], [sflag:$0x1] =	stream.indirect.gather [hbm4b:s6+s10], $0x40, s2, s10, $0xb8;
	[tilespmem:$0xEBA0] =	vst v63  }
0x1d1: {  	_ =	swait.ge [sflag:s9], $0xC800  }
0x1d2: {  	[sflag:s9] =	ssyncset.done $0x0  }
0x1d3: {  	[sflag:s9] =	ssyncadd.s32 $0xFFFF3800  }
0x1d4: {  	[hbm4b:s12+s2] =	stream.linear.scatter [tilespmem:s10], [sflag:$0x2], $0xC800, $0x38;
	[tilespmem:$0xEBA0] =	vst v63  }
0x1d5: {  	_ =	swait.ge [sflag:s5], $0xC800  }
0x1d6: {  	[sflag:s5] =	ssyncset.done $0x0  }
0x1d7: {  	[sflag:s5] =	ssyncadd.s32 $0xFFFF3800  }
0x1d8: {  	[tilespmem:s2], [sflag:$0x2] =	stream.linear.gather [hbm4b:s7+s2], $0x320, $0x38;
	[tilespmem:$0xEBA0] =	vst v63  }
0x1d9: {  	_ =	swait.ge [sflag:s5], $0x320  }
0x1da: {  	[sflag:s5] =	ssyncset.done $0x0  }
0x1db: {  	[sflag:s5] =	ssyncadd.s32 $0xFFFFFCE0  }
0x1dc: {  	[tilespmem:s10], [sflag:$0x1] =	stream.indirect.gather [hbm4b:s6+s10], $0x40, s2, s10, $0xb8;
	[tilespmem:$0xEBA0] =	vst v63  }
0x1dd: {  	_ =	swait.ge [sflag:s9], $0xC800  }
0x1de: {  	[sflag:s9] =	ssyncset.done $0x0  }
0x1df: {  	[sflag:s9] =	ssyncadd.s32 $0xFFFF3800  }
0x1e0: {  	[hbm4b:s8+s2] =	stream.linear.scatter [tilespmem:s10], [sflag:$0x2], $0xC800, $0x38;
	[tilespmem:$0xEBA0] =	vst v63  }
0x1e1: {  	_ =	swait.ge [sflag:s5], $0xC800  }
0x1e2: {  	[sflag:s5] =	ssyncset.done $0x0  }
0x1e3: {  	[sflag:s5] =	ssyncadd.s32 $0xFFFF3800  }
0x1e4: {  	[tilespmem:s2], [sflag:$0x2] =	stream.linear.gather [hbm4b:s3+s2], $0x320, $0x38;
	[tilespmem:$0xEBA0] =	vst v63  }
0x1e5: {  	_ =	swait.ge [sflag:s5], $0x320  }
0x1e6: {  	[sflag:s5] =	ssyncset.done $0x0  }
0x1e7: {  	[sflag:s5] =	ssyncadd.s32 $0xFFFFFCE0  }
0x1e8: {  	[tilespmem:s10], [sflag:$0x1] =	stream.indirect.gather [hbm4b:s6+s10], $0x40, s2, s10, $0xb8;
	[tilespmem:$0xEBA0] =	vst v63  }
0x1e9: {  	p1 =	sne.s32 s1, $0x1;
	_ =	swait.ge [sflag:s9], $0xC800  }
.Ltmp1:
0x1ea: {  	[sflag:s9] =	ssyncset.done $0x0;
	(pc) =	sbr.rel @!p1 .LBB2_3-.Ltmp1, $4  }
0x1eb: {  	[sflag:s9] =	ssyncadd.s32 $0xFFFF3800  }
0x1ec: {  	[hbm4b:s4+s2] =	stream.linear.scatter [tilespmem:s10], [sflag:$0x2], $0xC800, $0x38;
	[tilespmem:$0xEBA0] =	vst v63  }
0x1ed: {  	s1 =	sadd.s32 $0xFFFFFFFF, s1;
	_ =	swait.ge [sflag:s5], $0xC800  }
0x1ee: {  	p0 =	por $0x1, $0x1;
	s0 =	rddreg [dreg:$0x4];
	[sflag:s5] =	ssyncset.done $0x0  }
.LBB2_2:
0x1ef: {  	[sflag:s5] =	ssyncadd.s32 $0xFFFF3800  }
0x1f0: {  	[tilespmem:s30], [sflag:$0x2] =	stream.linear.gather [hbm4b:s0+s2], $0x80, $0x38;
	[tilespmem:$0xEBA0] =	vst v63  }
0x1f1: {  	_ =	swait.ge [sflag:s5], $0x80  }
0x1f2: {  	[sflag:s5] =	ssyncset.done $0x0  }
0x1f3: {  	[sflag:s5] =	ssyncadd.s32 $0xFFFFFF80  }
0x1f4: {  	[tilespmem:s29], [sflag:$0x1] =	stream.indirect.gather [hbm4b:s28+s31], $0x40, s30, s31, $0xb8;
	[tilespmem:$0xEBA0] =	vst v63  }
0x1f5: {  	_ =	swait.ge [sflag:s9], $0x2000  }
0x1f6: {  	[sflag:s9] =	ssyncset.done $0x0  }
0x1f7: {  	s0 =	rddreg [dreg:$0x5];
	[sflag:s9] =	ssyncadd.s32 $0xFFFFE000  }
0x1f8: {  	[hbm4b:s0+s2] =	stream.linear.scatter [tilespmem:s29], [sflag:$0x2], $0x2000, $0x38;
	[tilespmem:$0xEBA0] =	vst v63  }
0x1f9: {  	_ =	swait.ge [sflag:s5], $0x2000  }
0x1fa: {  	[sflag:s5] =	ssyncset.done $0x0  }
0x1fb: {  	s0 =	rddreg [dreg:$0x6];
	[sflag:s5] =	ssyncadd.s32 $0xFFFFE000  }
0x1fc: {  	[tilespmem:s30], [sflag:$0x2] =	stream.linear.gather [hbm4b:s0+s2], $0x80, $0x38;
	[tilespmem:$0xEBA0] =	vst v63  }
0x1fd: {  	_ =	swait.ge [sflag:s5], $0x80  }
0x1fe: {  	[sflag:s5] =	ssyncset.done $0x0  }
0x1ff: {  	[sflag:s5] =	ssyncadd.s32 $0xFFFFFF80  }
0x200: {  	[tilespmem:s29], [sflag:$0x1] =	stream.indirect.gather [hbm4b:s6+s31], $0x40, s30, s31, $0xb8;
	[tilespmem:$0xEBA0] =	vst v63  }
0x201: {  	_ =	swait.ge [sflag:s9], $0x2000  }
0x202: {  	[sflag:s9] =	ssyncset.done $0x0  }
0x203: {  	s0 =	rddreg [dreg:$0x7];
	[sflag:s9] =	ssyncadd.s32 $0xFFFFE000  }
0x204: {  	[hbm4b:s0+s2] =	stream.linear.scatter [tilespmem:s29], [sflag:$0x2], $0x2000, $0x38;
	[tilespmem:$0xEBA0] =	vst v63  }
0x205: {  	_ =	swait.ge [sflag:s5], $0x2000  }
0x206: {  	[sflag:s5] =	ssyncset.done $0x0  }
0x207: {  	s0 =	rddreg [dreg:$0x8];
	[sflag:s5] =	ssyncadd.s32 $0xFFFFE000  }
0x208: {  	[tilespmem:s2], [sflag:$0x2] =	stream.linear.gather [hbm4b:s0+s2], $0x320, $0x38;
	[tilespmem:$0xEBA0] =	vst v63  }
0x209: {  	_ =	swait.ge [sflag:s5], $0x320  }
0x20a: {  	[sflag:s5] =	ssyncset.done $0x0  }
0x20b: {  	[sflag:s5] =	ssyncadd.s32 $0xFFFFFCE0  }
0x20c: {  	[tilespmem:s10], [sflag:$0x1] =	stream.indirect.gather [hbm4b:s6+s10], $0x40, s2, s10, $0xb8;
	[tilespmem:$0xEBA0] =	vst v63  }
0x20d: {  	_ =	swait.ge [sflag:s9], $0xC800  }
0x20e: {  	[sflag:s9] =	ssyncset.done $0x0  }
0x20f: {  	s0 =	rddreg [dreg:$0x9];
	[sflag:s9] =	ssyncadd.s32 $0xFFFF3800  }
0x210: {  	[hbm4b:s0+s2] =	stream.linear.scatter [tilespmem:s10], [sflag:$0x2], $0xC800, $0x38;
	[tilespmem:$0xEBA0] =	vst v63  }
0x211: {  	_ =	swait.ge [sflag:s5], $0xC800  }
0x212: {  	[sflag:s5] =	ssyncset.done $0x0  }
0x213: {  	s0 =	rddreg [dreg:$0xa];
	[sflag:s5] =	ssyncadd.s32 $0xFFFF3800  }
0x214: {  	[tilespmem:s2], [sflag:$0x2] =	stream.linear.gather [hbm4b:s0+s2], $0x320, $0x38;
	[tilespmem:$0xEBA0] =	vst v63  }
0x215: {  	_ =	swait.ge [sflag:s5], $0x320  }
0x216: {  	[sflag:s5] =	ssyncset.done $0x0  }
0x217: {  	[sflag:s5] =	ssyncadd.s32 $0xFFFFFCE0  }
0x218: {  	[tilespmem:s10], [sflag:$0x1] =	stream.indirect.gather [hbm4b:s6+s10], $0x40, s2, s10, $0xb8;
	[tilespmem:$0xEBA0] =	vst v63  }
0x219: {  	_ =	swait.ge [sflag:s9], $0xC800  }
0x21a: {  	[sflag:s9] =	ssyncset.done $0x0  }
0x21b: {  	s0 =	rddreg [dreg:$0xb];
	[sflag:s9] =	ssyncadd.s32 $0xFFFF3800  }
0x21c: {  	[hbm4b:s0+s2] =	stream.linear.scatter [tilespmem:s10], [sflag:$0x2], $0xC800, $0x38;
	[tilespmem:$0xEBA0] =	vst v63  }
0x21d: {  	_ =	swait.ge [sflag:s5], $0xC800  }
0x21e: {  	[sflag:s5] =	ssyncset.done $0x0  }
0x21f: {  	s0 =	rddreg [dreg:$0xc];
	[sflag:s5] =	ssyncadd.s32 $0xFFFF3800  }
0x220: {  	[tilespmem:s2], [sflag:$0x2] =	stream.linear.gather [hbm4b:s0+s2], $0x320, $0x38;
	[tilespmem:$0xEBA0] =	vst v63  }
0x221: {  	_ =	swait.ge [sflag:s5], $0x320  }
0x222: {  	[sflag:s5] =	ssyncset.done $0x0  }
0x223: {  	[sflag:s5] =	ssyncadd.s32 $0xFFFFFCE0  }
0x224: {  	[tilespmem:s10], [sflag:$0x1] =	stream.indirect.gather [hbm4b:s6+s10], $0x40, s2, s10, $0xb8;
	[tilespmem:$0xEBA0] =	vst v63  }
0x225: {  	_ =	swait.ge [sflag:s9], $0xC800  }
0x226: {  	[sflag:s9] =	ssyncset.done $0x0  }
0x227: {  	s0 =	rddreg [dreg:$0xd];
	[sflag:s9] =	ssyncadd.s32 $0xFFFF3800  }
0x228: {  	[hbm4b:s0+s2] =	stream.linear.scatter [tilespmem:s10], [sflag:$0x2], $0xC800, $0x38;
	[tilespmem:$0xEBA0] =	vst v63  }
0x229: {  	_ =	swait.ge [sflag:s5], $0xC800  }
0x22a: {  	[sflag:s5] =	ssyncset.done $0x0  }
0x22b: {  	s0 =	rddreg [dreg:$0xe];
	[sflag:s5] =	ssyncadd.s32 $0xFFFF3800  }
0x22c: {  	[tilespmem:s2], [sflag:$0x2] =	stream.linear.gather [hbm4b:s0+s2], $0x320, $0x38;
	[tilespmem:$0xEBA0] =	vst v63  }
0x22d: {  	_ =	swait.ge [sflag:s5], $0x320  }
0x22e: {  	[sflag:s5] =	ssyncset.done $0x0  }
0x22f: {  	[sflag:s5] =	ssyncadd.s32 $0xFFFFFCE0  }
0x230: {  	[tilespmem:s10], [sflag:$0x1] =	stream.indirect.gather [hbm4b:s6+s10], $0x40, s2, s10, $0xb8;
	[tilespmem:$0xEBA0] =	vst v63  }
0x231: {  	_ =	swait.ge [sflag:s9], $0xC800  }
0x232: {  	[sflag:s9] =	ssyncset.done $0x0  }
0x233: {  	s0 =	rddreg [dreg:$0xf];
	[sflag:s9] =	ssyncadd.s32 $0xFFFF3800  }
0x234: {  	[hbm4b:s0+s2] =	stream.linear.scatter [tilespmem:s10], [sflag:$0x2], $0xC800, $0x38;
	[tilespmem:$0xEBA0] =	vst v63  }
0x235: {  	_ =	swait.ge [sflag:s5], $0xC800  }
0x236: {  	[sflag:s5] =	ssyncset.done $0x0  }
0x237: {  	s0 =	rddreg [dreg:$0x10];
	[sflag:s5] =	ssyncadd.s32 $0xFFFF3800  }
0x238: {  	[tilespmem:s2], [sflag:$0x2] =	stream.linear.gather [hbm4b:s0+s2], $0x320, $0x38;
	[tilespmem:$0xEBA0] =	vst v63  }
0x239: {  	_ =	swait.ge [sflag:s5], $0x320  }
0x23a: {  	[sflag:s5] =	ssyncset.done $0x0  }
0x23b: {  	[sflag:s5] =	ssyncadd.s32 $0xFFFFFCE0  }
0x23c: {  	[tilespmem:s10], [sflag:$0x1] =	stream.indirect.gather [hbm4b:s6+s10], $0x40, s2, s10, $0xb8;
	[tilespmem:$0xEBA0] =	vst v63  }
0x23d: {  	_ =	swait.ge [sflag:s9], $0xC800  }
0x23e: {  	[sflag:s9] =	ssyncset.done $0x0  }
0x23f: {  	s0 =	rddreg [dreg:$0x11];
	[sflag:s9] =	ssyncadd.s32 $0xFFFF3800  }
0x240: {  	[hbm4b:s0+s2] =	stream.linear.scatter [tilespmem:s10], [sflag:$0x2], $0xC800, $0x38;
	[tilespmem:$0xEBA0] =	vst v63  }
0x241: {  	_ =	swait.ge [sflag:s5], $0xC800  }
0x242: {  	[sflag:s5] =	ssyncset.done $0x0  }
0x243: {  	s0 =	rddreg [dreg:$0x12];
	[sflag:s5] =	ssyncadd.s32 $0xFFFF3800  }
0x244: {  	[tilespmem:s2], [sflag:$0x2] =	stream.linear.gather [hbm4b:s0+s2], $0x320, $0x38;
	[tilespmem:$0xEBA0] =	vst v63  }
0x245: {  	_ =	swait.ge [sflag:s5], $0x320  }
0x246: {  	[sflag:s5] =	ssyncset.done $0x0  }
0x247: {  	[sflag:s5] =	ssyncadd.s32 $0xFFFFFCE0  }
0x248: {  	[tilespmem:s10], [sflag:$0x1] =	stream.indirect.gather [hbm4b:s6+s10], $0x40, s2, s10, $0xb8;
	[tilespmem:$0xEBA0] =	vst v63  }
0x249: {  	_ =	swait.ge [sflag:s9], $0xC800  }
0x24a: {  	[sflag:s9] =	ssyncset.done $0x0  }
0x24b: {  	s0 =	rddreg [dreg:$0x13];
	[sflag:s9] =	ssyncadd.s32 $0xFFFF3800  }
0x24c: {  	[hbm4b:s0+s2] =	stream.linear.scatter [tilespmem:s10], [sflag:$0x2], $0xC800, $0x38;
	[tilespmem:$0xEBA0] =	vst v63  }
0x24d: {  	_ =	swait.ge [sflag:s5], $0xC800  }
0x24e: {  	[sflag:s5] =	ssyncset.done $0x0  }
0x24f: {  	s0 =	rddreg [dreg:$0x14];
	[sflag:s5] =	ssyncadd.s32 $0xFFFF3800  }
0x250: {  	[tilespmem:s2], [sflag:$0x2] =	stream.linear.gather [hbm4b:s0+s2], $0x320, $0x38;
	[tilespmem:$0xEBA0] =	vst v63  }
0x251: {  	_ =	swait.ge [sflag:s5], $0x320  }
0x252: {  	[sflag:s5] =	ssyncset.done $0x0  }
0x253: {  	[sflag:s5] =	ssyncadd.s32 $0xFFFFFCE0  }
0x254: {  	[tilespmem:s10], [sflag:$0x1] =	stream.indirect.gather [hbm4b:s6+s10], $0x40, s2, s10, $0xb8;
	[tilespmem:$0xEBA0] =	vst v63  }
0x255: {  	_ =	swait.ge [sflag:s9], $0xC800  }
0x256: {  	[sflag:s9] =	ssyncset.done $0x0  }
0x257: {  	s0 =	rddreg [dreg:$0x15];
	[sflag:s9] =	ssyncadd.s32 $0xFFFF3800  }
0x258: {  	[hbm4b:s0+s2] =	stream.linear.scatter [tilespmem:s10], [sflag:$0x2], $0xC800, $0x38;
	[tilespmem:$0xEBA0] =	vst v63  }
0x259: {  	_ =	swait.ge [sflag:s5], $0xC800  }
0x25a: {  	[sflag:s5] =	ssyncset.done $0x0  }
0x25b: {  	s0 =	rddreg [dreg:$0x16];
	[sflag:s5] =	ssyncadd.s32 $0xFFFF3800  }
0x25c: {  	[tilespmem:s2], [sflag:$0x2] =	stream.linear.gather [hbm4b:s0+s2], $0x320, $0x38;
	[tilespmem:$0xEBA0] =	vst v63  }
0x25d: {  	_ =	swait.ge [sflag:s5], $0x320  }
0x25e: {  	[sflag:s5] =	ssyncset.done $0x0  }
0x25f: {  	[sflag:s5] =	ssyncadd.s32 $0xFFFFFCE0  }
0x260: {  	[tilespmem:s10], [sflag:$0x1] =	stream.indirect.gather [hbm4b:s6+s10], $0x40, s2, s10, $0xb8;
	[tilespmem:$0xEBA0] =	vst v63  }
0x261: {  	_ =	swait.ge [sflag:s9], $0xC800  }
0x262: {  	[sflag:s9] =	ssyncset.done $0x0  }
0x263: {  	s0 =	rddreg [dreg:$0x17];
	[sflag:s9] =	ssyncadd.s32 $0xFFFF3800  }
0x264: {  	[hbm4b:s0+s2] =	stream.linear.scatter [tilespmem:s10], [sflag:$0x2], $0xC800, $0x38;
	[tilespmem:$0xEBA0] =	vst v63  }
0x265: {  	_ =	swait.ge [sflag:s5], $0xC800  }
0x266: {  	[sflag:s5] =	ssyncset.done $0x0  }
0x267: {  	s0 =	rddreg [dreg:$0x18];
	[sflag:s5] =	ssyncadd.s32 $0xFFFF3800  }
0x268: {  	[tilespmem:s2], [sflag:$0x2] =	stream.linear.gather [hbm4b:s0+s2], $0x320, $0x38;
	[tilespmem:$0xEBA0] =	vst v63  }
0x269: {  	_ =	swait.ge [sflag:s5], $0x320  }
0x26a: {  	[sflag:s5] =	ssyncset.done $0x0  }
0x26b: {  	[sflag:s5] =	ssyncadd.s32 $0xFFFFFCE0  }
0x26c: {  	[tilespmem:s10], [sflag:$0x1] =	stream.indirect.gather [hbm4b:s28+s10], $0x40, s2, s10, $0xb8;
	[tilespmem:$0xEBA0] =	vst v63  }
0x26d: {  	_ =	swait.ge [sflag:s9], $0xC800  }
0x26e: {  	[sflag:s9] =	ssyncset.done $0x0  }
0x26f: {  	s0 =	rddreg [dreg:$0x19];
	[sflag:s9] =	ssyncadd.s32 $0xFFFF3800  }
0x270: {  	[hbm4b:s0+s2] =	stream.linear.scatter [tilespmem:s10], [sflag:$0x2], $0xC800, $0x38;
	[tilespmem:$0xEBA0] =	vst v63  }
0x271: {  	_ =	swait.ge [sflag:s5], $0xC800  }
0x272: {  	[sflag:s5] =	ssyncset.done $0x0  }
0x273: {  	s0 =	rddreg [dreg:$0x1a];
	[sflag:s5] =	ssyncadd.s32 $0xFFFF3800  }
0x274: {  	[tilespmem:s2], [sflag:$0x2] =	stream.linear.gather [hbm4b:s0+s2], $0x320, $0x38;
	[tilespmem:$0xEBA0] =	vst v63  }
0x275: {  	_ =	swait.ge [sflag:s5], $0x320  }
0x276: {  	[sflag:s5] =	ssyncset.done $0x0  }
0x277: {  	[sflag:s5] =	ssyncadd.s32 $0xFFFFFCE0  }
0x278: {  	[tilespmem:s10], [sflag:$0x1] =	stream.indirect.gather [hbm4b:s28+s10], $0x40, s2, s10, $0xb8;
	[tilespmem:$0xEBA0] =	vst v63  }
0x279: {  	_ =	swait.ge [sflag:s9], $0xC800  }
0x27a: {  	[sflag:s9] =	ssyncset.done $0x0  }
0x27b: {  	s0 =	rddreg [dreg:$0x1b];
	[sflag:s9] =	ssyncadd.s32 $0xFFFF3800  }
0x27c: {  	[hbm4b:s0+s2] =	stream.linear.scatter [tilespmem:s10], [sflag:$0x2], $0xC800, $0x38;
	[tilespmem:$0xEBA0] =	vst v63  }
0x27d: {  	_ =	swait.ge [sflag:s5], $0xC800  }
0x27e: {  	[sflag:s5] =	ssyncset.done $0x0  }
0x27f: {  	s0 =	rddreg [dreg:$0x1c];
	[sflag:s5] =	ssyncadd.s32 $0xFFFF3800  }
0x280: {  	[tilespmem:s2], [sflag:$0x2] =	stream.linear.gather [hbm4b:s0+s2], $0x320, $0x38;
	[tilespmem:$0xEBA0] =	vst v63  }
0x281: {  	_ =	swait.ge [sflag:s5], $0x320  }
0x282: {  	[sflag:s5] =	ssyncset.done $0x0  }
0x283: {  	[sflag:s5] =	ssyncadd.s32 $0xFFFFFCE0  }
0x284: {  	[tilespmem:s10], [sflag:$0x1] =	stream.indirect.gather [hbm4b:s28+s10], $0x40, s2, s10, $0xb8;
	[tilespmem:$0xEBA0] =	vst v63  }
0x285: {  	_ =	swait.ge [sflag:s9], $0xC800  }
0x286: {  	[sflag:s9] =	ssyncset.done $0x0  }
0x287: {  	s0 =	rddreg [dreg:$0x1d];
	[sflag:s9] =	ssyncadd.s32 $0xFFFF3800  }
0x288: {  	[hbm4b:s0+s2] =	stream.linear.scatter [tilespmem:s10], [sflag:$0x2], $0xC800, $0x38;
	[tilespmem:$0xEBA0] =	vst v63  }
0x289: {  	_ =	swait.ge [sflag:s5], $0xC800  }
0x28a: {  	[sflag:s5] =	ssyncset.done $0x0  }
0x28b: {  	s0 =	rddreg [dreg:$0x1e];
	[sflag:s5] =	ssyncadd.s32 $0xFFFF3800  }
0x28c: {  	[tilespmem:s2], [sflag:$0x2] =	stream.linear.gather [hbm4b:s0+s2], $0x320, $0x38;
	[tilespmem:$0xEBA0] =	vst v63  }
0x28d: {  	_ =	swait.ge [sflag:s5], $0x320  }
0x28e: {  	[sflag:s5] =	ssyncset.done $0x0  }
0x28f: {  	[sflag:s5] =	ssyncadd.s32 $0xFFFFFCE0  }
0x290: {  	[tilespmem:s10], [sflag:$0x1] =	stream.indirect.gather [hbm4b:s28+s10], $0x40, s2, s10, $0xb8;
	[tilespmem:$0xEBA0] =	vst v63  }
0x291: {  	_ =	swait.ge [sflag:s9], $0xC800  }
0x292: {  	[sflag:s9] =	ssyncset.done $0x0  }
0x293: {  	s0 =	rddreg [dreg:$0x1f];
	[sflag:s9] =	ssyncadd.s32 $0xFFFF3800  }
0x294: {  	[hbm4b:s0+s2] =	stream.linear.scatter [tilespmem:s10], [sflag:$0x2], $0xC800, $0x38;
	[tilespmem:$0xEBA0] =	vst v63  }
0x295: {  	_ =	swait.ge [sflag:s5], $0xC800  }
0x296: {  	s0 =	sld [smem:$0x7EA]  }
0x297: {  	[sflag:s5] =	ssyncset.done $0x0  }
0x298: {  	[sflag:s5] =	ssyncadd.s32 $0xFFFF3800  }
0x299: {  	[tilespmem:s2], [sflag:$0x2] =	stream.linear.gather [hbm4b:s0+s2], $0x320, $0x38;
	[tilespmem:$0xEBA0] =	vst v63  }
0x29a: {  	_ =	swait.ge [sflag:s5], $0x320  }
0x29b: {  	[sflag:s5] =	ssyncset.done $0x0  }
0x29c: {  	[sflag:s5] =	ssyncadd.s32 $0xFFFFFCE0  }
0x29d: {  	[tilespmem:s10], [sflag:$0x1] =	stream.indirect.gather [hbm4b:s28+s10], $0x40, s2, s10, $0xb8;
	[tilespmem:$0xEBA0] =	vst v63  }
0x29e: {  	_ =	swait.ge [sflag:s9], $0xC800  }
0x29f: {  	s0 =	sld [smem:$0x7EB]  }
0x2a0: {  	[sflag:s9] =	ssyncset.done $0x0  }
0x2a1: {  	[sflag:s9] =	ssyncadd.s32 $0xFFFF3800  }
0x2a2: {  	[hbm4b:s0+s2] =	stream.linear.scatter [tilespmem:s10], [sflag:$0x2], $0xC800, $0x38;
	[tilespmem:$0xEBA0] =	vst v63  }
0x2a3: {  	_ =	swait.ge [sflag:s5], $0xC800  }
0x2a4: {  	s0 =	sld [smem:$0x7EC]  }
0x2a5: {  	[sflag:s5] =	ssyncset.done $0x0  }
0x2a6: {  	[sflag:s5] =	ssyncadd.s32 $0xFFFF3800  }
0x2a7: {  	[tilespmem:s2], [sflag:$0x2] =	stream.linear.gather [hbm4b:s0+s2], $0x320, $0x38;
	[tilespmem:$0xEBA0] =	vst v63  }
0x2a8: {  	_ =	swait.ge [sflag:s5], $0x320  }
0x2a9: {  	[sflag:s5] =	ssyncset.done $0x0  }
0x2aa: {  	[sflag:s5] =	ssyncadd.s32 $0xFFFFFCE0  }
0x2ab: {  	[tilespmem:s10], [sflag:$0x1] =	stream.indirect.gather [hbm4b:s28+s10], $0x40, s2, s10, $0xb8;
	[tilespmem:$0xEBA0] =	vst v63  }
0x2ac: {  	_ =	swait.ge [sflag:s9], $0xC800  }
0x2ad: {  	s0 =	sld [smem:$0x7ED]  }
0x2ae: {  	[sflag:s9] =	ssyncset.done $0x0  }
0x2af: {  	[sflag:s9] =	ssyncadd.s32 $0xFFFF3800  }
0x2b0: {  	[hbm4b:s0+s2] =	stream.linear.scatter [tilespmem:s10], [sflag:$0x2], $0xC800, $0x38;
	[tilespmem:$0xEBA0] =	vst v63  }
0x2b1: {  	_ =	swait.ge [sflag:s5], $0xC800  }
0x2b2: {  	s0 =	sld [smem:$0x7EE]  }
0x2b3: {  	[sflag:s5] =	ssyncset.done $0x0  }
0x2b4: {  	[sflag:s5] =	ssyncadd.s32 $0xFFFF3800  }
0x2b5: {  	[tilespmem:s2], [sflag:$0x2] =	stream.linear.gather [hbm4b:s0+s2], $0x320, $0x38;
	[tilespmem:$0xEBA0] =	vst v63  }
0x2b6: {  	_ =	swait.ge [sflag:s5], $0x320  }
0x2b7: {  	[sflag:s5] =	ssyncset.done $0x0  }
0x2b8: {  	[sflag:s5] =	ssyncadd.s32 $0xFFFFFCE0  }
0x2b9: {  	[tilespmem:s10], [sflag:$0x1] =	stream.indirect.gather [hbm4b:s28+s10], $0x40, s2, s10, $0xb8;
	[tilespmem:$0xEBA0] =	vst v63  }
0x2ba: {  	_ =	swait.ge [sflag:s9], $0xC800  }
0x2bb: {  	s0 =	sld [smem:$0x7EF]  }
0x2bc: {  	[sflag:s9] =	ssyncset.done $0x0  }
0x2bd: {  	[sflag:s9] =	ssyncadd.s32 $0xFFFF3800  }
0x2be: {  	[hbm4b:s0+s2] =	stream.linear.scatter [tilespmem:s10], [sflag:$0x2], $0xC800, $0x38;
	[tilespmem:$0xEBA0] =	vst v63  }
0x2bf: {  	_ =	swait.ge [sflag:s5], $0xC800  }
0x2c0: {  	s0 =	sld [smem:$0x7F0]  }
0x2c1: {  	[sflag:s5] =	ssyncset.done $0x0  }
0x2c2: {  	[sflag:s5] =	ssyncadd.s32 $0xFFFF3800  }
0x2c3: {  	[tilespmem:s2], [sflag:$0x2] =	stream.linear.gather [hbm4b:s0+s2], $0x320, $0x38;
	[tilespmem:$0xEBA0] =	vst v63  }
0x2c4: {  	_ =	swait.ge [sflag:s5], $0x320  }
0x2c5: {  	[sflag:s5] =	ssyncset.done $0x0  }
0x2c6: {  	[sflag:s5] =	ssyncadd.s32 $0xFFFFFCE0  }
0x2c7: {  	[tilespmem:s10], [sflag:$0x1] =	stream.indirect.gather [hbm4b:s28+s10], $0x40, s2, s10, $0xb8;
	[tilespmem:$0xEBA0] =	vst v63  }
0x2c8: {  	_ =	swait.ge [sflag:s9], $0xC800  }
0x2c9: {  	s0 =	sld [smem:$0x7F1]  }
0x2ca: {  	[sflag:s9] =	ssyncset.done $0x0  }
0x2cb: {  	[sflag:s9] =	ssyncadd.s32 $0xFFFF3800  }
0x2cc: {  	[hbm4b:s0+s2] =	stream.linear.scatter [tilespmem:s10], [sflag:$0x2], $0xC800, $0x38;
	[tilespmem:$0xEBA0] =	vst v63  }
0x2cd: {  	_ =	swait.ge [sflag:s5], $0xC800  }
0x2ce: {  	s0 =	sld [smem:$0x7F2]  }
0x2cf: {  	[sflag:s5] =	ssyncset.done $0x0  }
0x2d0: {  	[sflag:s5] =	ssyncadd.s32 $0xFFFF3800  }
0x2d1: {  	[tilespmem:s2], [sflag:$0x2] =	stream.linear.gather [hbm4b:s0+s2], $0x320, $0x38;
	[tilespmem:$0xEBA0] =	vst v63  }
0x2d2: {  	_ =	swait.ge [sflag:s5], $0x320  }
0x2d3: {  	[sflag:s5] =	ssyncset.done $0x0  }
0x2d4: {  	[sflag:s5] =	ssyncadd.s32 $0xFFFFFCE0  }
0x2d5: {  	[tilespmem:s10], [sflag:$0x1] =	stream.indirect.gather [hbm4b:s28+s10], $0x40, s2, s10, $0xb8;
	[tilespmem:$0xEBA0] =	vst v63  }
0x2d6: {  	_ =	swait.ge [sflag:s9], $0xC800  }
0x2d7: {  	s0 =	sld [smem:$0x7F3]  }
0x2d8: {  	[sflag:s9] =	ssyncset.done $0x0  }
0x2d9: {  	[sflag:s9] =	ssyncadd.s32 $0xFFFF3800  }
0x2da: {  	[hbm4b:s0+s2] =	stream.linear.scatter [tilespmem:s10], [sflag:$0x2], $0xC800, $0x38;
	[tilespmem:$0xEBA0] =	vst v63  }
0x2db: {  	_ =	swait.ge [sflag:s5], $0xC800  }
0x2dc: {  	s0 =	sld [smem:$0x7F4]  }
0x2dd: {  	[sflag:s5] =	ssyncset.done $0x0  }
0x2de: {  	[sflag:s5] =	ssyncadd.s32 $0xFFFF3800  }
0x2df: {  	[tilespmem:s2], [sflag:$0x2] =	stream.linear.gather [hbm4b:s0+s2], $0x320, $0x38;
	[tilespmem:$0xEBA0] =	vst v63  }
0x2e0: {  	_ =	swait.ge [sflag:s5], $0x320  }
0x2e1: {  	[sflag:s5] =	ssyncset.done $0x0  }
0x2e2: {  	[sflag:s5] =	ssyncadd.s32 $0xFFFFFCE0  }
0x2e3: {  	[tilespmem:s10], [sflag:$0x1] =	stream.indirect.gather [hbm4b:s28+s10], $0x40, s2, s10, $0xb8;
	[tilespmem:$0xEBA0] =	vst v63  }
0x2e4: {  	_ =	swait.ge [sflag:s9], $0xC800  }
0x2e5: {  	s0 =	sld [smem:$0x7F5]  }
0x2e6: {  	[sflag:s9] =	ssyncset.done $0x0  }
0x2e7: {  	[sflag:s9] =	ssyncadd.s32 $0xFFFF3800  }
0x2e8: {  	[hbm4b:s0+s2] =	stream.linear.scatter [tilespmem:s10], [sflag:$0x2], $0xC800, $0x38;
	[tilespmem:$0xEBA0] =	vst v63  }
0x2e9: {  	_ =	swait.ge [sflag:s5], $0xC800  }
0x2ea: {  	s0 =	sld [smem:$0x7F6]  }
0x2eb: {  	[sflag:s5] =	ssyncset.done $0x0  }
0x2ec: {  	[sflag:s5] =	ssyncadd.s32 $0xFFFF3800  }
0x2ed: {  	[tilespmem:s2], [sflag:$0x2] =	stream.linear.gather [hbm4b:s0+s2], $0x320, $0x38;
	[tilespmem:$0xEBA0] =	vst v63  }
0x2ee: {  	_ =	swait.ge [sflag:s5], $0x320  }
0x2ef: {  	[sflag:s5] =	ssyncset.done $0x0  }
0x2f0: {  	[sflag:s5] =	ssyncadd.s32 $0xFFFFFCE0  }
0x2f1: {  	[tilespmem:s10], [sflag:$0x1] =	stream.indirect.gather [hbm4b:s28+s10], $0x40, s2, s10, $0xb8;
	[tilespmem:$0xEBA0] =	vst v63  }
0x2f2: {  	_ =	swait.ge [sflag:s9], $0xC800  }
0x2f3: {  	s0 =	sld [smem:$0x7F7]  }
0x2f4: {  	[sflag:s9] =	ssyncset.done $0x0  }
0x2f5: {  	[sflag:s9] =	ssyncadd.s32 $0xFFFF3800  }
0x2f6: {  	[hbm4b:s0+s2] =	stream.linear.scatter [tilespmem:s10], [sflag:$0x2], $0xC800, $0x38;
	[tilespmem:$0xEBA0] =	vst v63  }
0x2f7: {  	_ =	swait.ge [sflag:s5], $0xC800  }
0x2f8: {  	s0 =	sld [smem:$0x7F8]  }
0x2f9: {  	[sflag:s5] =	ssyncset.done $0x0  }
0x2fa: {  	[sflag:s5] =	ssyncadd.s32 $0xFFFF3800  }
0x2fb: {  	[tilespmem:s2], [sflag:$0x2] =	stream.linear.gather [hbm4b:s0+s2], $0x320, $0x38;
	[tilespmem:$0xEBA0] =	vst v63  }
0x2fc: {  	_ =	swait.ge [sflag:s5], $0x320  }
0x2fd: {  	[sflag:s5] =	ssyncset.done $0x0  }
0x2fe: {  	[sflag:s5] =	ssyncadd.s32 $0xFFFFFCE0  }
0x2ff: {  	[tilespmem:s10], [sflag:$0x1] =	stream.indirect.gather [hbm4b:s28+s10], $0x40, s2, s10, $0xb8;
	[tilespmem:$0xEBA0] =	vst v63  }
0x300: {  	_ =	swait.ge [sflag:s9], $0xC800  }
0x301: {  	s0 =	sld [smem:$0x7F9]  }
0x302: {  	[sflag:s9] =	ssyncset.done $0x0  }
0x303: {  	[sflag:s9] =	ssyncadd.s32 $0xFFFF3800  }
0x304: {  	[hbm4b:s0+s2] =	stream.linear.scatter [tilespmem:s10], [sflag:$0x2], $0xC800, $0x38;
	[tilespmem:$0xEBA0] =	vst v63  }
0x305: {  	_ =	swait.ge [sflag:s5], $0xC800  }
0x306: {  	s0 =	sld [smem:$0x7FA]  }
0x307: {  	[sflag:s5] =	ssyncset.done $0x0  }
0x308: {  	[sflag:s5] =	ssyncadd.s32 $0xFFFF3800  }
0x309: {  	[tilespmem:s2], [sflag:$0x2] =	stream.linear.gather [hbm4b:s0+s2], $0x320, $0x38;
	[tilespmem:$0xEBA0] =	vst v63  }
0x30a: {  	_ =	swait.ge [sflag:s5], $0x320  }
0x30b: {  	[sflag:s5] =	ssyncset.done $0x0  }
0x30c: {  	[sflag:s5] =	ssyncadd.s32 $0xFFFFFCE0  }
0x30d: {  	[tilespmem:s10], [sflag:$0x1] =	stream.indirect.gather [hbm4b:s28+s10], $0x40, s2, s10, $0xb8;
	[tilespmem:$0xEBA0] =	vst v63  }
0x30e: {  	_ =	swait.ge [sflag:s9], $0xC800  }
0x30f: {  	s0 =	sld [smem:$0x7FB]  }
0x310: {  	[sflag:s9] =	ssyncset.done $0x0  }
0x311: {  	[sflag:s9] =	ssyncadd.s32 $0xFFFF3800  }
0x312: {  	[hbm4b:s0+s2] =	stream.linear.scatter [tilespmem:s10], [sflag:$0x2], $0xC800, $0x38;
	[tilespmem:$0xEBA0] =	vst v63  }
0x313: {  	_ =	swait.ge [sflag:s5], $0xC800  }
0x314: {  	s0 =	sld [smem:$0x7FC]  }
0x315: {  	[sflag:s5] =	ssyncset.done $0x0  }
0x316: {  	[sflag:s5] =	ssyncadd.s32 $0xFFFF3800  }
0x317: {  	[tilespmem:s2], [sflag:$0x2] =	stream.linear.gather [hbm4b:s0+s2], $0x320, $0x38;
	[tilespmem:$0xEBA0] =	vst v63  }
0x318: {  	_ =	swait.ge [sflag:s5], $0x320  }
0x319: {  	[sflag:s5] =	ssyncset.done $0x0  }
0x31a: {  	[sflag:s5] =	ssyncadd.s32 $0xFFFFFCE0  }
0x31b: {  	[tilespmem:s10], [sflag:$0x1] =	stream.indirect.gather [hbm4b:s28+s10], $0x40, s2, s10, $0xb8;
	[tilespmem:$0xEBA0] =	vst v63  }
0x31c: {  	_ =	swait.ge [sflag:s9], $0xC800  }
0x31d: {  	s0 =	sld [smem:$0x7FD]  }
0x31e: {  	[sflag:s9] =	ssyncset.done $0x0  }
0x31f: {  	[sflag:s9] =	ssyncadd.s32 $0xFFFF3800  }
0x320: {  	[hbm4b:s0+s2] =	stream.linear.scatter [tilespmem:s10], [sflag:$0x2], $0xC800, $0x38;
	[tilespmem:$0xEBA0] =	vst v63  }
0x321: {  	_ =	swait.ge [sflag:s5], $0xC800  }
0x322: {  	[sflag:s5] =	ssyncset.done $0x0  }
0x323: {  	[sflag:s5] =	ssyncadd.s32 $0xFFFF3800  }
0x324: {  	[tilespmem:s2], [sflag:$0x2] =	stream.linear.gather [hbm4b:s25+s2], $0x320, $0x38;
	[tilespmem:$0xEBA0] =	vst v63  }
0x325: {  	_ =	swait.ge [sflag:s5], $0x320  }
0x326: {  	[sflag:s5] =	ssyncset.done $0x0  }
0x327: {  	[sflag:s5] =	ssyncadd.s32 $0xFFFFFCE0  }
0x328: {  	[tilespmem:s10], [sflag:$0x1] =	stream.indirect.gather [hbm4b:s28+s10], $0x40, s2, s10, $0xb8;
	[tilespmem:$0xEBA0] =	vst v63  }
0x329: {  	_ =	swait.ge [sflag:s9], $0xC800  }
0x32a: {  	[sflag:s9] =	ssyncset.done $0x0  }
0x32b: {  	[sflag:s9] =	ssyncadd.s32 $0xFFFF3800  }
0x32c: {  	[hbm4b:s26+s2] =	stream.linear.scatter [tilespmem:s10], [sflag:$0x2], $0xC800, $0x38;
	[tilespmem:$0xEBA0] =	vst v63  }
0x32d: {  	_ =	swait.ge [sflag:s5], $0xC800  }
0x32e: {  	[sflag:s5] =	ssyncset.done $0x0  }
0x32f: {  	[sflag:s5] =	ssyncadd.s32 $0xFFFF3800  }
0x330: {  	[tilespmem:s2], [sflag:$0x2] =	stream.linear.gather [hbm4b:s23+s2], $0x320, $0x38;
	[tilespmem:$0xEBA0] =	vst v63  }
0x331: {  	_ =	swait.ge [sflag:s5], $0x320  }
0x332: {  	[sflag:s5] =	ssyncset.done $0x0  }
0x333: {  	[sflag:s5] =	ssyncadd.s32 $0xFFFFFCE0  }
0x334: {  	[tilespmem:s10], [sflag:$0x1] =	stream.indirect.gather [hbm4b:s28+s10], $0x40, s2, s10, $0xb8;
	[tilespmem:$0xEBA0] =	vst v63  }
0x335: {  	_ =	swait.ge [sflag:s9], $0xC800  }
0x336: {  	[sflag:s9] =	ssyncset.done $0x0  }
0x337: {  	[sflag:s9] =	ssyncadd.s32 $0xFFFF3800  }
0x338: {  	[hbm4b:s24+s2] =	stream.linear.scatter [tilespmem:s10], [sflag:$0x2], $0xC800, $0x38;
	[tilespmem:$0xEBA0] =	vst v63  }
0x339: {  	_ =	swait.ge [sflag:s5], $0xC800  }
0x33a: {  	[sflag:s5] =	ssyncset.done $0x0  }
0x33b: {  	[sflag:s5] =	ssyncadd.s32 $0xFFFF3800  }
0x33c: {  	[tilespmem:s2], [sflag:$0x2] =	stream.linear.gather [hbm4b:s21+s2], $0x320, $0x38;
	[tilespmem:$0xEBA0] =	vst v63  }
0x33d: {  	_ =	swait.ge [sflag:s5], $0x320  }
0x33e: {  	[sflag:s5] =	ssyncset.done $0x0  }
0x33f: {  	[sflag:s5] =	ssyncadd.s32 $0xFFFFFCE0  }
0x340: {  	[tilespmem:s10], [sflag:$0x1] =	stream.indirect.gather [hbm4b:s6+s10], $0x40, s2, s10, $0xb8;
	[tilespmem:$0xEBA0] =	vst v63  }
0x341: {  	_ =	swait.ge [sflag:s9], $0xC800  }
0x342: {  	[sflag:s9] =	ssyncset.done $0x0  }
0x343: {  	[sflag:s9] =	ssyncadd.s32 $0xFFFF3800  }
0x344: {  	[hbm4b:s22+s2] =	stream.linear.scatter [tilespmem:s10], [sflag:$0x2], $0xC800, $0x38;
	[tilespmem:$0xEBA0] =	vst v63  }
0x345: {  	_ =	swait.ge [sflag:s5], $0xC800  }
0x346: {  	[sflag:s5] =	ssyncset.done $0x0  }
0x347: {  	[sflag:s5] =	ssyncadd.s32 $0xFFFF3800  }
0x348: {  	[tilespmem:s2], [sflag:$0x2] =	stream.linear.gather [hbm4b:s19+s2], $0x320, $0x38;
	[tilespmem:$0xEBA0] =	vst v63  }
0x349: {  	_ =	swait.ge [sflag:s5], $0x320  }
0x34a: {  	[sflag:s5] =	ssyncset.done $0x0  }
0x34b: {  	[sflag:s5] =	ssyncadd.s32 $0xFFFFFCE0  }
0x34c: {  	[tilespmem:s10], [sflag:$0x1] =	stream.indirect.gather [hbm4b:s6+s10], $0x40, s2, s10, $0xb8;
	[tilespmem:$0xEBA0] =	vst v63  }
0x34d: {  	_ =	swait.ge [sflag:s9], $0xC800  }
0x34e: {  	[sflag:s9] =	ssyncset.done $0x0  }
0x34f: {  	[sflag:s9] =	ssyncadd.s32 $0xFFFF3800  }
0x350: {  	[hbm4b:s20+s2] =	stream.linear.scatter [tilespmem:s10], [sflag:$0x2], $0xC800, $0x38;
	[tilespmem:$0xEBA0] =	vst v63  }
0x351: {  	_ =	swait.ge [sflag:s5], $0xC800  }
0x352: {  	[sflag:s5] =	ssyncset.done $0x0  }
0x353: {  	[sflag:s5] =	ssyncadd.s32 $0xFFFF3800  }
0x354: {  	[tilespmem:s2], [sflag:$0x2] =	stream.linear.gather [hbm4b:s17+s2], $0x320, $0x38;
	[tilespmem:$0xEBA0] =	vst v63  }
0x355: {  	_ =	swait.ge [sflag:s5], $0x320  }
0x356: {  	[sflag:s5] =	ssyncset.done $0x0  }
0x357: {  	[sflag:s5] =	ssyncadd.s32 $0xFFFFFCE0  }
0x358: {  	[tilespmem:s10], [sflag:$0x1] =	stream.indirect.gather [hbm4b:s6+s10], $0x40, s2, s10, $0xb8;
	[tilespmem:$0xEBA0] =	vst v63  }
0x359: {  	_ =	swait.ge [sflag:s9], $0xC800  }
0x35a: {  	[sflag:s9] =	ssyncset.done $0x0  }
0x35b: {  	[sflag:s9] =	ssyncadd.s32 $0xFFFF3800  }
0x35c: {  	[hbm4b:s18+s2] =	stream.linear.scatter [tilespmem:s10], [sflag:$0x2], $0xC800, $0x38;
	[tilespmem:$0xEBA0] =	vst v63  }
0x35d: {  	_ =	swait.ge [sflag:s5], $0xC800  }
0x35e: {  	[sflag:s5] =	ssyncset.done $0x0  }
0x35f: {  	[sflag:s5] =	ssyncadd.s32 $0xFFFF3800  }
0x360: {  	[tilespmem:s2], [sflag:$0x2] =	stream.linear.gather [hbm4b:s15+s2], $0x320, $0x38;
	[tilespmem:$0xEBA0] =	vst v63  }
0x361: {  	_ =	swait.ge [sflag:s5], $0x320  }
0x362: {  	[sflag:s5] =	ssyncset.done $0x0  }
0x363: {  	[sflag:s5] =	ssyncadd.s32 $0xFFFFFCE0  }
0x364: {  	[tilespmem:s10], [sflag:$0x1] =	stream.indirect.gather [hbm4b:s6+s10], $0x40, s2, s10, $0xb8;
	[tilespmem:$0xEBA0] =	vst v63  }
0x365: {  	_ =	swait.ge [sflag:s9], $0xC800  }
0x366: {  	[sflag:s9] =	ssyncset.done $0x0  }
0x367: {  	[sflag:s9] =	ssyncadd.s32 $0xFFFF3800  }
0x368: {  	[hbm4b:s16+s2] =	stream.linear.scatter [tilespmem:s10], [sflag:$0x2], $0xC800, $0x38;
	[tilespmem:$0xEBA0] =	vst v63  }
0x369: {  	_ =	swait.ge [sflag:s5], $0xC800  }
0x36a: {  	[sflag:s5] =	ssyncset.done $0x0  }
0x36b: {  	[sflag:s5] =	ssyncadd.s32 $0xFFFF3800  }
0x36c: {  	[tilespmem:s2], [sflag:$0x2] =	stream.linear.gather [hbm4b:s13+s2], $0x320, $0x38;
	[tilespmem:$0xEBA0] =	vst v63  }
0x36d: {  	_ =	swait.ge [sflag:s5], $0x320  }
0x36e: {  	[sflag:s5] =	ssyncset.done $0x0  }
0x36f: {  	[sflag:s5] =	ssyncadd.s32 $0xFFFFFCE0  }
0x370: {  	[tilespmem:s10], [sflag:$0x1] =	stream.indirect.gather [hbm4b:s6+s10], $0x40, s2, s10, $0xb8;
	[tilespmem:$0xEBA0] =	vst v63  }
0x371: {  	_ =	swait.ge [sflag:s9], $0xC800  }
0x372: {  	[sflag:s9] =	ssyncset.done $0x0  }
0x373: {  	[sflag:s9] =	ssyncadd.s32 $0xFFFF3800  }
0x374: {  	[hbm4b:s14+s2] =	stream.linear.scatter [tilespmem:s10], [sflag:$0x2], $0xC800, $0x38;
	[tilespmem:$0xEBA0] =	vst v63  }
0x375: {  	_ =	swait.ge [sflag:s5], $0xC800  }
0x376: {  	[sflag:s5] =	ssyncset.done $0x0  }
0x377: {  	[sflag:s5] =	ssyncadd.s32 $0xFFFF3800  }
0x378: {  	[tilespmem:s2], [sflag:$0x2] =	stream.linear.gather [hbm4b:s11+s2], $0x320, $0x38;
	[tilespmem:$0xEBA0] =	vst v63  }
0x379: {  	_ =	swait.ge [sflag:s5], $0x320  }
0x37a: {  	[sflag:s5] =	ssyncset.done $0x0  }
0x37b: {  	[sflag:s5] =	ssyncadd.s32 $0xFFFFFCE0  }
0x37c: {  	[tilespmem:s10], [sflag:$0x1] =	stream.indirect.gather [hbm4b:s6+s10], $0x40, s2, s10, $0xb8;
	[tilespmem:$0xEBA0] =	vst v63  }
0x37d: {  	_ =	swait.ge [sflag:s9], $0xC800  }
0x37e: {  	[sflag:s9] =	ssyncset.done $0x0  }
0x37f: {  	[sflag:s9] =	ssyncadd.s32 $0xFFFF3800  }
0x380: {  	[hbm4b:s12+s2] =	stream.linear.scatter [tilespmem:s10], [sflag:$0x2], $0xC800, $0x38;
	[tilespmem:$0xEBA0] =	vst v63  }
0x381: {  	_ =	swait.ge [sflag:s5], $0xC800  }
0x382: {  	[sflag:s5] =	ssyncset.done $0x0  }
0x383: {  	[sflag:s5] =	ssyncadd.s32 $0xFFFF3800  }
0x384: {  	[tilespmem:s2], [sflag:$0x2] =	stream.linear.gather [hbm4b:s7+s2], $0x320, $0x38;
	[tilespmem:$0xEBA0] =	vst v63  }
0x385: {  	_ =	swait.ge [sflag:s5], $0x320  }
0x386: {  	[sflag:s5] =	ssyncset.done $0x0  }
0x387: {  	[sflag:s5] =	ssyncadd.s32 $0xFFFFFCE0  }
0x388: {  	[tilespmem:s10], [sflag:$0x1] =	stream.indirect.gather [hbm4b:s6+s10], $0x40, s2, s10, $0xb8;
	[tilespmem:$0xEBA0] =	vst v63  }
0x389: {  	_ =	swait.ge [sflag:s9], $0xC800  }
0x38a: {  	[sflag:s9] =	ssyncset.done $0x0  }
0x38b: {  	[sflag:s9] =	ssyncadd.s32 $0xFFFF3800  }
0x38c: {  	[hbm4b:s8+s2] =	stream.linear.scatter [tilespmem:s10], [sflag:$0x2], $0xC800, $0x38;
	[tilespmem:$0xEBA0] =	vst v63  }
0x38d: {  	_ =	swait.ge [sflag:s5], $0xC800  }
0x38e: {  	[sflag:s5] =	ssyncset.done $0x0  }
0x38f: {  	[sflag:s5] =	ssyncadd.s32 $0xFFFF3800  }
0x390: {  	[tilespmem:s2], [sflag:$0x2] =	stream.linear.gather [hbm4b:s3+s2], $0x320, $0x38;
	[tilespmem:$0xEBA0] =	vst v63  }
0x391: {  	_ =	swait.ge [sflag:s5], $0x320  }
0x392: {  	[sflag:s5] =	ssyncset.done $0x0  }
0x393: {  	[sflag:s5] =	ssyncadd.s32 $0xFFFFFCE0  }
0x394: {  	[tilespmem:s10], [sflag:$0x1] =	stream.indirect.gather [hbm4b:s6+s10], $0x40, s2, s10, $0xb8;
	[tilespmem:$0xEBA0] =	vst v63  }
0x395: {  	p1 =	sne.s32 s1, $0x1;
	_ =	swait.ge [sflag:s9], $0xC800  }
.Ltmp2:
0x396: {  	[sflag:s9] =	ssyncset.done $0x0;
	(pc) =	sbr.rel @p1 .LBB2_2-.Ltmp2, $4  }
0x397: {  	[sflag:s9] =	ssyncadd.s32 $0xFFFF3800  }
0x398: {  	[hbm4b:s4+s2] =	stream.linear.scatter [tilespmem:s10], [sflag:$0x2], $0xC800, $0x38;
	[tilespmem:$0xEBA0] =	vst v63  }
0x399: {  	_ =	swait.ge [sflag:s5], $0xC800  }
0x39a: {  	s1 =	sadd.s32 $0xFFFFFFFF, s1;
	s0 =	rddreg [dreg:$0x4];
	[sflag:s5] =	ssyncset.done $0x0  }
.LBB2_3:
0x39b: {  	[sflag:s5] =	ssyncadd.s32 @p0 $0xFFFF3800  }
0x39c: {  	[tilespmem:s30], [sflag:$0x2] =	stream.linear.gather [hbm4b:s0+s2], $0x80, $0x38;
	[tilespmem:$0xEBA0] =	vst v63  }
0x39d: {  	_ =	swait.ge [sflag:s5], $0x80  }
0x39e: {  	[sflag:s5] =	ssyncset.done $0x0  }
0x39f: {  	[sflag:s5] =	ssyncadd.s32 $0xFFFFFF80  }
0x3a0: {  	[tilespmem:s29], [sflag:$0x1] =	stream.indirect.gather [hbm4b:s28+s31], $0x40, s30, s31, $0xb8;
	[tilespmem:$0xEBA0] =	vst v63  }
0x3a1: {  	_ =	swait.ge [sflag:s9], $0x2000  }
0x3a2: {  	[sflag:s9] =	ssyncset.done $0x0  }
0x3a3: {  	s1 =	rddreg [dreg:$0x5];
	[sflag:s9] =	ssyncadd.s32 $0xFFFFE000  }
0x3a4: {  	[hbm4b:s1+s2] =	stream.linear.scatter [tilespmem:s29], [sflag:$0x2], $0x2000, $0x38;
	[tilespmem:$0xEBA0] =	vst v63  }
0x3a5: {  	_ =	swait.ge [sflag:s5], $0x2000  }
0x3a6: {  	[sflag:s5] =	ssyncset.done $0x0  }
0x3a7: {  	s1 =	rddreg [dreg:$0x6];
	[sflag:s5] =	ssyncadd.s32 $0xFFFFE000  }
0x3a8: {  	[tilespmem:s30], [sflag:$0x2] =	stream.linear.gather [hbm4b:s1+s2], $0x80, $0x38;
	[tilespmem:$0xEBA0] =	vst v63  }
0x3a9: {  	_ =	swait.ge [sflag:s5], $0x80  }
0x3aa: {  	[sflag:s5] =	ssyncset.done $0x0  }
0x3ab: {  	[sflag:s5] =	ssyncadd.s32 $0xFFFFFF80  }
0x3ac: {  	[tilespmem:s29], [sflag:$0x1] =	stream.indirect.gather [hbm4b:s6+s31], $0x40, s30, s31, $0xb8;
	[tilespmem:$0xEBA0] =	vst v63  }
0x3ad: {  	_ =	swait.ge [sflag:s9], $0x2000  }
0x3ae: {  	[sflag:s9] =	ssyncset.done $0x0  }
0x3af: {  	s30 =	rddreg [dreg:$0x7];
	[sflag:s9] =	ssyncadd.s32 $0xFFFFE000  }
0x3b0: {  	[hbm4b:s30+s2] =	stream.linear.scatter [tilespmem:s29], [sflag:$0x2], $0x2000, $0x38;
	[tilespmem:$0xEBA0] =	vst v63  }
0x3b1: {  	_ =	swait.ge [sflag:s5], $0x2000  }
0x3b2: {  	[sflag:s5] =	ssyncset.done $0x0  }
0x3b3: {  	s31 =	rddreg [dreg:$0x8];
	[sflag:s5] =	ssyncadd.s32 $0xFFFFE000  }
0x3b4: {  	[tilespmem:s2], [sflag:$0x2] =	stream.linear.gather [hbm4b:s31+s2], $0x320, $0x38;
	[tilespmem:$0xEBA0] =	vst v63  }
0x3b5: {  	_ =	swait.ge [sflag:s5], $0x320  }
0x3b6: {  	[sflag:s5] =	ssyncset.done $0x0  }
0x3b7: {  	[sflag:s5] =	ssyncadd.s32 $0xFFFFFCE0  }
0x3b8: {  	[tilespmem:s10], [sflag:$0x1] =	stream.indirect.gather [hbm4b:s6+s10], $0x40, s2, s10, $0xb8;
	[tilespmem:$0xEBA0] =	vst v63  }
0x3b9: {  	_ =	swait.ge [sflag:s9], $0xC800  }
0x3ba: {  	[sflag:s9] =	ssyncset.done $0x0  }
0x3bb: {  	s1 =	rddreg [dreg:$0x9];
	[sflag:s9] =	ssyncadd.s32 $0xFFFF3800  }
0x3bc: {  	[hbm4b:s1+s2] =	stream.linear.scatter [tilespmem:s10], [sflag:$0x2], $0xC800, $0x38;
	[tilespmem:$0xEBA0] =	vst v63  }
0x3bd: {  	_ =	swait.ge [sflag:s5], $0xC800  }
0x3be: {  	[sflag:s5] =	ssyncset.done $0x0  }
0x3bf: {  	s29 =	rddreg [dreg:$0xa];
	[sflag:s5] =	ssyncadd.s32 $0xFFFF3800  }
0x3c0: {  	[tilespmem:s2], [sflag:$0x2] =	stream.linear.gather [hbm4b:s29+s2], $0x320, $0x38;
	[tilespmem:$0xEBA0] =	vst v63  }
0x3c1: {  	_ =	swait.ge [sflag:s5], $0x320  }
0x3c2: {  	[sflag:s5] =	ssyncset.done $0x0  }
0x3c3: {  	[sflag:s5] =	ssyncadd.s32 $0xFFFFFCE0  }
0x3c4: {  	[tilespmem:s10], [sflag:$0x1] =	stream.indirect.gather [hbm4b:s6+s10], $0x40, s2, s10, $0xb8;
	[tilespmem:$0xEBA0] =	vst v63  }
0x3c5: {  	_ =	swait.ge [sflag:s9], $0xC800  }
0x3c6: {  	[sflag:s9] =	ssyncset.done $0x0  }
0x3c7: {  	s30 =	rddreg [dreg:$0xb];
	[sflag:s9] =	ssyncadd.s32 $0xFFFF3800  }
0x3c8: {  	[hbm4b:s30+s2] =	stream.linear.scatter [tilespmem:s10], [sflag:$0x2], $0xC800, $0x38;
	[tilespmem:$0xEBA0] =	vst v63  }
0x3c9: {  	_ =	swait.ge [sflag:s5], $0xC800  }
0x3ca: {  	[sflag:s5] =	ssyncset.done $0x0  }
0x3cb: {  	s31 =	rddreg [dreg:$0xc];
	[sflag:s5] =	ssyncadd.s32 $0xFFFF3800  }
0x3cc: {  	[tilespmem:s2], [sflag:$0x2] =	stream.linear.gather [hbm4b:s31+s2], $0x320, $0x38;
	[tilespmem:$0xEBA0] =	vst v63  }
0x3cd: {  	_ =	swait.ge [sflag:s5], $0x320  }
0x3ce: {  	[sflag:s5] =	ssyncset.done $0x0  }
0x3cf: {  	[sflag:s5] =	ssyncadd.s32 $0xFFFFFCE0  }
0x3d0: {  	[tilespmem:s10], [sflag:$0x1] =	stream.indirect.gather [hbm4b:s6+s10], $0x40, s2, s10, $0xb8;
	[tilespmem:$0xEBA0] =	vst v63  }
0x3d1: {  	_ =	swait.ge [sflag:s9], $0xC800  }
0x3d2: {  	[sflag:s9] =	ssyncset.done $0x0  }
0x3d3: {  	s1 =	rddreg [dreg:$0xd];
	[sflag:s9] =	ssyncadd.s32 $0xFFFF3800  }
0x3d4: {  	[hbm4b:s1+s2] =	stream.linear.scatter [tilespmem:s10], [sflag:$0x2], $0xC800, $0x38;
	[tilespmem:$0xEBA0] =	vst v63  }
0x3d5: {  	_ =	swait.ge [sflag:s5], $0xC800  }
0x3d6: {  	[sflag:s5] =	ssyncset.done $0x0  }
0x3d7: {  	s29 =	rddreg [dreg:$0xe];
	[sflag:s5] =	ssyncadd.s32 $0xFFFF3800  }
0x3d8: {  	[tilespmem:s2], [sflag:$0x2] =	stream.linear.gather [hbm4b:s29+s2], $0x320, $0x38;
	[tilespmem:$0xEBA0] =	vst v63  }
0x3d9: {  	_ =	swait.ge [sflag:s5], $0x320  }
0x3da: {  	[sflag:s5] =	ssyncset.done $0x0  }
0x3db: {  	[sflag:s5] =	ssyncadd.s32 $0xFFFFFCE0  }
0x3dc: {  	[tilespmem:s10], [sflag:$0x1] =	stream.indirect.gather [hbm4b:s6+s10], $0x40, s2, s10, $0xb8;
	[tilespmem:$0xEBA0] =	vst v63  }
0x3dd: {  	_ =	swait.ge [sflag:s9], $0xC800  }
0x3de: {  	[sflag:s9] =	ssyncset.done $0x0  }
0x3df: {  	s30 =	rddreg [dreg:$0xf];
	[sflag:s9] =	ssyncadd.s32 $0xFFFF3800  }
0x3e0: {  	[hbm4b:s30+s2] =	stream.linear.scatter [tilespmem:s10], [sflag:$0x2], $0xC800, $0x38;
	[tilespmem:$0xEBA0] =	vst v63  }
0x3e1: {  	_ =	swait.ge [sflag:s5], $0xC800  }
0x3e2: {  	[sflag:s5] =	ssyncset.done $0x0  }
0x3e3: {  	s31 =	rddreg [dreg:$0x10];
	[sflag:s5] =	ssyncadd.s32 $0xFFFF3800  }
0x3e4: {  	[tilespmem:s2], [sflag:$0x2] =	stream.linear.gather [hbm4b:s31+s2], $0x320, $0x38;
	[tilespmem:$0xEBA0] =	vst v63  }
0x3e5: {  	_ =	swait.ge [sflag:s5], $0x320  }
0x3e6: {  	[sflag:s5] =	ssyncset.done $0x0  }
0x3e7: {  	[sflag:s5] =	ssyncadd.s32 $0xFFFFFCE0  }
0x3e8: {  	[tilespmem:s10], [sflag:$0x1] =	stream.indirect.gather [hbm4b:s6+s10], $0x40, s2, s10, $0xb8;
	[tilespmem:$0xEBA0] =	vst v63  }
0x3e9: {  	_ =	swait.ge [sflag:s9], $0xC800  }
0x3ea: {  	[sflag:s9] =	ssyncset.done $0x0  }
0x3eb: {  	s1 =	rddreg [dreg:$0x11];
	[sflag:s9] =	ssyncadd.s32 $0xFFFF3800  }
0x3ec: {  	[hbm4b:s1+s2] =	stream.linear.scatter [tilespmem:s10], [sflag:$0x2], $0xC800, $0x38;
	[tilespmem:$0xEBA0] =	vst v63  }
0x3ed: {  	_ =	swait.ge [sflag:s5], $0xC800  }
0x3ee: {  	[sflag:s5] =	ssyncset.done $0x0  }
0x3ef: {  	s29 =	rddreg [dreg:$0x12];
	[sflag:s5] =	ssyncadd.s32 $0xFFFF3800  }
0x3f0: {  	[tilespmem:s2], [sflag:$0x2] =	stream.linear.gather [hbm4b:s29+s2], $0x320, $0x38;
	[tilespmem:$0xEBA0] =	vst v63  }
0x3f1: {  	_ =	swait.ge [sflag:s5], $0x320  }
0x3f2: {  	[sflag:s5] =	ssyncset.done $0x0  }
0x3f3: {  	[sflag:s5] =	ssyncadd.s32 $0xFFFFFCE0  }
0x3f4: {  	[tilespmem:s10], [sflag:$0x1] =	stream.indirect.gather [hbm4b:s6+s10], $0x40, s2, s10, $0xb8;
	[tilespmem:$0xEBA0] =	vst v63  }
0x3f5: {  	_ =	swait.ge [sflag:s9], $0xC800  }
0x3f6: {  	[sflag:s9] =	ssyncset.done $0x0  }
0x3f7: {  	s30 =	rddreg [dreg:$0x13];
	[sflag:s9] =	ssyncadd.s32 $0xFFFF3800  }
0x3f8: {  	[hbm4b:s30+s2] =	stream.linear.scatter [tilespmem:s10], [sflag:$0x2], $0xC800, $0x38;
	[tilespmem:$0xEBA0] =	vst v63  }
0x3f9: {  	_ =	swait.ge [sflag:s5], $0xC800  }
0x3fa: {  	[sflag:s5] =	ssyncset.done $0x0  }
0x3fb: {  	s31 =	rddreg [dreg:$0x14];
	[sflag:s5] =	ssyncadd.s32 $0xFFFF3800  }
0x3fc: {  	[tilespmem:s2], [sflag:$0x2] =	stream.linear.gather [hbm4b:s31+s2], $0x320, $0x38;
	[tilespmem:$0xEBA0] =	vst v63  }
0x3fd: {  	_ =	swait.ge [sflag:s5], $0x320  }
0x3fe: {  	[sflag:s5] =	ssyncset.done $0x0  }
0x3ff: {  	[sflag:s5] =	ssyncadd.s32 $0xFFFFFCE0  }
0x400: {  	[tilespmem:s10], [sflag:$0x1] =	stream.indirect.gather [hbm4b:s6+s10], $0x40, s2, s10, $0xb8;
	[tilespmem:$0xEBA0] =	vst v63  }
0x401: {  	_ =	swait.ge [sflag:s9], $0xC800  }
0x402: {  	[sflag:s9] =	ssyncset.done $0x0  }
0x403: {  	s1 =	rddreg [dreg:$0x15];
	[sflag:s9] =	ssyncadd.s32 $0xFFFF3800  }
0x404: {  	[hbm4b:s1+s2] =	stream.linear.scatter [tilespmem:s10], [sflag:$0x2], $0xC800, $0x38;
	[tilespmem:$0xEBA0] =	vst v63  }
0x405: {  	_ =	swait.ge [sflag:s5], $0xC800  }
0x406: {  	[sflag:s5] =	ssyncset.done $0x0  }
0x407: {  	s29 =	rddreg [dreg:$0x16];
	[sflag:s5] =	ssyncadd.s32 $0xFFFF3800  }
0x408: {  	[tilespmem:s2], [sflag:$0x2] =	stream.linear.gather [hbm4b:s29+s2], $0x320, $0x38;
	[tilespmem:$0xEBA0] =	vst v63  }
0x409: {  	_ =	swait.ge [sflag:s5], $0x320  }
0x40a: {  	[sflag:s5] =	ssyncset.done $0x0  }
0x40b: {  	[sflag:s5] =	ssyncadd.s32 $0xFFFFFCE0  }
0x40c: {  	[tilespmem:s10], [sflag:$0x1] =	stream.indirect.gather [hbm4b:s6+s10], $0x40, s2, s10, $0xb8;
	[tilespmem:$0xEBA0] =	vst v63  }
0x40d: {  	_ =	swait.ge [sflag:s9], $0xC800  }
0x40e: {  	[sflag:s9] =	ssyncset.done $0x0  }
0x40f: {  	s30 =	rddreg [dreg:$0x17];
	[sflag:s9] =	ssyncadd.s32 $0xFFFF3800  }
0x410: {  	[hbm4b:s30+s2] =	stream.linear.scatter [tilespmem:s10], [sflag:$0x2], $0xC800, $0x38;
	[tilespmem:$0xEBA0] =	vst v63  }
0x411: {  	_ =	swait.ge [sflag:s5], $0xC800  }
0x412: {  	[sflag:s5] =	ssyncset.done $0x0  }
0x413: {  	s31 =	rddreg [dreg:$0x18];
	[sflag:s5] =	ssyncadd.s32 $0xFFFF3800  }
0x414: {  	[tilespmem:s2], [sflag:$0x2] =	stream.linear.gather [hbm4b:s31+s2], $0x320, $0x38;
	[tilespmem:$0xEBA0] =	vst v63  }
0x415: {  	_ =	swait.ge [sflag:s5], $0x320  }
0x416: {  	[sflag:s5] =	ssyncset.done $0x0  }
0x417: {  	[sflag:s5] =	ssyncadd.s32 $0xFFFFFCE0  }
0x418: {  	[tilespmem:s10], [sflag:$0x1] =	stream.indirect.gather [hbm4b:s28+s10], $0x40, s2, s10, $0xb8;
	[tilespmem:$0xEBA0] =	vst v63  }
0x419: {  	_ =	swait.ge [sflag:s9], $0xC800  }
0x41a: {  	[sflag:s9] =	ssyncset.done $0x0  }
0x41b: {  	s1 =	rddreg [dreg:$0x19];
	[sflag:s9] =	ssyncadd.s32 $0xFFFF3800  }
0x41c: {  	[hbm4b:s1+s2] =	stream.linear.scatter [tilespmem:s10], [sflag:$0x2], $0xC800, $0x38;
	[tilespmem:$0xEBA0] =	vst v63  }
0x41d: {  	_ =	swait.ge [sflag:s5], $0xC800  }
0x41e: {  	[sflag:s5] =	ssyncset.done $0x0  }
0x41f: {  	s29 =	rddreg [dreg:$0x1a];
	[sflag:s5] =	ssyncadd.s32 $0xFFFF3800  }
0x420: {  	[tilespmem:s2], [sflag:$0x2] =	stream.linear.gather [hbm4b:s29+s2], $0x320, $0x38;
	[tilespmem:$0xEBA0] =	vst v63  }
0x421: {  	_ =	swait.ge [sflag:s5], $0x320  }
0x422: {  	[sflag:s5] =	ssyncset.done $0x0  }
0x423: {  	[sflag:s5] =	ssyncadd.s32 $0xFFFFFCE0  }
0x424: {  	[tilespmem:s10], [sflag:$0x1] =	stream.indirect.gather [hbm4b:s28+s10], $0x40, s2, s10, $0xb8;
	[tilespmem:$0xEBA0] =	vst v63  }
0x425: {  	_ =	swait.ge [sflag:s9], $0xC800  }
0x426: {  	[sflag:s9] =	ssyncset.done $0x0  }
0x427: {  	s30 =	rddreg [dreg:$0x1b];
	[sflag:s9] =	ssyncadd.s32 $0xFFFF3800  }
0x428: {  	[hbm4b:s30+s2] =	stream.linear.scatter [tilespmem:s10], [sflag:$0x2], $0xC800, $0x38;
	[tilespmem:$0xEBA0] =	vst v63  }
0x429: {  	_ =	swait.ge [sflag:s5], $0xC800  }
0x42a: {  	[sflag:s5] =	ssyncset.done $0x0  }
0x42b: {  	s31 =	rddreg [dreg:$0x1c];
	[sflag:s5] =	ssyncadd.s32 $0xFFFF3800  }
0x42c: {  	[tilespmem:s2], [sflag:$0x2] =	stream.linear.gather [hbm4b:s31+s2], $0x320, $0x38;
	[tilespmem:$0xEBA0] =	vst v63  }
0x42d: {  	_ =	swait.ge [sflag:s5], $0x320  }
0x42e: {  	[sflag:s5] =	ssyncset.done $0x0  }
0x42f: {  	[sflag:s5] =	ssyncadd.s32 $0xFFFFFCE0  }
0x430: {  	[tilespmem:s10], [sflag:$0x1] =	stream.indirect.gather [hbm4b:s28+s10], $0x40, s2, s10, $0xb8;
	[tilespmem:$0xEBA0] =	vst v63  }
0x431: {  	_ =	swait.ge [sflag:s9], $0xC800  }
0x432: {  	[sflag:s9] =	ssyncset.done $0x0  }
0x433: {  	s1 =	rddreg [dreg:$0x1d];
	[sflag:s9] =	ssyncadd.s32 $0xFFFF3800  }
0x434: {  	[hbm4b:s1+s2] =	stream.linear.scatter [tilespmem:s10], [sflag:$0x2], $0xC800, $0x38;
	[tilespmem:$0xEBA0] =	vst v63  }
0x435: {  	_ =	swait.ge [sflag:s5], $0xC800  }
0x436: {  	[sflag:s5] =	ssyncset.done $0x0  }
0x437: {  	s29 =	rddreg [dreg:$0x1e];
	[sflag:s5] =	ssyncadd.s32 $0xFFFF3800  }
0x438: {  	[tilespmem:s2], [sflag:$0x2] =	stream.linear.gather [hbm4b:s29+s2], $0x320, $0x38;
	[tilespmem:$0xEBA0] =	vst v63  }
0x439: {  	_ =	swait.ge [sflag:s5], $0x320  }
0x43a: {  	[sflag:s5] =	ssyncset.done $0x0  }
0x43b: {  	[sflag:s5] =	ssyncadd.s32 $0xFFFFFCE0  }
0x43c: {  	[tilespmem:s10], [sflag:$0x1] =	stream.indirect.gather [hbm4b:s28+s10], $0x40, s2, s10, $0xb8;
	[tilespmem:$0xEBA0] =	vst v63  }
0x43d: {  	_ =	swait.ge [sflag:s9], $0xC800  }
0x43e: {  	[sflag:s9] =	ssyncset.done $0x0  }
0x43f: {  	s30 =	rddreg [dreg:$0x1f];
	[sflag:s9] =	ssyncadd.s32 $0xFFFF3800  }
0x440: {  	[hbm4b:s30+s2] =	stream.linear.scatter [tilespmem:s10], [sflag:$0x2], $0xC800, $0x38;
	[tilespmem:$0xEBA0] =	vst v63  }
0x441: {  	_ =	swait.ge [sflag:s5], $0xC800  }
0x442: {  	s31 =	sld [smem:$0x7EA]  }
0x443: {  	[sflag:s5] =	ssyncset.done $0x0  }
0x444: {  	[sflag:s5] =	ssyncadd.s32 $0xFFFF3800  }
0x445: {  	[tilespmem:s2], [sflag:$0x2] =	stream.linear.gather [hbm4b:s31+s2], $0x320, $0x38;
	[tilespmem:$0xEBA0] =	vst v63  }
0x446: {  	_ =	swait.ge [sflag:s5], $0x320  }
0x447: {  	[sflag:s5] =	ssyncset.done $0x0  }
0x448: {  	[sflag:s5] =	ssyncadd.s32 $0xFFFFFCE0  }
0x449: {  	[tilespmem:s10], [sflag:$0x1] =	stream.indirect.gather [hbm4b:s28+s10], $0x40, s2, s10, $0xb8;
	[tilespmem:$0xEBA0] =	vst v63  }
0x44a: {  	_ =	swait.ge [sflag:s9], $0xC800  }
0x44b: {  	s1 =	sld [smem:$0x7EB]  }
0x44c: {  	[sflag:s9] =	ssyncset.done $0x0  }
0x44d: {  	[sflag:s9] =	ssyncadd.s32 $0xFFFF3800  }
0x44e: {  	[hbm4b:s1+s2] =	stream.linear.scatter [tilespmem:s10], [sflag:$0x2], $0xC800, $0x38;
	[tilespmem:$0xEBA0] =	vst v63  }
0x44f: {  	_ =	swait.ge [sflag:s5], $0xC800  }
0x450: {  	s29 =	sld [smem:$0x7EC]  }
0x451: {  	[sflag:s5] =	ssyncset.done $0x0  }
0x452: {  	[sflag:s5] =	ssyncadd.s32 $0xFFFF3800  }
0x453: {  	[tilespmem:s2], [sflag:$0x2] =	stream.linear.gather [hbm4b:s29+s2], $0x320, $0x38;
	[tilespmem:$0xEBA0] =	vst v63  }
0x454: {  	_ =	swait.ge [sflag:s5], $0x320  }
0x455: {  	[sflag:s5] =	ssyncset.done $0x0  }
0x456: {  	[sflag:s5] =	ssyncadd.s32 $0xFFFFFCE0  }
0x457: {  	[tilespmem:s10], [sflag:$0x1] =	stream.indirect.gather [hbm4b:s28+s10], $0x40, s2, s10, $0xb8;
	[tilespmem:$0xEBA0] =	vst v63  }
0x458: {  	_ =	swait.ge [sflag:s9], $0xC800  }
0x459: {  	s30 =	sld [smem:$0x7ED]  }
0x45a: {  	[sflag:s9] =	ssyncset.done $0x0  }
0x45b: {  	[sflag:s9] =	ssyncadd.s32 $0xFFFF3800  }
0x45c: {  	[hbm4b:s30+s2] =	stream.linear.scatter [tilespmem:s10], [sflag:$0x2], $0xC800, $0x38;
	[tilespmem:$0xEBA0] =	vst v63  }
0x45d: {  	_ =	swait.ge [sflag:s5], $0xC800  }
0x45e: {  	s31 =	sld [smem:$0x7EE]  }
0x45f: {  	[sflag:s5] =	ssyncset.done $0x0  }
0x460: {  	[sflag:s5] =	ssyncadd.s32 $0xFFFF3800  }
0x461: {  	[tilespmem:s2], [sflag:$0x2] =	stream.linear.gather [hbm4b:s31+s2], $0x320, $0x38;
	[tilespmem:$0xEBA0] =	vst v63  }
0x462: {  	_ =	swait.ge [sflag:s5], $0x320  }
0x463: {  	[sflag:s5] =	ssyncset.done $0x0  }
0x464: {  	[sflag:s5] =	ssyncadd.s32 $0xFFFFFCE0  }
0x465: {  	[tilespmem:s10], [sflag:$0x1] =	stream.indirect.gather [hbm4b:s28+s10], $0x40, s2, s10, $0xb8;
	[tilespmem:$0xEBA0] =	vst v63  }
0x466: {  	_ =	swait.ge [sflag:s9], $0xC800  }
0x467: {  	s1 =	sld [smem:$0x7EF]  }
0x468: {  	[sflag:s9] =	ssyncset.done $0x0  }
0x469: {  	[sflag:s9] =	ssyncadd.s32 $0xFFFF3800  }
0x46a: {  	[hbm4b:s1+s2] =	stream.linear.scatter [tilespmem:s10], [sflag:$0x2], $0xC800, $0x38;
	[tilespmem:$0xEBA0] =	vst v63  }
0x46b: {  	_ =	swait.ge [sflag:s5], $0xC800  }
0x46c: {  	s29 =	sld [smem:$0x7F0]  }
0x46d: {  	[sflag:s5] =	ssyncset.done $0x0  }
0x46e: {  	[sflag:s5] =	ssyncadd.s32 $0xFFFF3800  }
0x46f: {  	[tilespmem:s2], [sflag:$0x2] =	stream.linear.gather [hbm4b:s29+s2], $0x320, $0x38;
	[tilespmem:$0xEBA0] =	vst v63  }
0x470: {  	_ =	swait.ge [sflag:s5], $0x320  }
0x471: {  	[sflag:s5] =	ssyncset.done $0x0  }
0x472: {  	[sflag:s5] =	ssyncadd.s32 $0xFFFFFCE0  }
0x473: {  	[tilespmem:s10], [sflag:$0x1] =	stream.indirect.gather [hbm4b:s28+s10], $0x40, s2, s10, $0xb8;
	[tilespmem:$0xEBA0] =	vst v63  }
0x474: {  	_ =	swait.ge [sflag:s9], $0xC800  }
0x475: {  	s30 =	sld [smem:$0x7F1]  }
0x476: {  	[sflag:s9] =	ssyncset.done $0x0  }
0x477: {  	[sflag:s9] =	ssyncadd.s32 $0xFFFF3800  }
0x478: {  	[hbm4b:s30+s2] =	stream.linear.scatter [tilespmem:s10], [sflag:$0x2], $0xC800, $0x38;
	[tilespmem:$0xEBA0] =	vst v63  }
0x479: {  	_ =	swait.ge [sflag:s5], $0xC800  }
0x47a: {  	s31 =	sld [smem:$0x7F2]  }
0x47b: {  	[sflag:s5] =	ssyncset.done $0x0  }
0x47c: {  	[sflag:s5] =	ssyncadd.s32 $0xFFFF3800  }
0x47d: {  	[tilespmem:s2], [sflag:$0x2] =	stream.linear.gather [hbm4b:s31+s2], $0x320, $0x38;
	[tilespmem:$0xEBA0] =	vst v63  }
0x47e: {  	_ =	swait.ge [sflag:s5], $0x320  }
0x47f: {  	[sflag:s5] =	ssyncset.done $0x0  }
0x480: {  	[sflag:s5] =	ssyncadd.s32 $0xFFFFFCE0  }
0x481: {  	[tilespmem:s10], [sflag:$0x1] =	stream.indirect.gather [hbm4b:s28+s10], $0x40, s2, s10, $0xb8;
	[tilespmem:$0xEBA0] =	vst v63  }
0x482: {  	_ =	swait.ge [sflag:s9], $0xC800  }
0x483: {  	s1 =	sld [smem:$0x7F3]  }
0x484: {  	[sflag:s9] =	ssyncset.done $0x0  }
0x485: {  	[sflag:s9] =	ssyncadd.s32 $0xFFFF3800  }
0x486: {  	[hbm4b:s1+s2] =	stream.linear.scatter [tilespmem:s10], [sflag:$0x2], $0xC800, $0x38;
	[tilespmem:$0xEBA0] =	vst v63  }
0x487: {  	_ =	swait.ge [sflag:s5], $0xC800  }
0x488: {  	s29 =	sld [smem:$0x7F4]  }
0x489: {  	[sflag:s5] =	ssyncset.done $0x0  }
0x48a: {  	[sflag:s5] =	ssyncadd.s32 $0xFFFF3800  }
0x48b: {  	[tilespmem:s2], [sflag:$0x2] =	stream.linear.gather [hbm4b:s29+s2], $0x320, $0x38;
	[tilespmem:$0xEBA0] =	vst v63  }
0x48c: {  	_ =	swait.ge [sflag:s5], $0x320  }
0x48d: {  	[sflag:s5] =	ssyncset.done $0x0  }
0x48e: {  	[sflag:s5] =	ssyncadd.s32 $0xFFFFFCE0  }
0x48f: {  	[tilespmem:s10], [sflag:$0x1] =	stream.indirect.gather [hbm4b:s28+s10], $0x40, s2, s10, $0xb8;
	[tilespmem:$0xEBA0] =	vst v63  }
0x490: {  	_ =	swait.ge [sflag:s9], $0xC800  }
0x491: {  	s30 =	sld [smem:$0x7F5]  }
0x492: {  	[sflag:s9] =	ssyncset.done $0x0  }
0x493: {  	[sflag:s9] =	ssyncadd.s32 $0xFFFF3800  }
0x494: {  	[hbm4b:s30+s2] =	stream.linear.scatter [tilespmem:s10], [sflag:$0x2], $0xC800, $0x38;
	[tilespmem:$0xEBA0] =	vst v63  }
0x495: {  	_ =	swait.ge [sflag:s5], $0xC800  }
0x496: {  	s31 =	sld [smem:$0x7F6]  }
0x497: {  	[sflag:s5] =	ssyncset.done $0x0  }
0x498: {  	[sflag:s5] =	ssyncadd.s32 $0xFFFF3800  }
0x499: {  	[tilespmem:s2], [sflag:$0x2] =	stream.linear.gather [hbm4b:s31+s2], $0x320, $0x38;
	[tilespmem:$0xEBA0] =	vst v63  }
0x49a: {  	_ =	swait.ge [sflag:s5], $0x320  }
0x49b: {  	[sflag:s5] =	ssyncset.done $0x0  }
0x49c: {  	[sflag:s5] =	ssyncadd.s32 $0xFFFFFCE0  }
0x49d: {  	[tilespmem:s10], [sflag:$0x1] =	stream.indirect.gather [hbm4b:s28+s10], $0x40, s2, s10, $0xb8;
	[tilespmem:$0xEBA0] =	vst v63  }
0x49e: {  	_ =	swait.ge [sflag:s9], $0xC800  }
0x49f: {  	s1 =	sld [smem:$0x7F7]  }
0x4a0: {  	[sflag:s9] =	ssyncset.done $0x0  }
0x4a1: {  	[sflag:s9] =	ssyncadd.s32 $0xFFFF3800  }
0x4a2: {  	[hbm4b:s1+s2] =	stream.linear.scatter [tilespmem:s10], [sflag:$0x2], $0xC800, $0x38;
	[tilespmem:$0xEBA0] =	vst v63  }
0x4a3: {  	_ =	swait.ge [sflag:s5], $0xC800  }
0x4a4: {  	s29 =	sld [smem:$0x7F8]  }
0x4a5: {  	[sflag:s5] =	ssyncset.done $0x0  }
0x4a6: {  	[sflag:s5] =	ssyncadd.s32 $0xFFFF3800  }
0x4a7: {  	[tilespmem:s2], [sflag:$0x2] =	stream.linear.gather [hbm4b:s29+s2], $0x320, $0x38;
	[tilespmem:$0xEBA0] =	vst v63  }
0x4a8: {  	_ =	swait.ge [sflag:s5], $0x320  }
0x4a9: {  	[sflag:s5] =	ssyncset.done $0x0  }
0x4aa: {  	[sflag:s5] =	ssyncadd.s32 $0xFFFFFCE0  }
0x4ab: {  	[tilespmem:s10], [sflag:$0x1] =	stream.indirect.gather [hbm4b:s28+s10], $0x40, s2, s10, $0xb8;
	[tilespmem:$0xEBA0] =	vst v63  }
0x4ac: {  	_ =	swait.ge [sflag:s9], $0xC800  }
0x4ad: {  	s30 =	sld [smem:$0x7F9]  }
0x4ae: {  	[sflag:s9] =	ssyncset.done $0x0  }
0x4af: {  	[sflag:s9] =	ssyncadd.s32 $0xFFFF3800  }
0x4b0: {  	[hbm4b:s30+s2] =	stream.linear.scatter [tilespmem:s10], [sflag:$0x2], $0xC800, $0x38;
	[tilespmem:$0xEBA0] =	vst v63  }
0x4b1: {  	_ =	swait.ge [sflag:s5], $0xC800  }
0x4b2: {  	s31 =	sld [smem:$0x7FA]  }
0x4b3: {  	[sflag:s5] =	ssyncset.done $0x0  }
0x4b4: {  	[sflag:s5] =	ssyncadd.s32 $0xFFFF3800  }
0x4b5: {  	[tilespmem:s2], [sflag:$0x2] =	stream.linear.gather [hbm4b:s31+s2], $0x320, $0x38;
	[tilespmem:$0xEBA0] =	vst v63  }
0x4b6: {  	_ =	swait.ge [sflag:s5], $0x320  }
0x4b7: {  	[sflag:s5] =	ssyncset.done $0x0  }
0x4b8: {  	[sflag:s5] =	ssyncadd.s32 $0xFFFFFCE0  }
0x4b9: {  	[tilespmem:s10], [sflag:$0x1] =	stream.indirect.gather [hbm4b:s28+s10], $0x40, s2, s10, $0xb8;
	[tilespmem:$0xEBA0] =	vst v63  }
0x4ba: {  	_ =	swait.ge [sflag:s9], $0xC800  }
0x4bb: {  	s1 =	sld [smem:$0x7FB]  }
0x4bc: {  	[sflag:s9] =	ssyncset.done $0x0  }
0x4bd: {  	[sflag:s9] =	ssyncadd.s32 $0xFFFF3800  }
0x4be: {  	[hbm4b:s1+s2] =	stream.linear.scatter [tilespmem:s10], [sflag:$0x2], $0xC800, $0x38;
	[tilespmem:$0xEBA0] =	vst v63  }
0x4bf: {  	_ =	swait.ge [sflag:s5], $0xC800  }
0x4c0: {  	s29 =	sld [smem:$0x7FC]  }
0x4c1: {  	[sflag:s5] =	ssyncset.done $0x0  }
0x4c2: {  	[sflag:s5] =	ssyncadd.s32 $0xFFFF3800  }
0x4c3: {  	[tilespmem:s2], [sflag:$0x2] =	stream.linear.gather [hbm4b:s29+s2], $0x320, $0x38;
	[tilespmem:$0xEBA0] =	vst v63  }
0x4c4: {  	_ =	swait.ge [sflag:s5], $0x320  }
0x4c5: {  	[sflag:s5] =	ssyncset.done $0x0  }
0x4c6: {  	[sflag:s5] =	ssyncadd.s32 $0xFFFFFCE0  }
0x4c7: {  	[tilespmem:s10], [sflag:$0x1] =	stream.indirect.gather [hbm4b:s28+s10], $0x40, s2, s10, $0xb8;
	[tilespmem:$0xEBA0] =	vst v63  }
0x4c8: {  	_ =	swait.ge [sflag:s9], $0xC800  }
0x4c9: {  	s30 =	sld [smem:$0x7FD]  }
0x4ca: {  	[sflag:s9] =	ssyncset.done $0x0  }
0x4cb: {  	[sflag:s9] =	ssyncadd.s32 $0xFFFF3800  }
0x4cc: {  	[hbm4b:s30+s2] =	stream.linear.scatter [tilespmem:s10], [sflag:$0x2], $0xC800, $0x38;
	[tilespmem:$0xEBA0] =	vst v63  }
0x4cd: {  	_ =	swait.ge [sflag:s5], $0xC800  }
0x4ce: {  	[sflag:s5] =	ssyncset.done $0x0  }
0x4cf: {  	[sflag:s5] =	ssyncadd.s32 $0xFFFF3800  }
0x4d0: {  	[tilespmem:s2], [sflag:$0x2] =	stream.linear.gather [hbm4b:s25+s2], $0x320, $0x38;
	[tilespmem:$0xEBA0] =	vst v63  }
0x4d1: {  	_ =	swait.ge [sflag:s5], $0x320  }
0x4d2: {  	[sflag:s5] =	ssyncset.done $0x0  }
0x4d3: {  	[sflag:s5] =	ssyncadd.s32 $0xFFFFFCE0  }
0x4d4: {  	[tilespmem:s10], [sflag:$0x1] =	stream.indirect.gather [hbm4b:s28+s10], $0x40, s2, s10, $0xb8;
	[tilespmem:$0xEBA0] =	vst v63  }
0x4d5: {  	_ =	swait.ge [sflag:s9], $0xC800  }
0x4d6: {  	[sflag:s9] =	ssyncset.done $0x0  }
0x4d7: {  	[sflag:s9] =	ssyncadd.s32 $0xFFFF3800  }
0x4d8: {  	[hbm4b:s26+s2] =	stream.linear.scatter [tilespmem:s10], [sflag:$0x2], $0xC800, $0x38;
	[tilespmem:$0xEBA0] =	vst v63  }
0x4d9: {  	_ =	swait.ge [sflag:s5], $0xC800  }
0x4da: {  	[sflag:s5] =	ssyncset.done $0x0  }
0x4db: {  	[sflag:s5] =	ssyncadd.s32 $0xFFFF3800  }
0x4dc: {  	[tilespmem:s2], [sflag:$0x2] =	stream.linear.gather [hbm4b:s23+s2], $0x320, $0x38;
	[tilespmem:$0xEBA0] =	vst v63  }
0x4dd: {  	_ =	swait.ge [sflag:s5], $0x320  }
0x4de: {  	[sflag:s5] =	ssyncset.done $0x0  }
0x4df: {  	[sflag:s5] =	ssyncadd.s32 $0xFFFFFCE0  }
0x4e0: {  	[tilespmem:s10], [sflag:$0x1] =	stream.indirect.gather [hbm4b:s28+s10], $0x40, s2, s10, $0xb8;
	[tilespmem:$0xEBA0] =	vst v63  }
0x4e1: {  	_ =	swait.ge [sflag:s9], $0xC800  }
0x4e2: {  	[sflag:s9] =	ssyncset.done $0x0  }
0x4e3: {  	[sflag:s9] =	ssyncadd.s32 $0xFFFF3800  }
0x4e4: {  	[hbm4b:s24+s2] =	stream.linear.scatter [tilespmem:s10], [sflag:$0x2], $0xC800, $0x38;
	[tilespmem:$0xEBA0] =	vst v63  }
0x4e5: {  	_ =	swait.ge [sflag:s5], $0xC800  }
0x4e6: {  	[sflag:s5] =	ssyncset.done $0x0  }
0x4e7: {  	[sflag:s5] =	ssyncadd.s32 $0xFFFF3800  }
0x4e8: {  	[tilespmem:s2], [sflag:$0x2] =	stream.linear.gather [hbm4b:s21+s2], $0x320, $0x38;
	[tilespmem:$0xEBA0] =	vst v63  }
0x4e9: {  	_ =	swait.ge [sflag:s5], $0x320  }
0x4ea: {  	[sflag:s5] =	ssyncset.done $0x0  }
0x4eb: {  	[sflag:s5] =	ssyncadd.s32 $0xFFFFFCE0  }
0x4ec: {  	[tilespmem:s10], [sflag:$0x1] =	stream.indirect.gather [hbm4b:s6+s10], $0x40, s2, s10, $0xb8;
	[tilespmem:$0xEBA0] =	vst v63  }
0x4ed: {  	_ =	swait.ge [sflag:s9], $0xC800  }
0x4ee: {  	[sflag:s9] =	ssyncset.done $0x0  }
0x4ef: {  	[sflag:s9] =	ssyncadd.s32 $0xFFFF3800  }
0x4f0: {  	[hbm4b:s22+s2] =	stream.linear.scatter [tilespmem:s10], [sflag:$0x2], $0xC800, $0x38;
	[tilespmem:$0xEBA0] =	vst v63  }
0x4f1: {  	_ =	swait.ge [sflag:s5], $0xC800  }
0x4f2: {  	[sflag:s5] =	ssyncset.done $0x0  }
0x4f3: {  	[sflag:s5] =	ssyncadd.s32 $0xFFFF3800  }
0x4f4: {  	[tilespmem:s2], [sflag:$0x2] =	stream.linear.gather [hbm4b:s19+s2], $0x320, $0x38;
	[tilespmem:$0xEBA0] =	vst v63  }
0x4f5: {  	_ =	swait.ge [sflag:s5], $0x320  }
0x4f6: {  	[sflag:s5] =	ssyncset.done $0x0  }
0x4f7: {  	[sflag:s5] =	ssyncadd.s32 $0xFFFFFCE0  }
0x4f8: {  	[tilespmem:s10], [sflag:$0x1] =	stream.indirect.gather [hbm4b:s6+s10], $0x40, s2, s10, $0xb8;
	[tilespmem:$0xEBA0] =	vst v63  }
0x4f9: {  	_ =	swait.ge [sflag:s9], $0xC800  }
0x4fa: {  	[sflag:s9] =	ssyncset.done $0x0  }
0x4fb: {  	[sflag:s9] =	ssyncadd.s32 $0xFFFF3800  }
0x4fc: {  	[hbm4b:s20+s2] =	stream.linear.scatter [tilespmem:s10], [sflag:$0x2], $0xC800, $0x38;
	[tilespmem:$0xEBA0] =	vst v63  }
0x4fd: {  	_ =	swait.ge [sflag:s5], $0xC800  }
0x4fe: {  	[sflag:s5] =	ssyncset.done $0x0  }
0x4ff: {  	[sflag:s5] =	ssyncadd.s32 $0xFFFF3800  }
0x500: {  	[tilespmem:s2], [sflag:$0x2] =	stream.linear.gather [hbm4b:s17+s2], $0x320, $0x38;
	[tilespmem:$0xEBA0] =	vst v63  }
0x501: {  	_ =	swait.ge [sflag:s5], $0x320  }
0x502: {  	[sflag:s5] =	ssyncset.done $0x0  }
0x503: {  	[sflag:s5] =	ssyncadd.s32 $0xFFFFFCE0  }
0x504: {  	[tilespmem:s10], [sflag:$0x1] =	stream.indirect.gather [hbm4b:s6+s10], $0x40, s2, s10, $0xb8;
	[tilespmem:$0xEBA0] =	vst v63  }
0x505: {  	_ =	swait.ge [sflag:s9], $0xC800  }
0x506: {  	[sflag:s9] =	ssyncset.done $0x0  }
0x507: {  	[sflag:s9] =	ssyncadd.s32 $0xFFFF3800  }
0x508: {  	[hbm4b:s18+s2] =	stream.linear.scatter [tilespmem:s10], [sflag:$0x2], $0xC800, $0x38;
	[tilespmem:$0xEBA0] =	vst v63  }
0x509: {  	_ =	swait.ge [sflag:s5], $0xC800  }
0x50a: {  	[sflag:s5] =	ssyncset.done $0x0  }
0x50b: {  	[sflag:s5] =	ssyncadd.s32 $0xFFFF3800  }
0x50c: {  	[tilespmem:s2], [sflag:$0x2] =	stream.linear.gather [hbm4b:s15+s2], $0x320, $0x38;
	[tilespmem:$0xEBA0] =	vst v63  }
0x50d: {  	_ =	swait.ge [sflag:s5], $0x320  }
0x50e: {  	[sflag:s5] =	ssyncset.done $0x0  }
0x50f: {  	[sflag:s5] =	ssyncadd.s32 $0xFFFFFCE0  }
0x510: {  	[tilespmem:s10], [sflag:$0x1] =	stream.indirect.gather [hbm4b:s6+s10], $0x40, s2, s10, $0xb8;
	[tilespmem:$0xEBA0] =	vst v63  }
0x511: {  	_ =	swait.ge [sflag:s9], $0xC800  }
0x512: {  	[sflag:s9] =	ssyncset.done $0x0  }
0x513: {  	[sflag:s9] =	ssyncadd.s32 $0xFFFF3800  }
0x514: {  	[hbm4b:s16+s2] =	stream.linear.scatter [tilespmem:s10], [sflag:$0x2], $0xC800, $0x38;
	[tilespmem:$0xEBA0] =	vst v63  }
0x515: {  	_ =	swait.ge [sflag:s5], $0xC800  }
0x516: {  	[sflag:s5] =	ssyncset.done $0x0  }
0x517: {  	[sflag:s5] =	ssyncadd.s32 $0xFFFF3800  }
0x518: {  	[tilespmem:s2], [sflag:$0x2] =	stream.linear.gather [hbm4b:s13+s2], $0x320, $0x38;
	[tilespmem:$0xEBA0] =	vst v63  }
0x519: {  	_ =	swait.ge [sflag:s5], $0x320  }
0x51a: {  	[sflag:s5] =	ssyncset.done $0x0  }
0x51b: {  	[sflag:s5] =	ssyncadd.s32 $0xFFFFFCE0  }
0x51c: {  	[tilespmem:s10], [sflag:$0x1] =	stream.indirect.gather [hbm4b:s6+s10], $0x40, s2, s10, $0xb8;
	[tilespmem:$0xEBA0] =	vst v63  }
0x51d: {  	_ =	swait.ge [sflag:s9], $0xC800  }
0x51e: {  	[sflag:s9] =	ssyncset.done $0x0  }
0x51f: {  	[sflag:s9] =	ssyncadd.s32 $0xFFFF3800  }
0x520: {  	[hbm4b:s14+s2] =	stream.linear.scatter [tilespmem:s10], [sflag:$0x2], $0xC800, $0x38;
	[tilespmem:$0xEBA0] =	vst v63  }
0x521: {  	_ =	swait.ge [sflag:s5], $0xC800  }
0x522: {  	[sflag:s5] =	ssyncset.done $0x0  }
0x523: {  	[sflag:s5] =	ssyncadd.s32 $0xFFFF3800  }
0x524: {  	[tilespmem:s2], [sflag:$0x2] =	stream.linear.gather [hbm4b:s11+s2], $0x320, $0x38;
	[tilespmem:$0xEBA0] =	vst v63  }
0x525: {  	_ =	swait.ge [sflag:s5], $0x320  }
0x526: {  	[sflag:s5] =	ssyncset.done $0x0  }
0x527: {  	[sflag:s5] =	ssyncadd.s32 $0xFFFFFCE0  }
0x528: {  	[tilespmem:s10], [sflag:$0x1] =	stream.indirect.gather [hbm4b:s6+s10], $0x40, s2, s10, $0xb8;
	[tilespmem:$0xEBA0] =	vst v63  }
0x529: {  	_ =	swait.ge [sflag:s9], $0xC800  }
0x52a: {  	[sflag:s9] =	ssyncset.done $0x0  }
0x52b: {  	[sflag:s9] =	ssyncadd.s32 $0xFFFF3800  }
0x52c: {  	[hbm4b:s12+s2] =	stream.linear.scatter [tilespmem:s10], [sflag:$0x2], $0xC800, $0x38;
	[tilespmem:$0xEBA0] =	vst v63  }
0x52d: {  	_ =	swait.ge [sflag:s5], $0xC800  }
0x52e: {  	[sflag:s5] =	ssyncset.done $0x0  }
0x52f: {  	[sflag:s5] =	ssyncadd.s32 $0xFFFF3800  }
0x530: {  	[tilespmem:s2], [sflag:$0x2] =	stream.linear.gather [hbm4b:s7+s2], $0x320, $0x38;
	[tilespmem:$0xEBA0] =	vst v63  }
0x531: {  	_ =	swait.ge [sflag:s5], $0x320  }
0x532: {  	[sflag:s5] =	ssyncset.done $0x0  }
0x533: {  	[sflag:s5] =	ssyncadd.s32 $0xFFFFFCE0  }
0x534: {  	[tilespmem:s10], [sflag:$0x1] =	stream.indirect.gather [hbm4b:s6+s10], $0x40, s2, s10, $0xb8;
	[tilespmem:$0xEBA0] =	vst v63  }
0x535: {  	_ =	swait.ge [sflag:s9], $0xC800  }
0x536: {  	[sflag:s9] =	ssyncset.done $0x0  }
0x537: {  	[sflag:s9] =	ssyncadd.s32 $0xFFFF3800  }
0x538: {  	[hbm4b:s8+s2] =	stream.linear.scatter [tilespmem:s10], [sflag:$0x2], $0xC800, $0x38;
	[tilespmem:$0xEBA0] =	vst v63  }
0x539: {  	_ =	swait.ge [sflag:s5], $0xC800  }
0x53a: {  	[sflag:s5] =	ssyncset.done $0x0  }
0x53b: {  	[sflag:s5] =	ssyncadd.s32 $0xFFFF3800  }
0x53c: {  	[tilespmem:s2], [sflag:$0x2] =	stream.linear.gather [hbm4b:s3+s2], $0x320, $0x38;
	[tilespmem:$0xEBA0] =	vst v63  }
0x53d: {  	_ =	swait.ge [sflag:s5], $0x320  }
0x53e: {  	[sflag:s5] =	ssyncset.done $0x0  }
0x53f: {  	[sflag:s5] =	ssyncadd.s32 $0xFFFFFCE0  }
0x540: {  	[tilespmem:s10], [sflag:$0x1] =	stream.indirect.gather [hbm4b:s6+s10], $0x40, s2, s10, $0xb8;
	[tilespmem:$0xEBA0] =	vst v63  }
0x541: {  	_ =	swait.ge [sflag:s9], $0xC800  }
0x542: {  	[sflag:s9] =	ssyncset.done $0x0  }
0x543: {  	[sflag:s9] =	ssyncadd.s32 $0xFFFF3800  }
0x544: {  	[hbm4b:s4+s2] =	stream.linear.scatter [tilespmem:s10], [sflag:$0x2], $0xC800, $0x38;
	[tilespmem:$0xEBA0] =	vst v63  }
0x545: {  	_ =	swait.ge [sflag:s5], $0xC800  }
0x546: {  	[sflag:s5] =	ssyncset.done $0x0  }
0x547: {  	[sflag:s5] =	ssyncadd.s32 $0xFFFF3800  }
0x548: {  	_ =	sfence.sel $0x180000  }
0x549: {  	[bflag:$0x0] =	sbarrier.arrive $0xFFFF  }
0x54a: {  	_ =	strace $0x90000047  }
0x54b: {  	s31 =	stileid.u32;
	[bflag:$0x2] =	sbarrier.arrive $0xFFFF  }
0x54c: {  	p0 =	sne.s32 s31, $0x0;
	s0 =	rddreg [dreg:$0x3]  }
0x54d: {  	s0 =	sadd.s32 @!p0 $0x100000, s0  }
0x54e: {  	[sflag:s0] =	ssyncadd.tile.s32 @!p0 $0x1;
	_ =	shalt  }
.Lfunc_end2:
_tile_overlayer_lowered:
.L_overlay_start_2:
0x54f: {  	(tag) =	ssettag $0x2  }
0x550: {  	s0 =	rddreg [dreg:$0x0];
	s2 =	stileid.u32  }
0x551: {  	s1 =	rddreg [dreg:$0x1];
	p0 =	sne.s32 s2, $0x0  }
0x552: {  	s3 =	rddreg [dreg:$0x2];
	[bflag:$0x3] =	sbarrier.arrive $0xFFFF;
	s2 =	simm.s32 @!p0 $0x1C02  }
0x553: {  	[timem:s3], [sflag:s2] =	dma.local @!p0 [hbm:s0], s1  }
0x554: {  	s0 =	simm.s32 @!p0 $0x2  }
0x555: {  	_ =	swait.ge @!p0 [sflag:s0], s1  }
0x556: {  	s1 =	ssub.s32 @!p0 $0x0, s1;
	[sflag:s0] =	ssyncset.done @!p0 $0x0  }
0x557: {  	[sflag:s0] =	ssyncadd.s32 @!p0 s1  }
0x558: {  	[bflag:$0x3] =	sbarrier.arrive $0xFFFF  }
0x559: {  	_ =	shalt  }

</sc_bundles>
